<compile_context>
chip_gen: v7x
topology: tpu7x:2x2x1
jax: 0.10.2.dev20260603
libtpu: 0.0.44.dev20260713+nightly
codegen_flags: <defaults>
</compile_context>

<pallas_src>
import jax
import jax.numpy as jnp
from jax import lax
from jax.experimental import pallas as pl
from jax.experimental.pallas import tpu as pltpu
from jax.experimental.pallas import tpu_sc as plsc

_DIM = 4096
_NP = _DIM * (_DIM + 1) // 2
_L = 16
_NC = 2
_NS = 16
_NW = _NC * _NS
_G = 8
_NGROUPS = _DIM // _G
_GROUPS_PER_W = _NGROUPS // _NW
_CHUNK = _G * _DIM
_NVEC_ROW = _DIM // _L


def _chunk_off(k, wid):
    a = (k * _NW + wid) * _G
    base = (a * (a + 1)) // 2
    off = jnp.minimum((base >> 4) << 4, _NP - _CHUNK)
    return a, pl.multiple_of(off, 16)


def _body(params_hbm, out_hbm, in0, in1, rows, sem_in0, sem_in1, *sem_rows):
    wid = lax.axis_index("s") * _NC + lax.axis_index("c")
    iota = lax.iota(jnp.int32, _L)
    zeros = jnp.zeros((_L,), jnp.float32)
    in_bufs = (in0, in1)
    in_sems = (sem_in0, sem_in1)

    def zero_body(j, c):
        rows[pl.ds(j * _L, _L)] = zeros
        return c

    lax.fori_loop(0, _G * _NVEC_ROW, zero_body, 0)

    for p in range(2):
        _, off = _chunk_off(p, wid)
        pltpu.async_copy(params_hbm.at[pl.ds(off, _CHUNK)], in_bufs[p], in_sems[p])

    def do_group(k, parity):
        in_buf = in_bufs[parity]
        a, off = _chunk_off(k, wid)
        pltpu.make_async_copy(params_hbm.at[pl.ds(0, _CHUNK)], in_buf,
                              in_sems[parity]).wait()
        for i in range(_G):
            r = a + i
            row_buf = rows.at[pl.ds(i * _DIM, _DIM)]

            @pl.when(k > 0)
            def _(i=i, row_buf=row_buf):
                pltpu.make_async_copy(row_buf, out_hbm.at[0],
                                      sem_rows[i]).wait()

            loc = (r * (r + 1)) // 2 - off
            nf4 = (r + 1) >> 6

            def vec_body(q, c, loc=loc, row_buf=row_buf):
                b = q * (4 * _L)
                for u in range(4):
                    o = b + u * _L
                    row_buf[pl.ds(o, _L)] = in_buf[pl.ds(loc + o, _L)]
                return c

            lax.fori_loop(0, nf4, vec_body, 0)

            @pl.when(((r + 1) & 63) != 0)
            def _(r=r, loc=loc, row_buf=row_buf, nf4=nf4):
                b = nf4 * (4 * _L)
                for u in range(4):
                    o = b + u * _L
                    v = in_buf[pl.ds(loc + o, _L)]
                    row_buf[pl.ds(o, _L)] = jnp.where(iota + o <= r, v, zeros)

            pltpu.async_copy(row_buf, out_hbm.at[r], sem_rows[i])

        _, noff = _chunk_off(k + 2, wid)

        @pl.when(k + 2 < _GROUPS_PER_W)
        def _():
            pltpu.async_copy(params_hbm.at[pl.ds(noff, _CHUNK)], in_buf,
                             in_sems[parity])

    def pair_body(k2, carry):
        do_group(k2 * 2, 0)
        do_group(k2 * 2 + 1, 1)
        return carry

    lax.fori_loop(0, _GROUPS_PER_W // 2, pair_body, 0)

    for i in range(_G):
        pltpu.make_async_copy(rows.at[pl.ds(i * _DIM, _DIM)], out_hbm.at[0],
                              sem_rows[i]).wait()


def kernel(matrix_params):
    mesh = plsc.VectorSubcoreMesh(core_axis_name="c", subcore_axis_name="s")
    run = pl.kernel(
        _body,
        out_type=jax.ShapeDtypeStruct((_DIM, _DIM), jnp.float32),
        mesh=mesh,
        scratch_types=[
            pltpu.VMEM((_CHUNK,), jnp.float32),
            pltpu.VMEM((_CHUNK,), jnp.float32),
            pltpu.VMEM((_G * _DIM,), jnp.float32),
        ] + [pltpu.SemaphoreType.DMA] * (2 + _G),
    )
    return run(matrix_params)

# --- scband reference (transcript-rebuilt; emitter-appended) ---
"""Pipeline reference for scband-lower-triangular-parameter-matrix-38534446580098 (READ-ONLY COPY).

The authoritative reference and input builder live on the scoring server;
editing this copy changes nothing except your own understanding.
"""

import jax, jax.numpy as jnp
import numpy as np

DIM = 4096
N_PARAMS = DIM * (DIM + 1) // 2
_ROWS_NP, _COLS_NP = np.tril_indices(DIM)


def setup_inputs() -> dict:
    # Learned parameter vector (init_weight * ones per module __init__)
    matrix_params = jnp.ones((N_PARAMS,), dtype=jnp.float32)
    return {"matrix_params": matrix_params}


def reference(matrix_params):
    rows = jnp.asarray(_ROWS_NP, dtype=jnp.int32)
    cols = jnp.asarray(_COLS_NP, dtype=jnp.int32)
    matrix = jnp.zeros((DIM, DIM), dtype=jnp.float32)
    matrix = matrix.at[(rows, cols)].set(matrix_params)
    return matrix

if __name__ == "__main__":
    import jax
    _d = setup_inputs()
    print(jax.jit(kernel)(*tuple(_d.values())))

</pallas_src>

<mosaic_0001>
#map = affine_map<(d0, d1) -> (0)>
#map1 = affine_map<(d0, d1) -> (0, 0)>
module attributes {stable_mosaic.version = 14 : i64} {
  func.func @_body(%arg0: i32, %arg1: i32, %arg2: memref<8390656xf32, #tpu.memory_space<hbm>>, %arg3: memref<4096x4096xf32, #tpu.memory_space<hbm>>, %arg4: memref<32768xf32, #tpu.memory_space<vmem>>, %arg5: memref<32768xf32, #tpu.memory_space<vmem>>, %arg6: memref<32768xf32, #tpu.memory_space<vmem>>, %arg7: memref<!tpu.dma_semaphore, #tpu.memory_space<semaphore_mem>>, %arg8: memref<!tpu.dma_semaphore, #tpu.memory_space<semaphore_mem>>, %arg9: memref<!tpu.dma_semaphore, #tpu.memory_space<semaphore_mem>>, %arg10: memref<!tpu.dma_semaphore, #tpu.memory_space<semaphore_mem>>, %arg11: memref<!tpu.dma_semaphore, #tpu.memory_space<semaphore_mem>>, %arg12: memref<!tpu.dma_semaphore, #tpu.memory_space<semaphore_mem>>, %arg13: memref<!tpu.dma_semaphore, #tpu.memory_space<semaphore_mem>>, %arg14: memref<!tpu.dma_semaphore, #tpu.memory_space<semaphore_mem>>, %arg15: memref<!tpu.dma_semaphore, #tpu.memory_space<semaphore_mem>>, %arg16: memref<!tpu.dma_semaphore, #tpu.memory_space<semaphore_mem>>) attributes {dimension_semantics = [#tpu.dimension_semantics<core_parallel>, #tpu.dimension_semantics<subcore_parallel>], iteration_bounds = array<i64: 2, 16>, scalar_prefetch = 0 : i64, scratch_operands = 13 : i64, tpu.core_type = #tpu.core_type<sc_vector_subcore>, window_params = [{transform_indices = #map}, {transform_indices = #map1}]} {
    %mul3A = arith.constant 2 : i32
    %mul3A_0 = arith.muli %arg1, %mul3A : i32
    %add3A = arith.addi %mul3A_0, %arg0 : i32
    %iota3A = tpu.iota {dimensions = array<i32: 0>} : vector<16xi32>
    %broadcast_in_dim3A = arith.constant 0.000000e+00 : f32
    %broadcast_in_dim3A_1 = vector.broadcast %broadcast_in_dim3A : f32 to vector<16xf32>
    %scan3A = arith.constant 0 : i32
    %scan3A_2 = arith.constant 0 : i32
    %scan3A_3 = arith.constant 2048 : i32
    %scan3A_4 = arith.addi %scan3A_2, %scan3A_3 : i32
    %scan3A_5 = arith.constant 1 : i32
    scf.for %scan3A_167 = %scan3A_2 to %scan3A_4 step %scan3A_5  : i32 {
      %mul3A_168 = arith.constant 16 : i32
      %mul3A_169 = arith.muli %scan3A_167, %mul3A_168 : i32
      %swap3A = arith.index_cast %mul3A_169 : i32 to index
      %swap3A_170 = tpu.vector_load %arg6[%swap3A] {strides = array<i32>} : memref<32768xf32, #tpu.memory_space<vmem>>, vector<16xf32>,
      %swap3A_171 = vector.shape_cast %swap3A_170 : vector<16xf32> to vector<16xf32>
      %swap3A_172 = vector.shape_cast %broadcast_in_dim3A_1 : vector<16xf32> to vector<16xf32>
      tpu.vector_store %arg6[%swap3A], %swap3A_172 {strides = array<i32>} : memref<32768xf32, #tpu.memory_space<vmem>>, vector<16xf32>,
    }
    %scan3A_6 = arith.constant 2048 : i32
    %add3A_7 = arith.constant 0 : i32
    %add3A_8 = arith.addi %add3A_7, %add3A : i32
    %mul3A_9 = arith.constant 8 : i32
    %mul3A_10 = arith.muli %add3A_8, %mul3A_9 : i32
    %add3A_11 = arith.constant 1 : i32
    %add3A_12 = arith.addi %mul3A_10, %add3A_11 : i32
    %mul3A_13 = arith.muli %mul3A_10, %add3A_12 : i32
    %jit3A = arith.constant 2 : i32
    %div3A = arith.divsi %mul3A_13, %jit3A : i32
    %sign3A = arith.constant 0 : i32
    %sign3A_14 = arith.cmpi sgt, %mul3A_13, %sign3A : i32
    %sign3A_15 = arith.extui %sign3A_14 : i1 to i32
    %sign3A_16 = arith.constant 0 : i32
    %sign3A_17 = arith.cmpi slt, %mul3A_13, %sign3A_16 : i32
    %sign3A_18 = arith.extui %sign3A_17 : i1 to i32
    %sign3A_19 = arith.subi %sign3A_15, %sign3A_18 : i32
    %sign3A_20 = arith.constant 0 : i32
    %sign3A_21 = arith.cmpi sgt, %jit3A, %sign3A_20 : i32
    %sign3A_22 = arith.extui %sign3A_21 : i1 to i32
    %sign3A_23 = arith.constant 0 : i32
    %sign3A_24 = arith.cmpi slt, %jit3A, %sign3A_23 : i32
    %sign3A_25 = arith.extui %sign3A_24 : i1 to i32
    %sign3A_26 = arith.subi %sign3A_22, %sign3A_25 : i32
    %ne3A = arith.cmpi ne, %sign3A_19, %sign3A_26 : i32
    %rem3A = arith.remsi %mul3A_13, %jit3A : i32
    %ne3A_27 = arith.constant 0 : i32
    %ne3A_28 = arith.cmpi ne, %rem3A, %ne3A_27 : i32
    %and3A = arith.andi %ne3A, %ne3A_28 : i1
    %sub3A = arith.constant 1 : i32
    %sub3A_29 = arith.subi %div3A, %sub3A : i32
    %select_n3A = arith.select %and3A, %sub3A_29, %div3A : i32
    %shift_right_arithmetic3A = arith.constant 4 : i32
    %shift_right_arithmetic3A_30 = arith.shrsi %select_n3A, %shift_right_arithmetic3A : i32
    %shift_left3A = arith.constant 4 : i32
    %shift_left3A_31 = arith.shli %shift_right_arithmetic3A_30, %shift_left3A : i32
    %min3A = arith.constant 8357888 : i32
    %min3A_32 = arith.minsi %shift_left3A_31, %min3A : i32
    %multiple_of3A = tpu.assume_multiple %min3A_32, 16 : i32
    %dma_start3A = tpu.memref_slice %arg2[%multiple_of3A] : memref<8390656xf32, #tpu.memory_space<hbm>> -> memref<32768xf32, #tpu.memory_space<hbm>>
    %dma_start3A_33 = tpu.memref_slice %arg2[%multiple_of3A] : memref<8390656xf32, #tpu.memory_space<hbm>> -> memref<32768xf32, #tpu.memory_space<hbm>>
    tpu.enqueue_dma source(%dma_start3A_33 : memref<32768xf32, #tpu.memory_space<hbm>>) target(%arg4 : memref<32768xf32, #tpu.memory_space<vmem>>) target_semaphore(%arg7 : memref<!tpu.dma_semaphore, #tpu.memory_space<semaphore_mem>>)
    %add3A_34 = arith.constant 32 : i32
    %add3A_35 = arith.addi %add3A_34, %add3A : i32
    %mul3A_36 = arith.constant 8 : i32
    %mul3A_37 = arith.muli %add3A_35, %mul3A_36 : i32
    %add3A_38 = arith.constant 1 : i32
    %add3A_39 = arith.addi %mul3A_37, %add3A_38 : i32
    %mul3A_40 = arith.muli %mul3A_37, %add3A_39 : i32
    %jit3A_41 = arith.constant 2 : i32
    %div3A_42 = arith.divsi %mul3A_40, %jit3A_41 : i32
    %sign3A_43 = arith.constant 0 : i32
    %sign3A_44 = arith.cmpi sgt, %mul3A_40, %sign3A_43 : i32
    %sign3A_45 = arith.extui %sign3A_44 : i1 to i32
    %sign3A_46 = arith.constant 0 : i32
    %sign3A_47 = arith.cmpi slt, %mul3A_40, %sign3A_46 : i32
    %sign3A_48 = arith.extui %sign3A_47 : i1 to i32
    %sign3A_49 = arith.subi %sign3A_45, %sign3A_48 : i32
    %sign3A_50 = arith.constant 0 : i32
    %sign3A_51 = arith.cmpi sgt, %jit3A_41, %sign3A_50 : i32
    %sign3A_52 = arith.extui %sign3A_51 : i1 to i32
    %sign3A_53 = arith.constant 0 : i32
    %sign3A_54 = arith.cmpi slt, %jit3A_41, %sign3A_53 : i32
    %sign3A_55 = arith.extui %sign3A_54 : i1 to i32
    %sign3A_56 = arith.subi %sign3A_52, %sign3A_55 : i32
    %ne3A_57 = arith.cmpi ne, %sign3A_49, %sign3A_56 : i32
    %rem3A_58 = arith.remsi %mul3A_40, %jit3A_41 : i32
    %ne3A_59 = arith.constant 0 : i32
    %ne3A_60 = arith.cmpi ne, %rem3A_58, %ne3A_59 : i32
    %and3A_61 = arith.andi %ne3A_57, %ne3A_60 : i1
    %sub3A_62 = arith.constant 1 : i32
    %sub3A_63 = arith.subi %div3A_42, %sub3A_62 : i32
    %select_n3A_64 = arith.select %and3A_61, %sub3A_63, %div3A_42 : i32
    %shift_right_arithmetic3A_65 = arith.constant 4 : i32
    %shift_right_arithmetic3A_66 = arith.shrsi %select_n3A_64, %shift_right_arithmetic3A_65 : i32
    %shift_left3A_67 = arith.constant 4 : i32
    %shift_left3A_68 = arith.shli %shift_right_arithmetic3A_66, %shift_left3A_67 : i32
    %min3A_69 = arith.constant 8357888 : i32
    %min3A_70 = arith.minsi %shift_left3A_68, %min3A_69 : i32
    %multiple_of3A_71 = tpu.assume_multiple %min3A_70, 16 : i32
    %dma_start3A_72 = tpu.memref_slice %arg2[%multiple_of3A_71] : memref<8390656xf32, #tpu.memory_space<hbm>> -> memref<32768xf32, #tpu.memory_space<hbm>>
    %dma_start3A_73 = tpu.memref_slice %arg2[%multiple_of3A_71] : memref<8390656xf32, #tpu.memory_space<hbm>> -> memref<32768xf32, #tpu.memory_space<hbm>>
    tpu.enqueue_dma source(%dma_start3A_73 : memref<32768xf32, #tpu.memory_space<hbm>>) target(%arg5 : memref<32768xf32, #tpu.memory_space<vmem>>) target_semaphore(%arg8 : memref<!tpu.dma_semaphore, #tpu.memory_space<semaphore_mem>>)
    %scan3A_74 = arith.constant 0 : i32
    %scan3A_75 = arith.constant 0 : i32
    %scan3A_76 = arith.constant 8 : i32
    %scan3A_77 = arith.addi %scan3A_75, %scan3A_76 : i32
    %scan3A_78 = arith.constant 1 : i32
    scf.for %scan3A_167 = %scan3A_75 to %scan3A_77 step %scan3A_78  : i32 {
      %mul3A_168 = arith.constant 2 : i32
      %mul3A_169 = arith.muli %scan3A_167, %mul3A_168 : i32
      %mul3A_170 = arith.constant 32 : i32
      %mul3A_171 = arith.muli %mul3A_169, %mul3A_170 : i32
      %add3A_172 = arith.addi %mul3A_171, %add3A : i32
      %mul3A_173 = arith.constant 8 : i32
      %mul3A_174 = arith.muli %add3A_172, %mul3A_173 : i32
      %add3A_175 = arith.constant 1 : i32
      %add3A_176 = arith.addi %mul3A_174, %add3A_175 : i32
      %mul3A_177 = arith.muli %mul3A_174, %add3A_176 : i32
      %jit3A_178 = arith.constant 2 : i32
      %div3A_179 = arith.divsi %mul3A_177, %jit3A_178 : i32
      %sign3A_180 = arith.constant 0 : i32
      %sign3A_181 = arith.cmpi sgt, %mul3A_177, %sign3A_180 : i32
      %sign3A_182 = arith.extui %sign3A_181 : i1 to i32
      %sign3A_183 = arith.constant 0 : i32
      %sign3A_184 = arith.cmpi slt, %mul3A_177, %sign3A_183 : i32
      %sign3A_185 = arith.extui %sign3A_184 : i1 to i32
      %sign3A_186 = arith.subi %sign3A_182, %sign3A_185 : i32
      %sign3A_187 = arith.constant 0 : i32
      %sign3A_188 = arith.cmpi sgt, %jit3A_178, %sign3A_187 : i32
      %sign3A_189 = arith.extui %sign3A_188 : i1 to i32
      %sign3A_190 = arith.constant 0 : i32
      %sign3A_191 = arith.cmpi slt, %jit3A_178, %sign3A_190 : i32
      %sign3A_192 = arith.extui %sign3A_191 : i1 to i32
      %sign3A_193 = arith.subi %sign3A_189, %sign3A_192 : i32
      %ne3A_194 = arith.cmpi ne, %sign3A_186, %sign3A_193 : i32
      %rem3A_195 = arith.remsi %mul3A_177, %jit3A_178 : i32
      %ne3A_196 = arith.constant 0 : i32
      %ne3A_197 = arith.cmpi ne, %rem3A_195, %ne3A_196 : i32
      %and3A_198 = arith.andi %ne3A_194, %ne3A_197 : i1
      %sub3A_199 = arith.constant 1 : i32
      %sub3A_200 = arith.subi %div3A_179, %sub3A_199 : i32
      %select_n3A_201 = arith.select %and3A_198, %sub3A_200, %div3A_179 : i32
      %shift_right_arithmetic3A_202 = arith.constant 4 : i32
      %shift_right_arithmetic3A_203 = arith.shrsi %select_n3A_201, %shift_right_arithmetic3A_202 : i32
      %shift_left3A_204 = arith.constant 4 : i32
      %shift_left3A_205 = arith.shli %shift_right_arithmetic3A_203, %shift_left3A_204 : i32
      %min3A_206 = arith.constant 8357888 : i32
      %min3A_207 = arith.minsi %shift_left3A_205, %min3A_206 : i32
      %multiple_of3A_208 = tpu.assume_multiple %min3A_207, 16 : i32
      %dma_wait3A_209 = arith.constant 0 : i32
      %dma_wait3A_210 = tpu.memref_slice %arg2[%dma_wait3A_209] : memref<8390656xf32, #tpu.memory_space<hbm>> -> memref<32768xf32, #tpu.memory_space<hbm>>
      %dma_wait3A_211 = arith.constant 0 : i32
      %dma_wait3A_212 = tpu.memref_slice %arg2[%dma_wait3A_211] : memref<8390656xf32, #tpu.memory_space<hbm>> -> memref<32768xf32, #tpu.memory_space<hbm>>
      tpu.wait_dma2 semaphore(%arg7 : memref<!tpu.dma_semaphore, #tpu.memory_space<semaphore_mem>>) src(%dma_wait3A_212 : memref<32768xf32, #tpu.memory_space<hbm>>) dst(%arg4 : memref<32768xf32, #tpu.memory_space<vmem>>)
      %add3A_213 = arith.constant 0 : i32
      %add3A_214 = arith.addi %mul3A_174, %add3A_213 : i32
      %gt3A = arith.constant 0 : i32
      %gt3A_215 = arith.cmpi sgt, %mul3A_169, %gt3A : i32
      %convert_element_type3A = arith.extui %gt3A_215 : i1 to i32
      %cond3A = arith.constant 0 : i32
      %cond3A_216 = arith.cmpi ne, %convert_element_type3A, %cond3A : i32
      scf.if %cond3A_216 {
        %dma_wait3A_1439 = arith.constant 0 : i32
        %dma_wait3A_1440 = arith.constant 0 : i32
        %dma_wait3A_1441 = tpu.memref_slice %arg6[%dma_wait3A_1440] : memref<32768xf32, #tpu.memory_space<vmem>> -> memref<4096xf32, #tpu.memory_space<vmem>>
        %dma_wait3A_1442 = arith.constant 0 : i32
        %dma_wait3A_1443 = tpu.memref_slice %arg3[%dma_wait3A_1439, %dma_wait3A_1442] : memref<4096x4096xf32, #tpu.memory_space<hbm>> -> memref<1x4096xf32, #tpu.memory_space<hbm>>
        %dma_wait3A_1444 = tpu.memref_squeeze %dma_wait3A_1443 : memref<1x4096xf32, #tpu.memory_space<hbm>> -> memref<4096xf32, #tpu.memory_space<hbm>>
        %dma_wait3A_1445 = arith.constant 0 : i32
        %dma_wait3A_1446 = tpu.memref_slice %arg3[%dma_wait3A_1439, %dma_wait3A_1445] : memref<4096x4096xf32, #tpu.memory_space<hbm>> -> memref<1x4096xf32, #tpu.memory_space<hbm>>
        %dma_wait3A_1447 = tpu.memref_squeeze %dma_wait3A_1446 : memref<1x4096xf32, #tpu.memory_space<hbm>> -> memref<4096xf32, #tpu.memory_space<hbm>>
        %dma_wait3A_1448 = arith.constant 0 : i32
        %dma_wait3A_1449 = tpu.memref_slice %arg6[%dma_wait3A_1448] : memref<32768xf32, #tpu.memory_space<vmem>> -> memref<4096xf32, #tpu.memory_space<vmem>>
        tpu.wait_dma2 semaphore(%arg9 : memref<!tpu.dma_semaphore, #tpu.memory_space<semaphore_mem>>) src(%dma_wait3A_1449 : memref<4096xf32, #tpu.memory_space<vmem>>) dst(%dma_wait3A_1447 : memref<4096xf32, #tpu.memory_space<hbm>>)
      } else {
      }
      %add3A_217 = arith.constant 1 : i32
      %add3A_218 = arith.addi %add3A_214, %add3A_217 : i32
      %mul3A_219 = arith.muli %add3A_214, %add3A_218 : i32
      %jit3A_220 = arith.constant 2 : i32
      %div3A_221 = arith.divsi %mul3A_219, %jit3A_220 : i32
      %sign3A_222 = arith.constant 0 : i32
      %sign3A_223 = arith.cmpi sgt, %mul3A_219, %sign3A_222 : i32
      %sign3A_224 = arith.extui %sign3A_223 : i1 to i32
      %sign3A_225 = arith.constant 0 : i32
      %sign3A_226 = arith.cmpi slt, %mul3A_219, %sign3A_225 : i32
      %sign3A_227 = arith.extui %sign3A_226 : i1 to i32
      %sign3A_228 = arith.subi %sign3A_224, %sign3A_227 : i32
      %sign3A_229 = arith.constant 0 : i32
      %sign3A_230 = arith.cmpi sgt, %jit3A_220, %sign3A_229 : i32
      %sign3A_231 = arith.extui %sign3A_230 : i1 to i32
      %sign3A_232 = arith.constant 0 : i32
      %sign3A_233 = arith.cmpi slt, %jit3A_220, %sign3A_232 : i32
      %sign3A_234 = arith.extui %sign3A_233 : i1 to i32
      %sign3A_235 = arith.subi %sign3A_231, %sign3A_234 : i32
      %ne3A_236 = arith.cmpi ne, %sign3A_228, %sign3A_235 : i32
      %rem3A_237 = arith.remsi %mul3A_219, %jit3A_220 : i32
      %ne3A_238 = arith.constant 0 : i32
      %ne3A_239 = arith.cmpi ne, %rem3A_237, %ne3A_238 : i32
      %and3A_240 = arith.andi %ne3A_236, %ne3A_239 : i1
      %sub3A_241 = arith.constant 1 : i32
      %sub3A_242 = arith.subi %div3A_221, %sub3A_241 : i32
      %select_n3A_243 = arith.select %and3A_240, %sub3A_242, %div3A_221 : i32
      %sub3A_244 = arith.subi %select_n3A_243, %multiple_of3A_208 : i32
      %add3A_245 = arith.constant 1 : i32
      %add3A_246 = arith.addi %add3A_214, %add3A_245 : i32
      %shift_right_arithmetic3A_247 = arith.constant 6 : i32
      %shift_right_arithmetic3A_248 = arith.shrsi %add3A_246, %shift_right_arithmetic3A_247 : i32
      %while3A = arith.constant 0 : i32
      %while3A_249 = arith.constant 0 : i32
      %while3A_250 = arith.subi %shift_right_arithmetic3A_248, %while3A_249 : i32
      %while3A_251 = arith.addi %while3A_249, %while3A_250 : i32
      %while3A_252 = arith.constant 1 : i32
      %while3A_253 = arith.divsi %while3A_250, %while3A_252 : i32
      %while3A_254 = arith.muli %while3A_253, %while3A_252 : i32
      %while3A_255 = arith.addi %while3A_249, %while3A_254 : i32
      %while3A_256 = arith.constant 1 : i32
      scf.for %while3A_1439 = %while3A_249 to %while3A_255 step %while3A_256  : i32 {
        %mul3A_1440 = arith.constant 64 : i32
        %mul3A_1441 = arith.muli %while3A_1439, %mul3A_1440 : i32
        %add3A_1442 = arith.constant 0 : i32
        %add3A_1443 = arith.addi %mul3A_1441, %add3A_1442 : i32
        %add3A_1444 = arith.addi %sub3A_244, %add3A_1443 : i32
        %get3A = arith.index_cast %add3A_1444 : i32 to index
        %get3A_1445 = tpu.vector_load %arg4[%get3A] {strides = array<i32>} : memref<32768xf32, #tpu.memory_space<vmem>>, vector<16xf32>,
        %get3A_1446 = vector.shape_cast %get3A_1445 : vector<16xf32> to vector<16xf32>
        %swap3A = arith.constant 0 : i32
        %swap3A_1447 = tpu.memref_slice %arg6[%swap3A] : memref<32768xf32, #tpu.memory_space<vmem>> -> memref<4096xf32, #tpu.memory_space<vmem>>
        %swap3A_1448 = arith.index_cast %add3A_1443 : i32 to index
        %swap3A_1449 = tpu.vector_load %swap3A_1447[%swap3A_1448] {strides = array<i32>} : memref<4096xf32, #tpu.memory_space<vmem>>, vector<16xf32>,
        %swap3A_1450 = vector.shape_cast %swap3A_1449 : vector<16xf32> to vector<16xf32>
        %swap3A_1451 = vector.shape_cast %get3A_1446 : vector<16xf32> to vector<16xf32>
        tpu.vector_store %swap3A_1447[%swap3A_1448], %swap3A_1451 {strides = array<i32>} : memref<4096xf32, #tpu.memory_space<vmem>>, vector<16xf32>,
        %add3A_1452 = arith.constant 16 : i32
        %add3A_1453 = arith.addi %mul3A_1441, %add3A_1452 : i32
        %add3A_1454 = arith.addi %sub3A_244, %add3A_1453 : i32
        %get3A_1455 = arith.index_cast %add3A_1454 : i32 to index
        %get3A_1456 = tpu.vector_load %arg4[%get3A_1455] {strides = array<i32>} : memref<32768xf32, #tpu.memory_space<vmem>>, vector<16xf32>,
        %get3A_1457 = vector.shape_cast %get3A_1456 : vector<16xf32> to vector<16xf32>
        %swap3A_1458 = arith.constant 0 : i32
        %swap3A_1459 = tpu.memref_slice %arg6[%swap3A_1458] : memref<32768xf32, #tpu.memory_space<vmem>> -> memref<4096xf32, #tpu.memory_space<vmem>>
        %swap3A_1460 = arith.index_cast %add3A_1453 : i32 to index
        %swap3A_1461 = tpu.vector_load %swap3A_1459[%swap3A_1460] {strides = array<i32>} : memref<4096xf32, #tpu.memory_space<vmem>>, vector<16xf32>,
        %swap3A_1462 = vector.shape_cast %swap3A_1461 : vector<16xf32> to vector<16xf32>
        %swap3A_1463 = vector.shape_cast %get3A_1457 : vector<16xf32> to vector<16xf32>
        tpu.vector_store %swap3A_1459[%swap3A_1460], %swap3A_1463 {strides = array<i32>} : memref<4096xf32, #tpu.memory_space<vmem>>, vector<16xf32>,
        %add3A_1464 = arith.constant 32 : i32
        %add3A_1465 = arith.addi %mul3A_1441, %add3A_1464 : i32
        %add3A_1466 = arith.addi %sub3A_244, %add3A_1465 : i32
        %get3A_1467 = arith.index_cast %add3A_1466 : i32 to index
        %get3A_1468 = tpu.vector_load %arg4[%get3A_1467] {strides = array<i32>} : memref<32768xf32, #tpu.memory_space<vmem>>, vector<16xf32>,
        %get3A_1469 = vector.shape_cast %get3A_1468 : vector<16xf32> to vector<16xf32>
        %swap3A_1470 = arith.constant 0 : i32
        %swap3A_1471 = tpu.memref_slice %arg6[%swap3A_1470] : memref<32768xf32, #tpu.memory_space<vmem>> -> memref<4096xf32, #tpu.memory_space<vmem>>
        %swap3A_1472 = arith.index_cast %add3A_1465 : i32 to index
        %swap3A_1473 = tpu.vector_load %swap3A_1471[%swap3A_1472] {strides = array<i32>} : memref<4096xf32, #tpu.memory_space<vmem>>, vector<16xf32>,
        %swap3A_1474 = vector.shape_cast %swap3A_1473 : vector<16xf32> to vector<16xf32>
        %swap3A_1475 = vector.shape_cast %get3A_1469 : vector<16xf32> to vector<16xf32>
        tpu.vector_store %swap3A_1471[%swap3A_1472], %swap3A_1475 {strides = array<i32>} : memref<4096xf32, #tpu.memory_space<vmem>>, vector<16xf32>,
        %add3A_1476 = arith.constant 48 : i32
        %add3A_1477 = arith.addi %mul3A_1441, %add3A_1476 : i32
        %add3A_1478 = arith.addi %sub3A_244, %add3A_1477 : i32
        %get3A_1479 = arith.index_cast %add3A_1478 : i32 to index
        %get3A_1480 = tpu.vector_load %arg4[%get3A_1479] {strides = array<i32>} : memref<32768xf32, #tpu.memory_space<vmem>>, vector<16xf32>,
        %get3A_1481 = vector.shape_cast %get3A_1480 : vector<16xf32> to vector<16xf32>
        %swap3A_1482 = arith.constant 0 : i32
        %swap3A_1483 = tpu.memref_slice %arg6[%swap3A_1482] : memref<32768xf32, #tpu.memory_space<vmem>> -> memref<4096xf32, #tpu.memory_space<vmem>>
        %swap3A_1484 = arith.index_cast %add3A_1477 : i32 to index
        %swap3A_1485 = tpu.vector_load %swap3A_1483[%swap3A_1484] {strides = array<i32>} : memref<4096xf32, #tpu.memory_space<vmem>>, vector<16xf32>,
        %swap3A_1486 = vector.shape_cast %swap3A_1485 : vector<16xf32> to vector<16xf32>
        %swap3A_1487 = vector.shape_cast %get3A_1481 : vector<16xf32> to vector<16xf32>
        tpu.vector_store %swap3A_1483[%swap3A_1484], %swap3A_1487 {strides = array<i32>} : memref<4096xf32, #tpu.memory_space<vmem>>, vector<16xf32>,
      }
      %while3A_257 = arith.constant 1 : i32
      scf.for %while3A_1439 = %while3A_255 to %while3A_251 step %while3A_257  : i32 {
        %mul3A_1440 = arith.constant 64 : i32
        %mul3A_1441 = arith.muli %while3A_1439, %mul3A_1440 : i32
        %add3A_1442 = arith.constant 0 : i32
        %add3A_1443 = arith.addi %mul3A_1441, %add3A_1442 : i32
        %add3A_1444 = arith.addi %sub3A_244, %add3A_1443 : i32
        %get3A = arith.index_cast %add3A_1444 : i32 to index
        %get3A_1445 = tpu.vector_load %arg4[%get3A] {strides = array<i32>} : memref<32768xf32, #tpu.memory_space<vmem>>, vector<16xf32>,
        %get3A_1446 = vector.shape_cast %get3A_1445 : vector<16xf32> to vector<16xf32>
        %swap3A = arith.constant 0 : i32
        %swap3A_1447 = tpu.memref_slice %arg6[%swap3A] : memref<32768xf32, #tpu.memory_space<vmem>> -> memref<4096xf32, #tpu.memory_space<vmem>>
        %swap3A_1448 = arith.index_cast %add3A_1443 : i32 to index
        %swap3A_1449 = tpu.vector_load %swap3A_1447[%swap3A_1448] {strides = array<i32>} : memref<4096xf32, #tpu.memory_space<vmem>>, vector<16xf32>,
        %swap3A_1450 = vector.shape_cast %swap3A_1449 : vector<16xf32> to vector<16xf32>
        %swap3A_1451 = vector.shape_cast %get3A_1446 : vector<16xf32> to vector<16xf32>
        tpu.vector_store %swap3A_1447[%swap3A_1448], %swap3A_1451 {strides = array<i32>} : memref<4096xf32, #tpu.memory_space<vmem>>, vector<16xf32>,
        %add3A_1452 = arith.constant 16 : i32
        %add3A_1453 = arith.addi %mul3A_1441, %add3A_1452 : i32
        %add3A_1454 = arith.addi %sub3A_244, %add3A_1453 : i32
        %get3A_1455 = arith.index_cast %add3A_1454 : i32 to index
        %get3A_1456 = tpu.vector_load %arg4[%get3A_1455] {strides = array<i32>} : memref<32768xf32, #tpu.memory_space<vmem>>, vector<16xf32>,
        %get3A_1457 = vector.shape_cast %get3A_1456 : vector<16xf32> to vector<16xf32>
        %swap3A_1458 = arith.constant 0 : i32
        %swap3A_1459 = tpu.memref_slice %arg6[%swap3A_1458] : memref<32768xf32, #tpu.memory_space<vmem>> -> memref<4096xf32, #tpu.memory_space<vmem>>
        %swap3A_1460 = arith.index_cast %add3A_1453 : i32 to index
        %swap3A_1461 = tpu.vector_load %swap3A_1459[%swap3A_1460] {strides = array<i32>} : memref<4096xf32, #tpu.memory_space<vmem>>, vector<16xf32>,
        %swap3A_1462 = vector.shape_cast %swap3A_1461 : vector<16xf32> to vector<16xf32>
        %swap3A_1463 = vector.shape_cast %get3A_1457 : vector<16xf32> to vector<16xf32>
        tpu.vector_store %swap3A_1459[%swap3A_1460], %swap3A_1463 {strides = array<i32>} : memref<4096xf32, #tpu.memory_space<vmem>>, vector<16xf32>,
        %add3A_1464 = arith.constant 32 : i32
        %add3A_1465 = arith.addi %mul3A_1441, %add3A_1464 : i32
        %add3A_1466 = arith.addi %sub3A_244, %add3A_1465 : i32
        %get3A_1467 = arith.index_cast %add3A_1466 : i32 to index
        %get3A_1468 = tpu.vector_load %arg4[%get3A_1467] {strides = array<i32>} : memref<32768xf32, #tpu.memory_space<vmem>>, vector<16xf32>,
        %get3A_1469 = vector.shape_cast %get3A_1468 : vector<16xf32> to vector<16xf32>
        %swap3A_1470 = arith.constant 0 : i32
        %swap3A_1471 = tpu.memref_slice %arg6[%swap3A_1470] : memref<32768xf32, #tpu.memory_space<vmem>> -> memref<4096xf32, #tpu.memory_space<vmem>>
        %swap3A_1472 = arith.index_cast %add3A_1465 : i32 to index
        %swap3A_1473 = tpu.vector_load %swap3A_1471[%swap3A_1472] {strides = array<i32>} : memref<4096xf32, #tpu.memory_space<vmem>>, vector<16xf32>,
        %swap3A_1474 = vector.shape_cast %swap3A_1473 : vector<16xf32> to vector<16xf32>
        %swap3A_1475 = vector.shape_cast %get3A_1469 : vector<16xf32> to vector<16xf32>
        tpu.vector_store %swap3A_1471[%swap3A_1472], %swap3A_1475 {strides = array<i32>} : memref<4096xf32, #tpu.memory_space<vmem>>, vector<16xf32>,
        %add3A_1476 = arith.constant 48 : i32
        %add3A_1477 = arith.addi %mul3A_1441, %add3A_1476 : i32
        %add3A_1478 = arith.addi %sub3A_244, %add3A_1477 : i32
        %get3A_1479 = arith.index_cast %add3A_1478 : i32 to index
        %get3A_1480 = tpu.vector_load %arg4[%get3A_1479] {strides = array<i32>} : memref<32768xf32, #tpu.memory_space<vmem>>, vector<16xf32>,
        %get3A_1481 = vector.shape_cast %get3A_1480 : vector<16xf32> to vector<16xf32>
        %swap3A_1482 = arith.constant 0 : i32
        %swap3A_1483 = tpu.memref_slice %arg6[%swap3A_1482] : memref<32768xf32, #tpu.memory_space<vmem>> -> memref<4096xf32, #tpu.memory_space<vmem>>
        %swap3A_1484 = arith.index_cast %add3A_1477 : i32 to index
        %swap3A_1485 = tpu.vector_load %swap3A_1483[%swap3A_1484] {strides = array<i32>} : memref<4096xf32, #tpu.memory_space<vmem>>, vector<16xf32>,
        %swap3A_1486 = vector.shape_cast %swap3A_1485 : vector<16xf32> to vector<16xf32>
        %swap3A_1487 = vector.shape_cast %get3A_1481 : vector<16xf32> to vector<16xf32>
        tpu.vector_store %swap3A_1483[%swap3A_1484], %swap3A_1487 {strides = array<i32>} : memref<4096xf32, #tpu.memory_space<vmem>>, vector<16xf32>,
      }
      %add3A_258 = arith.constant 1 : i32
      %add3A_259 = arith.addi %add3A_214, %add3A_258 : i32
      %and3A_260 = arith.constant 63 : i32
      %and3A_261 = arith.andi %add3A_259, %and3A_260 : i32
      %ne3A_262 = arith.constant 0 : i32
      %ne3A_263 = arith.cmpi ne, %and3A_261, %ne3A_262 : i32
      %convert_element_type3A_264 = arith.extui %ne3A_263 : i1 to i32
      %cond3A_265 = arith.constant 0 : i32
      %cond3A_266 = arith.cmpi ne, %convert_element_type3A_264, %cond3A_265 : i32
      scf.if %cond3A_266 {
        %mul3A_1439 = arith.constant 64 : i32
        %mul3A_1440 = arith.muli %shift_right_arithmetic3A_248, %mul3A_1439 : i32
        %add3A_1441 = arith.constant 0 : i32
        %add3A_1442 = arith.addi %mul3A_1440, %add3A_1441 : i32
        %add3A_1443 = arith.addi %sub3A_244, %add3A_1442 : i32
        %get3A = arith.index_cast %add3A_1443 : i32 to index
        %get3A_1444 = tpu.vector_load %arg4[%get3A] {strides = array<i32>} : memref<32768xf32, #tpu.memory_space<vmem>>, vector<16xf32>,
        %get3A_1445 = vector.shape_cast %get3A_1444 : vector<16xf32> to vector<16xf32>
        %add3A_1446 = vector.broadcast %add3A_1442 : i32 to vector<16xi32>
        %add3A_1447 = arith.addi %iota3A, %add3A_1446 : vector<16xi32>
        %le3A = vector.broadcast %add3A_214 : i32 to vector<16xi32>
        %le3A_1448 = arith.cmpi sle, %add3A_1447, %le3A : vector<16xi32>
        %select_n3A_1449 = arith.select %le3A_1448, %get3A_1445, %broadcast_in_dim3A_1 : vector<16xi1>, vector<16xf32>
        %swap3A = arith.constant 0 : i32
        %swap3A_1450 = tpu.memref_slice %arg6[%swap3A] : memref<32768xf32, #tpu.memory_space<vmem>> -> memref<4096xf32, #tpu.memory_space<vmem>>
        %swap3A_1451 = arith.index_cast %add3A_1442 : i32 to index
        %swap3A_1452 = tpu.vector_load %swap3A_1450[%swap3A_1451] {strides = array<i32>} : memref<4096xf32, #tpu.memory_space<vmem>>, vector<16xf32>,
        %swap3A_1453 = vector.shape_cast %swap3A_1452 : vector<16xf32> to vector<16xf32>
        %swap3A_1454 = vector.shape_cast %select_n3A_1449 : vector<16xf32> to vector<16xf32>
        tpu.vector_store %swap3A_1450[%swap3A_1451], %swap3A_1454 {strides = array<i32>} : memref<4096xf32, #tpu.memory_space<vmem>>, vector<16xf32>,
        %add3A_1455 = arith.constant 16 : i32
        %add3A_1456 = arith.addi %mul3A_1440, %add3A_1455 : i32
        %add3A_1457 = arith.addi %sub3A_244, %add3A_1456 : i32
        %get3A_1458 = arith.index_cast %add3A_1457 : i32 to index
        %get3A_1459 = tpu.vector_load %arg4[%get3A_1458] {strides = array<i32>} : memref<32768xf32, #tpu.memory_space<vmem>>, vector<16xf32>,
        %get3A_1460 = vector.shape_cast %get3A_1459 : vector<16xf32> to vector<16xf32>
        %add3A_1461 = vector.broadcast %add3A_1456 : i32 to vector<16xi32>
        %add3A_1462 = arith.addi %iota3A, %add3A_1461 : vector<16xi32>
        %le3A_1463 = vector.broadcast %add3A_214 : i32 to vector<16xi32>
        %le3A_1464 = arith.cmpi sle, %add3A_1462, %le3A_1463 : vector<16xi32>
        %select_n3A_1465 = arith.select %le3A_1464, %get3A_1460, %broadcast_in_dim3A_1 : vector<16xi1>, vector<16xf32>
        %swap3A_1466 = arith.constant 0 : i32
        %swap3A_1467 = tpu.memref_slice %arg6[%swap3A_1466] : memref<32768xf32, #tpu.memory_space<vmem>> -> memref<4096xf32, #tpu.memory_space<vmem>>
        %swap3A_1468 = arith.index_cast %add3A_1456 : i32 to index
        %swap3A_1469 = tpu.vector_load %swap3A_1467[%swap3A_1468] {strides = array<i32>} : memref<4096xf32, #tpu.memory_space<vmem>>, vector<16xf32>,
        %swap3A_1470 = vector.shape_cast %swap3A_1469 : vector<16xf32> to vector<16xf32>
        %swap3A_1471 = vector.shape_cast %select_n3A_1465 : vector<16xf32> to vector<16xf32>
        tpu.vector_store %swap3A_1467[%swap3A_1468], %swap3A_1471 {strides = array<i32>} : memref<4096xf32, #tpu.memory_space<vmem>>, vector<16xf32>,
        %add3A_1472 = arith.constant 32 : i32
        %add3A_1473 = arith.addi %mul3A_1440, %add3A_1472 : i32
        %add3A_1474 = arith.addi %sub3A_244, %add3A_1473 : i32
        %get3A_1475 = arith.index_cast %add3A_1474 : i32 to index
        %get3A_1476 = tpu.vector_load %arg4[%get3A_1475] {strides = array<i32>} : memref<32768xf32, #tpu.memory_space<vmem>>, vector<16xf32>,
        %get3A_1477 = vector.shape_cast %get3A_1476 : vector<16xf32> to vector<16xf32>
        %add3A_1478 = vector.broadcast %add3A_1473 : i32 to vector<16xi32>
        %add3A_1479 = arith.addi %iota3A, %add3A_1478 : vector<16xi32>
        %le3A_1480 = vector.broadcast %add3A_214 : i32 to vector<16xi32>
        %le3A_1481 = arith.cmpi sle, %add3A_1479, %le3A_1480 : vector<16xi32>
        %select_n3A_1482 = arith.select %le3A_1481, %get3A_1477, %broadcast_in_dim3A_1 : vector<16xi1>, vector<16xf32>
        %swap3A_1483 = arith.constant 0 : i32
        %swap3A_1484 = tpu.memref_slice %arg6[%swap3A_1483] : memref<32768xf32, #tpu.memory_space<vmem>> -> memref<4096xf32, #tpu.memory_space<vmem>>
        %swap3A_1485 = arith.index_cast %add3A_1473 : i32 to index
        %swap3A_1486 = tpu.vector_load %swap3A_1484[%swap3A_1485] {strides = array<i32>} : memref<4096xf32, #tpu.memory_space<vmem>>, vector<16xf32>,
        %swap3A_1487 = vector.shape_cast %swap3A_1486 : vector<16xf32> to vector<16xf32>
        %swap3A_1488 = vector.shape_cast %select_n3A_1482 : vector<16xf32> to vector<16xf32>
        tpu.vector_store %swap3A_1484[%swap3A_1485], %swap3A_1488 {strides = array<i32>} : memref<4096xf32, #tpu.memory_space<vmem>>, vector<16xf32>,
        %add3A_1489 = arith.constant 48 : i32
        %add3A_1490 = arith.addi %mul3A_1440, %add3A_1489 : i32
        %add3A_1491 = arith.addi %sub3A_244, %add3A_1490 : i32
        %get3A_1492 = arith.index_cast %add3A_1491 : i32 to index
        %get3A_1493 = tpu.vector_load %arg4[%get3A_1492] {strides = array<i32>} : memref<32768xf32, #tpu.memory_space<vmem>>, vector<16xf32>,
        %get3A_1494 = vector.shape_cast %get3A_1493 : vector<16xf32> to vector<16xf32>
        %add3A_1495 = vector.broadcast %add3A_1490 : i32 to vector<16xi32>
        %add3A_1496 = arith.addi %iota3A, %add3A_1495 : vector<16xi32>
        %le3A_1497 = vector.broadcast %add3A_214 : i32 to vector<16xi32>
        %le3A_1498 = arith.cmpi sle, %add3A_1496, %le3A_1497 : vector<16xi32>
        %select_n3A_1499 = arith.select %le3A_1498, %get3A_1494, %broadcast_in_dim3A_1 : vector<16xi1>, vector<16xf32>
        %swap3A_1500 = arith.constant 0 : i32
        %swap3A_1501 = tpu.memref_slice %arg6[%swap3A_1500] : memref<32768xf32, #tpu.memory_space<vmem>> -> memref<4096xf32, #tpu.memory_space<vmem>>
        %swap3A_1502 = arith.index_cast %add3A_1490 : i32 to index
        %swap3A_1503 = tpu.vector_load %swap3A_1501[%swap3A_1502] {strides = array<i32>} : memref<4096xf32, #tpu.memory_space<vmem>>, vector<16xf32>,
        %swap3A_1504 = vector.shape_cast %swap3A_1503 : vector<16xf32> to vector<16xf32>
        %swap3A_1505 = vector.shape_cast %select_n3A_1499 : vector<16xf32> to vector<16xf32>
        tpu.vector_store %swap3A_1501[%swap3A_1502], %swap3A_1505 {strides = array<i32>} : memref<4096xf32, #tpu.memory_space<vmem>>, vector<16xf32>,
      } else {
      }
      %dma_start3A_267 = arith.constant 0 : i32
      %dma_start3A_268 = tpu.memref_slice %arg6[%dma_start3A_267] : memref<32768xf32, #tpu.memory_space<vmem>> -> memref<4096xf32, #tpu.memory_space<vmem>>
      %dma_start3A_269 = arith.constant 0 : i32
      %dma_start3A_270 = tpu.memref_slice %arg3[%add3A_214, %dma_start3A_269] : memref<4096x4096xf32, #tpu.memory_space<hbm>> -> memref<1x4096xf32, #tpu.memory_space<hbm>>
      %dma_start3A_271 = tpu.memref_squeeze %dma_start3A_270 : memref<1x4096xf32, #tpu.memory_space<hbm>> -> memref<4096xf32, #tpu.memory_space<hbm>>
      %dma_start3A_272 = arith.constant 0 : i32
      %dma_start3A_273 = tpu.memref_slice %arg3[%add3A_214, %dma_start3A_272] : memref<4096x4096xf32, #tpu.memory_space<hbm>> -> memref<1x4096xf32, #tpu.memory_space<hbm>>
      %dma_start3A_274 = tpu.memref_squeeze %dma_start3A_273 : memref<1x4096xf32, #tpu.memory_space<hbm>> -> memref<4096xf32, #tpu.memory_space<hbm>>
      %dma_start3A_275 = arith.constant 0 : i32
      %dma_start3A_276 = tpu.memref_slice %arg6[%dma_start3A_275] : memref<32768xf32, #tpu.memory_space<vmem>> -> memref<4096xf32, #tpu.memory_space<vmem>>
      tpu.enqueue_dma source(%dma_start3A_276 : memref<4096xf32, #tpu.memory_space<vmem>>) target(%dma_start3A_274 : memref<4096xf32, #tpu.memory_space<hbm>>) target_semaphore(%arg9 : memref<!tpu.dma_semaphore, #tpu.memory_space<semaphore_mem>>)
      %add3A_277 = arith.constant 1 : i32
      %add3A_278 = arith.addi %mul3A_174, %add3A_277 : i32
      %gt3A_279 = arith.constant 0 : i32
      %gt3A_280 = arith.cmpi sgt, %mul3A_169, %gt3A_279 : i32
      %convert_element_type3A_281 = arith.extui %gt3A_280 : i1 to i32
      %cond3A_282 = arith.constant 0 : i32
      %cond3A_283 = arith.cmpi ne, %convert_element_type3A_281, %cond3A_282 : i32
      scf.if %cond3A_283 {
        %dma_wait3A_1439 = arith.constant 0 : i32
        %dma_wait3A_1440 = arith.constant 4096 : i32
        %dma_wait3A_1441 = tpu.memref_slice %arg6[%dma_wait3A_1440] : memref<32768xf32, #tpu.memory_space<vmem>> -> memref<4096xf32, #tpu.memory_space<vmem>>
        %dma_wait3A_1442 = arith.constant 0 : i32
        %dma_wait3A_1443 = tpu.memref_slice %arg3[%dma_wait3A_1439, %dma_wait3A_1442] : memref<4096x4096xf32, #tpu.memory_space<hbm>> -> memref<1x4096xf32, #tpu.memory_space<hbm>>
        %dma_wait3A_1444 = tpu.memref_squeeze %dma_wait3A_1443 : memref<1x4096xf32, #tpu.memory_space<hbm>> -> memref<4096xf32, #tpu.memory_space<hbm>>
        %dma_wait3A_1445 = arith.constant 0 : i32
        %dma_wait3A_1446 = tpu.memref_slice %arg3[%dma_wait3A_1439, %dma_wait3A_1445] : memref<4096x4096xf32, #tpu.memory_space<hbm>> -> memref<1x4096xf32, #tpu.memory_space<hbm>>
        %dma_wait3A_1447 = tpu.memref_squeeze %dma_wait3A_1446 : memref<1x4096xf32, #tpu.memory_space<hbm>> -> memref<4096xf32, #tpu.memory_space<hbm>>
        %dma_wait3A_1448 = arith.constant 4096 : i32
        %dma_wait3A_1449 = tpu.memref_slice %arg6[%dma_wait3A_1448] : memref<32768xf32, #tpu.memory_space<vmem>> -> memref<4096xf32, #tpu.memory_space<vmem>>
        tpu.wait_dma2 semaphore(%arg10 : memref<!tpu.dma_semaphore, #tpu.memory_space<semaphore_mem>>) src(%dma_wait3A_1449 : memref<4096xf32, #tpu.memory_space<vmem>>) dst(%dma_wait3A_1447 : memref<4096xf32, #tpu.memory_space<hbm>>)
      } else {
      }
      %add3A_284 = arith.constant 1 : i32
      %add3A_285 = arith.addi %add3A_278, %add3A_284 : i32
      %mul3A_286 = arith.muli %add3A_278, %add3A_285 : i32
      %jit3A_287 = arith.constant 2 : i32
      %div3A_288 = arith.divsi %mul3A_286, %jit3A_287 : i32
      %sign3A_289 = arith.constant 0 : i32
      %sign3A_290 = arith.cmpi sgt, %mul3A_286, %sign3A_289 : i32
      %sign3A_291 = arith.extui %sign3A_290 : i1 to i32
      %sign3A_292 = arith.constant 0 : i32
      %sign3A_293 = arith.cmpi slt, %mul3A_286, %sign3A_292 : i32
      %sign3A_294 = arith.extui %sign3A_293 : i1 to i32
      %sign3A_295 = arith.subi %sign3A_291, %sign3A_294 : i32
      %sign3A_296 = arith.constant 0 : i32
      %sign3A_297 = arith.cmpi sgt, %jit3A_287, %sign3A_296 : i32
      %sign3A_298 = arith.extui %sign3A_297 : i1 to i32
      %sign3A_299 = arith.constant 0 : i32
      %sign3A_300 = arith.cmpi slt, %jit3A_287, %sign3A_299 : i32
      %sign3A_301 = arith.extui %sign3A_300 : i1 to i32
      %sign3A_302 = arith.subi %sign3A_298, %sign3A_301 : i32
      %ne3A_303 = arith.cmpi ne, %sign3A_295, %sign3A_302 : i32
      %rem3A_304 = arith.remsi %mul3A_286, %jit3A_287 : i32
      %ne3A_305 = arith.constant 0 : i32
      %ne3A_306 = arith.cmpi ne, %rem3A_304, %ne3A_305 : i32
      %and3A_307 = arith.andi %ne3A_303, %ne3A_306 : i1
      %sub3A_308 = arith.constant 1 : i32
      %sub3A_309 = arith.subi %div3A_288, %sub3A_308 : i32
      %select_n3A_310 = arith.select %and3A_307, %sub3A_309, %div3A_288 : i32
      %sub3A_311 = arith.subi %select_n3A_310, %multiple_of3A_208 : i32
      %add3A_312 = arith.constant 1 : i32
      %add3A_313 = arith.addi %add3A_278, %add3A_312 : i32
      %shift_right_arithmetic3A_314 = arith.constant 6 : i32
      %shift_right_arithmetic3A_315 = arith.shrsi %add3A_313, %shift_right_arithmetic3A_314 : i32
      %while3A_316 = arith.constant 0 : i32
      %while3A_317 = arith.constant 0 : i32
      %while3A_318 = arith.subi %shift_right_arithmetic3A_315, %while3A_317 : i32
      %while3A_319 = arith.addi %while3A_317, %while3A_318 : i32
      %while3A_320 = arith.constant 1 : i32
      %while3A_321 = arith.divsi %while3A_318, %while3A_320 : i32
      %while3A_322 = arith.muli %while3A_321, %while3A_320 : i32
      %while3A_323 = arith.addi %while3A_317, %while3A_322 : i32
      %while3A_324 = arith.constant 1 : i32
      scf.for %while3A_1439 = %while3A_317 to %while3A_323 step %while3A_324  : i32 {
        %mul3A_1440 = arith.constant 64 : i32
        %mul3A_1441 = arith.muli %while3A_1439, %mul3A_1440 : i32
        %add3A_1442 = arith.constant 0 : i32
        %add3A_1443 = arith.addi %mul3A_1441, %add3A_1442 : i32
        %add3A_1444 = arith.addi %sub3A_311, %add3A_1443 : i32
        %get3A = arith.index_cast %add3A_1444 : i32 to index
        %get3A_1445 = tpu.vector_load %arg4[%get3A] {strides = array<i32>} : memref<32768xf32, #tpu.memory_space<vmem>>, vector<16xf32>,
        %get3A_1446 = vector.shape_cast %get3A_1445 : vector<16xf32> to vector<16xf32>
        %swap3A = arith.constant 4096 : i32
        %swap3A_1447 = tpu.memref_slice %arg6[%swap3A] : memref<32768xf32, #tpu.memory_space<vmem>> -> memref<4096xf32, #tpu.memory_space<vmem>>
        %swap3A_1448 = arith.index_cast %add3A_1443 : i32 to index
        %swap3A_1449 = tpu.vector_load %swap3A_1447[%swap3A_1448] {strides = array<i32>} : memref<4096xf32, #tpu.memory_space<vmem>>, vector<16xf32>,
        %swap3A_1450 = vector.shape_cast %swap3A_1449 : vector<16xf32> to vector<16xf32>
        %swap3A_1451 = vector.shape_cast %get3A_1446 : vector<16xf32> to vector<16xf32>
        tpu.vector_store %swap3A_1447[%swap3A_1448], %swap3A_1451 {strides = array<i32>} : memref<4096xf32, #tpu.memory_space<vmem>>, vector<16xf32>,
        %add3A_1452 = arith.constant 16 : i32
        %add3A_1453 = arith.addi %mul3A_1441, %add3A_1452 : i32
        %add3A_1454 = arith.addi %sub3A_311, %add3A_1453 : i32
        %get3A_1455 = arith.index_cast %add3A_1454 : i32 to index
        %get3A_1456 = tpu.vector_load %arg4[%get3A_1455] {strides = array<i32>} : memref<32768xf32, #tpu.memory_space<vmem>>, vector<16xf32>,
        %get3A_1457 = vector.shape_cast %get3A_1456 : vector<16xf32> to vector<16xf32>
        %swap3A_1458 = arith.constant 4096 : i32
        %swap3A_1459 = tpu.memref_slice %arg6[%swap3A_1458] : memref<32768xf32, #tpu.memory_space<vmem>> -> memref<4096xf32, #tpu.memory_space<vmem>>
        %swap3A_1460 = arith.index_cast %add3A_1453 : i32 to index
        %swap3A_1461 = tpu.vector_load %swap3A_1459[%swap3A_1460] {strides = array<i32>} : memref<4096xf32, #tpu.memory_space<vmem>>, vector<16xf32>,
        %swap3A_1462 = vector.shape_cast %swap3A_1461 : vector<16xf32> to vector<16xf32>
        %swap3A_1463 = vector.shape_cast %get3A_1457 : vector<16xf32> to vector<16xf32>
        tpu.vector_store %swap3A_1459[%swap3A_1460], %swap3A_1463 {strides = array<i32>} : memref<4096xf32, #tpu.memory_space<vmem>>, vector<16xf32>,
        %add3A_1464 = arith.constant 32 : i32
        %add3A_1465 = arith.addi %mul3A_1441, %add3A_1464 : i32
        %add3A_1466 = arith.addi %sub3A_311, %add3A_1465 : i32
        %get3A_1467 = arith.index_cast %add3A_1466 : i32 to index
        %get3A_1468 = tpu.vector_load %arg4[%get3A_1467] {strides = array<i32>} : memref<32768xf32, #tpu.memory_space<vmem>>, vector<16xf32>,
        %get3A_1469 = vector.shape_cast %get3A_1468 : vector<16xf32> to vector<16xf32>
        %swap3A_1470 = arith.constant 4096 : i32
        %swap3A_1471 = tpu.memref_slice %arg6[%swap3A_1470] : memref<32768xf32, #tpu.memory_space<vmem>> -> memref<4096xf32, #tpu.memory_space<vmem>>
        %swap3A_1472 = arith.index_cast %add3A_1465 : i32 to index
        %swap3A_1473 = tpu.vector_load %swap3A_1471[%swap3A_1472] {strides = array<i32>} : memref<4096xf32, #tpu.memory_space<vmem>>, vector<16xf32>,
        %swap3A_1474 = vector.shape_cast %swap3A_1473 : vector<16xf32> to vector<16xf32>
        %swap3A_1475 = vector.shape_cast %get3A_1469 : vector<16xf32> to vector<16xf32>
        tpu.vector_store %swap3A_1471[%swap3A_1472], %swap3A_1475 {strides = array<i32>} : memref<4096xf32, #tpu.memory_space<vmem>>, vector<16xf32>,
        %add3A_1476 = arith.constant 48 : i32
        %add3A_1477 = arith.addi %mul3A_1441, %add3A_1476 : i32
        %add3A_1478 = arith.addi %sub3A_311, %add3A_1477 : i32
        %get3A_1479 = arith.index_cast %add3A_1478 : i32 to index
        %get3A_1480 = tpu.vector_load %arg4[%get3A_1479] {strides = array<i32>} : memref<32768xf32, #tpu.memory_space<vmem>>, vector<16xf32>,
        %get3A_1481 = vector.shape_cast %get3A_1480 : vector<16xf32> to vector<16xf32>
        %swap3A_1482 = arith.constant 4096 : i32
        %swap3A_1483 = tpu.memref_slice %arg6[%swap3A_1482] : memref<32768xf32, #tpu.memory_space<vmem>> -> memref<4096xf32, #tpu.memory_space<vmem>>
        %swap3A_1484 = arith.index_cast %add3A_1477 : i32 to index
        %swap3A_1485 = tpu.vector_load %swap3A_1483[%swap3A_1484] {strides = array<i32>} : memref<4096xf32, #tpu.memory_space<vmem>>, vector<16xf32>,
        %swap3A_1486 = vector.shape_cast %swap3A_1485 : vector<16xf32> to vector<16xf32>
        %swap3A_1487 = vector.shape_cast %get3A_1481 : vector<16xf32> to vector<16xf32>
        tpu.vector_store %swap3A_1483[%swap3A_1484], %swap3A_1487 {strides = array<i32>} : memref<4096xf32, #tpu.memory_space<vmem>>, vector<16xf32>,
      }
      %while3A_325 = arith.constant 1 : i32
      scf.for %while3A_1439 = %while3A_323 to %while3A_319 step %while3A_325  : i32 {
        %mul3A_1440 = arith.constant 64 : i32
        %mul3A_1441 = arith.muli %while3A_1439, %mul3A_1440 : i32
        %add3A_1442 = arith.constant 0 : i32
        %add3A_1443 = arith.addi %mul3A_1441, %add3A_1442 : i32
        %add3A_1444 = arith.addi %sub3A_311, %add3A_1443 : i32
        %get3A = arith.index_cast %add3A_1444 : i32 to index
        %get3A_1445 = tpu.vector_load %arg4[%get3A] {strides = array<i32>} : memref<32768xf32, #tpu.memory_space<vmem>>, vector<16xf32>,
        %get3A_1446 = vector.shape_cast %get3A_1445 : vector<16xf32> to vector<16xf32>
        %swap3A = arith.constant 4096 : i32
        %swap3A_1447 = tpu.memref_slice %arg6[%swap3A] : memref<32768xf32, #tpu.memory_space<vmem>> -> memref<4096xf32, #tpu.memory_space<vmem>>
        %swap3A_1448 = arith.index_cast %add3A_1443 : i32 to index
        %swap3A_1449 = tpu.vector_load %swap3A_1447[%swap3A_1448] {strides = array<i32>} : memref<4096xf32, #tpu.memory_space<vmem>>, vector<16xf32>,
        %swap3A_1450 = vector.shape_cast %swap3A_1449 : vector<16xf32> to vector<16xf32>
        %swap3A_1451 = vector.shape_cast %get3A_1446 : vector<16xf32> to vector<16xf32>
        tpu.vector_store %swap3A_1447[%swap3A_1448], %swap3A_1451 {strides = array<i32>} : memref<4096xf32, #tpu.memory_space<vmem>>, vector<16xf32>,
        %add3A_1452 = arith.constant 16 : i32
        %add3A_1453 = arith.addi %mul3A_1441, %add3A_1452 : i32
        %add3A_1454 = arith.addi %sub3A_311, %add3A_1453 : i32
        %get3A_1455 = arith.index_cast %add3A_1454 : i32 to index
        %get3A_1456 = tpu.vector_load %arg4[%get3A_1455] {strides = array<i32>} : memref<32768xf32, #tpu.memory_space<vmem>>, vector<16xf32>,
        %get3A_1457 = vector.shape_cast %get3A_1456 : vector<16xf32> to vector<16xf32>
        %swap3A_1458 = arith.constant 4096 : i32
        %swap3A_1459 = tpu.memref_slice %arg6[%swap3A_1458] : memref<32768xf32, #tpu.memory_space<vmem>> -> memref<4096xf32, #tpu.memory_space<vmem>>
        %swap3A_1460 = arith.index_cast %add3A_1453 : i32 to index
        %swap3A_1461 = tpu.vector_load %swap3A_1459[%swap3A_1460] {strides = array<i32>} : memref<4096xf32, #tpu.memory_space<vmem>>, vector<16xf32>,
        %swap3A_1462 = vector.shape_cast %swap3A_1461 : vector<16xf32> to vector<16xf32>
        %swap3A_1463 = vector.shape_cast %get3A_1457 : vector<16xf32> to vector<16xf32>
        tpu.vector_store %swap3A_1459[%swap3A_1460], %swap3A_1463 {strides = array<i32>} : memref<4096xf32, #tpu.memory_space<vmem>>, vector<16xf32>,
        %add3A_1464 = arith.constant 32 : i32
        %add3A_1465 = arith.addi %mul3A_1441, %add3A_1464 : i32
        %add3A_1466 = arith.addi %sub3A_311, %add3A_1465 : i32
        %get3A_1467 = arith.index_cast %add3A_1466 : i32 to index
        %get3A_1468 = tpu.vector_load %arg4[%get3A_1467] {strides = array<i32>} : memref<32768xf32, #tpu.memory_space<vmem>>, vector<16xf32>,
        %get3A_1469 = vector.shape_cast %get3A_1468 : vector<16xf32> to vector<16xf32>
        %swap3A_1470 = arith.constant 4096 : i32
        %swap3A_1471 = tpu.memref_slice %arg6[%swap3A_1470] : memref<32768xf32, #tpu.memory_space<vmem>> -> memref<4096xf32, #tpu.memory_space<vmem>>
        %swap3A_1472 = arith.index_cast %add3A_1465 : i32 to index
        %swap3A_1473 = tpu.vector_load %swap3A_1471[%swap3A_1472] {strides = array<i32>} : memref<4096xf32, #tpu.memory_space<vmem>>, vector<16xf32>,
        %swap3A_1474 = vector.shape_cast %swap3A_1473 : vector<16xf32> to vector<16xf32>
        %swap3A_1475 = vector.shape_cast %get3A_1469 : vector<16xf32> to vector<16xf32>
        tpu.vector_store %swap3A_1471[%swap3A_1472], %swap3A_1475 {strides = array<i32>} : memref<4096xf32, #tpu.memory_space<vmem>>, vector<16xf32>,
        %add3A_1476 = arith.constant 48 : i32
        %add3A_1477 = arith.addi %mul3A_1441, %add3A_1476 : i32
        %add3A_1478 = arith.addi %sub3A_311, %add3A_1477 : i32
        %get3A_1479 = arith.index_cast %add3A_1478 : i32 to index
        %get3A_1480 = tpu.vector_load %arg4[%get3A_1479] {strides = array<i32>} : memref<32768xf32, #tpu.memory_space<vmem>>, vector<16xf32>,
        %get3A_1481 = vector.shape_cast %get3A_1480 : vector<16xf32> to vector<16xf32>
        %swap3A_1482 = arith.constant 4096 : i32
        %swap3A_1483 = tpu.memref_slice %arg6[%swap3A_1482] : memref<32768xf32, #tpu.memory_space<vmem>> -> memref<4096xf32, #tpu.memory_space<vmem>>
        %swap3A_1484 = arith.index_cast %add3A_1477 : i32 to index
        %swap3A_1485 = tpu.vector_load %swap3A_1483[%swap3A_1484] {strides = array<i32>} : memref<4096xf32, #tpu.memory_space<vmem>>, vector<16xf32>,
        %swap3A_1486 = vector.shape_cast %swap3A_1485 : vector<16xf32> to vector<16xf32>
        %swap3A_1487 = vector.shape_cast %get3A_1481 : vector<16xf32> to vector<16xf32>
        tpu.vector_store %swap3A_1483[%swap3A_1484], %swap3A_1487 {strides = array<i32>} : memref<4096xf32, #tpu.memory_space<vmem>>, vector<16xf32>,
      }
      %add3A_326 = arith.constant 1 : i32
      %add3A_327 = arith.addi %add3A_278, %add3A_326 : i32
      %and3A_328 = arith.constant 63 : i32
      %and3A_329 = arith.andi %add3A_327, %and3A_328 : i32
      %ne3A_330 = arith.constant 0 : i32
      %ne3A_331 = arith.cmpi ne, %and3A_329, %ne3A_330 : i32
      %convert_element_type3A_332 = arith.extui %ne3A_331 : i1 to i32
      %cond3A_333 = arith.constant 0 : i32
      %cond3A_334 = arith.cmpi ne, %convert_element_type3A_332, %cond3A_333 : i32
      scf.if %cond3A_334 {
        %mul3A_1439 = arith.constant 64 : i32
        %mul3A_1440 = arith.muli %shift_right_arithmetic3A_315, %mul3A_1439 : i32
        %add3A_1441 = arith.constant 0 : i32
        %add3A_1442 = arith.addi %mul3A_1440, %add3A_1441 : i32
        %add3A_1443 = arith.addi %sub3A_311, %add3A_1442 : i32
        %get3A = arith.index_cast %add3A_1443 : i32 to index
        %get3A_1444 = tpu.vector_load %arg4[%get3A] {strides = array<i32>} : memref<32768xf32, #tpu.memory_space<vmem>>, vector<16xf32>,
        %get3A_1445 = vector.shape_cast %get3A_1444 : vector<16xf32> to vector<16xf32>
        %add3A_1446 = vector.broadcast %add3A_1442 : i32 to vector<16xi32>
        %add3A_1447 = arith.addi %iota3A, %add3A_1446 : vector<16xi32>
        %le3A = vector.broadcast %add3A_278 : i32 to vector<16xi32>
        %le3A_1448 = arith.cmpi sle, %add3A_1447, %le3A : vector<16xi32>
        %select_n3A_1449 = arith.select %le3A_1448, %get3A_1445, %broadcast_in_dim3A_1 : vector<16xi1>, vector<16xf32>
        %swap3A = arith.constant 4096 : i32
        %swap3A_1450 = tpu.memref_slice %arg6[%swap3A] : memref<32768xf32, #tpu.memory_space<vmem>> -> memref<4096xf32, #tpu.memory_space<vmem>>
        %swap3A_1451 = arith.index_cast %add3A_1442 : i32 to index
        %swap3A_1452 = tpu.vector_load %swap3A_1450[%swap3A_1451] {strides = array<i32>} : memref<4096xf32, #tpu.memory_space<vmem>>, vector<16xf32>,
        %swap3A_1453 = vector.shape_cast %swap3A_1452 : vector<16xf32> to vector<16xf32>
        %swap3A_1454 = vector.shape_cast %select_n3A_1449 : vector<16xf32> to vector<16xf32>
        tpu.vector_store %swap3A_1450[%swap3A_1451], %swap3A_1454 {strides = array<i32>} : memref<4096xf32, #tpu.memory_space<vmem>>, vector<16xf32>,
        %add3A_1455 = arith.constant 16 : i32
        %add3A_1456 = arith.addi %mul3A_1440, %add3A_1455 : i32
        %add3A_1457 = arith.addi %sub3A_311, %add3A_1456 : i32
        %get3A_1458 = arith.index_cast %add3A_1457 : i32 to index
        %get3A_1459 = tpu.vector_load %arg4[%get3A_1458] {strides = array<i32>} : memref<32768xf32, #tpu.memory_space<vmem>>, vector<16xf32>,
        %get3A_1460 = vector.shape_cast %get3A_1459 : vector<16xf32> to vector<16xf32>
        %add3A_1461 = vector.broadcast %add3A_1456 : i32 to vector<16xi32>
        %add3A_1462 = arith.addi %iota3A, %add3A_1461 : vector<16xi32>
        %le3A_1463 = vector.broadcast %add3A_278 : i32 to vector<16xi32>
        %le3A_1464 = arith.cmpi sle, %add3A_1462, %le3A_1463 : vector<16xi32>
        %select_n3A_1465 = arith.select %le3A_1464, %get3A_1460, %broadcast_in_dim3A_1 : vector<16xi1>, vector<16xf32>
        %swap3A_1466 = arith.constant 4096 : i32
        %swap3A_1467 = tpu.memref_slice %arg6[%swap3A_1466] : memref<32768xf32, #tpu.memory_space<vmem>> -> memref<4096xf32, #tpu.memory_space<vmem>>
        %swap3A_1468 = arith.index_cast %add3A_1456 : i32 to index
        %swap3A_1469 = tpu.vector_load %swap3A_1467[%swap3A_1468] {strides = array<i32>} : memref<4096xf32, #tpu.memory_space<vmem>>, vector<16xf32>,
        %swap3A_1470 = vector.shape_cast %swap3A_1469 : vector<16xf32> to vector<16xf32>
        %swap3A_1471 = vector.shape_cast %select_n3A_1465 : vector<16xf32> to vector<16xf32>
        tpu.vector_store %swap3A_1467[%swap3A_1468], %swap3A_1471 {strides = array<i32>} : memref<4096xf32, #tpu.memory_space<vmem>>, vector<16xf32>,
        %add3A_1472 = arith.constant 32 : i32
        %add3A_1473 = arith.addi %mul3A_1440, %add3A_1472 : i32
        %add3A_1474 = arith.addi %sub3A_311, %add3A_1473 : i32
        %get3A_1475 = arith.index_cast %add3A_1474 : i32 to index
        %get3A_1476 = tpu.vector_load %arg4[%get3A_1475] {strides = array<i32>} : memref<32768xf32, #tpu.memory_space<vmem>>, vector<16xf32>,
        %get3A_1477 = vector.shape_cast %get3A_1476 : vector<16xf32> to vector<16xf32>
        %add3A_1478 = vector.broadcast %add3A_1473 : i32 to vector<16xi32>
        %add3A_1479 = arith.addi %iota3A, %add3A_1478 : vector<16xi32>
        %le3A_1480 = vector.broadcast %add3A_278 : i32 to vector<16xi32>
        %le3A_1481 = arith.cmpi sle, %add3A_1479, %le3A_1480 : vector<16xi32>
        %select_n3A_1482 = arith.select %le3A_1481, %get3A_1477, %broadcast_in_dim3A_1 : vector<16xi1>, vector<16xf32>
        %swap3A_1483 = arith.constant 4096 : i32
        %swap3A_1484 = tpu.memref_slice %arg6[%swap3A_1483] : memref<32768xf32, #tpu.memory_space<vmem>> -> memref<4096xf32, #tpu.memory_space<vmem>>
        %swap3A_1485 = arith.index_cast %add3A_1473 : i32 to index
        %swap3A_1486 = tpu.vector_load %swap3A_1484[%swap3A_1485] {strides = array<i32>} : memref<4096xf32, #tpu.memory_space<vmem>>, vector<16xf32>,
        %swap3A_1487 = vector.shape_cast %swap3A_1486 : vector<16xf32> to vector<16xf32>
        %swap3A_1488 = vector.shape_cast %select_n3A_1482 : vector<16xf32> to vector<16xf32>
        tpu.vector_store %swap3A_1484[%swap3A_1485], %swap3A_1488 {strides = array<i32>} : memref<4096xf32, #tpu.memory_space<vmem>>, vector<16xf32>,
        %add3A_1489 = arith.constant 48 : i32
        %add3A_1490 = arith.addi %mul3A_1440, %add3A_1489 : i32
        %add3A_1491 = arith.addi %sub3A_311, %add3A_1490 : i32
        %get3A_1492 = arith.index_cast %add3A_1491 : i32 to index
        %get3A_1493 = tpu.vector_load %arg4[%get3A_1492] {strides = array<i32>} : memref<32768xf32, #tpu.memory_space<vmem>>, vector<16xf32>,
        %get3A_1494 = vector.shape_cast %get3A_1493 : vector<16xf32> to vector<16xf32>
        %add3A_1495 = vector.broadcast %add3A_1490 : i32 to vector<16xi32>
        %add3A_1496 = arith.addi %iota3A, %add3A_1495 : vector<16xi32>
        %le3A_1497 = vector.broadcast %add3A_278 : i32 to vector<16xi32>
        %le3A_1498 = arith.cmpi sle, %add3A_1496, %le3A_1497 : vector<16xi32>
        %select_n3A_1499 = arith.select %le3A_1498, %get3A_1494, %broadcast_in_dim3A_1 : vector<16xi1>, vector<16xf32>
        %swap3A_1500 = arith.constant 4096 : i32
        %swap3A_1501 = tpu.memref_slice %arg6[%swap3A_1500] : memref<32768xf32, #tpu.memory_space<vmem>> -> memref<4096xf32, #tpu.memory_space<vmem>>
        %swap3A_1502 = arith.index_cast %add3A_1490 : i32 to index
        %swap3A_1503 = tpu.vector_load %swap3A_1501[%swap3A_1502] {strides = array<i32>} : memref<4096xf32, #tpu.memory_space<vmem>>, vector<16xf32>,
        %swap3A_1504 = vector.shape_cast %swap3A_1503 : vector<16xf32> to vector<16xf32>
        %swap3A_1505 = vector.shape_cast %select_n3A_1499 : vector<16xf32> to vector<16xf32>
        tpu.vector_store %swap3A_1501[%swap3A_1502], %swap3A_1505 {strides = array<i32>} : memref<4096xf32, #tpu.memory_space<vmem>>, vector<16xf32>,
      } else {
      }
      %dma_start3A_335 = arith.constant 4096 : i32
      %dma_start3A_336 = tpu.memref_slice %arg6[%dma_start3A_335] : memref<32768xf32, #tpu.memory_space<vmem>> -> memref<4096xf32, #tpu.memory_space<vmem>>
      %dma_start3A_337 = arith.constant 0 : i32
      %dma_start3A_338 = tpu.memref_slice %arg3[%add3A_278, %dma_start3A_337] : memref<4096x4096xf32, #tpu.memory_space<hbm>> -> memref<1x4096xf32, #tpu.memory_space<hbm>>
      %dma_start3A_339 = tpu.memref_squeeze %dma_start3A_338 : memref<1x4096xf32, #tpu.memory_space<hbm>> -> memref<4096xf32, #tpu.memory_space<hbm>>
      %dma_start3A_340 = arith.constant 0 : i32
      %dma_start3A_341 = tpu.memref_slice %arg3[%add3A_278, %dma_start3A_340] : memref<4096x4096xf32, #tpu.memory_space<hbm>> -> memref<1x4096xf32, #tpu.memory_space<hbm>>
      %dma_start3A_342 = tpu.memref_squeeze %dma_start3A_341 : memref<1x4096xf32, #tpu.memory_space<hbm>> -> memref<4096xf32, #tpu.memory_space<hbm>>
      %dma_start3A_343 = arith.constant 4096 : i32
      %dma_start3A_344 = tpu.memref_slice %arg6[%dma_start3A_343] : memref<32768xf32, #tpu.memory_space<vmem>> -> memref<4096xf32, #tpu.memory_space<vmem>>
      tpu.enqueue_dma source(%dma_start3A_344 : memref<4096xf32, #tpu.memory_space<vmem>>) target(%dma_start3A_342 : memref<4096xf32, #tpu.memory_space<hbm>>) target_semaphore(%arg10 : memref<!tpu.dma_semaphore, #tpu.memory_space<semaphore_mem>>)
      %add3A_345 = arith.constant 2 : i32
      %add3A_346 = arith.addi %mul3A_174, %add3A_345 : i32
      %gt3A_347 = arith.constant 0 : i32
      %gt3A_348 = arith.cmpi sgt, %mul3A_169, %gt3A_347 : i32
      %convert_element_type3A_349 = arith.extui %gt3A_348 : i1 to i32
      %cond3A_350 = arith.constant 0 : i32
      %cond3A_351 = arith.cmpi ne, %convert_element_type3A_349, %cond3A_350 : i32
      scf.if %cond3A_351 {
        %dma_wait3A_1439 = arith.constant 0 : i32
        %dma_wait3A_1440 = arith.constant 8192 : i32
        %dma_wait3A_1441 = tpu.memref_slice %arg6[%dma_wait3A_1440] : memref<32768xf32, #tpu.memory_space<vmem>> -> memref<4096xf32, #tpu.memory_space<vmem>>
        %dma_wait3A_1442 = arith.constant 0 : i32
        %dma_wait3A_1443 = tpu.memref_slice %arg3[%dma_wait3A_1439, %dma_wait3A_1442] : memref<4096x4096xf32, #tpu.memory_space<hbm>> -> memref<1x4096xf32, #tpu.memory_space<hbm>>
        %dma_wait3A_1444 = tpu.memref_squeeze %dma_wait3A_1443 : memref<1x4096xf32, #tpu.memory_space<hbm>> -> memref<4096xf32, #tpu.memory_space<hbm>>
        %dma_wait3A_1445 = arith.constant 0 : i32
        %dma_wait3A_1446 = tpu.memref_slice %arg3[%dma_wait3A_1439, %dma_wait3A_1445] : memref<4096x4096xf32, #tpu.memory_space<hbm>> -> memref<1x4096xf32, #tpu.memory_space<hbm>>
        %dma_wait3A_1447 = tpu.memref_squeeze %dma_wait3A_1446 : memref<1x4096xf32, #tpu.memory_space<hbm>> -> memref<4096xf32, #tpu.memory_space<hbm>>
        %dma_wait3A_1448 = arith.constant 8192 : i32
        %dma_wait3A_1449 = tpu.memref_slice %arg6[%dma_wait3A_1448] : memref<32768xf32, #tpu.memory_space<vmem>> -> memref<4096xf32, #tpu.memory_space<vmem>>
        tpu.wait_dma2 semaphore(%arg11 : memref<!tpu.dma_semaphore, #tpu.memory_space<semaphore_mem>>) src(%dma_wait3A_1449 : memref<4096xf32, #tpu.memory_space<vmem>>) dst(%dma_wait3A_1447 : memref<4096xf32, #tpu.memory_space<hbm>>)
      } else {
      }
      %add3A_352 = arith.constant 1 : i32
      %add3A_353 = arith.addi %add3A_346, %add3A_352 : i32
      %mul3A_354 = arith.muli %add3A_346, %add3A_353 : i32
      %jit3A_355 = arith.constant 2 : i32
      %div3A_356 = arith.divsi %mul3A_354, %jit3A_355 : i32
      %sign3A_357 = arith.constant 0 : i32
      %sign3A_358 = arith.cmpi sgt, %mul3A_354, %sign3A_357 : i32
      %sign3A_359 = arith.extui %sign3A_358 : i1 to i32
      %sign3A_360 = arith.constant 0 : i32
      %sign3A_361 = arith.cmpi slt, %mul3A_354, %sign3A_360 : i32
      %sign3A_362 = arith.extui %sign3A_361 : i1 to i32
      %sign3A_363 = arith.subi %sign3A_359, %sign3A_362 : i32
      %sign3A_364 = arith.constant 0 : i32
      %sign3A_365 = arith.cmpi sgt, %jit3A_355, %sign3A_364 : i32
      %sign3A_366 = arith.extui %sign3A_365 : i1 to i32
      %sign3A_367 = arith.constant 0 : i32
      %sign3A_368 = arith.cmpi slt, %jit3A_355, %sign3A_367 : i32
      %sign3A_369 = arith.extui %sign3A_368 : i1 to i32
      %sign3A_370 = arith.subi %sign3A_366, %sign3A_369 : i32
      %ne3A_371 = arith.cmpi ne, %sign3A_363, %sign3A_370 : i32
      %rem3A_372 = arith.remsi %mul3A_354, %jit3A_355 : i32
      %ne3A_373 = arith.constant 0 : i32
      %ne3A_374 = arith.cmpi ne, %rem3A_372, %ne3A_373 : i32
      %and3A_375 = arith.andi %ne3A_371, %ne3A_374 : i1
      %sub3A_376 = arith.constant 1 : i32
      %sub3A_377 = arith.subi %div3A_356, %sub3A_376 : i32
      %select_n3A_378 = arith.select %and3A_375, %sub3A_377, %div3A_356 : i32
      %sub3A_379 = arith.subi %select_n3A_378, %multiple_of3A_208 : i32
      %add3A_380 = arith.constant 1 : i32
      %add3A_381 = arith.addi %add3A_346, %add3A_380 : i32
      %shift_right_arithmetic3A_382 = arith.constant 6 : i32
      %shift_right_arithmetic3A_383 = arith.shrsi %add3A_381, %shift_right_arithmetic3A_382 : i32
      %while3A_384 = arith.constant 0 : i32
      %while3A_385 = arith.constant 0 : i32
      %while3A_386 = arith.subi %shift_right_arithmetic3A_383, %while3A_385 : i32
      %while3A_387 = arith.addi %while3A_385, %while3A_386 : i32
      %while3A_388 = arith.constant 1 : i32
      %while3A_389 = arith.divsi %while3A_386, %while3A_388 : i32
      %while3A_390 = arith.muli %while3A_389, %while3A_388 : i32
      %while3A_391 = arith.addi %while3A_385, %while3A_390 : i32
      %while3A_392 = arith.constant 1 : i32
      scf.for %while3A_1439 = %while3A_385 to %while3A_391 step %while3A_392  : i32 {
        %mul3A_1440 = arith.constant 64 : i32
        %mul3A_1441 = arith.muli %while3A_1439, %mul3A_1440 : i32
        %add3A_1442 = arith.constant 0 : i32
        %add3A_1443 = arith.addi %mul3A_1441, %add3A_1442 : i32
        %add3A_1444 = arith.addi %sub3A_379, %add3A_1443 : i32
        %get3A = arith.index_cast %add3A_1444 : i32 to index
        %get3A_1445 = tpu.vector_load %arg4[%get3A] {strides = array<i32>} : memref<32768xf32, #tpu.memory_space<vmem>>, vector<16xf32>,
        %get3A_1446 = vector.shape_cast %get3A_1445 : vector<16xf32> to vector<16xf32>
        %swap3A = arith.constant 8192 : i32
        %swap3A_1447 = tpu.memref_slice %arg6[%swap3A] : memref<32768xf32, #tpu.memory_space<vmem>> -> memref<4096xf32, #tpu.memory_space<vmem>>
        %swap3A_1448 = arith.index_cast %add3A_1443 : i32 to index
        %swap3A_1449 = tpu.vector_load %swap3A_1447[%swap3A_1448] {strides = array<i32>} : memref<4096xf32, #tpu.memory_space<vmem>>, vector<16xf32>,
        %swap3A_1450 = vector.shape_cast %swap3A_1449 : vector<16xf32> to vector<16xf32>
        %swap3A_1451 = vector.shape_cast %get3A_1446 : vector<16xf32> to vector<16xf32>
        tpu.vector_store %swap3A_1447[%swap3A_1448], %swap3A_1451 {strides = array<i32>} : memref<4096xf32, #tpu.memory_space<vmem>>, vector<16xf32>,
        %add3A_1452 = arith.constant 16 : i32
        %add3A_1453 = arith.addi %mul3A_1441, %add3A_1452 : i32
        %add3A_1454 = arith.addi %sub3A_379, %add3A_1453 : i32
        %get3A_1455 = arith.index_cast %add3A_1454 : i32 to index
        %get3A_1456 = tpu.vector_load %arg4[%get3A_1455] {strides = array<i32>} : memref<32768xf32, #tpu.memory_space<vmem>>, vector<16xf32>,
        %get3A_1457 = vector.shape_cast %get3A_1456 : vector<16xf32> to vector<16xf32>
        %swap3A_1458 = arith.constant 8192 : i32
        %swap3A_1459 = tpu.memref_slice %arg6[%swap3A_1458] : memref<32768xf32, #tpu.memory_space<vmem>> -> memref<4096xf32, #tpu.memory_space<vmem>>
        %swap3A_1460 = arith.index_cast %add3A_1453 : i32 to index
        %swap3A_1461 = tpu.vector_load %swap3A_1459[%swap3A_1460] {strides = array<i32>} : memref<4096xf32, #tpu.memory_space<vmem>>, vector<16xf32>,
        %swap3A_1462 = vector.shape_cast %swap3A_1461 : vector<16xf32> to vector<16xf32>
        %swap3A_1463 = vector.shape_cast %get3A_1457 : vector<16xf32> to vector<16xf32>
        tpu.vector_store %swap3A_1459[%swap3A_1460], %swap3A_1463 {strides = array<i32>} : memref<4096xf32, #tpu.memory_space<vmem>>, vector<16xf32>,
        %add3A_1464 = arith.constant 32 : i32
        %add3A_1465 = arith.addi %mul3A_1441, %add3A_1464 : i32
        %add3A_1466 = arith.addi %sub3A_379, %add3A_1465 : i32
        %get3A_1467 = arith.index_cast %add3A_1466 : i32 to index
        %get3A_1468 = tpu.vector_load %arg4[%get3A_1467] {strides = array<i32>} : memref<32768xf32, #tpu.memory_space<vmem>>, vector<16xf32>,
        %get3A_1469 = vector.shape_cast %get3A_1468 : vector<16xf32> to vector<16xf32>
        %swap3A_1470 = arith.constant 8192 : i32
        %swap3A_1471 = tpu.memref_slice %arg6[%swap3A_1470] : memref<32768xf32, #tpu.memory_space<vmem>> -> memref<4096xf32, #tpu.memory_space<vmem>>
        %swap3A_1472 = arith.index_cast %add3A_1465 : i32 to index
        %swap3A_1473 = tpu.vector_load %swap3A_1471[%swap3A_1472] {strides = array<i32>} : memref<4096xf32, #tpu.memory_space<vmem>>, vector<16xf32>,
        %swap3A_1474 = vector.shape_cast %swap3A_1473 : vector<16xf32> to vector<16xf32>
        %swap3A_1475 = vector.shape_cast %get3A_1469 : vector<16xf32> to vector<16xf32>
        tpu.vector_store %swap3A_1471[%swap3A_1472], %swap3A_1475 {strides = array<i32>} : memref<4096xf32, #tpu.memory_space<vmem>>, vector<16xf32>,
        %add3A_1476 = arith.constant 48 : i32
        %add3A_1477 = arith.addi %mul3A_1441, %add3A_1476 : i32
        %add3A_1478 = arith.addi %sub3A_379, %add3A_1477 : i32
        %get3A_1479 = arith.index_cast %add3A_1478 : i32 to index
        %get3A_1480 = tpu.vector_load %arg4[%get3A_1479] {strides = array<i32>} : memref<32768xf32, #tpu.memory_space<vmem>>, vector<16xf32>,
        %get3A_1481 = vector.shape_cast %get3A_1480 : vector<16xf32> to vector<16xf32>
        %swap3A_1482 = arith.constant 8192 : i32
        %swap3A_1483 = tpu.memref_slice %arg6[%swap3A_1482] : memref<32768xf32, #tpu.memory_space<vmem>> -> memref<4096xf32, #tpu.memory_space<vmem>>
        %swap3A_1484 = arith.index_cast %add3A_1477 : i32 to index
        %swap3A_1485 = tpu.vector_load %swap3A_1483[%swap3A_1484] {strides = array<i32>} : memref<4096xf32, #tpu.memory_space<vmem>>, vector<16xf32>,
        %swap3A_1486 = vector.shape_cast %swap3A_1485 : vector<16xf32> to vector<16xf32>
        %swap3A_1487 = vector.shape_cast %get3A_1481 : vector<16xf32> to vector<16xf32>
        tpu.vector_store %swap3A_1483[%swap3A_1484], %swap3A_1487 {strides = array<i32>} : memref<4096xf32, #tpu.memory_space<vmem>>, vector<16xf32>,
      }
      %while3A_393 = arith.constant 1 : i32
      scf.for %while3A_1439 = %while3A_391 to %while3A_387 step %while3A_393  : i32 {
        %mul3A_1440 = arith.constant 64 : i32
        %mul3A_1441 = arith.muli %while3A_1439, %mul3A_1440 : i32
        %add3A_1442 = arith.constant 0 : i32
        %add3A_1443 = arith.addi %mul3A_1441, %add3A_1442 : i32
        %add3A_1444 = arith.addi %sub3A_379, %add3A_1443 : i32
        %get3A = arith.index_cast %add3A_1444 : i32 to index
        %get3A_1445 = tpu.vector_load %arg4[%get3A] {strides = array<i32>} : memref<32768xf32, #tpu.memory_space<vmem>>, vector<16xf32>,
        %get3A_1446 = vector.shape_cast %get3A_1445 : vector<16xf32> to vector<16xf32>
        %swap3A = arith.constant 8192 : i32
        %swap3A_1447 = tpu.memref_slice %arg6[%swap3A] : memref<32768xf32, #tpu.memory_space<vmem>> -> memref<4096xf32, #tpu.memory_space<vmem>>
        %swap3A_1448 = arith.index_cast %add3A_1443 : i32 to index
        %swap3A_1449 = tpu.vector_load %swap3A_1447[%swap3A_1448] {strides = array<i32>} : memref<4096xf32, #tpu.memory_space<vmem>>, vector<16xf32>,
        %swap3A_1450 = vector.shape_cast %swap3A_1449 : vector<16xf32> to vector<16xf32>
        %swap3A_1451 = vector.shape_cast %get3A_1446 : vector<16xf32> to vector<16xf32>
        tpu.vector_store %swap3A_1447[%swap3A_1448], %swap3A_1451 {strides = array<i32>} : memref<4096xf32, #tpu.memory_space<vmem>>, vector<16xf32>,
        %add3A_1452 = arith.constant 16 : i32
        %add3A_1453 = arith.addi %mul3A_1441, %add3A_1452 : i32
        %add3A_1454 = arith.addi %sub3A_379, %add3A_1453 : i32
        %get3A_1455 = arith.index_cast %add3A_1454 : i32 to index
        %get3A_1456 = tpu.vector_load %arg4[%get3A_1455] {strides = array<i32>} : memref<32768xf32, #tpu.memory_space<vmem>>, vector<16xf32>,
        %get3A_1457 = vector.shape_cast %get3A_1456 : vector<16xf32> to vector<16xf32>
        %swap3A_1458 = arith.constant 8192 : i32
        %swap3A_1459 = tpu.memref_slice %arg6[%swap3A_1458] : memref<32768xf32, #tpu.memory_space<vmem>> -> memref<4096xf32, #tpu.memory_space<vmem>>
        %swap3A_1460 = arith.index_cast %add3A_1453 : i32 to index
        %swap3A_1461 = tpu.vector_load %swap3A_1459[%swap3A_1460] {strides = array<i32>} : memref<4096xf32, #tpu.memory_space<vmem>>, vector<16xf32>,
        %swap3A_1462 = vector.shape_cast %swap3A_1461 : vector<16xf32> to vector<16xf32>
        %swap3A_1463 = vector.shape_cast %get3A_1457 : vector<16xf32> to vector<16xf32>
        tpu.vector_store %swap3A_1459[%swap3A_1460], %swap3A_1463 {strides = array<i32>} : memref<4096xf32, #tpu.memory_space<vmem>>, vector<16xf32>,
        %add3A_1464 = arith.constant 32 : i32
        %add3A_1465 = arith.addi %mul3A_1441, %add3A_1464 : i32
        %add3A_1466 = arith.addi %sub3A_379, %add3A_1465 : i32
        %get3A_1467 = arith.index_cast %add3A_1466 : i32 to index
        %get3A_1468 = tpu.vector_load %arg4[%get3A_1467] {strides = array<i32>} : memref<32768xf32, #tpu.memory_space<vmem>>, vector<16xf32>,
        %get3A_1469 = vector.shape_cast %get3A_1468 : vector<16xf32> to vector<16xf32>
        %swap3A_1470 = arith.constant 8192 : i32
        %swap3A_1471 = tpu.memref_slice %arg6[%swap3A_1470] : memref<32768xf32, #tpu.memory_space<vmem>> -> memref<4096xf32, #tpu.memory_space<vmem>>
        %swap3A_1472 = arith.index_cast %add3A_1465 : i32 to index
        %swap3A_1473 = tpu.vector_load %swap3A_1471[%swap3A_1472] {strides = array<i32>} : memref<4096xf32, #tpu.memory_space<vmem>>, vector<16xf32>,
        %swap3A_1474 = vector.shape_cast %swap3A_1473 : vector<16xf32> to vector<16xf32>
        %swap3A_1475 = vector.shape_cast %get3A_1469 : vector<16xf32> to vector<16xf32>
        tpu.vector_store %swap3A_1471[%swap3A_1472], %swap3A_1475 {strides = array<i32>} : memref<4096xf32, #tpu.memory_space<vmem>>, vector<16xf32>,
        %add3A_1476 = arith.constant 48 : i32
        %add3A_1477 = arith.addi %mul3A_1441, %add3A_1476 : i32
        %add3A_1478 = arith.addi %sub3A_379, %add3A_1477 : i32
        %get3A_1479 = arith.index_cast %add3A_1478 : i32 to index
        %get3A_1480 = tpu.vector_load %arg4[%get3A_1479] {strides = array<i32>} : memref<32768xf32, #tpu.memory_space<vmem>>, vector<16xf32>,
        %get3A_1481 = vector.shape_cast %get3A_1480 : vector<16xf32> to vector<16xf32>
        %swap3A_1482 = arith.constant 8192 : i32
        %swap3A_1483 = tpu.memref_slice %arg6[%swap3A_1482] : memref<32768xf32, #tpu.memory_space<vmem>> -> memref<4096xf32, #tpu.memory_space<vmem>>
        %swap3A_1484 = arith.index_cast %add3A_1477 : i32 to index
        %swap3A_1485 = tpu.vector_load %swap3A_1483[%swap3A_1484] {strides = array<i32>} : memref<4096xf32, #tpu.memory_space<vmem>>, vector<16xf32>,
        %swap3A_1486 = vector.shape_cast %swap3A_1485 : vector<16xf32> to vector<16xf32>
        %swap3A_1487 = vector.shape_cast %get3A_1481 : vector<16xf32> to vector<16xf32>
        tpu.vector_store %swap3A_1483[%swap3A_1484], %swap3A_1487 {strides = array<i32>} : memref<4096xf32, #tpu.memory_space<vmem>>, vector<16xf32>,
      }
      %add3A_394 = arith.constant 1 : i32
      %add3A_395 = arith.addi %add3A_346, %add3A_394 : i32
      %and3A_396 = arith.constant 63 : i32
      %and3A_397 = arith.andi %add3A_395, %and3A_396 : i32
      %ne3A_398 = arith.constant 0 : i32
      %ne3A_399 = arith.cmpi ne, %and3A_397, %ne3A_398 : i32
      %convert_element_type3A_400 = arith.extui %ne3A_399 : i1 to i32
      %cond3A_401 = arith.constant 0 : i32
      %cond3A_402 = arith.cmpi ne, %convert_element_type3A_400, %cond3A_401 : i32
      scf.if %cond3A_402 {
        %mul3A_1439 = arith.constant 64 : i32
        %mul3A_1440 = arith.muli %shift_right_arithmetic3A_383, %mul3A_1439 : i32
        %add3A_1441 = arith.constant 0 : i32
        %add3A_1442 = arith.addi %mul3A_1440, %add3A_1441 : i32
        %add3A_1443 = arith.addi %sub3A_379, %add3A_1442 : i32
        %get3A = arith.index_cast %add3A_1443 : i32 to index
        %get3A_1444 = tpu.vector_load %arg4[%get3A] {strides = array<i32>} : memref<32768xf32, #tpu.memory_space<vmem>>, vector<16xf32>,
        %get3A_1445 = vector.shape_cast %get3A_1444 : vector<16xf32> to vector<16xf32>
        %add3A_1446 = vector.broadcast %add3A_1442 : i32 to vector<16xi32>
        %add3A_1447 = arith.addi %iota3A, %add3A_1446 : vector<16xi32>
        %le3A = vector.broadcast %add3A_346 : i32 to vector<16xi32>
        %le3A_1448 = arith.cmpi sle, %add3A_1447, %le3A : vector<16xi32>
        %select_n3A_1449 = arith.select %le3A_1448, %get3A_1445, %broadcast_in_dim3A_1 : vector<16xi1>, vector<16xf32>
        %swap3A = arith.constant 8192 : i32
        %swap3A_1450 = tpu.memref_slice %arg6[%swap3A] : memref<32768xf32, #tpu.memory_space<vmem>> -> memref<4096xf32, #tpu.memory_space<vmem>>
        %swap3A_1451 = arith.index_cast %add3A_1442 : i32 to index
        %swap3A_1452 = tpu.vector_load %swap3A_1450[%swap3A_1451] {strides = array<i32>} : memref<4096xf32, #tpu.memory_space<vmem>>, vector<16xf32>,
        %swap3A_1453 = vector.shape_cast %swap3A_1452 : vector<16xf32> to vector<16xf32>
        %swap3A_1454 = vector.shape_cast %select_n3A_1449 : vector<16xf32> to vector<16xf32>
        tpu.vector_store %swap3A_1450[%swap3A_1451], %swap3A_1454 {strides = array<i32>} : memref<4096xf32, #tpu.memory_space<vmem>>, vector<16xf32>,
        %add3A_1455 = arith.constant 16 : i32
        %add3A_1456 = arith.addi %mul3A_1440, %add3A_1455 : i32
        %add3A_1457 = arith.addi %sub3A_379, %add3A_1456 : i32
        %get3A_1458 = arith.index_cast %add3A_1457 : i32 to index
        %get3A_1459 = tpu.vector_load %arg4[%get3A_1458] {strides = array<i32>} : memref<32768xf32, #tpu.memory_space<vmem>>, vector<16xf32>,
        %get3A_1460 = vector.shape_cast %get3A_1459 : vector<16xf32> to vector<16xf32>
        %add3A_1461 = vector.broadcast %add3A_1456 : i32 to vector<16xi32>
        %add3A_1462 = arith.addi %iota3A, %add3A_1461 : vector<16xi32>
        %le3A_1463 = vector.broadcast %add3A_346 : i32 to vector<16xi32>
        %le3A_1464 = arith.cmpi sle, %add3A_1462, %le3A_1463 : vector<16xi32>
        %select_n3A_1465 = arith.select %le3A_1464, %get3A_1460, %broadcast_in_dim3A_1 : vector<16xi1>, vector<16xf32>
        %swap3A_1466 = arith.constant 8192 : i32
        %swap3A_1467 = tpu.memref_slice %arg6[%swap3A_1466] : memref<32768xf32, #tpu.memory_space<vmem>> -> memref<4096xf32, #tpu.memory_space<vmem>>
        %swap3A_1468 = arith.index_cast %add3A_1456 : i32 to index
        %swap3A_1469 = tpu.vector_load %swap3A_1467[%swap3A_1468] {strides = array<i32>} : memref<4096xf32, #tpu.memory_space<vmem>>, vector<16xf32>,
        %swap3A_1470 = vector.shape_cast %swap3A_1469 : vector<16xf32> to vector<16xf32>
        %swap3A_1471 = vector.shape_cast %select_n3A_1465 : vector<16xf32> to vector<16xf32>
        tpu.vector_store %swap3A_1467[%swap3A_1468], %swap3A_1471 {strides = array<i32>} : memref<4096xf32, #tpu.memory_space<vmem>>, vector<16xf32>,
        %add3A_1472 = arith.constant 32 : i32
        %add3A_1473 = arith.addi %mul3A_1440, %add3A_1472 : i32
        %add3A_1474 = arith.addi %sub3A_379, %add3A_1473 : i32
        %get3A_1475 = arith.index_cast %add3A_1474 : i32 to index
        %get3A_1476 = tpu.vector_load %arg4[%get3A_1475] {strides = array<i32>} : memref<32768xf32, #tpu.memory_space<vmem>>, vector<16xf32>,
        %get3A_1477 = vector.shape_cast %get3A_1476 : vector<16xf32> to vector<16xf32>
        %add3A_1478 = vector.broadcast %add3A_1473 : i32 to vector<16xi32>
        %add3A_1479 = arith.addi %iota3A, %add3A_1478 : vector<16xi32>
        %le3A_1480 = vector.broadcast %add3A_346 : i32 to vector<16xi32>
        %le3A_1481 = arith.cmpi sle, %add3A_1479, %le3A_1480 : vector<16xi32>
        %select_n3A_1482 = arith.select %le3A_1481, %get3A_1477, %broadcast_in_dim3A_1 : vector<16xi1>, vector<16xf32>
        %swap3A_1483 = arith.constant 8192 : i32
        %swap3A_1484 = tpu.memref_slice %arg6[%swap3A_1483] : memref<32768xf32, #tpu.memory_space<vmem>> -> memref<4096xf32, #tpu.memory_space<vmem>>
        %swap3A_1485 = arith.index_cast %add3A_1473 : i32 to index
        %swap3A_1486 = tpu.vector_load %swap3A_1484[%swap3A_1485] {strides = array<i32>} : memref<4096xf32, #tpu.memory_space<vmem>>, vector<16xf32>,
        %swap3A_1487 = vector.shape_cast %swap3A_1486 : vector<16xf32> to vector<16xf32>
        %swap3A_1488 = vector.shape_cast %select_n3A_1482 : vector<16xf32> to vector<16xf32>
        tpu.vector_store %swap3A_1484[%swap3A_1485], %swap3A_1488 {strides = array<i32>} : memref<4096xf32, #tpu.memory_space<vmem>>, vector<16xf32>,
        %add3A_1489 = arith.constant 48 : i32
        %add3A_1490 = arith.addi %mul3A_1440, %add3A_1489 : i32
        %add3A_1491 = arith.addi %sub3A_379, %add3A_1490 : i32
        %get3A_1492 = arith.index_cast %add3A_1491 : i32 to index
        %get3A_1493 = tpu.vector_load %arg4[%get3A_1492] {strides = array<i32>} : memref<32768xf32, #tpu.memory_space<vmem>>, vector<16xf32>,
        %get3A_1494 = vector.shape_cast %get3A_1493 : vector<16xf32> to vector<16xf32>
        %add3A_1495 = vector.broadcast %add3A_1490 : i32 to vector<16xi32>
        %add3A_1496 = arith.addi %iota3A, %add3A_1495 : vector<16xi32>
        %le3A_1497 = vector.broadcast %add3A_346 : i32 to vector<16xi32>
        %le3A_1498 = arith.cmpi sle, %add3A_1496, %le3A_1497 : vector<16xi32>
        %select_n3A_1499 = arith.select %le3A_1498, %get3A_1494, %broadcast_in_dim3A_1 : vector<16xi1>, vector<16xf32>
        %swap3A_1500 = arith.constant 8192 : i32
        %swap3A_1501 = tpu.memref_slice %arg6[%swap3A_1500] : memref<32768xf32, #tpu.memory_space<vmem>> -> memref<4096xf32, #tpu.memory_space<vmem>>
        %swap3A_1502 = arith.index_cast %add3A_1490 : i32 to index
        %swap3A_1503 = tpu.vector_load %swap3A_1501[%swap3A_1502] {strides = array<i32>} : memref<4096xf32, #tpu.memory_space<vmem>>, vector<16xf32>,
        %swap3A_1504 = vector.shape_cast %swap3A_1503 : vector<16xf32> to vector<16xf32>
        %swap3A_1505 = vector.shape_cast %select_n3A_1499 : vector<16xf32> to vector<16xf32>
        tpu.vector_store %swap3A_1501[%swap3A_1502], %swap3A_1505 {strides = array<i32>} : memref<4096xf32, #tpu.memory_space<vmem>>, vector<16xf32>,
      } else {
      }
      %dma_start3A_403 = arith.constant 8192 : i32
      %dma_start3A_404 = tpu.memref_slice %arg6[%dma_start3A_403] : memref<32768xf32, #tpu.memory_space<vmem>> -> memref<4096xf32, #tpu.memory_space<vmem>>
      %dma_start3A_405 = arith.constant 0 : i32
      %dma_start3A_406 = tpu.memref_slice %arg3[%add3A_346, %dma_start3A_405] : memref<4096x4096xf32, #tpu.memory_space<hbm>> -> memref<1x4096xf32, #tpu.memory_space<hbm>>
      %dma_start3A_407 = tpu.memref_squeeze %dma_start3A_406 : memref<1x4096xf32, #tpu.memory_space<hbm>> -> memref<4096xf32, #tpu.memory_space<hbm>>
      %dma_start3A_408 = arith.constant 0 : i32
      %dma_start3A_409 = tpu.memref_slice %arg3[%add3A_346, %dma_start3A_408] : memref<4096x4096xf32, #tpu.memory_space<hbm>> -> memref<1x4096xf32, #tpu.memory_space<hbm>>
      %dma_start3A_410 = tpu.memref_squeeze %dma_start3A_409 : memref<1x4096xf32, #tpu.memory_space<hbm>> -> memref<4096xf32, #tpu.memory_space<hbm>>
      %dma_start3A_411 = arith.constant 8192 : i32
      %dma_start3A_412 = tpu.memref_slice %arg6[%dma_start3A_411] : memref<32768xf32, #tpu.memory_space<vmem>> -> memref<4096xf32, #tpu.memory_space<vmem>>
      tpu.enqueue_dma source(%dma_start3A_412 : memref<4096xf32, #tpu.memory_space<vmem>>) target(%dma_start3A_410 : memref<4096xf32, #tpu.memory_space<hbm>>) target_semaphore(%arg11 : memref<!tpu.dma_semaphore, #tpu.memory_space<semaphore_mem>>)
      %add3A_413 = arith.constant 3 : i32
      %add3A_414 = arith.addi %mul3A_174, %add3A_413 : i32
      %gt3A_415 = arith.constant 0 : i32
      %gt3A_416 = arith.cmpi sgt, %mul3A_169, %gt3A_415 : i32
      %convert_element_type3A_417 = arith.extui %gt3A_416 : i1 to i32
      %cond3A_418 = arith.constant 0 : i32
      %cond3A_419 = arith.cmpi ne, %convert_element_type3A_417, %cond3A_418 : i32
      scf.if %cond3A_419 {
        %dma_wait3A_1439 = arith.constant 0 : i32
        %dma_wait3A_1440 = arith.constant 12288 : i32
        %dma_wait3A_1441 = tpu.memref_slice %arg6[%dma_wait3A_1440] : memref<32768xf32, #tpu.memory_space<vmem>> -> memref<4096xf32, #tpu.memory_space<vmem>>
        %dma_wait3A_1442 = arith.constant 0 : i32
        %dma_wait3A_1443 = tpu.memref_slice %arg3[%dma_wait3A_1439, %dma_wait3A_1442] : memref<4096x4096xf32, #tpu.memory_space<hbm>> -> memref<1x4096xf32, #tpu.memory_space<hbm>>
        %dma_wait3A_1444 = tpu.memref_squeeze %dma_wait3A_1443 : memref<1x4096xf32, #tpu.memory_space<hbm>> -> memref<4096xf32, #tpu.memory_space<hbm>>
        %dma_wait3A_1445 = arith.constant 0 : i32
        %dma_wait3A_1446 = tpu.memref_slice %arg3[%dma_wait3A_1439, %dma_wait3A_1445] : memref<4096x4096xf32, #tpu.memory_space<hbm>> -> memref<1x4096xf32, #tpu.memory_space<hbm>>
        %dma_wait3A_1447 = tpu.memref_squeeze %dma_wait3A_1446 : memref<1x4096xf32, #tpu.memory_space<hbm>> -> memref<4096xf32, #tpu.memory_space<hbm>>
        %dma_wait3A_1448 = arith.constant 12288 : i32
        %dma_wait3A_1449 = tpu.memref_slice %arg6[%dma_wait3A_1448] : memref<32768xf32, #tpu.memory_space<vmem>> -> memref<4096xf32, #tpu.memory_space<vmem>>
        tpu.wait_dma2 semaphore(%arg12 : memref<!tpu.dma_semaphore, #tpu.memory_space<semaphore_mem>>) src(%dma_wait3A_1449 : memref<4096xf32, #tpu.memory_space<vmem>>) dst(%dma_wait3A_1447 : memref<4096xf32, #tpu.memory_space<hbm>>)
      } else {
      }
      %add3A_420 = arith.constant 1 : i32
      %add3A_421 = arith.addi %add3A_414, %add3A_420 : i32
      %mul3A_422 = arith.muli %add3A_414, %add3A_421 : i32
      %jit3A_423 = arith.constant 2 : i32
      %div3A_424 = arith.divsi %mul3A_422, %jit3A_423 : i32
      %sign3A_425 = arith.constant 0 : i32
      %sign3A_426 = arith.cmpi sgt, %mul3A_422, %sign3A_425 : i32
      %sign3A_427 = arith.extui %sign3A_426 : i1 to i32
      %sign3A_428 = arith.constant 0 : i32
      %sign3A_429 = arith.cmpi slt, %mul3A_422, %sign3A_428 : i32
      %sign3A_430 = arith.extui %sign3A_429 : i1 to i32
      %sign3A_431 = arith.subi %sign3A_427, %sign3A_430 : i32
      %sign3A_432 = arith.constant 0 : i32
      %sign3A_433 = arith.cmpi sgt, %jit3A_423, %sign3A_432 : i32
      %sign3A_434 = arith.extui %sign3A_433 : i1 to i32
      %sign3A_435 = arith.constant 0 : i32
      %sign3A_436 = arith.cmpi slt, %jit3A_423, %sign3A_435 : i32
      %sign3A_437 = arith.extui %sign3A_436 : i1 to i32
      %sign3A_438 = arith.subi %sign3A_434, %sign3A_437 : i32
      %ne3A_439 = arith.cmpi ne, %sign3A_431, %sign3A_438 : i32
      %rem3A_440 = arith.remsi %mul3A_422, %jit3A_423 : i32
      %ne3A_441 = arith.constant 0 : i32
      %ne3A_442 = arith.cmpi ne, %rem3A_440, %ne3A_441 : i32
      %and3A_443 = arith.andi %ne3A_439, %ne3A_442 : i1
      %sub3A_444 = arith.constant 1 : i32
      %sub3A_445 = arith.subi %div3A_424, %sub3A_444 : i32
      %select_n3A_446 = arith.select %and3A_443, %sub3A_445, %div3A_424 : i32
      %sub3A_447 = arith.subi %select_n3A_446, %multiple_of3A_208 : i32
      %add3A_448 = arith.constant 1 : i32
      %add3A_449 = arith.addi %add3A_414, %add3A_448 : i32
      %shift_right_arithmetic3A_450 = arith.constant 6 : i32
      %shift_right_arithmetic3A_451 = arith.shrsi %add3A_449, %shift_right_arithmetic3A_450 : i32
      %while3A_452 = arith.constant 0 : i32
      %while3A_453 = arith.constant 0 : i32
      %while3A_454 = arith.subi %shift_right_arithmetic3A_451, %while3A_453 : i32
      %while3A_455 = arith.addi %while3A_453, %while3A_454 : i32
      %while3A_456 = arith.constant 1 : i32
      %while3A_457 = arith.divsi %while3A_454, %while3A_456 : i32
      %while3A_458 = arith.muli %while3A_457, %while3A_456 : i32
      %while3A_459 = arith.addi %while3A_453, %while3A_458 : i32
      %while3A_460 = arith.constant 1 : i32
      scf.for %while3A_1439 = %while3A_453 to %while3A_459 step %while3A_460  : i32 {
        %mul3A_1440 = arith.constant 64 : i32
        %mul3A_1441 = arith.muli %while3A_1439, %mul3A_1440 : i32
        %add3A_1442 = arith.constant 0 : i32
        %add3A_1443 = arith.addi %mul3A_1441, %add3A_1442 : i32
        %add3A_1444 = arith.addi %sub3A_447, %add3A_1443 : i32
        %get3A = arith.index_cast %add3A_1444 : i32 to index
        %get3A_1445 = tpu.vector_load %arg4[%get3A] {strides = array<i32>} : memref<32768xf32, #tpu.memory_space<vmem>>, vector<16xf32>,
        %get3A_1446 = vector.shape_cast %get3A_1445 : vector<16xf32> to vector<16xf32>
        %swap3A = arith.constant 12288 : i32
        %swap3A_1447 = tpu.memref_slice %arg6[%swap3A] : memref<32768xf32, #tpu.memory_space<vmem>> -> memref<4096xf32, #tpu.memory_space<vmem>>
        %swap3A_1448 = arith.index_cast %add3A_1443 : i32 to index
        %swap3A_1449 = tpu.vector_load %swap3A_1447[%swap3A_1448] {strides = array<i32>} : memref<4096xf32, #tpu.memory_space<vmem>>, vector<16xf32>,
        %swap3A_1450 = vector.shape_cast %swap3A_1449 : vector<16xf32> to vector<16xf32>
        %swap3A_1451 = vector.shape_cast %get3A_1446 : vector<16xf32> to vector<16xf32>
        tpu.vector_store %swap3A_1447[%swap3A_1448], %swap3A_1451 {strides = array<i32>} : memref<4096xf32, #tpu.memory_space<vmem>>, vector<16xf32>,
        %add3A_1452 = arith.constant 16 : i32
        %add3A_1453 = arith.addi %mul3A_1441, %add3A_1452 : i32
        %add3A_1454 = arith.addi %sub3A_447, %add3A_1453 : i32
        %get3A_1455 = arith.index_cast %add3A_1454 : i32 to index
        %get3A_1456 = tpu.vector_load %arg4[%get3A_1455] {strides = array<i32>} : memref<32768xf32, #tpu.memory_space<vmem>>, vector<16xf32>,
        %get3A_1457 = vector.shape_cast %get3A_1456 : vector<16xf32> to vector<16xf32>
        %swap3A_1458 = arith.constant 12288 : i32
        %swap3A_1459 = tpu.memref_slice %arg6[%swap3A_1458] : memref<32768xf32, #tpu.memory_space<vmem>> -> memref<4096xf32, #tpu.memory_space<vmem>>
        %swap3A_1460 = arith.index_cast %add3A_1453 : i32 to index
        %swap3A_1461 = tpu.vector_load %swap3A_1459[%swap3A_1460] {strides = array<i32>} : memref<4096xf32, #tpu.memory_space<vmem>>, vector<16xf32>,
        %swap3A_1462 = vector.shape_cast %swap3A_1461 : vector<16xf32> to vector<16xf32>
        %swap3A_1463 = vector.shape_cast %get3A_1457 : vector<16xf32> to vector<16xf32>
        tpu.vector_store %swap3A_1459[%swap3A_1460], %swap3A_1463 {strides = array<i32>} : memref<4096xf32, #tpu.memory_space<vmem>>, vector<16xf32>,
        %add3A_1464 = arith.constant 32 : i32
        %add3A_1465 = arith.addi %mul3A_1441, %add3A_1464 : i32
        %add3A_1466 = arith.addi %sub3A_447, %add3A_1465 : i32
        %get3A_1467 = arith.index_cast %add3A_1466 : i32 to index
        %get3A_1468 = tpu.vector_load %arg4[%get3A_1467] {strides = array<i32>} : memref<32768xf32, #tpu.memory_space<vmem>>, vector<16xf32>,
        %get3A_1469 = vector.shape_cast %get3A_1468 : vector<16xf32> to vector<16xf32>
        %swap3A_1470 = arith.constant 12288 : i32
        %swap3A_1471 = tpu.memref_slice %arg6[%swap3A_1470] : memref<32768xf32, #tpu.memory_space<vmem>> -> memref<4096xf32, #tpu.memory_space<vmem>>
        %swap3A_1472 = arith.index_cast %add3A_1465 : i32 to index
        %swap3A_1473 = tpu.vector_load %swap3A_1471[%swap3A_1472] {strides = array<i32>} : memref<4096xf32, #tpu.memory_space<vmem>>, vector<16xf32>,
        %swap3A_1474 = vector.shape_cast %swap3A_1473 : vector<16xf32> to vector<16xf32>
        %swap3A_1475 = vector.shape_cast %get3A_1469 : vector<16xf32> to vector<16xf32>
        tpu.vector_store %swap3A_1471[%swap3A_1472], %swap3A_1475 {strides = array<i32>} : memref<4096xf32, #tpu.memory_space<vmem>>, vector<16xf32>,
        %add3A_1476 = arith.constant 48 : i32
        %add3A_1477 = arith.addi %mul3A_1441, %add3A_1476 : i32
        %add3A_1478 = arith.addi %sub3A_447, %add3A_1477 : i32
        %get3A_1479 = arith.index_cast %add3A_1478 : i32 to index
        %get3A_1480 = tpu.vector_load %arg4[%get3A_1479] {strides = array<i32>} : memref<32768xf32, #tpu.memory_space<vmem>>, vector<16xf32>,
        %get3A_1481 = vector.shape_cast %get3A_1480 : vector<16xf32> to vector<16xf32>
        %swap3A_1482 = arith.constant 12288 : i32
        %swap3A_1483 = tpu.memref_slice %arg6[%swap3A_1482] : memref<32768xf32, #tpu.memory_space<vmem>> -> memref<4096xf32, #tpu.memory_space<vmem>>
        %swap3A_1484 = arith.index_cast %add3A_1477 : i32 to index
        %swap3A_1485 = tpu.vector_load %swap3A_1483[%swap3A_1484] {strides = array<i32>} : memref<4096xf32, #tpu.memory_space<vmem>>, vector<16xf32>,
        %swap3A_1486 = vector.shape_cast %swap3A_1485 : vector<16xf32> to vector<16xf32>
        %swap3A_1487 = vector.shape_cast %get3A_1481 : vector<16xf32> to vector<16xf32>
        tpu.vector_store %swap3A_1483[%swap3A_1484], %swap3A_1487 {strides = array<i32>} : memref<4096xf32, #tpu.memory_space<vmem>>, vector<16xf32>,
      }
      %while3A_461 = arith.constant 1 : i32
      scf.for %while3A_1439 = %while3A_459 to %while3A_455 step %while3A_461  : i32 {
        %mul3A_1440 = arith.constant 64 : i32
        %mul3A_1441 = arith.muli %while3A_1439, %mul3A_1440 : i32
        %add3A_1442 = arith.constant 0 : i32
        %add3A_1443 = arith.addi %mul3A_1441, %add3A_1442 : i32
        %add3A_1444 = arith.addi %sub3A_447, %add3A_1443 : i32
        %get3A = arith.index_cast %add3A_1444 : i32 to index
        %get3A_1445 = tpu.vector_load %arg4[%get3A] {strides = array<i32>} : memref<32768xf32, #tpu.memory_space<vmem>>, vector<16xf32>,
        %get3A_1446 = vector.shape_cast %get3A_1445 : vector<16xf32> to vector<16xf32>
        %swap3A = arith.constant 12288 : i32
        %swap3A_1447 = tpu.memref_slice %arg6[%swap3A] : memref<32768xf32, #tpu.memory_space<vmem>> -> memref<4096xf32, #tpu.memory_space<vmem>>
        %swap3A_1448 = arith.index_cast %add3A_1443 : i32 to index
        %swap3A_1449 = tpu.vector_load %swap3A_1447[%swap3A_1448] {strides = array<i32>} : memref<4096xf32, #tpu.memory_space<vmem>>, vector<16xf32>,
        %swap3A_1450 = vector.shape_cast %swap3A_1449 : vector<16xf32> to vector<16xf32>
        %swap3A_1451 = vector.shape_cast %get3A_1446 : vector<16xf32> to vector<16xf32>
        tpu.vector_store %swap3A_1447[%swap3A_1448], %swap3A_1451 {strides = array<i32>} : memref<4096xf32, #tpu.memory_space<vmem>>, vector<16xf32>,
        %add3A_1452 = arith.constant 16 : i32
        %add3A_1453 = arith.addi %mul3A_1441, %add3A_1452 : i32
        %add3A_1454 = arith.addi %sub3A_447, %add3A_1453 : i32
        %get3A_1455 = arith.index_cast %add3A_1454 : i32 to index
        %get3A_1456 = tpu.vector_load %arg4[%get3A_1455] {strides = array<i32>} : memref<32768xf32, #tpu.memory_space<vmem>>, vector<16xf32>,
        %get3A_1457 = vector.shape_cast %get3A_1456 : vector<16xf32> to vector<16xf32>
        %swap3A_1458 = arith.constant 12288 : i32
        %swap3A_1459 = tpu.memref_slice %arg6[%swap3A_1458] : memref<32768xf32, #tpu.memory_space<vmem>> -> memref<4096xf32, #tpu.memory_space<vmem>>
        %swap3A_1460 = arith.index_cast %add3A_1453 : i32 to index
        %swap3A_1461 = tpu.vector_load %swap3A_1459[%swap3A_1460] {strides = array<i32>} : memref<4096xf32, #tpu.memory_space<vmem>>, vector<16xf32>,
        %swap3A_1462 = vector.shape_cast %swap3A_1461 : vector<16xf32> to vector<16xf32>
        %swap3A_1463 = vector.shape_cast %get3A_1457 : vector<16xf32> to vector<16xf32>
        tpu.vector_store %swap3A_1459[%swap3A_1460], %swap3A_1463 {strides = array<i32>} : memref<4096xf32, #tpu.memory_space<vmem>>, vector<16xf32>,
        %add3A_1464 = arith.constant 32 : i32
        %add3A_1465 = arith.addi %mul3A_1441, %add3A_1464 : i32
        %add3A_1466 = arith.addi %sub3A_447, %add3A_1465 : i32
        %get3A_1467 = arith.index_cast %add3A_1466 : i32 to index
        %get3A_1468 = tpu.vector_load %arg4[%get3A_1467] {strides = array<i32>} : memref<32768xf32, #tpu.memory_space<vmem>>, vector<16xf32>,
        %get3A_1469 = vector.shape_cast %get3A_1468 : vector<16xf32> to vector<16xf32>
        %swap3A_1470 = arith.constant 12288 : i32
        %swap3A_1471 = tpu.memref_slice %arg6[%swap3A_1470] : memref<32768xf32, #tpu.memory_space<vmem>> -> memref<4096xf32, #tpu.memory_space<vmem>>
        %swap3A_1472 = arith.index_cast %add3A_1465 : i32 to index
        %swap3A_1473 = tpu.vector_load %swap3A_1471[%swap3A_1472] {strides = array<i32>} : memref<4096xf32, #tpu.memory_space<vmem>>, vector<16xf32>,
        %swap3A_1474 = vector.shape_cast %swap3A_1473 : vector<16xf32> to vector<16xf32>
        %swap3A_1475 = vector.shape_cast %get3A_1469 : vector<16xf32> to vector<16xf32>
        tpu.vector_store %swap3A_1471[%swap3A_1472], %swap3A_1475 {strides = array<i32>} : memref<4096xf32, #tpu.memory_space<vmem>>, vector<16xf32>,
        %add3A_1476 = arith.constant 48 : i32
        %add3A_1477 = arith.addi %mul3A_1441, %add3A_1476 : i32
        %add3A_1478 = arith.addi %sub3A_447, %add3A_1477 : i32
        %get3A_1479 = arith.index_cast %add3A_1478 : i32 to index
        %get3A_1480 = tpu.vector_load %arg4[%get3A_1479] {strides = array<i32>} : memref<32768xf32, #tpu.memory_space<vmem>>, vector<16xf32>,
        %get3A_1481 = vector.shape_cast %get3A_1480 : vector<16xf32> to vector<16xf32>
        %swap3A_1482 = arith.constant 12288 : i32
        %swap3A_1483 = tpu.memref_slice %arg6[%swap3A_1482] : memref<32768xf32, #tpu.memory_space<vmem>> -> memref<4096xf32, #tpu.memory_space<vmem>>
        %swap3A_1484 = arith.index_cast %add3A_1477 : i32 to index
        %swap3A_1485 = tpu.vector_load %swap3A_1483[%swap3A_1484] {strides = array<i32>} : memref<4096xf32, #tpu.memory_space<vmem>>, vector<16xf32>,
        %swap3A_1486 = vector.shape_cast %swap3A_1485 : vector<16xf32> to vector<16xf32>
        %swap3A_1487 = vector.shape_cast %get3A_1481 : vector<16xf32> to vector<16xf32>
        tpu.vector_store %swap3A_1483[%swap3A_1484], %swap3A_1487 {strides = array<i32>} : memref<4096xf32, #tpu.memory_space<vmem>>, vector<16xf32>,
      }
      %add3A_462 = arith.constant 1 : i32
      %add3A_463 = arith.addi %add3A_414, %add3A_462 : i32
      %and3A_464 = arith.constant 63 : i32
      %and3A_465 = arith.andi %add3A_463, %and3A_464 : i32
      %ne3A_466 = arith.constant 0 : i32
      %ne3A_467 = arith.cmpi ne, %and3A_465, %ne3A_466 : i32
      %convert_element_type3A_468 = arith.extui %ne3A_467 : i1 to i32
      %cond3A_469 = arith.constant 0 : i32
      %cond3A_470 = arith.cmpi ne, %convert_element_type3A_468, %cond3A_469 : i32
      scf.if %cond3A_470 {
        %mul3A_1439 = arith.constant 64 : i32
        %mul3A_1440 = arith.muli %shift_right_arithmetic3A_451, %mul3A_1439 : i32
        %add3A_1441 = arith.constant 0 : i32
        %add3A_1442 = arith.addi %mul3A_1440, %add3A_1441 : i32
        %add3A_1443 = arith.addi %sub3A_447, %add3A_1442 : i32
        %get3A = arith.index_cast %add3A_1443 : i32 to index
        %get3A_1444 = tpu.vector_load %arg4[%get3A] {strides = array<i32>} : memref<32768xf32, #tpu.memory_space<vmem>>, vector<16xf32>,
        %get3A_1445 = vector.shape_cast %get3A_1444 : vector<16xf32> to vector<16xf32>
        %add3A_1446 = vector.broadcast %add3A_1442 : i32 to vector<16xi32>
        %add3A_1447 = arith.addi %iota3A, %add3A_1446 : vector<16xi32>
        %le3A = vector.broadcast %add3A_414 : i32 to vector<16xi32>
        %le3A_1448 = arith.cmpi sle, %add3A_1447, %le3A : vector<16xi32>
        %select_n3A_1449 = arith.select %le3A_1448, %get3A_1445, %broadcast_in_dim3A_1 : vector<16xi1>, vector<16xf32>
        %swap3A = arith.constant 12288 : i32
        %swap3A_1450 = tpu.memref_slice %arg6[%swap3A] : memref<32768xf32, #tpu.memory_space<vmem>> -> memref<4096xf32, #tpu.memory_space<vmem>>
        %swap3A_1451 = arith.index_cast %add3A_1442 : i32 to index
        %swap3A_1452 = tpu.vector_load %swap3A_1450[%swap3A_1451] {strides = array<i32>} : memref<4096xf32, #tpu.memory_space<vmem>>, vector<16xf32>,
        %swap3A_1453 = vector.shape_cast %swap3A_1452 : vector<16xf32> to vector<16xf32>
        %swap3A_1454 = vector.shape_cast %select_n3A_1449 : vector<16xf32> to vector<16xf32>
        tpu.vector_store %swap3A_1450[%swap3A_1451], %swap3A_1454 {strides = array<i32>} : memref<4096xf32, #tpu.memory_space<vmem>>, vector<16xf32>,
        %add3A_1455 = arith.constant 16 : i32
        %add3A_1456 = arith.addi %mul3A_1440, %add3A_1455 : i32
        %add3A_1457 = arith.addi %sub3A_447, %add3A_1456 : i32
        %get3A_1458 = arith.index_cast %add3A_1457 : i32 to index
        %get3A_1459 = tpu.vector_load %arg4[%get3A_1458] {strides = array<i32>} : memref<32768xf32, #tpu.memory_space<vmem>>, vector<16xf32>,
        %get3A_1460 = vector.shape_cast %get3A_1459 : vector<16xf32> to vector<16xf32>
        %add3A_1461 = vector.broadcast %add3A_1456 : i32 to vector<16xi32>
        %add3A_1462 = arith.addi %iota3A, %add3A_1461 : vector<16xi32>
        %le3A_1463 = vector.broadcast %add3A_414 : i32 to vector<16xi32>
        %le3A_1464 = arith.cmpi sle, %add3A_1462, %le3A_1463 : vector<16xi32>
        %select_n3A_1465 = arith.select %le3A_1464, %get3A_1460, %broadcast_in_dim3A_1 : vector<16xi1>, vector<16xf32>
        %swap3A_1466 = arith.constant 12288 : i32
        %swap3A_1467 = tpu.memref_slice %arg6[%swap3A_1466] : memref<32768xf32, #tpu.memory_space<vmem>> -> memref<4096xf32, #tpu.memory_space<vmem>>
        %swap3A_1468 = arith.index_cast %add3A_1456 : i32 to index
        %swap3A_1469 = tpu.vector_load %swap3A_1467[%swap3A_1468] {strides = array<i32>} : memref<4096xf32, #tpu.memory_space<vmem>>, vector<16xf32>,
        %swap3A_1470 = vector.shape_cast %swap3A_1469 : vector<16xf32> to vector<16xf32>
        %swap3A_1471 = vector.shape_cast %select_n3A_1465 : vector<16xf32> to vector<16xf32>
        tpu.vector_store %swap3A_1467[%swap3A_1468], %swap3A_1471 {strides = array<i32>} : memref<4096xf32, #tpu.memory_space<vmem>>, vector<16xf32>,
        %add3A_1472 = arith.constant 32 : i32
        %add3A_1473 = arith.addi %mul3A_1440, %add3A_1472 : i32
        %add3A_1474 = arith.addi %sub3A_447, %add3A_1473 : i32
        %get3A_1475 = arith.index_cast %add3A_1474 : i32 to index
        %get3A_1476 = tpu.vector_load %arg4[%get3A_1475] {strides = array<i32>} : memref<32768xf32, #tpu.memory_space<vmem>>, vector<16xf32>,
        %get3A_1477 = vector.shape_cast %get3A_1476 : vector<16xf32> to vector<16xf32>
        %add3A_1478 = vector.broadcast %add3A_1473 : i32 to vector<16xi32>
        %add3A_1479 = arith.addi %iota3A, %add3A_1478 : vector<16xi32>
        %le3A_1480 = vector.broadcast %add3A_414 : i32 to vector<16xi32>
        %le3A_1481 = arith.cmpi sle, %add3A_1479, %le3A_1480 : vector<16xi32>
        %select_n3A_1482 = arith.select %le3A_1481, %get3A_1477, %broadcast_in_dim3A_1 : vector<16xi1>, vector<16xf32>
        %swap3A_1483 = arith.constant 12288 : i32
        %swap3A_1484 = tpu.memref_slice %arg6[%swap3A_1483] : memref<32768xf32, #tpu.memory_space<vmem>> -> memref<4096xf32, #tpu.memory_space<vmem>>
        %swap3A_1485 = arith.index_cast %add3A_1473 : i32 to index
        %swap3A_1486 = tpu.vector_load %swap3A_1484[%swap3A_1485] {strides = array<i32>} : memref<4096xf32, #tpu.memory_space<vmem>>, vector<16xf32>,
        %swap3A_1487 = vector.shape_cast %swap3A_1486 : vector<16xf32> to vector<16xf32>
        %swap3A_1488 = vector.shape_cast %select_n3A_1482 : vector<16xf32> to vector<16xf32>
        tpu.vector_store %swap3A_1484[%swap3A_1485], %swap3A_1488 {strides = array<i32>} : memref<4096xf32, #tpu.memory_space<vmem>>, vector<16xf32>,
        %add3A_1489 = arith.constant 48 : i32
        %add3A_1490 = arith.addi %mul3A_1440, %add3A_1489 : i32
        %add3A_1491 = arith.addi %sub3A_447, %add3A_1490 : i32
        %get3A_1492 = arith.index_cast %add3A_1491 : i32 to index
        %get3A_1493 = tpu.vector_load %arg4[%get3A_1492] {strides = array<i32>} : memref<32768xf32, #tpu.memory_space<vmem>>, vector<16xf32>,
        %get3A_1494 = vector.shape_cast %get3A_1493 : vector<16xf32> to vector<16xf32>
        %add3A_1495 = vector.broadcast %add3A_1490 : i32 to vector<16xi32>
        %add3A_1496 = arith.addi %iota3A, %add3A_1495 : vector<16xi32>
        %le3A_1497 = vector.broadcast %add3A_414 : i32 to vector<16xi32>
        %le3A_1498 = arith.cmpi sle, %add3A_1496, %le3A_1497 : vector<16xi32>
        %select_n3A_1499 = arith.select %le3A_1498, %get3A_1494, %broadcast_in_dim3A_1 : vector<16xi1>, vector<16xf32>
        %swap3A_1500 = arith.constant 12288 : i32
        %swap3A_1501 = tpu.memref_slice %arg6[%swap3A_1500] : memref<32768xf32, #tpu.memory_space<vmem>> -> memref<4096xf32, #tpu.memory_space<vmem>>
        %swap3A_1502 = arith.index_cast %add3A_1490 : i32 to index
        %swap3A_1503 = tpu.vector_load %swap3A_1501[%swap3A_1502] {strides = array<i32>} : memref<4096xf32, #tpu.memory_space<vmem>>, vector<16xf32>,
        %swap3A_1504 = vector.shape_cast %swap3A_1503 : vector<16xf32> to vector<16xf32>
        %swap3A_1505 = vector.shape_cast %select_n3A_1499 : vector<16xf32> to vector<16xf32>
        tpu.vector_store %swap3A_1501[%swap3A_1502], %swap3A_1505 {strides = array<i32>} : memref<4096xf32, #tpu.memory_space<vmem>>, vector<16xf32>,
      } else {
      }
      %dma_start3A_471 = arith.constant 12288 : i32
      %dma_start3A_472 = tpu.memref_slice %arg6[%dma_start3A_471] : memref<32768xf32, #tpu.memory_space<vmem>> -> memref<4096xf32, #tpu.memory_space<vmem>>
      %dma_start3A_473 = arith.constant 0 : i32
      %dma_start3A_474 = tpu.memref_slice %arg3[%add3A_414, %dma_start3A_473] : memref<4096x4096xf32, #tpu.memory_space<hbm>> -> memref<1x4096xf32, #tpu.memory_space<hbm>>
      %dma_start3A_475 = tpu.memref_squeeze %dma_start3A_474 : memref<1x4096xf32, #tpu.memory_space<hbm>> -> memref<4096xf32, #tpu.memory_space<hbm>>
      %dma_start3A_476 = arith.constant 0 : i32
      %dma_start3A_477 = tpu.memref_slice %arg3[%add3A_414, %dma_start3A_476] : memref<4096x4096xf32, #tpu.memory_space<hbm>> -> memref<1x4096xf32, #tpu.memory_space<hbm>>
      %dma_start3A_478 = tpu.memref_squeeze %dma_start3A_477 : memref<1x4096xf32, #tpu.memory_space<hbm>> -> memref<4096xf32, #tpu.memory_space<hbm>>
      %dma_start3A_479 = arith.constant 12288 : i32
      %dma_start3A_480 = tpu.memref_slice %arg6[%dma_start3A_479] : memref<32768xf32, #tpu.memory_space<vmem>> -> memref<4096xf32, #tpu.memory_space<vmem>>
      tpu.enqueue_dma source(%dma_start3A_480 : memref<4096xf32, #tpu.memory_space<vmem>>) target(%dma_start3A_478 : memref<4096xf32, #tpu.memory_space<hbm>>) target_semaphore(%arg12 : memref<!tpu.dma_semaphore, #tpu.memory_space<semaphore_mem>>)
      %add3A_481 = arith.constant 4 : i32
      %add3A_482 = arith.addi %mul3A_174, %add3A_481 : i32
      %gt3A_483 = arith.constant 0 : i32
      %gt3A_484 = arith.cmpi sgt, %mul3A_169, %gt3A_483 : i32
      %convert_element_type3A_485 = arith.extui %gt3A_484 : i1 to i32
      %cond3A_486 = arith.constant 0 : i32
      %cond3A_487 = arith.cmpi ne, %convert_element_type3A_485, %cond3A_486 : i32
      scf.if %cond3A_487 {
        %dma_wait3A_1439 = arith.constant 0 : i32
        %dma_wait3A_1440 = arith.constant 16384 : i32
        %dma_wait3A_1441 = tpu.memref_slice %arg6[%dma_wait3A_1440] : memref<32768xf32, #tpu.memory_space<vmem>> -> memref<4096xf32, #tpu.memory_space<vmem>>
        %dma_wait3A_1442 = arith.constant 0 : i32
        %dma_wait3A_1443 = tpu.memref_slice %arg3[%dma_wait3A_1439, %dma_wait3A_1442] : memref<4096x4096xf32, #tpu.memory_space<hbm>> -> memref<1x4096xf32, #tpu.memory_space<hbm>>
        %dma_wait3A_1444 = tpu.memref_squeeze %dma_wait3A_1443 : memref<1x4096xf32, #tpu.memory_space<hbm>> -> memref<4096xf32, #tpu.memory_space<hbm>>
        %dma_wait3A_1445 = arith.constant 0 : i32
        %dma_wait3A_1446 = tpu.memref_slice %arg3[%dma_wait3A_1439, %dma_wait3A_1445] : memref<4096x4096xf32, #tpu.memory_space<hbm>> -> memref<1x4096xf32, #tpu.memory_space<hbm>>
        %dma_wait3A_1447 = tpu.memref_squeeze %dma_wait3A_1446 : memref<1x4096xf32, #tpu.memory_space<hbm>> -> memref<4096xf32, #tpu.memory_space<hbm>>
        %dma_wait3A_1448 = arith.constant 16384 : i32
        %dma_wait3A_1449 = tpu.memref_slice %arg6[%dma_wait3A_1448] : memref<32768xf32, #tpu.memory_space<vmem>> -> memref<4096xf32, #tpu.memory_space<vmem>>
        tpu.wait_dma2 semaphore(%arg13 : memref<!tpu.dma_semaphore, #tpu.memory_space<semaphore_mem>>) src(%dma_wait3A_1449 : memref<4096xf32, #tpu.memory_space<vmem>>) dst(%dma_wait3A_1447 : memref<4096xf32, #tpu.memory_space<hbm>>)
      } else {
      }
      %add3A_488 = arith.constant 1 : i32
      %add3A_489 = arith.addi %add3A_482, %add3A_488 : i32
      %mul3A_490 = arith.muli %add3A_482, %add3A_489 : i32
      %jit3A_491 = arith.constant 2 : i32
      %div3A_492 = arith.divsi %mul3A_490, %jit3A_491 : i32
      %sign3A_493 = arith.constant 0 : i32
      %sign3A_494 = arith.cmpi sgt, %mul3A_490, %sign3A_493 : i32
      %sign3A_495 = arith.extui %sign3A_494 : i1 to i32
      %sign3A_496 = arith.constant 0 : i32
      %sign3A_497 = arith.cmpi slt, %mul3A_490, %sign3A_496 : i32
      %sign3A_498 = arith.extui %sign3A_497 : i1 to i32
      %sign3A_499 = arith.subi %sign3A_495, %sign3A_498 : i32
      %sign3A_500 = arith.constant 0 : i32
      %sign3A_501 = arith.cmpi sgt, %jit3A_491, %sign3A_500 : i32
      %sign3A_502 = arith.extui %sign3A_501 : i1 to i32
      %sign3A_503 = arith.constant 0 : i32
      %sign3A_504 = arith.cmpi slt, %jit3A_491, %sign3A_503 : i32
      %sign3A_505 = arith.extui %sign3A_504 : i1 to i32
      %sign3A_506 = arith.subi %sign3A_502, %sign3A_505 : i32
      %ne3A_507 = arith.cmpi ne, %sign3A_499, %sign3A_506 : i32
      %rem3A_508 = arith.remsi %mul3A_490, %jit3A_491 : i32
      %ne3A_509 = arith.constant 0 : i32
      %ne3A_510 = arith.cmpi ne, %rem3A_508, %ne3A_509 : i32
      %and3A_511 = arith.andi %ne3A_507, %ne3A_510 : i1
      %sub3A_512 = arith.constant 1 : i32
      %sub3A_513 = arith.subi %div3A_492, %sub3A_512 : i32
      %select_n3A_514 = arith.select %and3A_511, %sub3A_513, %div3A_492 : i32
      %sub3A_515 = arith.subi %select_n3A_514, %multiple_of3A_208 : i32
      %add3A_516 = arith.constant 1 : i32
      %add3A_517 = arith.addi %add3A_482, %add3A_516 : i32
      %shift_right_arithmetic3A_518 = arith.constant 6 : i32
      %shift_right_arithmetic3A_519 = arith.shrsi %add3A_517, %shift_right_arithmetic3A_518 : i32
      %while3A_520 = arith.constant 0 : i32
      %while3A_521 = arith.constant 0 : i32
      %while3A_522 = arith.subi %shift_right_arithmetic3A_519, %while3A_521 : i32
      %while3A_523 = arith.addi %while3A_521, %while3A_522 : i32
      %while3A_524 = arith.constant 1 : i32
      %while3A_525 = arith.divsi %while3A_522, %while3A_524 : i32
      %while3A_526 = arith.muli %while3A_525, %while3A_524 : i32
      %while3A_527 = arith.addi %while3A_521, %while3A_526 : i32
      %while3A_528 = arith.constant 1 : i32
      scf.for %while3A_1439 = %while3A_521 to %while3A_527 step %while3A_528  : i32 {
        %mul3A_1440 = arith.constant 64 : i32
        %mul3A_1441 = arith.muli %while3A_1439, %mul3A_1440 : i32
        %add3A_1442 = arith.constant 0 : i32
        %add3A_1443 = arith.addi %mul3A_1441, %add3A_1442 : i32
        %add3A_1444 = arith.addi %sub3A_515, %add3A_1443 : i32
        %get3A = arith.index_cast %add3A_1444 : i32 to index
        %get3A_1445 = tpu.vector_load %arg4[%get3A] {strides = array<i32>} : memref<32768xf32, #tpu.memory_space<vmem>>, vector<16xf32>,
        %get3A_1446 = vector.shape_cast %get3A_1445 : vector<16xf32> to vector<16xf32>
        %swap3A = arith.constant 16384 : i32
        %swap3A_1447 = tpu.memref_slice %arg6[%swap3A] : memref<32768xf32, #tpu.memory_space<vmem>> -> memref<4096xf32, #tpu.memory_space<vmem>>
        %swap3A_1448 = arith.index_cast %add3A_1443 : i32 to index
        %swap3A_1449 = tpu.vector_load %swap3A_1447[%swap3A_1448] {strides = array<i32>} : memref<4096xf32, #tpu.memory_space<vmem>>, vector<16xf32>,
        %swap3A_1450 = vector.shape_cast %swap3A_1449 : vector<16xf32> to vector<16xf32>
        %swap3A_1451 = vector.shape_cast %get3A_1446 : vector<16xf32> to vector<16xf32>
        tpu.vector_store %swap3A_1447[%swap3A_1448], %swap3A_1451 {strides = array<i32>} : memref<4096xf32, #tpu.memory_space<vmem>>, vector<16xf32>,
        %add3A_1452 = arith.constant 16 : i32
        %add3A_1453 = arith.addi %mul3A_1441, %add3A_1452 : i32
        %add3A_1454 = arith.addi %sub3A_515, %add3A_1453 : i32
        %get3A_1455 = arith.index_cast %add3A_1454 : i32 to index
        %get3A_1456 = tpu.vector_load %arg4[%get3A_1455] {strides = array<i32>} : memref<32768xf32, #tpu.memory_space<vmem>>, vector<16xf32>,
        %get3A_1457 = vector.shape_cast %get3A_1456 : vector<16xf32> to vector<16xf32>
        %swap3A_1458 = arith.constant 16384 : i32
        %swap3A_1459 = tpu.memref_slice %arg6[%swap3A_1458] : memref<32768xf32, #tpu.memory_space<vmem>> -> memref<4096xf32, #tpu.memory_space<vmem>>
        %swap3A_1460 = arith.index_cast %add3A_1453 : i32 to index
        %swap3A_1461 = tpu.vector_load %swap3A_1459[%swap3A_1460] {strides = array<i32>} : memref<4096xf32, #tpu.memory_space<vmem>>, vector<16xf32>,
        %swap3A_1462 = vector.shape_cast %swap3A_1461 : vector<16xf32> to vector<16xf32>
        %swap3A_1463 = vector.shape_cast %get3A_1457 : vector<16xf32> to vector<16xf32>
        tpu.vector_store %swap3A_1459[%swap3A_1460], %swap3A_1463 {strides = array<i32>} : memref<4096xf32, #tpu.memory_space<vmem>>, vector<16xf32>,
        %add3A_1464 = arith.constant 32 : i32
        %add3A_1465 = arith.addi %mul3A_1441, %add3A_1464 : i32
        %add3A_1466 = arith.addi %sub3A_515, %add3A_1465 : i32
        %get3A_1467 = arith.index_cast %add3A_1466 : i32 to index
        %get3A_1468 = tpu.vector_load %arg4[%get3A_1467] {strides = array<i32>} : memref<32768xf32, #tpu.memory_space<vmem>>, vector<16xf32>,
        %get3A_1469 = vector.shape_cast %get3A_1468 : vector<16xf32> to vector<16xf32>
        %swap3A_1470 = arith.constant 16384 : i32
        %swap3A_1471 = tpu.memref_slice %arg6[%swap3A_1470] : memref<32768xf32, #tpu.memory_space<vmem>> -> memref<4096xf32, #tpu.memory_space<vmem>>
        %swap3A_1472 = arith.index_cast %add3A_1465 : i32 to index
        %swap3A_1473 = tpu.vector_load %swap3A_1471[%swap3A_1472] {strides = array<i32>} : memref<4096xf32, #tpu.memory_space<vmem>>, vector<16xf32>,
        %swap3A_1474 = vector.shape_cast %swap3A_1473 : vector<16xf32> to vector<16xf32>
        %swap3A_1475 = vector.shape_cast %get3A_1469 : vector<16xf32> to vector<16xf32>
        tpu.vector_store %swap3A_1471[%swap3A_1472], %swap3A_1475 {strides = array<i32>} : memref<4096xf32, #tpu.memory_space<vmem>>, vector<16xf32>,
        %add3A_1476 = arith.constant 48 : i32
        %add3A_1477 = arith.addi %mul3A_1441, %add3A_1476 : i32
        %add3A_1478 = arith.addi %sub3A_515, %add3A_1477 : i32
        %get3A_1479 = arith.index_cast %add3A_1478 : i32 to index
        %get3A_1480 = tpu.vector_load %arg4[%get3A_1479] {strides = array<i32>} : memref<32768xf32, #tpu.memory_space<vmem>>, vector<16xf32>,
        %get3A_1481 = vector.shape_cast %get3A_1480 : vector<16xf32> to vector<16xf32>
        %swap3A_1482 = arith.constant 16384 : i32
        %swap3A_1483 = tpu.memref_slice %arg6[%swap3A_1482] : memref<32768xf32, #tpu.memory_space<vmem>> -> memref<4096xf32, #tpu.memory_space<vmem>>
        %swap3A_1484 = arith.index_cast %add3A_1477 : i32 to index
        %swap3A_1485 = tpu.vector_load %swap3A_1483[%swap3A_1484] {strides = array<i32>} : memref<4096xf32, #tpu.memory_space<vmem>>, vector<16xf32>,
        %swap3A_1486 = vector.shape_cast %swap3A_1485 : vector<16xf32> to vector<16xf32>
        %swap3A_1487 = vector.shape_cast %get3A_1481 : vector<16xf32> to vector<16xf32>
        tpu.vector_store %swap3A_1483[%swap3A_1484], %swap3A_1487 {strides = array<i32>} : memref<4096xf32, #tpu.memory_space<vmem>>, vector<16xf32>,
      }
      %while3A_529 = arith.constant 1 : i32
      scf.for %while3A_1439 = %while3A_527 to %while3A_523 step %while3A_529  : i32 {
        %mul3A_1440 = arith.constant 64 : i32
        %mul3A_1441 = arith.muli %while3A_1439, %mul3A_1440 : i32
        %add3A_1442 = arith.constant 0 : i32
        %add3A_1443 = arith.addi %mul3A_1441, %add3A_1442 : i32
        %add3A_1444 = arith.addi %sub3A_515, %add3A_1443 : i32
        %get3A = arith.index_cast %add3A_1444 : i32 to index
        %get3A_1445 = tpu.vector_load %arg4[%get3A] {strides = array<i32>} : memref<32768xf32, #tpu.memory_space<vmem>>, vector<16xf32>,
        %get3A_1446 = vector.shape_cast %get3A_1445 : vector<16xf32> to vector<16xf32>
        %swap3A = arith.constant 16384 : i32
        %swap3A_1447 = tpu.memref_slice %arg6[%swap3A] : memref<32768xf32, #tpu.memory_space<vmem>> -> memref<4096xf32, #tpu.memory_space<vmem>>
        %swap3A_1448 = arith.index_cast %add3A_1443 : i32 to index
        %swap3A_1449 = tpu.vector_load %swap3A_1447[%swap3A_1448] {strides = array<i32>} : memref<4096xf32, #tpu.memory_space<vmem>>, vector<16xf32>,
        %swap3A_1450 = vector.shape_cast %swap3A_1449 : vector<16xf32> to vector<16xf32>
        %swap3A_1451 = vector.shape_cast %get3A_1446 : vector<16xf32> to vector<16xf32>
        tpu.vector_store %swap3A_1447[%swap3A_1448], %swap3A_1451 {strides = array<i32>} : memref<4096xf32, #tpu.memory_space<vmem>>, vector<16xf32>,
        %add3A_1452 = arith.constant 16 : i32
        %add3A_1453 = arith.addi %mul3A_1441, %add3A_1452 : i32
        %add3A_1454 = arith.addi %sub3A_515, %add3A_1453 : i32
        %get3A_1455 = arith.index_cast %add3A_1454 : i32 to index
        %get3A_1456 = tpu.vector_load %arg4[%get3A_1455] {strides = array<i32>} : memref<32768xf32, #tpu.memory_space<vmem>>, vector<16xf32>,
        %get3A_1457 = vector.shape_cast %get3A_1456 : vector<16xf32> to vector<16xf32>
        %swap3A_1458 = arith.constant 16384 : i32
        %swap3A_1459 = tpu.memref_slice %arg6[%swap3A_1458] : memref<32768xf32, #tpu.memory_space<vmem>> -> memref<4096xf32, #tpu.memory_space<vmem>>
        %swap3A_1460 = arith.index_cast %add3A_1453 : i32 to index
        %swap3A_1461 = tpu.vector_load %swap3A_1459[%swap3A_1460] {strides = array<i32>} : memref<4096xf32, #tpu.memory_space<vmem>>, vector<16xf32>,
        %swap3A_1462 = vector.shape_cast %swap3A_1461 : vector<16xf32> to vector<16xf32>
        %swap3A_1463 = vector.shape_cast %get3A_1457 : vector<16xf32> to vector<16xf32>
        tpu.vector_store %swap3A_1459[%swap3A_1460], %swap3A_1463 {strides = array<i32>} : memref<4096xf32, #tpu.memory_space<vmem>>, vector<16xf32>,
        %add3A_1464 = arith.constant 32 : i32
        %add3A_1465 = arith.addi %mul3A_1441, %add3A_1464 : i32
        %add3A_1466 = arith.addi %sub3A_515, %add3A_1465 : i32
        %get3A_1467 = arith.index_cast %add3A_1466 : i32 to index
        %get3A_1468 = tpu.vector_load %arg4[%get3A_1467] {strides = array<i32>} : memref<32768xf32, #tpu.memory_space<vmem>>, vector<16xf32>,
        %get3A_1469 = vector.shape_cast %get3A_1468 : vector<16xf32> to vector<16xf32>
        %swap3A_1470 = arith.constant 16384 : i32
        %swap3A_1471 = tpu.memref_slice %arg6[%swap3A_1470] : memref<32768xf32, #tpu.memory_space<vmem>> -> memref<4096xf32, #tpu.memory_space<vmem>>
        %swap3A_1472 = arith.index_cast %add3A_1465 : i32 to index
        %swap3A_1473 = tpu.vector_load %swap3A_1471[%swap3A_1472] {strides = array<i32>} : memref<4096xf32, #tpu.memory_space<vmem>>, vector<16xf32>,
        %swap3A_1474 = vector.shape_cast %swap3A_1473 : vector<16xf32> to vector<16xf32>
        %swap3A_1475 = vector.shape_cast %get3A_1469 : vector<16xf32> to vector<16xf32>
        tpu.vector_store %swap3A_1471[%swap3A_1472], %swap3A_1475 {strides = array<i32>} : memref<4096xf32, #tpu.memory_space<vmem>>, vector<16xf32>,
        %add3A_1476 = arith.constant 48 : i32
        %add3A_1477 = arith.addi %mul3A_1441, %add3A_1476 : i32
        %add3A_1478 = arith.addi %sub3A_515, %add3A_1477 : i32
        %get3A_1479 = arith.index_cast %add3A_1478 : i32 to index
        %get3A_1480 = tpu.vector_load %arg4[%get3A_1479] {strides = array<i32>} : memref<32768xf32, #tpu.memory_space<vmem>>, vector<16xf32>,
        %get3A_1481 = vector.shape_cast %get3A_1480 : vector<16xf32> to vector<16xf32>
        %swap3A_1482 = arith.constant 16384 : i32
        %swap3A_1483 = tpu.memref_slice %arg6[%swap3A_1482] : memref<32768xf32, #tpu.memory_space<vmem>> -> memref<4096xf32, #tpu.memory_space<vmem>>
        %swap3A_1484 = arith.index_cast %add3A_1477 : i32 to index
        %swap3A_1485 = tpu.vector_load %swap3A_1483[%swap3A_1484] {strides = array<i32>} : memref<4096xf32, #tpu.memory_space<vmem>>, vector<16xf32>,
        %swap3A_1486 = vector.shape_cast %swap3A_1485 : vector<16xf32> to vector<16xf32>
        %swap3A_1487 = vector.shape_cast %get3A_1481 : vector<16xf32> to vector<16xf32>
        tpu.vector_store %swap3A_1483[%swap3A_1484], %swap3A_1487 {strides = array<i32>} : memref<4096xf32, #tpu.memory_space<vmem>>, vector<16xf32>,
      }
      %add3A_530 = arith.constant 1 : i32
      %add3A_531 = arith.addi %add3A_482, %add3A_530 : i32
      %and3A_532 = arith.constant 63 : i32
      %and3A_533 = arith.andi %add3A_531, %and3A_532 : i32
      %ne3A_534 = arith.constant 0 : i32
      %ne3A_535 = arith.cmpi ne, %and3A_533, %ne3A_534 : i32
      %convert_element_type3A_536 = arith.extui %ne3A_535 : i1 to i32
      %cond3A_537 = arith.constant 0 : i32
      %cond3A_538 = arith.cmpi ne, %convert_element_type3A_536, %cond3A_537 : i32
      scf.if %cond3A_538 {
        %mul3A_1439 = arith.constant 64 : i32
        %mul3A_1440 = arith.muli %shift_right_arithmetic3A_519, %mul3A_1439 : i32
        %add3A_1441 = arith.constant 0 : i32
        %add3A_1442 = arith.addi %mul3A_1440, %add3A_1441 : i32
        %add3A_1443 = arith.addi %sub3A_515, %add3A_1442 : i32
        %get3A = arith.index_cast %add3A_1443 : i32 to index
        %get3A_1444 = tpu.vector_load %arg4[%get3A] {strides = array<i32>} : memref<32768xf32, #tpu.memory_space<vmem>>, vector<16xf32>,
        %get3A_1445 = vector.shape_cast %get3A_1444 : vector<16xf32> to vector<16xf32>
        %add3A_1446 = vector.broadcast %add3A_1442 : i32 to vector<16xi32>
        %add3A_1447 = arith.addi %iota3A, %add3A_1446 : vector<16xi32>
        %le3A = vector.broadcast %add3A_482 : i32 to vector<16xi32>
        %le3A_1448 = arith.cmpi sle, %add3A_1447, %le3A : vector<16xi32>
        %select_n3A_1449 = arith.select %le3A_1448, %get3A_1445, %broadcast_in_dim3A_1 : vector<16xi1>, vector<16xf32>
        %swap3A = arith.constant 16384 : i32
        %swap3A_1450 = tpu.memref_slice %arg6[%swap3A] : memref<32768xf32, #tpu.memory_space<vmem>> -> memref<4096xf32, #tpu.memory_space<vmem>>
        %swap3A_1451 = arith.index_cast %add3A_1442 : i32 to index
        %swap3A_1452 = tpu.vector_load %swap3A_1450[%swap3A_1451] {strides = array<i32>} : memref<4096xf32, #tpu.memory_space<vmem>>, vector<16xf32>,
        %swap3A_1453 = vector.shape_cast %swap3A_1452 : vector<16xf32> to vector<16xf32>
        %swap3A_1454 = vector.shape_cast %select_n3A_1449 : vector<16xf32> to vector<16xf32>
        tpu.vector_store %swap3A_1450[%swap3A_1451], %swap3A_1454 {strides = array<i32>} : memref<4096xf32, #tpu.memory_space<vmem>>, vector<16xf32>,
        %add3A_1455 = arith.constant 16 : i32
        %add3A_1456 = arith.addi %mul3A_1440, %add3A_1455 : i32
        %add3A_1457 = arith.addi %sub3A_515, %add3A_1456 : i32
        %get3A_1458 = arith.index_cast %add3A_1457 : i32 to index
        %get3A_1459 = tpu.vector_load %arg4[%get3A_1458] {strides = array<i32>} : memref<32768xf32, #tpu.memory_space<vmem>>, vector<16xf32>,
        %get3A_1460 = vector.shape_cast %get3A_1459 : vector<16xf32> to vector<16xf32>
        %add3A_1461 = vector.broadcast %add3A_1456 : i32 to vector<16xi32>
        %add3A_1462 = arith.addi %iota3A, %add3A_1461 : vector<16xi32>
        %le3A_1463 = vector.broadcast %add3A_482 : i32 to vector<16xi32>
        %le3A_1464 = arith.cmpi sle, %add3A_1462, %le3A_1463 : vector<16xi32>
        %select_n3A_1465 = arith.select %le3A_1464, %get3A_1460, %broadcast_in_dim3A_1 : vector<16xi1>, vector<16xf32>
        %swap3A_1466 = arith.constant 16384 : i32
        %swap3A_1467 = tpu.memref_slice %arg6[%swap3A_1466] : memref<32768xf32, #tpu.memory_space<vmem>> -> memref<4096xf32, #tpu.memory_space<vmem>>
        %swap3A_1468 = arith.index_cast %add3A_1456 : i32 to index
        %swap3A_1469 = tpu.vector_load %swap3A_1467[%swap3A_1468] {strides = array<i32>} : memref<4096xf32, #tpu.memory_space<vmem>>, vector<16xf32>,
        %swap3A_1470 = vector.shape_cast %swap3A_1469 : vector<16xf32> to vector<16xf32>
        %swap3A_1471 = vector.shape_cast %select_n3A_1465 : vector<16xf32> to vector<16xf32>
        tpu.vector_store %swap3A_1467[%swap3A_1468], %swap3A_1471 {strides = array<i32>} : memref<4096xf32, #tpu.memory_space<vmem>>, vector<16xf32>,
        %add3A_1472 = arith.constant 32 : i32
        %add3A_1473 = arith.addi %mul3A_1440, %add3A_1472 : i32
        %add3A_1474 = arith.addi %sub3A_515, %add3A_1473 : i32
        %get3A_1475 = arith.index_cast %add3A_1474 : i32 to index
        %get3A_1476 = tpu.vector_load %arg4[%get3A_1475] {strides = array<i32>} : memref<32768xf32, #tpu.memory_space<vmem>>, vector<16xf32>,
        %get3A_1477 = vector.shape_cast %get3A_1476 : vector<16xf32> to vector<16xf32>
        %add3A_1478 = vector.broadcast %add3A_1473 : i32 to vector<16xi32>
        %add3A_1479 = arith.addi %iota3A, %add3A_1478 : vector<16xi32>
        %le3A_1480 = vector.broadcast %add3A_482 : i32 to vector<16xi32>
        %le3A_1481 = arith.cmpi sle, %add3A_1479, %le3A_1480 : vector<16xi32>
        %select_n3A_1482 = arith.select %le3A_1481, %get3A_1477, %broadcast_in_dim3A_1 : vector<16xi1>, vector<16xf32>
        %swap3A_1483 = arith.constant 16384 : i32
        %swap3A_1484 = tpu.memref_slice %arg6[%swap3A_1483] : memref<32768xf32, #tpu.memory_space<vmem>> -> memref<4096xf32, #tpu.memory_space<vmem>>
        %swap3A_1485 = arith.index_cast %add3A_1473 : i32 to index
        %swap3A_1486 = tpu.vector_load %swap3A_1484[%swap3A_1485] {strides = array<i32>} : memref<4096xf32, #tpu.memory_space<vmem>>, vector<16xf32>,
        %swap3A_1487 = vector.shape_cast %swap3A_1486 : vector<16xf32> to vector<16xf32>
        %swap3A_1488 = vector.shape_cast %select_n3A_1482 : vector<16xf32> to vector<16xf32>
        tpu.vector_store %swap3A_1484[%swap3A_1485], %swap3A_1488 {strides = array<i32>} : memref<4096xf32, #tpu.memory_space<vmem>>, vector<16xf32>,
        %add3A_1489 = arith.constant 48 : i32
        %add3A_1490 = arith.addi %mul3A_1440, %add3A_1489 : i32
        %add3A_1491 = arith.addi %sub3A_515, %add3A_1490 : i32
        %get3A_1492 = arith.index_cast %add3A_1491 : i32 to index
        %get3A_1493 = tpu.vector_load %arg4[%get3A_1492] {strides = array<i32>} : memref<32768xf32, #tpu.memory_space<vmem>>, vector<16xf32>,
        %get3A_1494 = vector.shape_cast %get3A_1493 : vector<16xf32> to vector<16xf32>
        %add3A_1495 = vector.broadcast %add3A_1490 : i32 to vector<16xi32>
        %add3A_1496 = arith.addi %iota3A, %add3A_1495 : vector<16xi32>
        %le3A_1497 = vector.broadcast %add3A_482 : i32 to vector<16xi32>
        %le3A_1498 = arith.cmpi sle, %add3A_1496, %le3A_1497 : vector<16xi32>
        %select_n3A_1499 = arith.select %le3A_1498, %get3A_1494, %broadcast_in_dim3A_1 : vector<16xi1>, vector<16xf32>
        %swap3A_1500 = arith.constant 16384 : i32
        %swap3A_1501 = tpu.memref_slice %arg6[%swap3A_1500] : memref<32768xf32, #tpu.memory_space<vmem>> -> memref<4096xf32, #tpu.memory_space<vmem>>
        %swap3A_1502 = arith.index_cast %add3A_1490 : i32 to index
        %swap3A_1503 = tpu.vector_load %swap3A_1501[%swap3A_1502] {strides = array<i32>} : memref<4096xf32, #tpu.memory_space<vmem>>, vector<16xf32>,
        %swap3A_1504 = vector.shape_cast %swap3A_1503 : vector<16xf32> to vector<16xf32>
        %swap3A_1505 = vector.shape_cast %select_n3A_1499 : vector<16xf32> to vector<16xf32>
        tpu.vector_store %swap3A_1501[%swap3A_1502], %swap3A_1505 {strides = array<i32>} : memref<4096xf32, #tpu.memory_space<vmem>>, vector<16xf32>,
      } else {
      }
      %dma_start3A_539 = arith.constant 16384 : i32
      %dma_start3A_540 = tpu.memref_slice %arg6[%dma_start3A_539] : memref<32768xf32, #tpu.memory_space<vmem>> -> memref<4096xf32, #tpu.memory_space<vmem>>
      %dma_start3A_541 = arith.constant 0 : i32
      %dma_start3A_542 = tpu.memref_slice %arg3[%add3A_482, %dma_start3A_541] : memref<4096x4096xf32, #tpu.memory_space<hbm>> -> memref<1x4096xf32, #tpu.memory_space<hbm>>
      %dma_start3A_543 = tpu.memref_squeeze %dma_start3A_542 : memref<1x4096xf32, #tpu.memory_space<hbm>> -> memref<4096xf32, #tpu.memory_space<hbm>>
      %dma_start3A_544 = arith.constant 0 : i32
      %dma_start3A_545 = tpu.memref_slice %arg3[%add3A_482, %dma_start3A_544] : memref<4096x4096xf32, #tpu.memory_space<hbm>> -> memref<1x4096xf32, #tpu.memory_space<hbm>>
      %dma_start3A_546 = tpu.memref_squeeze %dma_start3A_545 : memref<1x4096xf32, #tpu.memory_space<hbm>> -> memref<4096xf32, #tpu.memory_space<hbm>>
      %dma_start3A_547 = arith.constant 16384 : i32
      %dma_start3A_548 = tpu.memref_slice %arg6[%dma_start3A_547] : memref<32768xf32, #tpu.memory_space<vmem>> -> memref<4096xf32, #tpu.memory_space<vmem>>
      tpu.enqueue_dma source(%dma_start3A_548 : memref<4096xf32, #tpu.memory_space<vmem>>) target(%dma_start3A_546 : memref<4096xf32, #tpu.memory_space<hbm>>) target_semaphore(%arg13 : memref<!tpu.dma_semaphore, #tpu.memory_space<semaphore_mem>>)
      %add3A_549 = arith.constant 5 : i32
      %add3A_550 = arith.addi %mul3A_174, %add3A_549 : i32
      %gt3A_551 = arith.constant 0 : i32
      %gt3A_552 = arith.cmpi sgt, %mul3A_169, %gt3A_551 : i32
      %convert_element_type3A_553 = arith.extui %gt3A_552 : i1 to i32
      %cond3A_554 = arith.constant 0 : i32
      %cond3A_555 = arith.cmpi ne, %convert_element_type3A_553, %cond3A_554 : i32
      scf.if %cond3A_555 {
        %dma_wait3A_1439 = arith.constant 0 : i32
        %dma_wait3A_1440 = arith.constant 20480 : i32
        %dma_wait3A_1441 = tpu.memref_slice %arg6[%dma_wait3A_1440] : memref<32768xf32, #tpu.memory_space<vmem>> -> memref<4096xf32, #tpu.memory_space<vmem>>
        %dma_wait3A_1442 = arith.constant 0 : i32
        %dma_wait3A_1443 = tpu.memref_slice %arg3[%dma_wait3A_1439, %dma_wait3A_1442] : memref<4096x4096xf32, #tpu.memory_space<hbm>> -> memref<1x4096xf32, #tpu.memory_space<hbm>>
        %dma_wait3A_1444 = tpu.memref_squeeze %dma_wait3A_1443 : memref<1x4096xf32, #tpu.memory_space<hbm>> -> memref<4096xf32, #tpu.memory_space<hbm>>
        %dma_wait3A_1445 = arith.constant 0 : i32
        %dma_wait3A_1446 = tpu.memref_slice %arg3[%dma_wait3A_1439, %dma_wait3A_1445] : memref<4096x4096xf32, #tpu.memory_space<hbm>> -> memref<1x4096xf32, #tpu.memory_space<hbm>>
        %dma_wait3A_1447 = tpu.memref_squeeze %dma_wait3A_1446 : memref<1x4096xf32, #tpu.memory_space<hbm>> -> memref<4096xf32, #tpu.memory_space<hbm>>
        %dma_wait3A_1448 = arith.constant 20480 : i32
        %dma_wait3A_1449 = tpu.memref_slice %arg6[%dma_wait3A_1448] : memref<32768xf32, #tpu.memory_space<vmem>> -> memref<4096xf32, #tpu.memory_space<vmem>>
        tpu.wait_dma2 semaphore(%arg14 : memref<!tpu.dma_semaphore, #tpu.memory_space<semaphore_mem>>) src(%dma_wait3A_1449 : memref<4096xf32, #tpu.memory_space<vmem>>) dst(%dma_wait3A_1447 : memref<4096xf32, #tpu.memory_space<hbm>>)
      } else {
      }
      %add3A_556 = arith.constant 1 : i32
      %add3A_557 = arith.addi %add3A_550, %add3A_556 : i32
      %mul3A_558 = arith.muli %add3A_550, %add3A_557 : i32
      %jit3A_559 = arith.constant 2 : i32
      %div3A_560 = arith.divsi %mul3A_558, %jit3A_559 : i32
      %sign3A_561 = arith.constant 0 : i32
      %sign3A_562 = arith.cmpi sgt, %mul3A_558, %sign3A_561 : i32
      %sign3A_563 = arith.extui %sign3A_562 : i1 to i32
      %sign3A_564 = arith.constant 0 : i32
      %sign3A_565 = arith.cmpi slt, %mul3A_558, %sign3A_564 : i32
      %sign3A_566 = arith.extui %sign3A_565 : i1 to i32
      %sign3A_567 = arith.subi %sign3A_563, %sign3A_566 : i32
      %sign3A_568 = arith.constant 0 : i32
      %sign3A_569 = arith.cmpi sgt, %jit3A_559, %sign3A_568 : i32
      %sign3A_570 = arith.extui %sign3A_569 : i1 to i32
      %sign3A_571 = arith.constant 0 : i32
      %sign3A_572 = arith.cmpi slt, %jit3A_559, %sign3A_571 : i32
      %sign3A_573 = arith.extui %sign3A_572 : i1 to i32
      %sign3A_574 = arith.subi %sign3A_570, %sign3A_573 : i32
      %ne3A_575 = arith.cmpi ne, %sign3A_567, %sign3A_574 : i32
      %rem3A_576 = arith.remsi %mul3A_558, %jit3A_559 : i32
      %ne3A_577 = arith.constant 0 : i32
      %ne3A_578 = arith.cmpi ne, %rem3A_576, %ne3A_577 : i32
      %and3A_579 = arith.andi %ne3A_575, %ne3A_578 : i1
      %sub3A_580 = arith.constant 1 : i32
      %sub3A_581 = arith.subi %div3A_560, %sub3A_580 : i32
      %select_n3A_582 = arith.select %and3A_579, %sub3A_581, %div3A_560 : i32
      %sub3A_583 = arith.subi %select_n3A_582, %multiple_of3A_208 : i32
      %add3A_584 = arith.constant 1 : i32
      %add3A_585 = arith.addi %add3A_550, %add3A_584 : i32
      %shift_right_arithmetic3A_586 = arith.constant 6 : i32
      %shift_right_arithmetic3A_587 = arith.shrsi %add3A_585, %shift_right_arithmetic3A_586 : i32
      %while3A_588 = arith.constant 0 : i32
      %while3A_589 = arith.constant 0 : i32
      %while3A_590 = arith.subi %shift_right_arithmetic3A_587, %while3A_589 : i32
      %while3A_591 = arith.addi %while3A_589, %while3A_590 : i32
      %while3A_592 = arith.constant 1 : i32
      %while3A_593 = arith.divsi %while3A_590, %while3A_592 : i32
      %while3A_594 = arith.muli %while3A_593, %while3A_592 : i32
      %while3A_595 = arith.addi %while3A_589, %while3A_594 : i32
      %while3A_596 = arith.constant 1 : i32
      scf.for %while3A_1439 = %while3A_589 to %while3A_595 step %while3A_596  : i32 {
        %mul3A_1440 = arith.constant 64 : i32
        %mul3A_1441 = arith.muli %while3A_1439, %mul3A_1440 : i32
        %add3A_1442 = arith.constant 0 : i32
        %add3A_1443 = arith.addi %mul3A_1441, %add3A_1442 : i32
        %add3A_1444 = arith.addi %sub3A_583, %add3A_1443 : i32
        %get3A = arith.index_cast %add3A_1444 : i32 to index
        %get3A_1445 = tpu.vector_load %arg4[%get3A] {strides = array<i32>} : memref<32768xf32, #tpu.memory_space<vmem>>, vector<16xf32>,
        %get3A_1446 = vector.shape_cast %get3A_1445 : vector<16xf32> to vector<16xf32>
        %swap3A = arith.constant 20480 : i32
        %swap3A_1447 = tpu.memref_slice %arg6[%swap3A] : memref<32768xf32, #tpu.memory_space<vmem>> -> memref<4096xf32, #tpu.memory_space<vmem>>
        %swap3A_1448 = arith.index_cast %add3A_1443 : i32 to index
        %swap3A_1449 = tpu.vector_load %swap3A_1447[%swap3A_1448] {strides = array<i32>} : memref<4096xf32, #tpu.memory_space<vmem>>, vector<16xf32>,
        %swap3A_1450 = vector.shape_cast %swap3A_1449 : vector<16xf32> to vector<16xf32>
        %swap3A_1451 = vector.shape_cast %get3A_1446 : vector<16xf32> to vector<16xf32>
        tpu.vector_store %swap3A_1447[%swap3A_1448], %swap3A_1451 {strides = array<i32>} : memref<4096xf32, #tpu.memory_space<vmem>>, vector<16xf32>,
        %add3A_1452 = arith.constant 16 : i32
        %add3A_1453 = arith.addi %mul3A_1441, %add3A_1452 : i32
        %add3A_1454 = arith.addi %sub3A_583, %add3A_1453 : i32
        %get3A_1455 = arith.index_cast %add3A_1454 : i32 to index
        %get3A_1456 = tpu.vector_load %arg4[%get3A_1455] {strides = array<i32>} : memref<32768xf32, #tpu.memory_space<vmem>>, vector<16xf32>,
        %get3A_1457 = vector.shape_cast %get3A_1456 : vector<16xf32> to vector<16xf32>
        %swap3A_1458 = arith.constant 20480 : i32
        %swap3A_1459 = tpu.memref_slice %arg6[%swap3A_1458] : memref<32768xf32, #tpu.memory_space<vmem>> -> memref<4096xf32, #tpu.memory_space<vmem>>
        %swap3A_1460 = arith.index_cast %add3A_1453 : i32 to index
        %swap3A_1461 = tpu.vector_load %swap3A_1459[%swap3A_1460] {strides = array<i32>} : memref<4096xf32, #tpu.memory_space<vmem>>, vector<16xf32>,
        %swap3A_1462 = vector.shape_cast %swap3A_1461 : vector<16xf32> to vector<16xf32>
        %swap3A_1463 = vector.shape_cast %get3A_1457 : vector<16xf32> to vector<16xf32>
        tpu.vector_store %swap3A_1459[%swap3A_1460], %swap3A_1463 {strides = array<i32>} : memref<4096xf32, #tpu.memory_space<vmem>>, vector<16xf32>,
        %add3A_1464 = arith.constant 32 : i32
        %add3A_1465 = arith.addi %mul3A_1441, %add3A_1464 : i32
        %add3A_1466 = arith.addi %sub3A_583, %add3A_1465 : i32
        %get3A_1467 = arith.index_cast %add3A_1466 : i32 to index
        %get3A_1468 = tpu.vector_load %arg4[%get3A_1467] {strides = array<i32>} : memref<32768xf32, #tpu.memory_space<vmem>>, vector<16xf32>,
        %get3A_1469 = vector.shape_cast %get3A_1468 : vector<16xf32> to vector<16xf32>
        %swap3A_1470 = arith.constant 20480 : i32
        %swap3A_1471 = tpu.memref_slice %arg6[%swap3A_1470] : memref<32768xf32, #tpu.memory_space<vmem>> -> memref<4096xf32, #tpu.memory_space<vmem>>
        %swap3A_1472 = arith.index_cast %add3A_1465 : i32 to index
        %swap3A_1473 = tpu.vector_load %swap3A_1471[%swap3A_1472] {strides = array<i32>} : memref<4096xf32, #tpu.memory_space<vmem>>, vector<16xf32>,
        %swap3A_1474 = vector.shape_cast %swap3A_1473 : vector<16xf32> to vector<16xf32>
        %swap3A_1475 = vector.shape_cast %get3A_1469 : vector<16xf32> to vector<16xf32>
        tpu.vector_store %swap3A_1471[%swap3A_1472], %swap3A_1475 {strides = array<i32>} : memref<4096xf32, #tpu.memory_space<vmem>>, vector<16xf32>,
        %add3A_1476 = arith.constant 48 : i32
        %add3A_1477 = arith.addi %mul3A_1441, %add3A_1476 : i32
        %add3A_1478 = arith.addi %sub3A_583, %add3A_1477 : i32
        %get3A_1479 = arith.index_cast %add3A_1478 : i32 to index
        %get3A_1480 = tpu.vector_load %arg4[%get3A_1479] {strides = array<i32>} : memref<32768xf32, #tpu.memory_space<vmem>>, vector<16xf32>,
        %get3A_1481 = vector.shape_cast %get3A_1480 : vector<16xf32> to vector<16xf32>
        %swap3A_1482 = arith.constant 20480 : i32
        %swap3A_1483 = tpu.memref_slice %arg6[%swap3A_1482] : memref<32768xf32, #tpu.memory_space<vmem>> -> memref<4096xf32, #tpu.memory_space<vmem>>
        %swap3A_1484 = arith.index_cast %add3A_1477 : i32 to index
        %swap3A_1485 = tpu.vector_load %swap3A_1483[%swap3A_1484] {strides = array<i32>} : memref<4096xf32, #tpu.memory_space<vmem>>, vector<16xf32>,
        %swap3A_1486 = vector.shape_cast %swap3A_1485 : vector<16xf32> to vector<16xf32>
        %swap3A_1487 = vector.shape_cast %get3A_1481 : vector<16xf32> to vector<16xf32>
        tpu.vector_store %swap3A_1483[%swap3A_1484], %swap3A_1487 {strides = array<i32>} : memref<4096xf32, #tpu.memory_space<vmem>>, vector<16xf32>,
      }
      %while3A_597 = arith.constant 1 : i32
      scf.for %while3A_1439 = %while3A_595 to %while3A_591 step %while3A_597  : i32 {
        %mul3A_1440 = arith.constant 64 : i32
        %mul3A_1441 = arith.muli %while3A_1439, %mul3A_1440 : i32
        %add3A_1442 = arith.constant 0 : i32
        %add3A_1443 = arith.addi %mul3A_1441, %add3A_1442 : i32
        %add3A_1444 = arith.addi %sub3A_583, %add3A_1443 : i32
        %get3A = arith.index_cast %add3A_1444 : i32 to index
        %get3A_1445 = tpu.vector_load %arg4[%get3A] {strides = array<i32>} : memref<32768xf32, #tpu.memory_space<vmem>>, vector<16xf32>,
        %get3A_1446 = vector.shape_cast %get3A_1445 : vector<16xf32> to vector<16xf32>
        %swap3A = arith.constant 20480 : i32
        %swap3A_1447 = tpu.memref_slice %arg6[%swap3A] : memref<32768xf32, #tpu.memory_space<vmem>> -> memref<4096xf32, #tpu.memory_space<vmem>>
        %swap3A_1448 = arith.index_cast %add3A_1443 : i32 to index
        %swap3A_1449 = tpu.vector_load %swap3A_1447[%swap3A_1448] {strides = array<i32>} : memref<4096xf32, #tpu.memory_space<vmem>>, vector<16xf32>,
        %swap3A_1450 = vector.shape_cast %swap3A_1449 : vector<16xf32> to vector<16xf32>
        %swap3A_1451 = vector.shape_cast %get3A_1446 : vector<16xf32> to vector<16xf32>
        tpu.vector_store %swap3A_1447[%swap3A_1448], %swap3A_1451 {strides = array<i32>} : memref<4096xf32, #tpu.memory_space<vmem>>, vector<16xf32>,
        %add3A_1452 = arith.constant 16 : i32
        %add3A_1453 = arith.addi %mul3A_1441, %add3A_1452 : i32
        %add3A_1454 = arith.addi %sub3A_583, %add3A_1453 : i32
        %get3A_1455 = arith.index_cast %add3A_1454 : i32 to index
        %get3A_1456 = tpu.vector_load %arg4[%get3A_1455] {strides = array<i32>} : memref<32768xf32, #tpu.memory_space<vmem>>, vector<16xf32>,
        %get3A_1457 = vector.shape_cast %get3A_1456 : vector<16xf32> to vector<16xf32>
        %swap3A_1458 = arith.constant 20480 : i32
        %swap3A_1459 = tpu.memref_slice %arg6[%swap3A_1458] : memref<32768xf32, #tpu.memory_space<vmem>> -> memref<4096xf32, #tpu.memory_space<vmem>>
        %swap3A_1460 = arith.index_cast %add3A_1453 : i32 to index
        %swap3A_1461 = tpu.vector_load %swap3A_1459[%swap3A_1460] {strides = array<i32>} : memref<4096xf32, #tpu.memory_space<vmem>>, vector<16xf32>,
        %swap3A_1462 = vector.shape_cast %swap3A_1461 : vector<16xf32> to vector<16xf32>
        %swap3A_1463 = vector.shape_cast %get3A_1457 : vector<16xf32> to vector<16xf32>
        tpu.vector_store %swap3A_1459[%swap3A_1460], %swap3A_1463 {strides = array<i32>} : memref<4096xf32, #tpu.memory_space<vmem>>, vector<16xf32>,
        %add3A_1464 = arith.constant 32 : i32
        %add3A_1465 = arith.addi %mul3A_1441, %add3A_1464 : i32
        %add3A_1466 = arith.addi %sub3A_583, %add3A_1465 : i32
        %get3A_1467 = arith.index_cast %add3A_1466 : i32 to index
        %get3A_1468 = tpu.vector_load %arg4[%get3A_1467] {strides = array<i32>} : memref<32768xf32, #tpu.memory_space<vmem>>, vector<16xf32>,
        %get3A_1469 = vector.shape_cast %get3A_1468 : vector<16xf32> to vector<16xf32>
        %swap3A_1470 = arith.constant 20480 : i32
        %swap3A_1471 = tpu.memref_slice %arg6[%swap3A_1470] : memref<32768xf32, #tpu.memory_space<vmem>> -> memref<4096xf32, #tpu.memory_space<vmem>>
        %swap3A_1472 = arith.index_cast %add3A_1465 : i32 to index
        %swap3A_1473 = tpu.vector_load %swap3A_1471[%swap3A_1472] {strides = array<i32>} : memref<4096xf32, #tpu.memory_space<vmem>>, vector<16xf32>,
        %swap3A_1474 = vector.shape_cast %swap3A_1473 : vector<16xf32> to vector<16xf32>
        %swap3A_1475 = vector.shape_cast %get3A_1469 : vector<16xf32> to vector<16xf32>
        tpu.vector_store %swap3A_1471[%swap3A_1472], %swap3A_1475 {strides = array<i32>} : memref<4096xf32, #tpu.memory_space<vmem>>, vector<16xf32>,
        %add3A_1476 = arith.constant 48 : i32
        %add3A_1477 = arith.addi %mul3A_1441, %add3A_1476 : i32
        %add3A_1478 = arith.addi %sub3A_583, %add3A_1477 : i32
        %get3A_1479 = arith.index_cast %add3A_1478 : i32 to index
        %get3A_1480 = tpu.vector_load %arg4[%get3A_1479] {strides = array<i32>} : memref<32768xf32, #tpu.memory_space<vmem>>, vector<16xf32>,
        %get3A_1481 = vector.shape_cast %get3A_1480 : vector<16xf32> to vector<16xf32>
        %swap3A_1482 = arith.constant 20480 : i32
        %swap3A_1483 = tpu.memref_slice %arg6[%swap3A_1482] : memref<32768xf32, #tpu.memory_space<vmem>> -> memref<4096xf32, #tpu.memory_space<vmem>>
        %swap3A_1484 = arith.index_cast %add3A_1477 : i32 to index
        %swap3A_1485 = tpu.vector_load %swap3A_1483[%swap3A_1484] {strides = array<i32>} : memref<4096xf32, #tpu.memory_space<vmem>>, vector<16xf32>,
        %swap3A_1486 = vector.shape_cast %swap3A_1485 : vector<16xf32> to vector<16xf32>
        %swap3A_1487 = vector.shape_cast %get3A_1481 : vector<16xf32> to vector<16xf32>
        tpu.vector_store %swap3A_1483[%swap3A_1484], %swap3A_1487 {strides = array<i32>} : memref<4096xf32, #tpu.memory_space<vmem>>, vector<16xf32>,
      }
      %add3A_598 = arith.constant 1 : i32
      %add3A_599 = arith.addi %add3A_550, %add3A_598 : i32
      %and3A_600 = arith.constant 63 : i32
      %and3A_601 = arith.andi %add3A_599, %and3A_600 : i32
      %ne3A_602 = arith.constant 0 : i32
      %ne3A_603 = arith.cmpi ne, %and3A_601, %ne3A_602 : i32
      %convert_element_type3A_604 = arith.extui %ne3A_603 : i1 to i32
      %cond3A_605 = arith.constant 0 : i32
      %cond3A_606 = arith.cmpi ne, %convert_element_type3A_604, %cond3A_605 : i32
      scf.if %cond3A_606 {
        %mul3A_1439 = arith.constant 64 : i32
        %mul3A_1440 = arith.muli %shift_right_arithmetic3A_587, %mul3A_1439 : i32
        %add3A_1441 = arith.constant 0 : i32
        %add3A_1442 = arith.addi %mul3A_1440, %add3A_1441 : i32
        %add3A_1443 = arith.addi %sub3A_583, %add3A_1442 : i32
        %get3A = arith.index_cast %add3A_1443 : i32 to index
        %get3A_1444 = tpu.vector_load %arg4[%get3A] {strides = array<i32>} : memref<32768xf32, #tpu.memory_space<vmem>>, vector<16xf32>,
        %get3A_1445 = vector.shape_cast %get3A_1444 : vector<16xf32> to vector<16xf32>
        %add3A_1446 = vector.broadcast %add3A_1442 : i32 to vector<16xi32>
        %add3A_1447 = arith.addi %iota3A, %add3A_1446 : vector<16xi32>
        %le3A = vector.broadcast %add3A_550 : i32 to vector<16xi32>
        %le3A_1448 = arith.cmpi sle, %add3A_1447, %le3A : vector<16xi32>
        %select_n3A_1449 = arith.select %le3A_1448, %get3A_1445, %broadcast_in_dim3A_1 : vector<16xi1>, vector<16xf32>
        %swap3A = arith.constant 20480 : i32
        %swap3A_1450 = tpu.memref_slice %arg6[%swap3A] : memref<32768xf32, #tpu.memory_space<vmem>> -> memref<4096xf32, #tpu.memory_space<vmem>>
        %swap3A_1451 = arith.index_cast %add3A_1442 : i32 to index
        %swap3A_1452 = tpu.vector_load %swap3A_1450[%swap3A_1451] {strides = array<i32>} : memref<4096xf32, #tpu.memory_space<vmem>>, vector<16xf32>,
        %swap3A_1453 = vector.shape_cast %swap3A_1452 : vector<16xf32> to vector<16xf32>
        %swap3A_1454 = vector.shape_cast %select_n3A_1449 : vector<16xf32> to vector<16xf32>
        tpu.vector_store %swap3A_1450[%swap3A_1451], %swap3A_1454 {strides = array<i32>} : memref<4096xf32, #tpu.memory_space<vmem>>, vector<16xf32>,
        %add3A_1455 = arith.constant 16 : i32
        %add3A_1456 = arith.addi %mul3A_1440, %add3A_1455 : i32
        %add3A_1457 = arith.addi %sub3A_583, %add3A_1456 : i32
        %get3A_1458 = arith.index_cast %add3A_1457 : i32 to index
        %get3A_1459 = tpu.vector_load %arg4[%get3A_1458] {strides = array<i32>} : memref<32768xf32, #tpu.memory_space<vmem>>, vector<16xf32>,
        %get3A_1460 = vector.shape_cast %get3A_1459 : vector<16xf32> to vector<16xf32>
        %add3A_1461 = vector.broadcast %add3A_1456 : i32 to vector<16xi32>
        %add3A_1462 = arith.addi %iota3A, %add3A_1461 : vector<16xi32>
        %le3A_1463 = vector.broadcast %add3A_550 : i32 to vector<16xi32>
        %le3A_1464 = arith.cmpi sle, %add3A_1462, %le3A_1463 : vector<16xi32>
        %select_n3A_1465 = arith.select %le3A_1464, %get3A_1460, %broadcast_in_dim3A_1 : vector<16xi1>, vector<16xf32>
        %swap3A_1466 = arith.constant 20480 : i32
        %swap3A_1467 = tpu.memref_slice %arg6[%swap3A_1466] : memref<32768xf32, #tpu.memory_space<vmem>> -> memref<4096xf32, #tpu.memory_space<vmem>>
        %swap3A_1468 = arith.index_cast %add3A_1456 : i32 to index
        %swap3A_1469 = tpu.vector_load %swap3A_1467[%swap3A_1468] {strides = array<i32>} : memref<4096xf32, #tpu.memory_space<vmem>>, vector<16xf32>,
        %swap3A_1470 = vector.shape_cast %swap3A_1469 : vector<16xf32> to vector<16xf32>
        %swap3A_1471 = vector.shape_cast %select_n3A_1465 : vector<16xf32> to vector<16xf32>
        tpu.vector_store %swap3A_1467[%swap3A_1468], %swap3A_1471 {strides = array<i32>} : memref<4096xf32, #tpu.memory_space<vmem>>, vector<16xf32>,
        %add3A_1472 = arith.constant 32 : i32
        %add3A_1473 = arith.addi %mul3A_1440, %add3A_1472 : i32
        %add3A_1474 = arith.addi %sub3A_583, %add3A_1473 : i32
        %get3A_1475 = arith.index_cast %add3A_1474 : i32 to index
        %get3A_1476 = tpu.vector_load %arg4[%get3A_1475] {strides = array<i32>} : memref<32768xf32, #tpu.memory_space<vmem>>, vector<16xf32>,
        %get3A_1477 = vector.shape_cast %get3A_1476 : vector<16xf32> to vector<16xf32>
        %add3A_1478 = vector.broadcast %add3A_1473 : i32 to vector<16xi32>
        %add3A_1479 = arith.addi %iota3A, %add3A_1478 : vector<16xi32>
        %le3A_1480 = vector.broadcast %add3A_550 : i32 to vector<16xi32>
        %le3A_1481 = arith.cmpi sle, %add3A_1479, %le3A_1480 : vector<16xi32>
        %select_n3A_1482 = arith.select %le3A_1481, %get3A_1477, %broadcast_in_dim3A_1 : vector<16xi1>, vector<16xf32>
        %swap3A_1483 = arith.constant 20480 : i32
        %swap3A_1484 = tpu.memref_slice %arg6[%swap3A_1483] : memref<32768xf32, #tpu.memory_space<vmem>> -> memref<4096xf32, #tpu.memory_space<vmem>>
        %swap3A_1485 = arith.index_cast %add3A_1473 : i32 to index
        %swap3A_1486 = tpu.vector_load %swap3A_1484[%swap3A_1485] {strides = array<i32>} : memref<4096xf32, #tpu.memory_space<vmem>>, vector<16xf32>,
        %swap3A_1487 = vector.shape_cast %swap3A_1486 : vector<16xf32> to vector<16xf32>
        %swap3A_1488 = vector.shape_cast %select_n3A_1482 : vector<16xf32> to vector<16xf32>
        tpu.vector_store %swap3A_1484[%swap3A_1485], %swap3A_1488 {strides = array<i32>} : memref<4096xf32, #tpu.memory_space<vmem>>, vector<16xf32>,
        %add3A_1489 = arith.constant 48 : i32
        %add3A_1490 = arith.addi %mul3A_1440, %add3A_1489 : i32
        %add3A_1491 = arith.addi %sub3A_583, %add3A_1490 : i32
        %get3A_1492 = arith.index_cast %add3A_1491 : i32 to index
        %get3A_1493 = tpu.vector_load %arg4[%get3A_1492] {strides = array<i32>} : memref<32768xf32, #tpu.memory_space<vmem>>, vector<16xf32>,
        %get3A_1494 = vector.shape_cast %get3A_1493 : vector<16xf32> to vector<16xf32>
        %add3A_1495 = vector.broadcast %add3A_1490 : i32 to vector<16xi32>
        %add3A_1496 = arith.addi %iota3A, %add3A_1495 : vector<16xi32>
        %le3A_1497 = vector.broadcast %add3A_550 : i32 to vector<16xi32>
        %le3A_1498 = arith.cmpi sle, %add3A_1496, %le3A_1497 : vector<16xi32>
        %select_n3A_1499 = arith.select %le3A_1498, %get3A_1494, %broadcast_in_dim3A_1 : vector<16xi1>, vector<16xf32>
        %swap3A_1500 = arith.constant 20480 : i32
        %swap3A_1501 = tpu.memref_slice %arg6[%swap3A_1500] : memref<32768xf32, #tpu.memory_space<vmem>> -> memref<4096xf32, #tpu.memory_space<vmem>>
        %swap3A_1502 = arith.index_cast %add3A_1490 : i32 to index
        %swap3A_1503 = tpu.vector_load %swap3A_1501[%swap3A_1502] {strides = array<i32>} : memref<4096xf32, #tpu.memory_space<vmem>>, vector<16xf32>,
        %swap3A_1504 = vector.shape_cast %swap3A_1503 : vector<16xf32> to vector<16xf32>
        %swap3A_1505 = vector.shape_cast %select_n3A_1499 : vector<16xf32> to vector<16xf32>
        tpu.vector_store %swap3A_1501[%swap3A_1502], %swap3A_1505 {strides = array<i32>} : memref<4096xf32, #tpu.memory_space<vmem>>, vector<16xf32>,
      } else {
      }
      %dma_start3A_607 = arith.constant 20480 : i32
      %dma_start3A_608 = tpu.memref_slice %arg6[%dma_start3A_607] : memref<32768xf32, #tpu.memory_space<vmem>> -> memref<4096xf32, #tpu.memory_space<vmem>>
      %dma_start3A_609 = arith.constant 0 : i32
      %dma_start3A_610 = tpu.memref_slice %arg3[%add3A_550, %dma_start3A_609] : memref<4096x4096xf32, #tpu.memory_space<hbm>> -> memref<1x4096xf32, #tpu.memory_space<hbm>>
      %dma_start3A_611 = tpu.memref_squeeze %dma_start3A_610 : memref<1x4096xf32, #tpu.memory_space<hbm>> -> memref<4096xf32, #tpu.memory_space<hbm>>
      %dma_start3A_612 = arith.constant 0 : i32
      %dma_start3A_613 = tpu.memref_slice %arg3[%add3A_550, %dma_start3A_612] : memref<4096x4096xf32, #tpu.memory_space<hbm>> -> memref<1x4096xf32, #tpu.memory_space<hbm>>
      %dma_start3A_614 = tpu.memref_squeeze %dma_start3A_613 : memref<1x4096xf32, #tpu.memory_space<hbm>> -> memref<4096xf32, #tpu.memory_space<hbm>>
      %dma_start3A_615 = arith.constant 20480 : i32
      %dma_start3A_616 = tpu.memref_slice %arg6[%dma_start3A_615] : memref<32768xf32, #tpu.memory_space<vmem>> -> memref<4096xf32, #tpu.memory_space<vmem>>
      tpu.enqueue_dma source(%dma_start3A_616 : memref<4096xf32, #tpu.memory_space<vmem>>) target(%dma_start3A_614 : memref<4096xf32, #tpu.memory_space<hbm>>) target_semaphore(%arg14 : memref<!tpu.dma_semaphore, #tpu.memory_space<semaphore_mem>>)
      %add3A_617 = arith.constant 6 : i32
      %add3A_618 = arith.addi %mul3A_174, %add3A_617 : i32
      %gt3A_619 = arith.constant 0 : i32
      %gt3A_620 = arith.cmpi sgt, %mul3A_169, %gt3A_619 : i32
      %convert_element_type3A_621 = arith.extui %gt3A_620 : i1 to i32
      %cond3A_622 = arith.constant 0 : i32
      %cond3A_623 = arith.cmpi ne, %convert_element_type3A_621, %cond3A_622 : i32
      scf.if %cond3A_623 {
        %dma_wait3A_1439 = arith.constant 0 : i32
        %dma_wait3A_1440 = arith.constant 24576 : i32
        %dma_wait3A_1441 = tpu.memref_slice %arg6[%dma_wait3A_1440] : memref<32768xf32, #tpu.memory_space<vmem>> -> memref<4096xf32, #tpu.memory_space<vmem>>
        %dma_wait3A_1442 = arith.constant 0 : i32
        %dma_wait3A_1443 = tpu.memref_slice %arg3[%dma_wait3A_1439, %dma_wait3A_1442] : memref<4096x4096xf32, #tpu.memory_space<hbm>> -> memref<1x4096xf32, #tpu.memory_space<hbm>>
        %dma_wait3A_1444 = tpu.memref_squeeze %dma_wait3A_1443 : memref<1x4096xf32, #tpu.memory_space<hbm>> -> memref<4096xf32, #tpu.memory_space<hbm>>
        %dma_wait3A_1445 = arith.constant 0 : i32
        %dma_wait3A_1446 = tpu.memref_slice %arg3[%dma_wait3A_1439, %dma_wait3A_1445] : memref<4096x4096xf32, #tpu.memory_space<hbm>> -> memref<1x4096xf32, #tpu.memory_space<hbm>>
        %dma_wait3A_1447 = tpu.memref_squeeze %dma_wait3A_1446 : memref<1x4096xf32, #tpu.memory_space<hbm>> -> memref<4096xf32, #tpu.memory_space<hbm>>
        %dma_wait3A_1448 = arith.constant 24576 : i32
        %dma_wait3A_1449 = tpu.memref_slice %arg6[%dma_wait3A_1448] : memref<32768xf32, #tpu.memory_space<vmem>> -> memref<4096xf32, #tpu.memory_space<vmem>>
        tpu.wait_dma2 semaphore(%arg15 : memref<!tpu.dma_semaphore, #tpu.memory_space<semaphore_mem>>) src(%dma_wait3A_1449 : memref<4096xf32, #tpu.memory_space<vmem>>) dst(%dma_wait3A_1447 : memref<4096xf32, #tpu.memory_space<hbm>>)
      } else {
      }
      %add3A_624 = arith.constant 1 : i32
      %add3A_625 = arith.addi %add3A_618, %add3A_624 : i32
      %mul3A_626 = arith.muli %add3A_618, %add3A_625 : i32
      %jit3A_627 = arith.constant 2 : i32
      %div3A_628 = arith.divsi %mul3A_626, %jit3A_627 : i32
      %sign3A_629 = arith.constant 0 : i32
      %sign3A_630 = arith.cmpi sgt, %mul3A_626, %sign3A_629 : i32
      %sign3A_631 = arith.extui %sign3A_630 : i1 to i32
      %sign3A_632 = arith.constant 0 : i32
      %sign3A_633 = arith.cmpi slt, %mul3A_626, %sign3A_632 : i32
      %sign3A_634 = arith.extui %sign3A_633 : i1 to i32
      %sign3A_635 = arith.subi %sign3A_631, %sign3A_634 : i32
      %sign3A_636 = arith.constant 0 : i32
      %sign3A_637 = arith.cmpi sgt, %jit3A_627, %sign3A_636 : i32
      %sign3A_638 = arith.extui %sign3A_637 : i1 to i32
      %sign3A_639 = arith.constant 0 : i32
      %sign3A_640 = arith.cmpi slt, %jit3A_627, %sign3A_639 : i32
      %sign3A_641 = arith.extui %sign3A_640 : i1 to i32
      %sign3A_642 = arith.subi %sign3A_638, %sign3A_641 : i32
      %ne3A_643 = arith.cmpi ne, %sign3A_635, %sign3A_642 : i32
      %rem3A_644 = arith.remsi %mul3A_626, %jit3A_627 : i32
      %ne3A_645 = arith.constant 0 : i32
      %ne3A_646 = arith.cmpi ne, %rem3A_644, %ne3A_645 : i32
      %and3A_647 = arith.andi %ne3A_643, %ne3A_646 : i1
      %sub3A_648 = arith.constant 1 : i32
      %sub3A_649 = arith.subi %div3A_628, %sub3A_648 : i32
      %select_n3A_650 = arith.select %and3A_647, %sub3A_649, %div3A_628 : i32
      %sub3A_651 = arith.subi %select_n3A_650, %multiple_of3A_208 : i32
      %add3A_652 = arith.constant 1 : i32
      %add3A_653 = arith.addi %add3A_618, %add3A_652 : i32
      %shift_right_arithmetic3A_654 = arith.constant 6 : i32
      %shift_right_arithmetic3A_655 = arith.shrsi %add3A_653, %shift_right_arithmetic3A_654 : i32
      %while3A_656 = arith.constant 0 : i32
      %while3A_657 = arith.constant 0 : i32
      %while3A_658 = arith.subi %shift_right_arithmetic3A_655, %while3A_657 : i32
      %while3A_659 = arith.addi %while3A_657, %while3A_658 : i32
      %while3A_660 = arith.constant 1 : i32
      %while3A_661 = arith.divsi %while3A_658, %while3A_660 : i32
      %while3A_662 = arith.muli %while3A_661, %while3A_660 : i32
      %while3A_663 = arith.addi %while3A_657, %while3A_662 : i32
      %while3A_664 = arith.constant 1 : i32
      scf.for %while3A_1439 = %while3A_657 to %while3A_663 step %while3A_664  : i32 {
        %mul3A_1440 = arith.constant 64 : i32
        %mul3A_1441 = arith.muli %while3A_1439, %mul3A_1440 : i32
        %add3A_1442 = arith.constant 0 : i32
        %add3A_1443 = arith.addi %mul3A_1441, %add3A_1442 : i32
        %add3A_1444 = arith.addi %sub3A_651, %add3A_1443 : i32
        %get3A = arith.index_cast %add3A_1444 : i32 to index
        %get3A_1445 = tpu.vector_load %arg4[%get3A] {strides = array<i32>} : memref<32768xf32, #tpu.memory_space<vmem>>, vector<16xf32>,
        %get3A_1446 = vector.shape_cast %get3A_1445 : vector<16xf32> to vector<16xf32>
        %swap3A = arith.constant 24576 : i32
        %swap3A_1447 = tpu.memref_slice %arg6[%swap3A] : memref<32768xf32, #tpu.memory_space<vmem>> -> memref<4096xf32, #tpu.memory_space<vmem>>
        %swap3A_1448 = arith.index_cast %add3A_1443 : i32 to index
        %swap3A_1449 = tpu.vector_load %swap3A_1447[%swap3A_1448] {strides = array<i32>} : memref<4096xf32, #tpu.memory_space<vmem>>, vector<16xf32>,
        %swap3A_1450 = vector.shape_cast %swap3A_1449 : vector<16xf32> to vector<16xf32>
        %swap3A_1451 = vector.shape_cast %get3A_1446 : vector<16xf32> to vector<16xf32>
        tpu.vector_store %swap3A_1447[%swap3A_1448], %swap3A_1451 {strides = array<i32>} : memref<4096xf32, #tpu.memory_space<vmem>>, vector<16xf32>,
        %add3A_1452 = arith.constant 16 : i32
        %add3A_1453 = arith.addi %mul3A_1441, %add3A_1452 : i32
        %add3A_1454 = arith.addi %sub3A_651, %add3A_1453 : i32
        %get3A_1455 = arith.index_cast %add3A_1454 : i32 to index
        %get3A_1456 = tpu.vector_load %arg4[%get3A_1455] {strides = array<i32>} : memref<32768xf32, #tpu.memory_space<vmem>>, vector<16xf32>,
        %get3A_1457 = vector.shape_cast %get3A_1456 : vector<16xf32> to vector<16xf32>
        %swap3A_1458 = arith.constant 24576 : i32
        %swap3A_1459 = tpu.memref_slice %arg6[%swap3A_1458] : memref<32768xf32, #tpu.memory_space<vmem>> -> memref<4096xf32, #tpu.memory_space<vmem>>
        %swap3A_1460 = arith.index_cast %add3A_1453 : i32 to index
        %swap3A_1461 = tpu.vector_load %swap3A_1459[%swap3A_1460] {strides = array<i32>} : memref<4096xf32, #tpu.memory_space<vmem>>, vector<16xf32>,
        %swap3A_1462 = vector.shape_cast %swap3A_1461 : vector<16xf32> to vector<16xf32>
        %swap3A_1463 = vector.shape_cast %get3A_1457 : vector<16xf32> to vector<16xf32>
        tpu.vector_store %swap3A_1459[%swap3A_1460], %swap3A_1463 {strides = array<i32>} : memref<4096xf32, #tpu.memory_space<vmem>>, vector<16xf32>,
        %add3A_1464 = arith.constant 32 : i32
        %add3A_1465 = arith.addi %mul3A_1441, %add3A_1464 : i32
        %add3A_1466 = arith.addi %sub3A_651, %add3A_1465 : i32
        %get3A_1467 = arith.index_cast %add3A_1466 : i32 to index
        %get3A_1468 = tpu.vector_load %arg4[%get3A_1467] {strides = array<i32>} : memref<32768xf32, #tpu.memory_space<vmem>>, vector<16xf32>,
        %get3A_1469 = vector.shape_cast %get3A_1468 : vector<16xf32> to vector<16xf32>
        %swap3A_1470 = arith.constant 24576 : i32
        %swap3A_1471 = tpu.memref_slice %arg6[%swap3A_1470] : memref<32768xf32, #tpu.memory_space<vmem>> -> memref<4096xf32, #tpu.memory_space<vmem>>
        %swap3A_1472 = arith.index_cast %add3A_1465 : i32 to index
        %swap3A_1473 = tpu.vector_load %swap3A_1471[%swap3A_1472] {strides = array<i32>} : memref<4096xf32, #tpu.memory_space<vmem>>, vector<16xf32>,
        %swap3A_1474 = vector.shape_cast %swap3A_1473 : vector<16xf32> to vector<16xf32>
        %swap3A_1475 = vector.shape_cast %get3A_1469 : vector<16xf32> to vector<16xf32>
        tpu.vector_store %swap3A_1471[%swap3A_1472], %swap3A_1475 {strides = array<i32>} : memref<4096xf32, #tpu.memory_space<vmem>>, vector<16xf32>,
        %add3A_1476 = arith.constant 48 : i32
        %add3A_1477 = arith.addi %mul3A_1441, %add3A_1476 : i32
        %add3A_1478 = arith.addi %sub3A_651, %add3A_1477 : i32
        %get3A_1479 = arith.index_cast %add3A_1478 : i32 to index
        %get3A_1480 = tpu.vector_load %arg4[%get3A_1479] {strides = array<i32>} : memref<32768xf32, #tpu.memory_space<vmem>>, vector<16xf32>,
        %get3A_1481 = vector.shape_cast %get3A_1480 : vector<16xf32> to vector<16xf32>
        %swap3A_1482 = arith.constant 24576 : i32
        %swap3A_1483 = tpu.memref_slice %arg6[%swap3A_1482] : memref<32768xf32, #tpu.memory_space<vmem>> -> memref<4096xf32, #tpu.memory_space<vmem>>
        %swap3A_1484 = arith.index_cast %add3A_1477 : i32 to index
        %swap3A_1485 = tpu.vector_load %swap3A_1483[%swap3A_1484] {strides = array<i32>} : memref<4096xf32, #tpu.memory_space<vmem>>, vector<16xf32>,
        %swap3A_1486 = vector.shape_cast %swap3A_1485 : vector<16xf32> to vector<16xf32>
        %swap3A_1487 = vector.shape_cast %get3A_1481 : vector<16xf32> to vector<16xf32>
        tpu.vector_store %swap3A_1483[%swap3A_1484], %swap3A_1487 {strides = array<i32>} : memref<4096xf32, #tpu.memory_space<vmem>>, vector<16xf32>,
      }
      %while3A_665 = arith.constant 1 : i32
      scf.for %while3A_1439 = %while3A_663 to %while3A_659 step %while3A_665  : i32 {
        %mul3A_1440 = arith.constant 64 : i32
        %mul3A_1441 = arith.muli %while3A_1439, %mul3A_1440 : i32
        %add3A_1442 = arith.constant 0 : i32
        %add3A_1443 = arith.addi %mul3A_1441, %add3A_1442 : i32
        %add3A_1444 = arith.addi %sub3A_651, %add3A_1443 : i32
        %get3A = arith.index_cast %add3A_1444 : i32 to index
        %get3A_1445 = tpu.vector_load %arg4[%get3A] {strides = array<i32>} : memref<32768xf32, #tpu.memory_space<vmem>>, vector<16xf32>,
        %get3A_1446 = vector.shape_cast %get3A_1445 : vector<16xf32> to vector<16xf32>
        %swap3A = arith.constant 24576 : i32
        %swap3A_1447 = tpu.memref_slice %arg6[%swap3A] : memref<32768xf32, #tpu.memory_space<vmem>> -> memref<4096xf32, #tpu.memory_space<vmem>>
        %swap3A_1448 = arith.index_cast %add3A_1443 : i32 to index
        %swap3A_1449 = tpu.vector_load %swap3A_1447[%swap3A_1448] {strides = array<i32>} : memref<4096xf32, #tpu.memory_space<vmem>>, vector<16xf32>,
        %swap3A_1450 = vector.shape_cast %swap3A_1449 : vector<16xf32> to vector<16xf32>
        %swap3A_1451 = vector.shape_cast %get3A_1446 : vector<16xf32> to vector<16xf32>
        tpu.vector_store %swap3A_1447[%swap3A_1448], %swap3A_1451 {strides = array<i32>} : memref<4096xf32, #tpu.memory_space<vmem>>, vector<16xf32>,
        %add3A_1452 = arith.constant 16 : i32
        %add3A_1453 = arith.addi %mul3A_1441, %add3A_1452 : i32
        %add3A_1454 = arith.addi %sub3A_651, %add3A_1453 : i32
        %get3A_1455 = arith.index_cast %add3A_1454 : i32 to index
        %get3A_1456 = tpu.vector_load %arg4[%get3A_1455] {strides = array<i32>} : memref<32768xf32, #tpu.memory_space<vmem>>, vector<16xf32>,
        %get3A_1457 = vector.shape_cast %get3A_1456 : vector<16xf32> to vector<16xf32>
        %swap3A_1458 = arith.constant 24576 : i32
        %swap3A_1459 = tpu.memref_slice %arg6[%swap3A_1458] : memref<32768xf32, #tpu.memory_space<vmem>> -> memref<4096xf32, #tpu.memory_space<vmem>>
        %swap3A_1460 = arith.index_cast %add3A_1453 : i32 to index
        %swap3A_1461 = tpu.vector_load %swap3A_1459[%swap3A_1460] {strides = array<i32>} : memref<4096xf32, #tpu.memory_space<vmem>>, vector<16xf32>,
        %swap3A_1462 = vector.shape_cast %swap3A_1461 : vector<16xf32> to vector<16xf32>
        %swap3A_1463 = vector.shape_cast %get3A_1457 : vector<16xf32> to vector<16xf32>
        tpu.vector_store %swap3A_1459[%swap3A_1460], %swap3A_1463 {strides = array<i32>} : memref<4096xf32, #tpu.memory_space<vmem>>, vector<16xf32>,
        %add3A_1464 = arith.constant 32 : i32
        %add3A_1465 = arith.addi %mul3A_1441, %add3A_1464 : i32
        %add3A_1466 = arith.addi %sub3A_651, %add3A_1465 : i32
        %get3A_1467 = arith.index_cast %add3A_1466 : i32 to index
        %get3A_1468 = tpu.vector_load %arg4[%get3A_1467] {strides = array<i32>} : memref<32768xf32, #tpu.memory_space<vmem>>, vector<16xf32>,
        %get3A_1469 = vector.shape_cast %get3A_1468 : vector<16xf32> to vector<16xf32>
        %swap3A_1470 = arith.constant 24576 : i32
        %swap3A_1471 = tpu.memref_slice %arg6[%swap3A_1470] : memref<32768xf32, #tpu.memory_space<vmem>> -> memref<4096xf32, #tpu.memory_space<vmem>>
        %swap3A_1472 = arith.index_cast %add3A_1465 : i32 to index
        %swap3A_1473 = tpu.vector_load %swap3A_1471[%swap3A_1472] {strides = array<i32>} : memref<4096xf32, #tpu.memory_space<vmem>>, vector<16xf32>,
        %swap3A_1474 = vector.shape_cast %swap3A_1473 : vector<16xf32> to vector<16xf32>
        %swap3A_1475 = vector.shape_cast %get3A_1469 : vector<16xf32> to vector<16xf32>
        tpu.vector_store %swap3A_1471[%swap3A_1472], %swap3A_1475 {strides = array<i32>} : memref<4096xf32, #tpu.memory_space<vmem>>, vector<16xf32>,
        %add3A_1476 = arith.constant 48 : i32
        %add3A_1477 = arith.addi %mul3A_1441, %add3A_1476 : i32
        %add3A_1478 = arith.addi %sub3A_651, %add3A_1477 : i32
        %get3A_1479 = arith.index_cast %add3A_1478 : i32 to index
        %get3A_1480 = tpu.vector_load %arg4[%get3A_1479] {strides = array<i32>} : memref<32768xf32, #tpu.memory_space<vmem>>, vector<16xf32>,
        %get3A_1481 = vector.shape_cast %get3A_1480 : vector<16xf32> to vector<16xf32>
        %swap3A_1482 = arith.constant 24576 : i32
        %swap3A_1483 = tpu.memref_slice %arg6[%swap3A_1482] : memref<32768xf32, #tpu.memory_space<vmem>> -> memref<4096xf32, #tpu.memory_space<vmem>>
        %swap3A_1484 = arith.index_cast %add3A_1477 : i32 to index
        %swap3A_1485 = tpu.vector_load %swap3A_1483[%swap3A_1484] {strides = array<i32>} : memref<4096xf32, #tpu.memory_space<vmem>>, vector<16xf32>,
        %swap3A_1486 = vector.shape_cast %swap3A_1485 : vector<16xf32> to vector<16xf32>
        %swap3A_1487 = vector.shape_cast %get3A_1481 : vector<16xf32> to vector<16xf32>
        tpu.vector_store %swap3A_1483[%swap3A_1484], %swap3A_1487 {strides = array<i32>} : memref<4096xf32, #tpu.memory_space<vmem>>, vector<16xf32>,
      }
      %add3A_666 = arith.constant 1 : i32
      %add3A_667 = arith.addi %add3A_618, %add3A_666 : i32
      %and3A_668 = arith.constant 63 : i32
      %and3A_669 = arith.andi %add3A_667, %and3A_668 : i32
      %ne3A_670 = arith.constant 0 : i32
      %ne3A_671 = arith.cmpi ne, %and3A_669, %ne3A_670 : i32
      %convert_element_type3A_672 = arith.extui %ne3A_671 : i1 to i32
      %cond3A_673 = arith.constant 0 : i32
      %cond3A_674 = arith.cmpi ne, %convert_element_type3A_672, %cond3A_673 : i32
      scf.if %cond3A_674 {
        %mul3A_1439 = arith.constant 64 : i32
        %mul3A_1440 = arith.muli %shift_right_arithmetic3A_655, %mul3A_1439 : i32
        %add3A_1441 = arith.constant 0 : i32
        %add3A_1442 = arith.addi %mul3A_1440, %add3A_1441 : i32
        %add3A_1443 = arith.addi %sub3A_651, %add3A_1442 : i32
        %get3A = arith.index_cast %add3A_1443 : i32 to index
        %get3A_1444 = tpu.vector_load %arg4[%get3A] {strides = array<i32>} : memref<32768xf32, #tpu.memory_space<vmem>>, vector<16xf32>,
        %get3A_1445 = vector.shape_cast %get3A_1444 : vector<16xf32> to vector<16xf32>
        %add3A_1446 = vector.broadcast %add3A_1442 : i32 to vector<16xi32>
        %add3A_1447 = arith.addi %iota3A, %add3A_1446 : vector<16xi32>
        %le3A = vector.broadcast %add3A_618 : i32 to vector<16xi32>
        %le3A_1448 = arith.cmpi sle, %add3A_1447, %le3A : vector<16xi32>
        %select_n3A_1449 = arith.select %le3A_1448, %get3A_1445, %broadcast_in_dim3A_1 : vector<16xi1>, vector<16xf32>
        %swap3A = arith.constant 24576 : i32
        %swap3A_1450 = tpu.memref_slice %arg6[%swap3A] : memref<32768xf32, #tpu.memory_space<vmem>> -> memref<4096xf32, #tpu.memory_space<vmem>>
        %swap3A_1451 = arith.index_cast %add3A_1442 : i32 to index
        %swap3A_1452 = tpu.vector_load %swap3A_1450[%swap3A_1451] {strides = array<i32>} : memref<4096xf32, #tpu.memory_space<vmem>>, vector<16xf32>,
        %swap3A_1453 = vector.shape_cast %swap3A_1452 : vector<16xf32> to vector<16xf32>
        %swap3A_1454 = vector.shape_cast %select_n3A_1449 : vector<16xf32> to vector<16xf32>
        tpu.vector_store %swap3A_1450[%swap3A_1451], %swap3A_1454 {strides = array<i32>} : memref<4096xf32, #tpu.memory_space<vmem>>, vector<16xf32>,
        %add3A_1455 = arith.constant 16 : i32
        %add3A_1456 = arith.addi %mul3A_1440, %add3A_1455 : i32
        %add3A_1457 = arith.addi %sub3A_651, %add3A_1456 : i32
        %get3A_1458 = arith.index_cast %add3A_1457 : i32 to index
        %get3A_1459 = tpu.vector_load %arg4[%get3A_1458] {strides = array<i32>} : memref<32768xf32, #tpu.memory_space<vmem>>, vector<16xf32>,
        %get3A_1460 = vector.shape_cast %get3A_1459 : vector<16xf32> to vector<16xf32>
        %add3A_1461 = vector.broadcast %add3A_1456 : i32 to vector<16xi32>
        %add3A_1462 = arith.addi %iota3A, %add3A_1461 : vector<16xi32>
        %le3A_1463 = vector.broadcast %add3A_618 : i32 to vector<16xi32>
        %le3A_1464 = arith.cmpi sle, %add3A_1462, %le3A_1463 : vector<16xi32>
        %select_n3A_1465 = arith.select %le3A_1464, %get3A_1460, %broadcast_in_dim3A_1 : vector<16xi1>, vector<16xf32>
        %swap3A_1466 = arith.constant 24576 : i32
        %swap3A_1467 = tpu.memref_slice %arg6[%swap3A_1466] : memref<32768xf32, #tpu.memory_space<vmem>> -> memref<4096xf32, #tpu.memory_space<vmem>>
        %swap3A_1468 = arith.index_cast %add3A_1456 : i32 to index
        %swap3A_1469 = tpu.vector_load %swap3A_1467[%swap3A_1468] {strides = array<i32>} : memref<4096xf32, #tpu.memory_space<vmem>>, vector<16xf32>,
        %swap3A_1470 = vector.shape_cast %swap3A_1469 : vector<16xf32> to vector<16xf32>
        %swap3A_1471 = vector.shape_cast %select_n3A_1465 : vector<16xf32> to vector<16xf32>
        tpu.vector_store %swap3A_1467[%swap3A_1468], %swap3A_1471 {strides = array<i32>} : memref<4096xf32, #tpu.memory_space<vmem>>, vector<16xf32>,
        %add3A_1472 = arith.constant 32 : i32
        %add3A_1473 = arith.addi %mul3A_1440, %add3A_1472 : i32
        %add3A_1474 = arith.addi %sub3A_651, %add3A_1473 : i32
        %get3A_1475 = arith.index_cast %add3A_1474 : i32 to index
        %get3A_1476 = tpu.vector_load %arg4[%get3A_1475] {strides = array<i32>} : memref<32768xf32, #tpu.memory_space<vmem>>, vector<16xf32>,
        %get3A_1477 = vector.shape_cast %get3A_1476 : vector<16xf32> to vector<16xf32>
        %add3A_1478 = vector.broadcast %add3A_1473 : i32 to vector<16xi32>
        %add3A_1479 = arith.addi %iota3A, %add3A_1478 : vector<16xi32>
        %le3A_1480 = vector.broadcast %add3A_618 : i32 to vector<16xi32>
        %le3A_1481 = arith.cmpi sle, %add3A_1479, %le3A_1480 : vector<16xi32>
        %select_n3A_1482 = arith.select %le3A_1481, %get3A_1477, %broadcast_in_dim3A_1 : vector<16xi1>, vector<16xf32>
        %swap3A_1483 = arith.constant 24576 : i32
        %swap3A_1484 = tpu.memref_slice %arg6[%swap3A_1483] : memref<32768xf32, #tpu.memory_space<vmem>> -> memref<4096xf32, #tpu.memory_space<vmem>>
        %swap3A_1485 = arith.index_cast %add3A_1473 : i32 to index
        %swap3A_1486 = tpu.vector_load %swap3A_1484[%swap3A_1485] {strides = array<i32>} : memref<4096xf32, #tpu.memory_space<vmem>>, vector<16xf32>,
        %swap3A_1487 = vector.shape_cast %swap3A_1486 : vector<16xf32> to vector<16xf32>
        %swap3A_1488 = vector.shape_cast %select_n3A_1482 : vector<16xf32> to vector<16xf32>
        tpu.vector_store %swap3A_1484[%swap3A_1485], %swap3A_1488 {strides = array<i32>} : memref<4096xf32, #tpu.memory_space<vmem>>, vector<16xf32>,
        %add3A_1489 = arith.constant 48 : i32
        %add3A_1490 = arith.addi %mul3A_1440, %add3A_1489 : i32
        %add3A_1491 = arith.addi %sub3A_651, %add3A_1490 : i32
        %get3A_1492 = arith.index_cast %add3A_1491 : i32 to index
        %get3A_1493 = tpu.vector_load %arg4[%get3A_1492] {strides = array<i32>} : memref<32768xf32, #tpu.memory_space<vmem>>, vector<16xf32>,
        %get3A_1494 = vector.shape_cast %get3A_1493 : vector<16xf32> to vector<16xf32>
        %add3A_1495 = vector.broadcast %add3A_1490 : i32 to vector<16xi32>
        %add3A_1496 = arith.addi %iota3A, %add3A_1495 : vector<16xi32>
        %le3A_1497 = vector.broadcast %add3A_618 : i32 to vector<16xi32>
        %le3A_1498 = arith.cmpi sle, %add3A_1496, %le3A_1497 : vector<16xi32>
        %select_n3A_1499 = arith.select %le3A_1498, %get3A_1494, %broadcast_in_dim3A_1 : vector<16xi1>, vector<16xf32>
        %swap3A_1500 = arith.constant 24576 : i32
        %swap3A_1501 = tpu.memref_slice %arg6[%swap3A_1500] : memref<32768xf32, #tpu.memory_space<vmem>> -> memref<4096xf32, #tpu.memory_space<vmem>>
        %swap3A_1502 = arith.index_cast %add3A_1490 : i32 to index
        %swap3A_1503 = tpu.vector_load %swap3A_1501[%swap3A_1502] {strides = array<i32>} : memref<4096xf32, #tpu.memory_space<vmem>>, vector<16xf32>,
        %swap3A_1504 = vector.shape_cast %swap3A_1503 : vector<16xf32> to vector<16xf32>
        %swap3A_1505 = vector.shape_cast %select_n3A_1499 : vector<16xf32> to vector<16xf32>
        tpu.vector_store %swap3A_1501[%swap3A_1502], %swap3A_1505 {strides = array<i32>} : memref<4096xf32, #tpu.memory_space<vmem>>, vector<16xf32>,
      } else {
      }
      %dma_start3A_675 = arith.constant 24576 : i32
      %dma_start3A_676 = tpu.memref_slice %arg6[%dma_start3A_675] : memref<32768xf32, #tpu.memory_space<vmem>> -> memref<4096xf32, #tpu.memory_space<vmem>>
      %dma_start3A_677 = arith.constant 0 : i32
      %dma_start3A_678 = tpu.memref_slice %arg3[%add3A_618, %dma_start3A_677] : memref<4096x4096xf32, #tpu.memory_space<hbm>> -> memref<1x4096xf32, #tpu.memory_space<hbm>>
      %dma_start3A_679 = tpu.memref_squeeze %dma_start3A_678 : memref<1x4096xf32, #tpu.memory_space<hbm>> -> memref<4096xf32, #tpu.memory_space<hbm>>
      %dma_start3A_680 = arith.constant 0 : i32
      %dma_start3A_681 = tpu.memref_slice %arg3[%add3A_618, %dma_start3A_680] : memref<4096x4096xf32, #tpu.memory_space<hbm>> -> memref<1x4096xf32, #tpu.memory_space<hbm>>
      %dma_start3A_682 = tpu.memref_squeeze %dma_start3A_681 : memref<1x4096xf32, #tpu.memory_space<hbm>> -> memref<4096xf32, #tpu.memory_space<hbm>>
      %dma_start3A_683 = arith.constant 24576 : i32
      %dma_start3A_684 = tpu.memref_slice %arg6[%dma_start3A_683] : memref<32768xf32, #tpu.memory_space<vmem>> -> memref<4096xf32, #tpu.memory_space<vmem>>
      tpu.enqueue_dma source(%dma_start3A_684 : memref<4096xf32, #tpu.memory_space<vmem>>) target(%dma_start3A_682 : memref<4096xf32, #tpu.memory_space<hbm>>) target_semaphore(%arg15 : memref<!tpu.dma_semaphore, #tpu.memory_space<semaphore_mem>>)
      %add3A_685 = arith.constant 7 : i32
      %add3A_686 = arith.addi %mul3A_174, %add3A_685 : i32
      %gt3A_687 = arith.constant 0 : i32
      %gt3A_688 = arith.cmpi sgt, %mul3A_169, %gt3A_687 : i32
      %convert_element_type3A_689 = arith.extui %gt3A_688 : i1 to i32
      %cond3A_690 = arith.constant 0 : i32
      %cond3A_691 = arith.cmpi ne, %convert_element_type3A_689, %cond3A_690 : i32
      scf.if %cond3A_691 {
        %dma_wait3A_1439 = arith.constant 0 : i32
        %dma_wait3A_1440 = arith.constant 28672 : i32
        %dma_wait3A_1441 = tpu.memref_slice %arg6[%dma_wait3A_1440] : memref<32768xf32, #tpu.memory_space<vmem>> -> memref<4096xf32, #tpu.memory_space<vmem>>
        %dma_wait3A_1442 = arith.constant 0 : i32
        %dma_wait3A_1443 = tpu.memref_slice %arg3[%dma_wait3A_1439, %dma_wait3A_1442] : memref<4096x4096xf32, #tpu.memory_space<hbm>> -> memref<1x4096xf32, #tpu.memory_space<hbm>>
        %dma_wait3A_1444 = tpu.memref_squeeze %dma_wait3A_1443 : memref<1x4096xf32, #tpu.memory_space<hbm>> -> memref<4096xf32, #tpu.memory_space<hbm>>
        %dma_wait3A_1445 = arith.constant 0 : i32
        %dma_wait3A_1446 = tpu.memref_slice %arg3[%dma_wait3A_1439, %dma_wait3A_1445] : memref<4096x4096xf32, #tpu.memory_space<hbm>> -> memref<1x4096xf32, #tpu.memory_space<hbm>>
        %dma_wait3A_1447 = tpu.memref_squeeze %dma_wait3A_1446 : memref<1x4096xf32, #tpu.memory_space<hbm>> -> memref<4096xf32, #tpu.memory_space<hbm>>
        %dma_wait3A_1448 = arith.constant 28672 : i32
        %dma_wait3A_1449 = tpu.memref_slice %arg6[%dma_wait3A_1448] : memref<32768xf32, #tpu.memory_space<vmem>> -> memref<4096xf32, #tpu.memory_space<vmem>>
        tpu.wait_dma2 semaphore(%arg16 : memref<!tpu.dma_semaphore, #tpu.memory_space<semaphore_mem>>) src(%dma_wait3A_1449 : memref<4096xf32, #tpu.memory_space<vmem>>) dst(%dma_wait3A_1447 : memref<4096xf32, #tpu.memory_space<hbm>>)
      } else {
      }
      %add3A_692 = arith.constant 1 : i32
      %add3A_693 = arith.addi %add3A_686, %add3A_692 : i32
      %mul3A_694 = arith.muli %add3A_686, %add3A_693 : i32
      %jit3A_695 = arith.constant 2 : i32
      %div3A_696 = arith.divsi %mul3A_694, %jit3A_695 : i32
      %sign3A_697 = arith.constant 0 : i32
      %sign3A_698 = arith.cmpi sgt, %mul3A_694, %sign3A_697 : i32
      %sign3A_699 = arith.extui %sign3A_698 : i1 to i32
      %sign3A_700 = arith.constant 0 : i32
      %sign3A_701 = arith.cmpi slt, %mul3A_694, %sign3A_700 : i32
      %sign3A_702 = arith.extui %sign3A_701 : i1 to i32
      %sign3A_703 = arith.subi %sign3A_699, %sign3A_702 : i32
      %sign3A_704 = arith.constant 0 : i32
      %sign3A_705 = arith.cmpi sgt, %jit3A_695, %sign3A_704 : i32
      %sign3A_706 = arith.extui %sign3A_705 : i1 to i32
      %sign3A_707 = arith.constant 0 : i32
      %sign3A_708 = arith.cmpi slt, %jit3A_695, %sign3A_707 : i32
      %sign3A_709 = arith.extui %sign3A_708 : i1 to i32
      %sign3A_710 = arith.subi %sign3A_706, %sign3A_709 : i32
      %ne3A_711 = arith.cmpi ne, %sign3A_703, %sign3A_710 : i32
      %rem3A_712 = arith.remsi %mul3A_694, %jit3A_695 : i32
      %ne3A_713 = arith.constant 0 : i32
      %ne3A_714 = arith.cmpi ne, %rem3A_712, %ne3A_713 : i32
      %and3A_715 = arith.andi %ne3A_711, %ne3A_714 : i1
      %sub3A_716 = arith.constant 1 : i32
      %sub3A_717 = arith.subi %div3A_696, %sub3A_716 : i32
      %select_n3A_718 = arith.select %and3A_715, %sub3A_717, %div3A_696 : i32
      %sub3A_719 = arith.subi %select_n3A_718, %multiple_of3A_208 : i32
      %add3A_720 = arith.constant 1 : i32
      %add3A_721 = arith.addi %add3A_686, %add3A_720 : i32
      %shift_right_arithmetic3A_722 = arith.constant 6 : i32
      %shift_right_arithmetic3A_723 = arith.shrsi %add3A_721, %shift_right_arithmetic3A_722 : i32
      %while3A_724 = arith.constant 0 : i32
      %while3A_725 = arith.constant 0 : i32
      %while3A_726 = arith.subi %shift_right_arithmetic3A_723, %while3A_725 : i32
      %while3A_727 = arith.addi %while3A_725, %while3A_726 : i32
      %while3A_728 = arith.constant 1 : i32
      %while3A_729 = arith.divsi %while3A_726, %while3A_728 : i32
      %while3A_730 = arith.muli %while3A_729, %while3A_728 : i32
      %while3A_731 = arith.addi %while3A_725, %while3A_730 : i32
      %while3A_732 = arith.constant 1 : i32
      scf.for %while3A_1439 = %while3A_725 to %while3A_731 step %while3A_732  : i32 {
        %mul3A_1440 = arith.constant 64 : i32
        %mul3A_1441 = arith.muli %while3A_1439, %mul3A_1440 : i32
        %add3A_1442 = arith.constant 0 : i32
        %add3A_1443 = arith.addi %mul3A_1441, %add3A_1442 : i32
        %add3A_1444 = arith.addi %sub3A_719, %add3A_1443 : i32
        %get3A = arith.index_cast %add3A_1444 : i32 to index
        %get3A_1445 = tpu.vector_load %arg4[%get3A] {strides = array<i32>} : memref<32768xf32, #tpu.memory_space<vmem>>, vector<16xf32>,
        %get3A_1446 = vector.shape_cast %get3A_1445 : vector<16xf32> to vector<16xf32>
        %swap3A = arith.constant 28672 : i32
        %swap3A_1447 = tpu.memref_slice %arg6[%swap3A] : memref<32768xf32, #tpu.memory_space<vmem>> -> memref<4096xf32, #tpu.memory_space<vmem>>
        %swap3A_1448 = arith.index_cast %add3A_1443 : i32 to index
        %swap3A_1449 = tpu.vector_load %swap3A_1447[%swap3A_1448] {strides = array<i32>} : memref<4096xf32, #tpu.memory_space<vmem>>, vector<16xf32>,
        %swap3A_1450 = vector.shape_cast %swap3A_1449 : vector<16xf32> to vector<16xf32>
        %swap3A_1451 = vector.shape_cast %get3A_1446 : vector<16xf32> to vector<16xf32>
        tpu.vector_store %swap3A_1447[%swap3A_1448], %swap3A_1451 {strides = array<i32>} : memref<4096xf32, #tpu.memory_space<vmem>>, vector<16xf32>,
        %add3A_1452 = arith.constant 16 : i32
        %add3A_1453 = arith.addi %mul3A_1441, %add3A_1452 : i32
        %add3A_1454 = arith.addi %sub3A_719, %add3A_1453 : i32
        %get3A_1455 = arith.index_cast %add3A_1454 : i32 to index
        %get3A_1456 = tpu.vector_load %arg4[%get3A_1455] {strides = array<i32>} : memref<32768xf32, #tpu.memory_space<vmem>>, vector<16xf32>,
        %get3A_1457 = vector.shape_cast %get3A_1456 : vector<16xf32> to vector<16xf32>
        %swap3A_1458 = arith.constant 28672 : i32
        %swap3A_1459 = tpu.memref_slice %arg6[%swap3A_1458] : memref<32768xf32, #tpu.memory_space<vmem>> -> memref<4096xf32, #tpu.memory_space<vmem>>
        %swap3A_1460 = arith.index_cast %add3A_1453 : i32 to index
        %swap3A_1461 = tpu.vector_load %swap3A_1459[%swap3A_1460] {strides = array<i32>} : memref<4096xf32, #tpu.memory_space<vmem>>, vector<16xf32>,
        %swap3A_1462 = vector.shape_cast %swap3A_1461 : vector<16xf32> to vector<16xf32>
        %swap3A_1463 = vector.shape_cast %get3A_1457 : vector<16xf32> to vector<16xf32>
        tpu.vector_store %swap3A_1459[%swap3A_1460], %swap3A_1463 {strides = array<i32>} : memref<4096xf32, #tpu.memory_space<vmem>>, vector<16xf32>,
        %add3A_1464 = arith.constant 32 : i32
        %add3A_1465 = arith.addi %mul3A_1441, %add3A_1464 : i32
        %add3A_1466 = arith.addi %sub3A_719, %add3A_1465 : i32
        %get3A_1467 = arith.index_cast %add3A_1466 : i32 to index
        %get3A_1468 = tpu.vector_load %arg4[%get3A_1467] {strides = array<i32>} : memref<32768xf32, #tpu.memory_space<vmem>>, vector<16xf32>,
        %get3A_1469 = vector.shape_cast %get3A_1468 : vector<16xf32> to vector<16xf32>
        %swap3A_1470 = arith.constant 28672 : i32
        %swap3A_1471 = tpu.memref_slice %arg6[%swap3A_1470] : memref<32768xf32, #tpu.memory_space<vmem>> -> memref<4096xf32, #tpu.memory_space<vmem>>
        %swap3A_1472 = arith.index_cast %add3A_1465 : i32 to index
        %swap3A_1473 = tpu.vector_load %swap3A_1471[%swap3A_1472] {strides = array<i32>} : memref<4096xf32, #tpu.memory_space<vmem>>, vector<16xf32>,
        %swap3A_1474 = vector.shape_cast %swap3A_1473 : vector<16xf32> to vector<16xf32>
        %swap3A_1475 = vector.shape_cast %get3A_1469 : vector<16xf32> to vector<16xf32>
        tpu.vector_store %swap3A_1471[%swap3A_1472], %swap3A_1475 {strides = array<i32>} : memref<4096xf32, #tpu.memory_space<vmem>>, vector<16xf32>,
        %add3A_1476 = arith.constant 48 : i32
        %add3A_1477 = arith.addi %mul3A_1441, %add3A_1476 : i32
        %add3A_1478 = arith.addi %sub3A_719, %add3A_1477 : i32
        %get3A_1479 = arith.index_cast %add3A_1478 : i32 to index
        %get3A_1480 = tpu.vector_load %arg4[%get3A_1479] {strides = array<i32>} : memref<32768xf32, #tpu.memory_space<vmem>>, vector<16xf32>,
        %get3A_1481 = vector.shape_cast %get3A_1480 : vector<16xf32> to vector<16xf32>
        %swap3A_1482 = arith.constant 28672 : i32
        %swap3A_1483 = tpu.memref_slice %arg6[%swap3A_1482] : memref<32768xf32, #tpu.memory_space<vmem>> -> memref<4096xf32, #tpu.memory_space<vmem>>
        %swap3A_1484 = arith.index_cast %add3A_1477 : i32 to index
        %swap3A_1485 = tpu.vector_load %swap3A_1483[%swap3A_1484] {strides = array<i32>} : memref<4096xf32, #tpu.memory_space<vmem>>, vector<16xf32>,
        %swap3A_1486 = vector.shape_cast %swap3A_1485 : vector<16xf32> to vector<16xf32>
        %swap3A_1487 = vector.shape_cast %get3A_1481 : vector<16xf32> to vector<16xf32>
        tpu.vector_store %swap3A_1483[%swap3A_1484], %swap3A_1487 {strides = array<i32>} : memref<4096xf32, #tpu.memory_space<vmem>>, vector<16xf32>,
      }
      %while3A_733 = arith.constant 1 : i32
      scf.for %while3A_1439 = %while3A_731 to %while3A_727 step %while3A_733  : i32 {
        %mul3A_1440 = arith.constant 64 : i32
        %mul3A_1441 = arith.muli %while3A_1439, %mul3A_1440 : i32
        %add3A_1442 = arith.constant 0 : i32
        %add3A_1443 = arith.addi %mul3A_1441, %add3A_1442 : i32
        %add3A_1444 = arith.addi %sub3A_719, %add3A_1443 : i32
        %get3A = arith.index_cast %add3A_1444 : i32 to index
        %get3A_1445 = tpu.vector_load %arg4[%get3A] {strides = array<i32>} : memref<32768xf32, #tpu.memory_space<vmem>>, vector<16xf32>,
        %get3A_1446 = vector.shape_cast %get3A_1445 : vector<16xf32> to vector<16xf32>
        %swap3A = arith.constant 28672 : i32
        %swap3A_1447 = tpu.memref_slice %arg6[%swap3A] : memref<32768xf32, #tpu.memory_space<vmem>> -> memref<4096xf32, #tpu.memory_space<vmem>>
        %swap3A_1448 = arith.index_cast %add3A_1443 : i32 to index
        %swap3A_1449 = tpu.vector_load %swap3A_1447[%swap3A_1448] {strides = array<i32>} : memref<4096xf32, #tpu.memory_space<vmem>>, vector<16xf32>,
        %swap3A_1450 = vector.shape_cast %swap3A_1449 : vector<16xf32> to vector<16xf32>
        %swap3A_1451 = vector.shape_cast %get3A_1446 : vector<16xf32> to vector<16xf32>
        tpu.vector_store %swap3A_1447[%swap3A_1448], %swap3A_1451 {strides = array<i32>} : memref<4096xf32, #tpu.memory_space<vmem>>, vector<16xf32>,
        %add3A_1452 = arith.constant 16 : i32
        %add3A_1453 = arith.addi %mul3A_1441, %add3A_1452 : i32
        %add3A_1454 = arith.addi %sub3A_719, %add3A_1453 : i32
        %get3A_1455 = arith.index_cast %add3A_1454 : i32 to index
        %get3A_1456 = tpu.vector_load %arg4[%get3A_1455] {strides = array<i32>} : memref<32768xf32, #tpu.memory_space<vmem>>, vector<16xf32>,
        %get3A_1457 = vector.shape_cast %get3A_1456 : vector<16xf32> to vector<16xf32>
        %swap3A_1458 = arith.constant 28672 : i32
        %swap3A_1459 = tpu.memref_slice %arg6[%swap3A_1458] : memref<32768xf32, #tpu.memory_space<vmem>> -> memref<4096xf32, #tpu.memory_space<vmem>>
        %swap3A_1460 = arith.index_cast %add3A_1453 : i32 to index
        %swap3A_1461 = tpu.vector_load %swap3A_1459[%swap3A_1460] {strides = array<i32>} : memref<4096xf32, #tpu.memory_space<vmem>>, vector<16xf32>,
        %swap3A_1462 = vector.shape_cast %swap3A_1461 : vector<16xf32> to vector<16xf32>
        %swap3A_1463 = vector.shape_cast %get3A_1457 : vector<16xf32> to vector<16xf32>
        tpu.vector_store %swap3A_1459[%swap3A_1460], %swap3A_1463 {strides = array<i32>} : memref<4096xf32, #tpu.memory_space<vmem>>, vector<16xf32>,
        %add3A_1464 = arith.constant 32 : i32
        %add3A_1465 = arith.addi %mul3A_1441, %add3A_1464 : i32
        %add3A_1466 = arith.addi %sub3A_719, %add3A_1465 : i32
        %get3A_1467 = arith.index_cast %add3A_1466 : i32 to index
        %get3A_1468 = tpu.vector_load %arg4[%get3A_1467] {strides = array<i32>} : memref<32768xf32, #tpu.memory_space<vmem>>, vector<16xf32>,
        %get3A_1469 = vector.shape_cast %get3A_1468 : vector<16xf32> to vector<16xf32>
        %swap3A_1470 = arith.constant 28672 : i32
        %swap3A_1471 = tpu.memref_slice %arg6[%swap3A_1470] : memref<32768xf32, #tpu.memory_space<vmem>> -> memref<4096xf32, #tpu.memory_space<vmem>>
        %swap3A_1472 = arith.index_cast %add3A_1465 : i32 to index
        %swap3A_1473 = tpu.vector_load %swap3A_1471[%swap3A_1472] {strides = array<i32>} : memref<4096xf32, #tpu.memory_space<vmem>>, vector<16xf32>,
        %swap3A_1474 = vector.shape_cast %swap3A_1473 : vector<16xf32> to vector<16xf32>
        %swap3A_1475 = vector.shape_cast %get3A_1469 : vector<16xf32> to vector<16xf32>
        tpu.vector_store %swap3A_1471[%swap3A_1472], %swap3A_1475 {strides = array<i32>} : memref<4096xf32, #tpu.memory_space<vmem>>, vector<16xf32>,
        %add3A_1476 = arith.constant 48 : i32
        %add3A_1477 = arith.addi %mul3A_1441, %add3A_1476 : i32
        %add3A_1478 = arith.addi %sub3A_719, %add3A_1477 : i32
        %get3A_1479 = arith.index_cast %add3A_1478 : i32 to index
        %get3A_1480 = tpu.vector_load %arg4[%get3A_1479] {strides = array<i32>} : memref<32768xf32, #tpu.memory_space<vmem>>, vector<16xf32>,
        %get3A_1481 = vector.shape_cast %get3A_1480 : vector<16xf32> to vector<16xf32>
        %swap3A_1482 = arith.constant 28672 : i32
        %swap3A_1483 = tpu.memref_slice %arg6[%swap3A_1482] : memref<32768xf32, #tpu.memory_space<vmem>> -> memref<4096xf32, #tpu.memory_space<vmem>>
        %swap3A_1484 = arith.index_cast %add3A_1477 : i32 to index
        %swap3A_1485 = tpu.vector_load %swap3A_1483[%swap3A_1484] {strides = array<i32>} : memref<4096xf32, #tpu.memory_space<vmem>>, vector<16xf32>,
        %swap3A_1486 = vector.shape_cast %swap3A_1485 : vector<16xf32> to vector<16xf32>
        %swap3A_1487 = vector.shape_cast %get3A_1481 : vector<16xf32> to vector<16xf32>
        tpu.vector_store %swap3A_1483[%swap3A_1484], %swap3A_1487 {strides = array<i32>} : memref<4096xf32, #tpu.memory_space<vmem>>, vector<16xf32>,
      }
      %add3A_734 = arith.constant 1 : i32
      %add3A_735 = arith.addi %add3A_686, %add3A_734 : i32
      %and3A_736 = arith.constant 63 : i32
      %and3A_737 = arith.andi %add3A_735, %and3A_736 : i32
      %ne3A_738 = arith.constant 0 : i32
      %ne3A_739 = arith.cmpi ne, %and3A_737, %ne3A_738 : i32
      %convert_element_type3A_740 = arith.extui %ne3A_739 : i1 to i32
      %cond3A_741 = arith.constant 0 : i32
      %cond3A_742 = arith.cmpi ne, %convert_element_type3A_740, %cond3A_741 : i32
      scf.if %cond3A_742 {
        %mul3A_1439 = arith.constant 64 : i32
        %mul3A_1440 = arith.muli %shift_right_arithmetic3A_723, %mul3A_1439 : i32
        %add3A_1441 = arith.constant 0 : i32
        %add3A_1442 = arith.addi %mul3A_1440, %add3A_1441 : i32
        %add3A_1443 = arith.addi %sub3A_719, %add3A_1442 : i32
        %get3A = arith.index_cast %add3A_1443 : i32 to index
        %get3A_1444 = tpu.vector_load %arg4[%get3A] {strides = array<i32>} : memref<32768xf32, #tpu.memory_space<vmem>>, vector<16xf32>,
        %get3A_1445 = vector.shape_cast %get3A_1444 : vector<16xf32> to vector<16xf32>
        %add3A_1446 = vector.broadcast %add3A_1442 : i32 to vector<16xi32>
        %add3A_1447 = arith.addi %iota3A, %add3A_1446 : vector<16xi32>
        %le3A = vector.broadcast %add3A_686 : i32 to vector<16xi32>
        %le3A_1448 = arith.cmpi sle, %add3A_1447, %le3A : vector<16xi32>
        %select_n3A_1449 = arith.select %le3A_1448, %get3A_1445, %broadcast_in_dim3A_1 : vector<16xi1>, vector<16xf32>
        %swap3A = arith.constant 28672 : i32
        %swap3A_1450 = tpu.memref_slice %arg6[%swap3A] : memref<32768xf32, #tpu.memory_space<vmem>> -> memref<4096xf32, #tpu.memory_space<vmem>>
        %swap3A_1451 = arith.index_cast %add3A_1442 : i32 to index
        %swap3A_1452 = tpu.vector_load %swap3A_1450[%swap3A_1451] {strides = array<i32>} : memref<4096xf32, #tpu.memory_space<vmem>>, vector<16xf32>,
        %swap3A_1453 = vector.shape_cast %swap3A_1452 : vector<16xf32> to vector<16xf32>
        %swap3A_1454 = vector.shape_cast %select_n3A_1449 : vector<16xf32> to vector<16xf32>
        tpu.vector_store %swap3A_1450[%swap3A_1451], %swap3A_1454 {strides = array<i32>} : memref<4096xf32, #tpu.memory_space<vmem>>, vector<16xf32>,
        %add3A_1455 = arith.constant 16 : i32
        %add3A_1456 = arith.addi %mul3A_1440, %add3A_1455 : i32
        %add3A_1457 = arith.addi %sub3A_719, %add3A_1456 : i32
        %get3A_1458 = arith.index_cast %add3A_1457 : i32 to index
        %get3A_1459 = tpu.vector_load %arg4[%get3A_1458] {strides = array<i32>} : memref<32768xf32, #tpu.memory_space<vmem>>, vector<16xf32>,
        %get3A_1460 = vector.shape_cast %get3A_1459 : vector<16xf32> to vector<16xf32>
        %add3A_1461 = vector.broadcast %add3A_1456 : i32 to vector<16xi32>
        %add3A_1462 = arith.addi %iota3A, %add3A_1461 : vector<16xi32>
        %le3A_1463 = vector.broadcast %add3A_686 : i32 to vector<16xi32>
        %le3A_1464 = arith.cmpi sle, %add3A_1462, %le3A_1463 : vector<16xi32>
        %select_n3A_1465 = arith.select %le3A_1464, %get3A_1460, %broadcast_in_dim3A_1 : vector<16xi1>, vector<16xf32>
        %swap3A_1466 = arith.constant 28672 : i32
        %swap3A_1467 = tpu.memref_slice %arg6[%swap3A_1466] : memref<32768xf32, #tpu.memory_space<vmem>> -> memref<4096xf32, #tpu.memory_space<vmem>>
        %swap3A_1468 = arith.index_cast %add3A_1456 : i32 to index
        %swap3A_1469 = tpu.vector_load %swap3A_1467[%swap3A_1468] {strides = array<i32>} : memref<4096xf32, #tpu.memory_space<vmem>>, vector<16xf32>,
        %swap3A_1470 = vector.shape_cast %swap3A_1469 : vector<16xf32> to vector<16xf32>
        %swap3A_1471 = vector.shape_cast %select_n3A_1465 : vector<16xf32> to vector<16xf32>
        tpu.vector_store %swap3A_1467[%swap3A_1468], %swap3A_1471 {strides = array<i32>} : memref<4096xf32, #tpu.memory_space<vmem>>, vector<16xf32>,
        %add3A_1472 = arith.constant 32 : i32
        %add3A_1473 = arith.addi %mul3A_1440, %add3A_1472 : i32
        %add3A_1474 = arith.addi %sub3A_719, %add3A_1473 : i32
        %get3A_1475 = arith.index_cast %add3A_1474 : i32 to index
        %get3A_1476 = tpu.vector_load %arg4[%get3A_1475] {strides = array<i32>} : memref<32768xf32, #tpu.memory_space<vmem>>, vector<16xf32>,
        %get3A_1477 = vector.shape_cast %get3A_1476 : vector<16xf32> to vector<16xf32>
        %add3A_1478 = vector.broadcast %add3A_1473 : i32 to vector<16xi32>
        %add3A_1479 = arith.addi %iota3A, %add3A_1478 : vector<16xi32>
        %le3A_1480 = vector.broadcast %add3A_686 : i32 to vector<16xi32>
        %le3A_1481 = arith.cmpi sle, %add3A_1479, %le3A_1480 : vector<16xi32>
        %select_n3A_1482 = arith.select %le3A_1481, %get3A_1477, %broadcast_in_dim3A_1 : vector<16xi1>, vector<16xf32>
        %swap3A_1483 = arith.constant 28672 : i32
        %swap3A_1484 = tpu.memref_slice %arg6[%swap3A_1483] : memref<32768xf32, #tpu.memory_space<vmem>> -> memref<4096xf32, #tpu.memory_space<vmem>>
        %swap3A_1485 = arith.index_cast %add3A_1473 : i32 to index
        %swap3A_1486 = tpu.vector_load %swap3A_1484[%swap3A_1485] {strides = array<i32>} : memref<4096xf32, #tpu.memory_space<vmem>>, vector<16xf32>,
        %swap3A_1487 = vector.shape_cast %swap3A_1486 : vector<16xf32> to vector<16xf32>
        %swap3A_1488 = vector.shape_cast %select_n3A_1482 : vector<16xf32> to vector<16xf32>
        tpu.vector_store %swap3A_1484[%swap3A_1485], %swap3A_1488 {strides = array<i32>} : memref<4096xf32, #tpu.memory_space<vmem>>, vector<16xf32>,
        %add3A_1489 = arith.constant 48 : i32
        %add3A_1490 = arith.addi %mul3A_1440, %add3A_1489 : i32
        %add3A_1491 = arith.addi %sub3A_719, %add3A_1490 : i32
        %get3A_1492 = arith.index_cast %add3A_1491 : i32 to index
        %get3A_1493 = tpu.vector_load %arg4[%get3A_1492] {strides = array<i32>} : memref<32768xf32, #tpu.memory_space<vmem>>, vector<16xf32>,
        %get3A_1494 = vector.shape_cast %get3A_1493 : vector<16xf32> to vector<16xf32>
        %add3A_1495 = vector.broadcast %add3A_1490 : i32 to vector<16xi32>
        %add3A_1496 = arith.addi %iota3A, %add3A_1495 : vector<16xi32>
        %le3A_1497 = vector.broadcast %add3A_686 : i32 to vector<16xi32>
        %le3A_1498 = arith.cmpi sle, %add3A_1496, %le3A_1497 : vector<16xi32>
        %select_n3A_1499 = arith.select %le3A_1498, %get3A_1494, %broadcast_in_dim3A_1 : vector<16xi1>, vector<16xf32>
        %swap3A_1500 = arith.constant 28672 : i32
        %swap3A_1501 = tpu.memref_slice %arg6[%swap3A_1500] : memref<32768xf32, #tpu.memory_space<vmem>> -> memref<4096xf32, #tpu.memory_space<vmem>>
        %swap3A_1502 = arith.index_cast %add3A_1490 : i32 to index
        %swap3A_1503 = tpu.vector_load %swap3A_1501[%swap3A_1502] {strides = array<i32>} : memref<4096xf32, #tpu.memory_space<vmem>>, vector<16xf32>,
        %swap3A_1504 = vector.shape_cast %swap3A_1503 : vector<16xf32> to vector<16xf32>
        %swap3A_1505 = vector.shape_cast %select_n3A_1499 : vector<16xf32> to vector<16xf32>
        tpu.vector_store %swap3A_1501[%swap3A_1502], %swap3A_1505 {strides = array<i32>} : memref<4096xf32, #tpu.memory_space<vmem>>, vector<16xf32>,
      } else {
      }
      %dma_start3A_743 = arith.constant 28672 : i32
      %dma_start3A_744 = tpu.memref_slice %arg6[%dma_start3A_743] : memref<32768xf32, #tpu.memory_space<vmem>> -> memref<4096xf32, #tpu.memory_space<vmem>>
      %dma_start3A_745 = arith.constant 0 : i32
      %dma_start3A_746 = tpu.memref_slice %arg3[%add3A_686, %dma_start3A_745] : memref<4096x4096xf32, #tpu.memory_space<hbm>> -> memref<1x4096xf32, #tpu.memory_space<hbm>>
      %dma_start3A_747 = tpu.memref_squeeze %dma_start3A_746 : memref<1x4096xf32, #tpu.memory_space<hbm>> -> memref<4096xf32, #tpu.memory_space<hbm>>
      %dma_start3A_748 = arith.constant 0 : i32
      %dma_start3A_749 = tpu.memref_slice %arg3[%add3A_686, %dma_start3A_748] : memref<4096x4096xf32, #tpu.memory_space<hbm>> -> memref<1x4096xf32, #tpu.memory_space<hbm>>
      %dma_start3A_750 = tpu.memref_squeeze %dma_start3A_749 : memref<1x4096xf32, #tpu.memory_space<hbm>> -> memref<4096xf32, #tpu.memory_space<hbm>>
      %dma_start3A_751 = arith.constant 28672 : i32
      %dma_start3A_752 = tpu.memref_slice %arg6[%dma_start3A_751] : memref<32768xf32, #tpu.memory_space<vmem>> -> memref<4096xf32, #tpu.memory_space<vmem>>
      tpu.enqueue_dma source(%dma_start3A_752 : memref<4096xf32, #tpu.memory_space<vmem>>) target(%dma_start3A_750 : memref<4096xf32, #tpu.memory_space<hbm>>) target_semaphore(%arg16 : memref<!tpu.dma_semaphore, #tpu.memory_space<semaphore_mem>>)
      %add3A_753 = arith.constant 2 : i32
      %add3A_754 = arith.addi %mul3A_169, %add3A_753 : i32
      %mul3A_755 = arith.constant 32 : i32
      %mul3A_756 = arith.muli %add3A_754, %mul3A_755 : i32
      %add3A_757 = arith.addi %mul3A_756, %add3A : i32
      %mul3A_758 = arith.constant 8 : i32
      %mul3A_759 = arith.muli %add3A_757, %mul3A_758 : i32
      %add3A_760 = arith.constant 1 : i32
      %add3A_761 = arith.addi %mul3A_759, %add3A_760 : i32
      %mul3A_762 = arith.muli %mul3A_759, %add3A_761 : i32
      %jit3A_763 = arith.constant 2 : i32
      %div3A_764 = arith.divsi %mul3A_762, %jit3A_763 : i32
      %sign3A_765 = arith.constant 0 : i32
      %sign3A_766 = arith.cmpi sgt, %mul3A_762, %sign3A_765 : i32
      %sign3A_767 = arith.extui %sign3A_766 : i1 to i32
      %sign3A_768 = arith.constant 0 : i32
      %sign3A_769 = arith.cmpi slt, %mul3A_762, %sign3A_768 : i32
      %sign3A_770 = arith.extui %sign3A_769 : i1 to i32
      %sign3A_771 = arith.subi %sign3A_767, %sign3A_770 : i32
      %sign3A_772 = arith.constant 0 : i32
      %sign3A_773 = arith.cmpi sgt, %jit3A_763, %sign3A_772 : i32
      %sign3A_774 = arith.extui %sign3A_773 : i1 to i32
      %sign3A_775 = arith.constant 0 : i32
      %sign3A_776 = arith.cmpi slt, %jit3A_763, %sign3A_775 : i32
      %sign3A_777 = arith.extui %sign3A_776 : i1 to i32
      %sign3A_778 = arith.subi %sign3A_774, %sign3A_777 : i32
      %ne3A_779 = arith.cmpi ne, %sign3A_771, %sign3A_778 : i32
      %rem3A_780 = arith.remsi %mul3A_762, %jit3A_763 : i32
      %ne3A_781 = arith.constant 0 : i32
      %ne3A_782 = arith.cmpi ne, %rem3A_780, %ne3A_781 : i32
      %and3A_783 = arith.andi %ne3A_779, %ne3A_782 : i1
      %sub3A_784 = arith.constant 1 : i32
      %sub3A_785 = arith.subi %div3A_764, %sub3A_784 : i32
      %select_n3A_786 = arith.select %and3A_783, %sub3A_785, %div3A_764 : i32
      %shift_right_arithmetic3A_787 = arith.constant 4 : i32
      %shift_right_arithmetic3A_788 = arith.shrsi %select_n3A_786, %shift_right_arithmetic3A_787 : i32
      %shift_left3A_789 = arith.constant 4 : i32
      %shift_left3A_790 = arith.shli %shift_right_arithmetic3A_788, %shift_left3A_789 : i32
      %min3A_791 = arith.constant 8357888 : i32
      %min3A_792 = arith.minsi %shift_left3A_790, %min3A_791 : i32
      %multiple_of3A_793 = tpu.assume_multiple %min3A_792, 16 : i32
      %add3A_794 = arith.constant 2 : i32
      %add3A_795 = arith.addi %mul3A_169, %add3A_794 : i32
      %lt3A = arith.constant 16 : i32
      %lt3A_796 = arith.cmpi slt, %add3A_795, %lt3A : i32
      %convert_element_type3A_797 = arith.extui %lt3A_796 : i1 to i32
      %cond3A_798 = arith.constant 0 : i32
      %cond3A_799 = arith.cmpi ne, %convert_element_type3A_797, %cond3A_798 : i32
      scf.if %cond3A_799 {
        %dma_start3A_1439 = tpu.memref_slice %arg2[%multiple_of3A_793] : memref<8390656xf32, #tpu.memory_space<hbm>> -> memref<32768xf32, #tpu.memory_space<hbm>>
        %dma_start3A_1440 = tpu.memref_slice %arg2[%multiple_of3A_793] : memref<8390656xf32, #tpu.memory_space<hbm>> -> memref<32768xf32, #tpu.memory_space<hbm>>
        tpu.enqueue_dma source(%dma_start3A_1440 : memref<32768xf32, #tpu.memory_space<hbm>>) target(%arg4 : memref<32768xf32, #tpu.memory_space<vmem>>) target_semaphore(%arg7 : memref<!tpu.dma_semaphore, #tpu.memory_space<semaphore_mem>>)
      } else {
      }
      %mul3A_800 = arith.constant 2 : i32
      %mul3A_801 = arith.muli %scan3A_167, %mul3A_800 : i32
      %add3A_802 = arith.constant 1 : i32
      %add3A_803 = arith.addi %mul3A_801, %add3A_802 : i32
      %mul3A_804 = arith.constant 32 : i32
      %mul3A_805 = arith.muli %add3A_803, %mul3A_804 : i32
      %add3A_806 = arith.addi %mul3A_805, %add3A : i32
      %mul3A_807 = arith.constant 8 : i32
      %mul3A_808 = arith.muli %add3A_806, %mul3A_807 : i32
      %add3A_809 = arith.constant 1 : i32
      %add3A_810 = arith.addi %mul3A_808, %add3A_809 : i32
      %mul3A_811 = arith.muli %mul3A_808, %add3A_810 : i32
      %jit3A_812 = arith.constant 2 : i32
      %div3A_813 = arith.divsi %mul3A_811, %jit3A_812 : i32
      %sign3A_814 = arith.constant 0 : i32
      %sign3A_815 = arith.cmpi sgt, %mul3A_811, %sign3A_814 : i32
      %sign3A_816 = arith.extui %sign3A_815 : i1 to i32
      %sign3A_817 = arith.constant 0 : i32
      %sign3A_818 = arith.cmpi slt, %mul3A_811, %sign3A_817 : i32
      %sign3A_819 = arith.extui %sign3A_818 : i1 to i32
      %sign3A_820 = arith.subi %sign3A_816, %sign3A_819 : i32
      %sign3A_821 = arith.constant 0 : i32
      %sign3A_822 = arith.cmpi sgt, %jit3A_812, %sign3A_821 : i32
      %sign3A_823 = arith.extui %sign3A_822 : i1 to i32
      %sign3A_824 = arith.constant 0 : i32
      %sign3A_825 = arith.cmpi slt, %jit3A_812, %sign3A_824 : i32
      %sign3A_826 = arith.extui %sign3A_825 : i1 to i32
      %sign3A_827 = arith.subi %sign3A_823, %sign3A_826 : i32
      %ne3A_828 = arith.cmpi ne, %sign3A_820, %sign3A_827 : i32
      %rem3A_829 = arith.remsi %mul3A_811, %jit3A_812 : i32
      %ne3A_830 = arith.constant 0 : i32
      %ne3A_831 = arith.cmpi ne, %rem3A_829, %ne3A_830 : i32
      %and3A_832 = arith.andi %ne3A_828, %ne3A_831 : i1
      %sub3A_833 = arith.constant 1 : i32
      %sub3A_834 = arith.subi %div3A_813, %sub3A_833 : i32
      %select_n3A_835 = arith.select %and3A_832, %sub3A_834, %div3A_813 : i32
      %shift_right_arithmetic3A_836 = arith.constant 4 : i32
      %shift_right_arithmetic3A_837 = arith.shrsi %select_n3A_835, %shift_right_arithmetic3A_836 : i32
      %shift_left3A_838 = arith.constant 4 : i32
      %shift_left3A_839 = arith.shli %shift_right_arithmetic3A_837, %shift_left3A_838 : i32
      %min3A_840 = arith.constant 8357888 : i32
      %min3A_841 = arith.minsi %shift_left3A_839, %min3A_840 : i32
      %multiple_of3A_842 = tpu.assume_multiple %min3A_841, 16 : i32
      %dma_wait3A_843 = arith.constant 0 : i32
      %dma_wait3A_844 = tpu.memref_slice %arg2[%dma_wait3A_843] : memref<8390656xf32, #tpu.memory_space<hbm>> -> memref<32768xf32, #tpu.memory_space<hbm>>
      %dma_wait3A_845 = arith.constant 0 : i32
      %dma_wait3A_846 = tpu.memref_slice %arg2[%dma_wait3A_845] : memref<8390656xf32, #tpu.memory_space<hbm>> -> memref<32768xf32, #tpu.memory_space<hbm>>
      tpu.wait_dma2 semaphore(%arg8 : memref<!tpu.dma_semaphore, #tpu.memory_space<semaphore_mem>>) src(%dma_wait3A_846 : memref<32768xf32, #tpu.memory_space<hbm>>) dst(%arg5 : memref<32768xf32, #tpu.memory_space<vmem>>)
      %add3A_847 = arith.constant 0 : i32
      %add3A_848 = arith.addi %mul3A_808, %add3A_847 : i32
      %gt3A_849 = arith.constant 0 : i32
      %gt3A_850 = arith.cmpi sgt, %add3A_803, %gt3A_849 : i32
      %convert_element_type3A_851 = arith.extui %gt3A_850 : i1 to i32
      %cond3A_852 = arith.constant 0 : i32
      %cond3A_853 = arith.cmpi ne, %convert_element_type3A_851, %cond3A_852 : i32
      scf.if %cond3A_853 {
        %dma_wait3A_1439 = arith.constant 0 : i32
        %dma_wait3A_1440 = arith.constant 0 : i32
        %dma_wait3A_1441 = tpu.memref_slice %arg6[%dma_wait3A_1440] : memref<32768xf32, #tpu.memory_space<vmem>> -> memref<4096xf32, #tpu.memory_space<vmem>>
        %dma_wait3A_1442 = arith.constant 0 : i32
        %dma_wait3A_1443 = tpu.memref_slice %arg3[%dma_wait3A_1439, %dma_wait3A_1442] : memref<4096x4096xf32, #tpu.memory_space<hbm>> -> memref<1x4096xf32, #tpu.memory_space<hbm>>
        %dma_wait3A_1444 = tpu.memref_squeeze %dma_wait3A_1443 : memref<1x4096xf32, #tpu.memory_space<hbm>> -> memref<4096xf32, #tpu.memory_space<hbm>>
        %dma_wait3A_1445 = arith.constant 0 : i32
        %dma_wait3A_1446 = tpu.memref_slice %arg3[%dma_wait3A_1439, %dma_wait3A_1445] : memref<4096x4096xf32, #tpu.memory_space<hbm>> -> memref<1x4096xf32, #tpu.memory_space<hbm>>
        %dma_wait3A_1447 = tpu.memref_squeeze %dma_wait3A_1446 : memref<1x4096xf32, #tpu.memory_space<hbm>> -> memref<4096xf32, #tpu.memory_space<hbm>>
        %dma_wait3A_1448 = arith.constant 0 : i32
        %dma_wait3A_1449 = tpu.memref_slice %arg6[%dma_wait3A_1448] : memref<32768xf32, #tpu.memory_space<vmem>> -> memref<4096xf32, #tpu.memory_space<vmem>>
        tpu.wait_dma2 semaphore(%arg9 : memref<!tpu.dma_semaphore, #tpu.memory_space<semaphore_mem>>) src(%dma_wait3A_1449 : memref<4096xf32, #tpu.memory_space<vmem>>) dst(%dma_wait3A_1447 : memref<4096xf32, #tpu.memory_space<hbm>>)
      } else {
      }
      %add3A_854 = arith.constant 1 : i32
      %add3A_855 = arith.addi %add3A_848, %add3A_854 : i32
      %mul3A_856 = arith.muli %add3A_848, %add3A_855 : i32
      %jit3A_857 = arith.constant 2 : i32
      %div3A_858 = arith.divsi %mul3A_856, %jit3A_857 : i32
      %sign3A_859 = arith.constant 0 : i32
      %sign3A_860 = arith.cmpi sgt, %mul3A_856, %sign3A_859 : i32
      %sign3A_861 = arith.extui %sign3A_860 : i1 to i32
      %sign3A_862 = arith.constant 0 : i32
      %sign3A_863 = arith.cmpi slt, %mul3A_856, %sign3A_862 : i32
      %sign3A_864 = arith.extui %sign3A_863 : i1 to i32
      %sign3A_865 = arith.subi %sign3A_861, %sign3A_864 : i32
      %sign3A_866 = arith.constant 0 : i32
      %sign3A_867 = arith.cmpi sgt, %jit3A_857, %sign3A_866 : i32
      %sign3A_868 = arith.extui %sign3A_867 : i1 to i32
      %sign3A_869 = arith.constant 0 : i32
      %sign3A_870 = arith.cmpi slt, %jit3A_857, %sign3A_869 : i32
      %sign3A_871 = arith.extui %sign3A_870 : i1 to i32
      %sign3A_872 = arith.subi %sign3A_868, %sign3A_871 : i32
      %ne3A_873 = arith.cmpi ne, %sign3A_865, %sign3A_872 : i32
      %rem3A_874 = arith.remsi %mul3A_856, %jit3A_857 : i32
      %ne3A_875 = arith.constant 0 : i32
      %ne3A_876 = arith.cmpi ne, %rem3A_874, %ne3A_875 : i32
      %and3A_877 = arith.andi %ne3A_873, %ne3A_876 : i1
      %sub3A_878 = arith.constant 1 : i32
      %sub3A_879 = arith.subi %div3A_858, %sub3A_878 : i32
      %select_n3A_880 = arith.select %and3A_877, %sub3A_879, %div3A_858 : i32
      %sub3A_881 = arith.subi %select_n3A_880, %multiple_of3A_842 : i32
      %add3A_882 = arith.constant 1 : i32
      %add3A_883 = arith.addi %add3A_848, %add3A_882 : i32
      %shift_right_arithmetic3A_884 = arith.constant 6 : i32
      %shift_right_arithmetic3A_885 = arith.shrsi %add3A_883, %shift_right_arithmetic3A_884 : i32
      %while3A_886 = arith.constant 0 : i32
      %while3A_887 = arith.constant 0 : i32
      %while3A_888 = arith.subi %shift_right_arithmetic3A_885, %while3A_887 : i32
      %while3A_889 = arith.addi %while3A_887, %while3A_888 : i32
      %while3A_890 = arith.constant 1 : i32
      %while3A_891 = arith.divsi %while3A_888, %while3A_890 : i32
      %while3A_892 = arith.muli %while3A_891, %while3A_890 : i32
      %while3A_893 = arith.addi %while3A_887, %while3A_892 : i32
      %while3A_894 = arith.constant 1 : i32
      scf.for %while3A_1439 = %while3A_887 to %while3A_893 step %while3A_894  : i32 {
        %mul3A_1440 = arith.constant 64 : i32
        %mul3A_1441 = arith.muli %while3A_1439, %mul3A_1440 : i32
        %add3A_1442 = arith.constant 0 : i32
        %add3A_1443 = arith.addi %mul3A_1441, %add3A_1442 : i32
        %add3A_1444 = arith.addi %sub3A_881, %add3A_1443 : i32
        %get3A = arith.index_cast %add3A_1444 : i32 to index
        %get3A_1445 = tpu.vector_load %arg5[%get3A] {strides = array<i32>} : memref<32768xf32, #tpu.memory_space<vmem>>, vector<16xf32>,
        %get3A_1446 = vector.shape_cast %get3A_1445 : vector<16xf32> to vector<16xf32>
        %swap3A = arith.constant 0 : i32
        %swap3A_1447 = tpu.memref_slice %arg6[%swap3A] : memref<32768xf32, #tpu.memory_space<vmem>> -> memref<4096xf32, #tpu.memory_space<vmem>>
        %swap3A_1448 = arith.index_cast %add3A_1443 : i32 to index
        %swap3A_1449 = tpu.vector_load %swap3A_1447[%swap3A_1448] {strides = array<i32>} : memref<4096xf32, #tpu.memory_space<vmem>>, vector<16xf32>,
        %swap3A_1450 = vector.shape_cast %swap3A_1449 : vector<16xf32> to vector<16xf32>
        %swap3A_1451 = vector.shape_cast %get3A_1446 : vector<16xf32> to vector<16xf32>
        tpu.vector_store %swap3A_1447[%swap3A_1448], %swap3A_1451 {strides = array<i32>} : memref<4096xf32, #tpu.memory_space<vmem>>, vector<16xf32>,
        %add3A_1452 = arith.constant 16 : i32
        %add3A_1453 = arith.addi %mul3A_1441, %add3A_1452 : i32
        %add3A_1454 = arith.addi %sub3A_881, %add3A_1453 : i32
        %get3A_1455 = arith.index_cast %add3A_1454 : i32 to index
        %get3A_1456 = tpu.vector_load %arg5[%get3A_1455] {strides = array<i32>} : memref<32768xf32, #tpu.memory_space<vmem>>, vector<16xf32>,
        %get3A_1457 = vector.shape_cast %get3A_1456 : vector<16xf32> to vector<16xf32>
        %swap3A_1458 = arith.constant 0 : i32
        %swap3A_1459 = tpu.memref_slice %arg6[%swap3A_1458] : memref<32768xf32, #tpu.memory_space<vmem>> -> memref<4096xf32, #tpu.memory_space<vmem>>
        %swap3A_1460 = arith.index_cast %add3A_1453 : i32 to index
        %swap3A_1461 = tpu.vector_load %swap3A_1459[%swap3A_1460] {strides = array<i32>} : memref<4096xf32, #tpu.memory_space<vmem>>, vector<16xf32>,
        %swap3A_1462 = vector.shape_cast %swap3A_1461 : vector<16xf32> to vector<16xf32>
        %swap3A_1463 = vector.shape_cast %get3A_1457 : vector<16xf32> to vector<16xf32>
        tpu.vector_store %swap3A_1459[%swap3A_1460], %swap3A_1463 {strides = array<i32>} : memref<4096xf32, #tpu.memory_space<vmem>>, vector<16xf32>,
        %add3A_1464 = arith.constant 32 : i32
        %add3A_1465 = arith.addi %mul3A_1441, %add3A_1464 : i32
        %add3A_1466 = arith.addi %sub3A_881, %add3A_1465 : i32
        %get3A_1467 = arith.index_cast %add3A_1466 : i32 to index
        %get3A_1468 = tpu.vector_load %arg5[%get3A_1467] {strides = array<i32>} : memref<32768xf32, #tpu.memory_space<vmem>>, vector<16xf32>,
        %get3A_1469 = vector.shape_cast %get3A_1468 : vector<16xf32> to vector<16xf32>
        %swap3A_1470 = arith.constant 0 : i32
        %swap3A_1471 = tpu.memref_slice %arg6[%swap3A_1470] : memref<32768xf32, #tpu.memory_space<vmem>> -> memref<4096xf32, #tpu.memory_space<vmem>>
        %swap3A_1472 = arith.index_cast %add3A_1465 : i32 to index
        %swap3A_1473 = tpu.vector_load %swap3A_1471[%swap3A_1472] {strides = array<i32>} : memref<4096xf32, #tpu.memory_space<vmem>>, vector<16xf32>,
        %swap3A_1474 = vector.shape_cast %swap3A_1473 : vector<16xf32> to vector<16xf32>
        %swap3A_1475 = vector.shape_cast %get3A_1469 : vector<16xf32> to vector<16xf32>
        tpu.vector_store %swap3A_1471[%swap3A_1472], %swap3A_1475 {strides = array<i32>} : memref<4096xf32, #tpu.memory_space<vmem>>, vector<16xf32>,
        %add3A_1476 = arith.constant 48 : i32
        %add3A_1477 = arith.addi %mul3A_1441, %add3A_1476 : i32
        %add3A_1478 = arith.addi %sub3A_881, %add3A_1477 : i32
        %get3A_1479 = arith.index_cast %add3A_1478 : i32 to index
        %get3A_1480 = tpu.vector_load %arg5[%get3A_1479] {strides = array<i32>} : memref<32768xf32, #tpu.memory_space<vmem>>, vector<16xf32>,
        %get3A_1481 = vector.shape_cast %get3A_1480 : vector<16xf32> to vector<16xf32>
        %swap3A_1482 = arith.constant 0 : i32
        %swap3A_1483 = tpu.memref_slice %arg6[%swap3A_1482] : memref<32768xf32, #tpu.memory_space<vmem>> -> memref<4096xf32, #tpu.memory_space<vmem>>
        %swap3A_1484 = arith.index_cast %add3A_1477 : i32 to index
        %swap3A_1485 = tpu.vector_load %swap3A_1483[%swap3A_1484] {strides = array<i32>} : memref<4096xf32, #tpu.memory_space<vmem>>, vector<16xf32>,
        %swap3A_1486 = vector.shape_cast %swap3A_1485 : vector<16xf32> to vector<16xf32>
        %swap3A_1487 = vector.shape_cast %get3A_1481 : vector<16xf32> to vector<16xf32>
        tpu.vector_store %swap3A_1483[%swap3A_1484], %swap3A_1487 {strides = array<i32>} : memref<4096xf32, #tpu.memory_space<vmem>>, vector<16xf32>,
      }
      %while3A_895 = arith.constant 1 : i32
      scf.for %while3A_1439 = %while3A_893 to %while3A_889 step %while3A_895  : i32 {
        %mul3A_1440 = arith.constant 64 : i32
        %mul3A_1441 = arith.muli %while3A_1439, %mul3A_1440 : i32
        %add3A_1442 = arith.constant 0 : i32
        %add3A_1443 = arith.addi %mul3A_1441, %add3A_1442 : i32
        %add3A_1444 = arith.addi %sub3A_881, %add3A_1443 : i32
        %get3A = arith.index_cast %add3A_1444 : i32 to index
        %get3A_1445 = tpu.vector_load %arg5[%get3A] {strides = array<i32>} : memref<32768xf32, #tpu.memory_space<vmem>>, vector<16xf32>,
        %get3A_1446 = vector.shape_cast %get3A_1445 : vector<16xf32> to vector<16xf32>
        %swap3A = arith.constant 0 : i32
        %swap3A_1447 = tpu.memref_slice %arg6[%swap3A] : memref<32768xf32, #tpu.memory_space<vmem>> -> memref<4096xf32, #tpu.memory_space<vmem>>
        %swap3A_1448 = arith.index_cast %add3A_1443 : i32 to index
        %swap3A_1449 = tpu.vector_load %swap3A_1447[%swap3A_1448] {strides = array<i32>} : memref<4096xf32, #tpu.memory_space<vmem>>, vector<16xf32>,
        %swap3A_1450 = vector.shape_cast %swap3A_1449 : vector<16xf32> to vector<16xf32>
        %swap3A_1451 = vector.shape_cast %get3A_1446 : vector<16xf32> to vector<16xf32>
        tpu.vector_store %swap3A_1447[%swap3A_1448], %swap3A_1451 {strides = array<i32>} : memref<4096xf32, #tpu.memory_space<vmem>>, vector<16xf32>,
        %add3A_1452 = arith.constant 16 : i32
        %add3A_1453 = arith.addi %mul3A_1441, %add3A_1452 : i32
        %add3A_1454 = arith.addi %sub3A_881, %add3A_1453 : i32
        %get3A_1455 = arith.index_cast %add3A_1454 : i32 to index
        %get3A_1456 = tpu.vector_load %arg5[%get3A_1455] {strides = array<i32>} : memref<32768xf32, #tpu.memory_space<vmem>>, vector<16xf32>,
        %get3A_1457 = vector.shape_cast %get3A_1456 : vector<16xf32> to vector<16xf32>
        %swap3A_1458 = arith.constant 0 : i32
        %swap3A_1459 = tpu.memref_slice %arg6[%swap3A_1458] : memref<32768xf32, #tpu.memory_space<vmem>> -> memref<4096xf32, #tpu.memory_space<vmem>>
        %swap3A_1460 = arith.index_cast %add3A_1453 : i32 to index
        %swap3A_1461 = tpu.vector_load %swap3A_1459[%swap3A_1460] {strides = array<i32>} : memref<4096xf32, #tpu.memory_space<vmem>>, vector<16xf32>,
        %swap3A_1462 = vector.shape_cast %swap3A_1461 : vector<16xf32> to vector<16xf32>
        %swap3A_1463 = vector.shape_cast %get3A_1457 : vector<16xf32> to vector<16xf32>
        tpu.vector_store %swap3A_1459[%swap3A_1460], %swap3A_1463 {strides = array<i32>} : memref<4096xf32, #tpu.memory_space<vmem>>, vector<16xf32>,
        %add3A_1464 = arith.constant 32 : i32
        %add3A_1465 = arith.addi %mul3A_1441, %add3A_1464 : i32
        %add3A_1466 = arith.addi %sub3A_881, %add3A_1465 : i32
        %get3A_1467 = arith.index_cast %add3A_1466 : i32 to index
        %get3A_1468 = tpu.vector_load %arg5[%get3A_1467] {strides = array<i32>} : memref<32768xf32, #tpu.memory_space<vmem>>, vector<16xf32>,
        %get3A_1469 = vector.shape_cast %get3A_1468 : vector<16xf32> to vector<16xf32>
        %swap3A_1470 = arith.constant 0 : i32
        %swap3A_1471 = tpu.memref_slice %arg6[%swap3A_1470] : memref<32768xf32, #tpu.memory_space<vmem>> -> memref<4096xf32, #tpu.memory_space<vmem>>
        %swap3A_1472 = arith.index_cast %add3A_1465 : i32 to index
        %swap3A_1473 = tpu.vector_load %swap3A_1471[%swap3A_1472] {strides = array<i32>} : memref<4096xf32, #tpu.memory_space<vmem>>, vector<16xf32>,
        %swap3A_1474 = vector.shape_cast %swap3A_1473 : vector<16xf32> to vector<16xf32>
        %swap3A_1475 = vector.shape_cast %get3A_1469 : vector<16xf32> to vector<16xf32>
        tpu.vector_store %swap3A_1471[%swap3A_1472], %swap3A_1475 {strides = array<i32>} : memref<4096xf32, #tpu.memory_space<vmem>>, vector<16xf32>,
        %add3A_1476 = arith.constant 48 : i32
        %add3A_1477 = arith.addi %mul3A_1441, %add3A_1476 : i32
        %add3A_1478 = arith.addi %sub3A_881, %add3A_1477 : i32
        %get3A_1479 = arith.index_cast %add3A_1478 : i32 to index
        %get3A_1480 = tpu.vector_load %arg5[%get3A_1479] {strides = array<i32>} : memref<32768xf32, #tpu.memory_space<vmem>>, vector<16xf32>,
        %get3A_1481 = vector.shape_cast %get3A_1480 : vector<16xf32> to vector<16xf32>
        %swap3A_1482 = arith.constant 0 : i32
        %swap3A_1483 = tpu.memref_slice %arg6[%swap3A_1482] : memref<32768xf32, #tpu.memory_space<vmem>> -> memref<4096xf32, #tpu.memory_space<vmem>>
        %swap3A_1484 = arith.index_cast %add3A_1477 : i32 to index
        %swap3A_1485 = tpu.vector_load %swap3A_1483[%swap3A_1484] {strides = array<i32>} : memref<4096xf32, #tpu.memory_space<vmem>>, vector<16xf32>,
        %swap3A_1486 = vector.shape_cast %swap3A_1485 : vector<16xf32> to vector<16xf32>
        %swap3A_1487 = vector.shape_cast %get3A_1481 : vector<16xf32> to vector<16xf32>
        tpu.vector_store %swap3A_1483[%swap3A_1484], %swap3A_1487 {strides = array<i32>} : memref<4096xf32, #tpu.memory_space<vmem>>, vector<16xf32>,
      }
      %add3A_896 = arith.constant 1 : i32
      %add3A_897 = arith.addi %add3A_848, %add3A_896 : i32
      %and3A_898 = arith.constant 63 : i32
      %and3A_899 = arith.andi %add3A_897, %and3A_898 : i32
      %ne3A_900 = arith.constant 0 : i32
      %ne3A_901 = arith.cmpi ne, %and3A_899, %ne3A_900 : i32
      %convert_element_type3A_902 = arith.extui %ne3A_901 : i1 to i32
      %cond3A_903 = arith.constant 0 : i32
      %cond3A_904 = arith.cmpi ne, %convert_element_type3A_902, %cond3A_903 : i32
      scf.if %cond3A_904 {
        %mul3A_1439 = arith.constant 64 : i32
        %mul3A_1440 = arith.muli %shift_right_arithmetic3A_885, %mul3A_1439 : i32
        %add3A_1441 = arith.constant 0 : i32
        %add3A_1442 = arith.addi %mul3A_1440, %add3A_1441 : i32
        %add3A_1443 = arith.addi %sub3A_881, %add3A_1442 : i32
        %get3A = arith.index_cast %add3A_1443 : i32 to index
        %get3A_1444 = tpu.vector_load %arg5[%get3A] {strides = array<i32>} : memref<32768xf32, #tpu.memory_space<vmem>>, vector<16xf32>,
        %get3A_1445 = vector.shape_cast %get3A_1444 : vector<16xf32> to vector<16xf32>
        %add3A_1446 = vector.broadcast %add3A_1442 : i32 to vector<16xi32>
        %add3A_1447 = arith.addi %iota3A, %add3A_1446 : vector<16xi32>
        %le3A = vector.broadcast %add3A_848 : i32 to vector<16xi32>
        %le3A_1448 = arith.cmpi sle, %add3A_1447, %le3A : vector<16xi32>
        %select_n3A_1449 = arith.select %le3A_1448, %get3A_1445, %broadcast_in_dim3A_1 : vector<16xi1>, vector<16xf32>
        %swap3A = arith.constant 0 : i32
        %swap3A_1450 = tpu.memref_slice %arg6[%swap3A] : memref<32768xf32, #tpu.memory_space<vmem>> -> memref<4096xf32, #tpu.memory_space<vmem>>
        %swap3A_1451 = arith.index_cast %add3A_1442 : i32 to index
        %swap3A_1452 = tpu.vector_load %swap3A_1450[%swap3A_1451] {strides = array<i32>} : memref<4096xf32, #tpu.memory_space<vmem>>, vector<16xf32>,
        %swap3A_1453 = vector.shape_cast %swap3A_1452 : vector<16xf32> to vector<16xf32>
        %swap3A_1454 = vector.shape_cast %select_n3A_1449 : vector<16xf32> to vector<16xf32>
        tpu.vector_store %swap3A_1450[%swap3A_1451], %swap3A_1454 {strides = array<i32>} : memref<4096xf32, #tpu.memory_space<vmem>>, vector<16xf32>,
        %add3A_1455 = arith.constant 16 : i32
        %add3A_1456 = arith.addi %mul3A_1440, %add3A_1455 : i32
        %add3A_1457 = arith.addi %sub3A_881, %add3A_1456 : i32
        %get3A_1458 = arith.index_cast %add3A_1457 : i32 to index
        %get3A_1459 = tpu.vector_load %arg5[%get3A_1458] {strides = array<i32>} : memref<32768xf32, #tpu.memory_space<vmem>>, vector<16xf32>,
        %get3A_1460 = vector.shape_cast %get3A_1459 : vector<16xf32> to vector<16xf32>
        %add3A_1461 = vector.broadcast %add3A_1456 : i32 to vector<16xi32>
        %add3A_1462 = arith.addi %iota3A, %add3A_1461 : vector<16xi32>
        %le3A_1463 = vector.broadcast %add3A_848 : i32 to vector<16xi32>
        %le3A_1464 = arith.cmpi sle, %add3A_1462, %le3A_1463 : vector<16xi32>
        %select_n3A_1465 = arith.select %le3A_1464, %get3A_1460, %broadcast_in_dim3A_1 : vector<16xi1>, vector<16xf32>
        %swap3A_1466 = arith.constant 0 : i32
        %swap3A_1467 = tpu.memref_slice %arg6[%swap3A_1466] : memref<32768xf32, #tpu.memory_space<vmem>> -> memref<4096xf32, #tpu.memory_space<vmem>>
        %swap3A_1468 = arith.index_cast %add3A_1456 : i32 to index
        %swap3A_1469 = tpu.vector_load %swap3A_1467[%swap3A_1468] {strides = array<i32>} : memref<4096xf32, #tpu.memory_space<vmem>>, vector<16xf32>,
        %swap3A_1470 = vector.shape_cast %swap3A_1469 : vector<16xf32> to vector<16xf32>
        %swap3A_1471 = vector.shape_cast %select_n3A_1465 : vector<16xf32> to vector<16xf32>
        tpu.vector_store %swap3A_1467[%swap3A_1468], %swap3A_1471 {strides = array<i32>} : memref<4096xf32, #tpu.memory_space<vmem>>, vector<16xf32>,
        %add3A_1472 = arith.constant 32 : i32
        %add3A_1473 = arith.addi %mul3A_1440, %add3A_1472 : i32
        %add3A_1474 = arith.addi %sub3A_881, %add3A_1473 : i32
        %get3A_1475 = arith.index_cast %add3A_1474 : i32 to index
        %get3A_1476 = tpu.vector_load %arg5[%get3A_1475] {strides = array<i32>} : memref<32768xf32, #tpu.memory_space<vmem>>, vector<16xf32>,
        %get3A_1477 = vector.shape_cast %get3A_1476 : vector<16xf32> to vector<16xf32>
        %add3A_1478 = vector.broadcast %add3A_1473 : i32 to vector<16xi32>
        %add3A_1479 = arith.addi %iota3A, %add3A_1478 : vector<16xi32>
        %le3A_1480 = vector.broadcast %add3A_848 : i32 to vector<16xi32>
        %le3A_1481 = arith.cmpi sle, %add3A_1479, %le3A_1480 : vector<16xi32>
        %select_n3A_1482 = arith.select %le3A_1481, %get3A_1477, %broadcast_in_dim3A_1 : vector<16xi1>, vector<16xf32>
        %swap3A_1483 = arith.constant 0 : i32
        %swap3A_1484 = tpu.memref_slice %arg6[%swap3A_1483] : memref<32768xf32, #tpu.memory_space<vmem>> -> memref<4096xf32, #tpu.memory_space<vmem>>
        %swap3A_1485 = arith.index_cast %add3A_1473 : i32 to index
        %swap3A_1486 = tpu.vector_load %swap3A_1484[%swap3A_1485] {strides = array<i32>} : memref<4096xf32, #tpu.memory_space<vmem>>, vector<16xf32>,
        %swap3A_1487 = vector.shape_cast %swap3A_1486 : vector<16xf32> to vector<16xf32>
        %swap3A_1488 = vector.shape_cast %select_n3A_1482 : vector<16xf32> to vector<16xf32>
        tpu.vector_store %swap3A_1484[%swap3A_1485], %swap3A_1488 {strides = array<i32>} : memref<4096xf32, #tpu.memory_space<vmem>>, vector<16xf32>,
        %add3A_1489 = arith.constant 48 : i32
        %add3A_1490 = arith.addi %mul3A_1440, %add3A_1489 : i32
        %add3A_1491 = arith.addi %sub3A_881, %add3A_1490 : i32
        %get3A_1492 = arith.index_cast %add3A_1491 : i32 to index
        %get3A_1493 = tpu.vector_load %arg5[%get3A_1492] {strides = array<i32>} : memref<32768xf32, #tpu.memory_space<vmem>>, vector<16xf32>,
        %get3A_1494 = vector.shape_cast %get3A_1493 : vector<16xf32> to vector<16xf32>
        %add3A_1495 = vector.broadcast %add3A_1490 : i32 to vector<16xi32>
        %add3A_1496 = arith.addi %iota3A, %add3A_1495 : vector<16xi32>
        %le3A_1497 = vector.broadcast %add3A_848 : i32 to vector<16xi32>
        %le3A_1498 = arith.cmpi sle, %add3A_1496, %le3A_1497 : vector<16xi32>
        %select_n3A_1499 = arith.select %le3A_1498, %get3A_1494, %broadcast_in_dim3A_1 : vector<16xi1>, vector<16xf32>
        %swap3A_1500 = arith.constant 0 : i32
        %swap3A_1501 = tpu.memref_slice %arg6[%swap3A_1500] : memref<32768xf32, #tpu.memory_space<vmem>> -> memref<4096xf32, #tpu.memory_space<vmem>>
        %swap3A_1502 = arith.index_cast %add3A_1490 : i32 to index
        %swap3A_1503 = tpu.vector_load %swap3A_1501[%swap3A_1502] {strides = array<i32>} : memref<4096xf32, #tpu.memory_space<vmem>>, vector<16xf32>,
        %swap3A_1504 = vector.shape_cast %swap3A_1503 : vector<16xf32> to vector<16xf32>
        %swap3A_1505 = vector.shape_cast %select_n3A_1499 : vector<16xf32> to vector<16xf32>
        tpu.vector_store %swap3A_1501[%swap3A_1502], %swap3A_1505 {strides = array<i32>} : memref<4096xf32, #tpu.memory_space<vmem>>, vector<16xf32>,
      } else {
      }
      %dma_start3A_905 = arith.constant 0 : i32
      %dma_start3A_906 = tpu.memref_slice %arg6[%dma_start3A_905] : memref<32768xf32, #tpu.memory_space<vmem>> -> memref<4096xf32, #tpu.memory_space<vmem>>
      %dma_start3A_907 = arith.constant 0 : i32
      %dma_start3A_908 = tpu.memref_slice %arg3[%add3A_848, %dma_start3A_907] : memref<4096x4096xf32, #tpu.memory_space<hbm>> -> memref<1x4096xf32, #tpu.memory_space<hbm>>
      %dma_start3A_909 = tpu.memref_squeeze %dma_start3A_908 : memref<1x4096xf32, #tpu.memory_space<hbm>> -> memref<4096xf32, #tpu.memory_space<hbm>>
      %dma_start3A_910 = arith.constant 0 : i32
      %dma_start3A_911 = tpu.memref_slice %arg3[%add3A_848, %dma_start3A_910] : memref<4096x4096xf32, #tpu.memory_space<hbm>> -> memref<1x4096xf32, #tpu.memory_space<hbm>>
      %dma_start3A_912 = tpu.memref_squeeze %dma_start3A_911 : memref<1x4096xf32, #tpu.memory_space<hbm>> -> memref<4096xf32, #tpu.memory_space<hbm>>
      %dma_start3A_913 = arith.constant 0 : i32
      %dma_start3A_914 = tpu.memref_slice %arg6[%dma_start3A_913] : memref<32768xf32, #tpu.memory_space<vmem>> -> memref<4096xf32, #tpu.memory_space<vmem>>
      tpu.enqueue_dma source(%dma_start3A_914 : memref<4096xf32, #tpu.memory_space<vmem>>) target(%dma_start3A_912 : memref<4096xf32, #tpu.memory_space<hbm>>) target_semaphore(%arg9 : memref<!tpu.dma_semaphore, #tpu.memory_space<semaphore_mem>>)
      %add3A_915 = arith.constant 1 : i32
      %add3A_916 = arith.addi %mul3A_808, %add3A_915 : i32
      %gt3A_917 = arith.constant 0 : i32
      %gt3A_918 = arith.cmpi sgt, %add3A_803, %gt3A_917 : i32
      %convert_element_type3A_919 = arith.extui %gt3A_918 : i1 to i32
      %cond3A_920 = arith.constant 0 : i32
      %cond3A_921 = arith.cmpi ne, %convert_element_type3A_919, %cond3A_920 : i32
      scf.if %cond3A_921 {
        %dma_wait3A_1439 = arith.constant 0 : i32
        %dma_wait3A_1440 = arith.constant 4096 : i32
        %dma_wait3A_1441 = tpu.memref_slice %arg6[%dma_wait3A_1440] : memref<32768xf32, #tpu.memory_space<vmem>> -> memref<4096xf32, #tpu.memory_space<vmem>>
        %dma_wait3A_1442 = arith.constant 0 : i32
        %dma_wait3A_1443 = tpu.memref_slice %arg3[%dma_wait3A_1439, %dma_wait3A_1442] : memref<4096x4096xf32, #tpu.memory_space<hbm>> -> memref<1x4096xf32, #tpu.memory_space<hbm>>
        %dma_wait3A_1444 = tpu.memref_squeeze %dma_wait3A_1443 : memref<1x4096xf32, #tpu.memory_space<hbm>> -> memref<4096xf32, #tpu.memory_space<hbm>>
        %dma_wait3A_1445 = arith.constant 0 : i32
        %dma_wait3A_1446 = tpu.memref_slice %arg3[%dma_wait3A_1439, %dma_wait3A_1445] : memref<4096x4096xf32, #tpu.memory_space<hbm>> -> memref<1x4096xf32, #tpu.memory_space<hbm>>
        %dma_wait3A_1447 = tpu.memref_squeeze %dma_wait3A_1446 : memref<1x4096xf32, #tpu.memory_space<hbm>> -> memref<4096xf32, #tpu.memory_space<hbm>>
        %dma_wait3A_1448 = arith.constant 4096 : i32
        %dma_wait3A_1449 = tpu.memref_slice %arg6[%dma_wait3A_1448] : memref<32768xf32, #tpu.memory_space<vmem>> -> memref<4096xf32, #tpu.memory_space<vmem>>
        tpu.wait_dma2 semaphore(%arg10 : memref<!tpu.dma_semaphore, #tpu.memory_space<semaphore_mem>>) src(%dma_wait3A_1449 : memref<4096xf32, #tpu.memory_space<vmem>>) dst(%dma_wait3A_1447 : memref<4096xf32, #tpu.memory_space<hbm>>)
      } else {
      }
      %add3A_922 = arith.constant 1 : i32
      %add3A_923 = arith.addi %add3A_916, %add3A_922 : i32
      %mul3A_924 = arith.muli %add3A_916, %add3A_923 : i32
      %jit3A_925 = arith.constant 2 : i32
      %div3A_926 = arith.divsi %mul3A_924, %jit3A_925 : i32
      %sign3A_927 = arith.constant 0 : i32
      %sign3A_928 = arith.cmpi sgt, %mul3A_924, %sign3A_927 : i32
      %sign3A_929 = arith.extui %sign3A_928 : i1 to i32
      %sign3A_930 = arith.constant 0 : i32
      %sign3A_931 = arith.cmpi slt, %mul3A_924, %sign3A_930 : i32
      %sign3A_932 = arith.extui %sign3A_931 : i1 to i32
      %sign3A_933 = arith.subi %sign3A_929, %sign3A_932 : i32
      %sign3A_934 = arith.constant 0 : i32
      %sign3A_935 = arith.cmpi sgt, %jit3A_925, %sign3A_934 : i32
      %sign3A_936 = arith.extui %sign3A_935 : i1 to i32
      %sign3A_937 = arith.constant 0 : i32
      %sign3A_938 = arith.cmpi slt, %jit3A_925, %sign3A_937 : i32
      %sign3A_939 = arith.extui %sign3A_938 : i1 to i32
      %sign3A_940 = arith.subi %sign3A_936, %sign3A_939 : i32
      %ne3A_941 = arith.cmpi ne, %sign3A_933, %sign3A_940 : i32
      %rem3A_942 = arith.remsi %mul3A_924, %jit3A_925 : i32
      %ne3A_943 = arith.constant 0 : i32
      %ne3A_944 = arith.cmpi ne, %rem3A_942, %ne3A_943 : i32
      %and3A_945 = arith.andi %ne3A_941, %ne3A_944 : i1
      %sub3A_946 = arith.constant 1 : i32
      %sub3A_947 = arith.subi %div3A_926, %sub3A_946 : i32
      %select_n3A_948 = arith.select %and3A_945, %sub3A_947, %div3A_926 : i32
      %sub3A_949 = arith.subi %select_n3A_948, %multiple_of3A_842 : i32
      %add3A_950 = arith.constant 1 : i32
      %add3A_951 = arith.addi %add3A_916, %add3A_950 : i32
      %shift_right_arithmetic3A_952 = arith.constant 6 : i32
      %shift_right_arithmetic3A_953 = arith.shrsi %add3A_951, %shift_right_arithmetic3A_952 : i32
      %while3A_954 = arith.constant 0 : i32
      %while3A_955 = arith.constant 0 : i32
      %while3A_956 = arith.subi %shift_right_arithmetic3A_953, %while3A_955 : i32
      %while3A_957 = arith.addi %while3A_955, %while3A_956 : i32
      %while3A_958 = arith.constant 1 : i32
      %while3A_959 = arith.divsi %while3A_956, %while3A_958 : i32
      %while3A_960 = arith.muli %while3A_959, %while3A_958 : i32
      %while3A_961 = arith.addi %while3A_955, %while3A_960 : i32
      %while3A_962 = arith.constant 1 : i32
      scf.for %while3A_1439 = %while3A_955 to %while3A_961 step %while3A_962  : i32 {
        %mul3A_1440 = arith.constant 64 : i32
        %mul3A_1441 = arith.muli %while3A_1439, %mul3A_1440 : i32
        %add3A_1442 = arith.constant 0 : i32
        %add3A_1443 = arith.addi %mul3A_1441, %add3A_1442 : i32
        %add3A_1444 = arith.addi %sub3A_949, %add3A_1443 : i32
        %get3A = arith.index_cast %add3A_1444 : i32 to index
        %get3A_1445 = tpu.vector_load %arg5[%get3A] {strides = array<i32>} : memref<32768xf32, #tpu.memory_space<vmem>>, vector<16xf32>,
        %get3A_1446 = vector.shape_cast %get3A_1445 : vector<16xf32> to vector<16xf32>
        %swap3A = arith.constant 4096 : i32
        %swap3A_1447 = tpu.memref_slice %arg6[%swap3A] : memref<32768xf32, #tpu.memory_space<vmem>> -> memref<4096xf32, #tpu.memory_space<vmem>>
        %swap3A_1448 = arith.index_cast %add3A_1443 : i32 to index
        %swap3A_1449 = tpu.vector_load %swap3A_1447[%swap3A_1448] {strides = array<i32>} : memref<4096xf32, #tpu.memory_space<vmem>>, vector<16xf32>,
        %swap3A_1450 = vector.shape_cast %swap3A_1449 : vector<16xf32> to vector<16xf32>
        %swap3A_1451 = vector.shape_cast %get3A_1446 : vector<16xf32> to vector<16xf32>
        tpu.vector_store %swap3A_1447[%swap3A_1448], %swap3A_1451 {strides = array<i32>} : memref<4096xf32, #tpu.memory_space<vmem>>, vector<16xf32>,
        %add3A_1452 = arith.constant 16 : i32
        %add3A_1453 = arith.addi %mul3A_1441, %add3A_1452 : i32
        %add3A_1454 = arith.addi %sub3A_949, %add3A_1453 : i32
        %get3A_1455 = arith.index_cast %add3A_1454 : i32 to index
        %get3A_1456 = tpu.vector_load %arg5[%get3A_1455] {strides = array<i32>} : memref<32768xf32, #tpu.memory_space<vmem>>, vector<16xf32>,
        %get3A_1457 = vector.shape_cast %get3A_1456 : vector<16xf32> to vector<16xf32>
        %swap3A_1458 = arith.constant 4096 : i32
        %swap3A_1459 = tpu.memref_slice %arg6[%swap3A_1458] : memref<32768xf32, #tpu.memory_space<vmem>> -> memref<4096xf32, #tpu.memory_space<vmem>>
        %swap3A_1460 = arith.index_cast %add3A_1453 : i32 to index
        %swap3A_1461 = tpu.vector_load %swap3A_1459[%swap3A_1460] {strides = array<i32>} : memref<4096xf32, #tpu.memory_space<vmem>>, vector<16xf32>,
        %swap3A_1462 = vector.shape_cast %swap3A_1461 : vector<16xf32> to vector<16xf32>
        %swap3A_1463 = vector.shape_cast %get3A_1457 : vector<16xf32> to vector<16xf32>
        tpu.vector_store %swap3A_1459[%swap3A_1460], %swap3A_1463 {strides = array<i32>} : memref<4096xf32, #tpu.memory_space<vmem>>, vector<16xf32>,
        %add3A_1464 = arith.constant 32 : i32
        %add3A_1465 = arith.addi %mul3A_1441, %add3A_1464 : i32
        %add3A_1466 = arith.addi %sub3A_949, %add3A_1465 : i32
        %get3A_1467 = arith.index_cast %add3A_1466 : i32 to index
        %get3A_1468 = tpu.vector_load %arg5[%get3A_1467] {strides = array<i32>} : memref<32768xf32, #tpu.memory_space<vmem>>, vector<16xf32>,
        %get3A_1469 = vector.shape_cast %get3A_1468 : vector<16xf32> to vector<16xf32>
        %swap3A_1470 = arith.constant 4096 : i32
        %swap3A_1471 = tpu.memref_slice %arg6[%swap3A_1470] : memref<32768xf32, #tpu.memory_space<vmem>> -> memref<4096xf32, #tpu.memory_space<vmem>>
        %swap3A_1472 = arith.index_cast %add3A_1465 : i32 to index
        %swap3A_1473 = tpu.vector_load %swap3A_1471[%swap3A_1472] {strides = array<i32>} : memref<4096xf32, #tpu.memory_space<vmem>>, vector<16xf32>,
        %swap3A_1474 = vector.shape_cast %swap3A_1473 : vector<16xf32> to vector<16xf32>
        %swap3A_1475 = vector.shape_cast %get3A_1469 : vector<16xf32> to vector<16xf32>
        tpu.vector_store %swap3A_1471[%swap3A_1472], %swap3A_1475 {strides = array<i32>} : memref<4096xf32, #tpu.memory_space<vmem>>, vector<16xf32>,
        %add3A_1476 = arith.constant 48 : i32
        %add3A_1477 = arith.addi %mul3A_1441, %add3A_1476 : i32
        %add3A_1478 = arith.addi %sub3A_949, %add3A_1477 : i32
        %get3A_1479 = arith.index_cast %add3A_1478 : i32 to index
        %get3A_1480 = tpu.vector_load %arg5[%get3A_1479] {strides = array<i32>} : memref<32768xf32, #tpu.memory_space<vmem>>, vector<16xf32>,
        %get3A_1481 = vector.shape_cast %get3A_1480 : vector<16xf32> to vector<16xf32>
        %swap3A_1482 = arith.constant 4096 : i32
        %swap3A_1483 = tpu.memref_slice %arg6[%swap3A_1482] : memref<32768xf32, #tpu.memory_space<vmem>> -> memref<4096xf32, #tpu.memory_space<vmem>>
        %swap3A_1484 = arith.index_cast %add3A_1477 : i32 to index
        %swap3A_1485 = tpu.vector_load %swap3A_1483[%swap3A_1484] {strides = array<i32>} : memref<4096xf32, #tpu.memory_space<vmem>>, vector<16xf32>,
        %swap3A_1486 = vector.shape_cast %swap3A_1485 : vector<16xf32> to vector<16xf32>
        %swap3A_1487 = vector.shape_cast %get3A_1481 : vector<16xf32> to vector<16xf32>
        tpu.vector_store %swap3A_1483[%swap3A_1484], %swap3A_1487 {strides = array<i32>} : memref<4096xf32, #tpu.memory_space<vmem>>, vector<16xf32>,
      }
      %while3A_963 = arith.constant 1 : i32
      scf.for %while3A_1439 = %while3A_961 to %while3A_957 step %while3A_963  : i32 {
        %mul3A_1440 = arith.constant 64 : i32
        %mul3A_1441 = arith.muli %while3A_1439, %mul3A_1440 : i32
        %add3A_1442 = arith.constant 0 : i32
        %add3A_1443 = arith.addi %mul3A_1441, %add3A_1442 : i32
        %add3A_1444 = arith.addi %sub3A_949, %add3A_1443 : i32
        %get3A = arith.index_cast %add3A_1444 : i32 to index
        %get3A_1445 = tpu.vector_load %arg5[%get3A] {strides = array<i32>} : memref<32768xf32, #tpu.memory_space<vmem>>, vector<16xf32>,
        %get3A_1446 = vector.shape_cast %get3A_1445 : vector<16xf32> to vector<16xf32>
        %swap3A = arith.constant 4096 : i32
        %swap3A_1447 = tpu.memref_slice %arg6[%swap3A] : memref<32768xf32, #tpu.memory_space<vmem>> -> memref<4096xf32, #tpu.memory_space<vmem>>
        %swap3A_1448 = arith.index_cast %add3A_1443 : i32 to index
        %swap3A_1449 = tpu.vector_load %swap3A_1447[%swap3A_1448] {strides = array<i32>} : memref<4096xf32, #tpu.memory_space<vmem>>, vector<16xf32>,
        %swap3A_1450 = vector.shape_cast %swap3A_1449 : vector<16xf32> to vector<16xf32>
        %swap3A_1451 = vector.shape_cast %get3A_1446 : vector<16xf32> to vector<16xf32>
        tpu.vector_store %swap3A_1447[%swap3A_1448], %swap3A_1451 {strides = array<i32>} : memref<4096xf32, #tpu.memory_space<vmem>>, vector<16xf32>,
        %add3A_1452 = arith.constant 16 : i32
        %add3A_1453 = arith.addi %mul3A_1441, %add3A_1452 : i32
        %add3A_1454 = arith.addi %sub3A_949, %add3A_1453 : i32
        %get3A_1455 = arith.index_cast %add3A_1454 : i32 to index
        %get3A_1456 = tpu.vector_load %arg5[%get3A_1455] {strides = array<i32>} : memref<32768xf32, #tpu.memory_space<vmem>>, vector<16xf32>,
        %get3A_1457 = vector.shape_cast %get3A_1456 : vector<16xf32> to vector<16xf32>
        %swap3A_1458 = arith.constant 4096 : i32
        %swap3A_1459 = tpu.memref_slice %arg6[%swap3A_1458] : memref<32768xf32, #tpu.memory_space<vmem>> -> memref<4096xf32, #tpu.memory_space<vmem>>
        %swap3A_1460 = arith.index_cast %add3A_1453 : i32 to index
        %swap3A_1461 = tpu.vector_load %swap3A_1459[%swap3A_1460] {strides = array<i32>} : memref<4096xf32, #tpu.memory_space<vmem>>, vector<16xf32>,
        %swap3A_1462 = vector.shape_cast %swap3A_1461 : vector<16xf32> to vector<16xf32>
        %swap3A_1463 = vector.shape_cast %get3A_1457 : vector<16xf32> to vector<16xf32>
        tpu.vector_store %swap3A_1459[%swap3A_1460], %swap3A_1463 {strides = array<i32>} : memref<4096xf32, #tpu.memory_space<vmem>>, vector<16xf32>,
        %add3A_1464 = arith.constant 32 : i32
        %add3A_1465 = arith.addi %mul3A_1441, %add3A_1464 : i32
        %add3A_1466 = arith.addi %sub3A_949, %add3A_1465 : i32
        %get3A_1467 = arith.index_cast %add3A_1466 : i32 to index
        %get3A_1468 = tpu.vector_load %arg5[%get3A_1467] {strides = array<i32>} : memref<32768xf32, #tpu.memory_space<vmem>>, vector<16xf32>,
        %get3A_1469 = vector.shape_cast %get3A_1468 : vector<16xf32> to vector<16xf32>
        %swap3A_1470 = arith.constant 4096 : i32
        %swap3A_1471 = tpu.memref_slice %arg6[%swap3A_1470] : memref<32768xf32, #tpu.memory_space<vmem>> -> memref<4096xf32, #tpu.memory_space<vmem>>
        %swap3A_1472 = arith.index_cast %add3A_1465 : i32 to index
        %swap3A_1473 = tpu.vector_load %swap3A_1471[%swap3A_1472] {strides = array<i32>} : memref<4096xf32, #tpu.memory_space<vmem>>, vector<16xf32>,
        %swap3A_1474 = vector.shape_cast %swap3A_1473 : vector<16xf32> to vector<16xf32>
        %swap3A_1475 = vector.shape_cast %get3A_1469 : vector<16xf32> to vector<16xf32>
        tpu.vector_store %swap3A_1471[%swap3A_1472], %swap3A_1475 {strides = array<i32>} : memref<4096xf32, #tpu.memory_space<vmem>>, vector<16xf32>,
        %add3A_1476 = arith.constant 48 : i32
        %add3A_1477 = arith.addi %mul3A_1441, %add3A_1476 : i32
        %add3A_1478 = arith.addi %sub3A_949, %add3A_1477 : i32
        %get3A_1479 = arith.index_cast %add3A_1478 : i32 to index
        %get3A_1480 = tpu.vector_load %arg5[%get3A_1479] {strides = array<i32>} : memref<32768xf32, #tpu.memory_space<vmem>>, vector<16xf32>,
        %get3A_1481 = vector.shape_cast %get3A_1480 : vector<16xf32> to vector<16xf32>
        %swap3A_1482 = arith.constant 4096 : i32
        %swap3A_1483 = tpu.memref_slice %arg6[%swap3A_1482] : memref<32768xf32, #tpu.memory_space<vmem>> -> memref<4096xf32, #tpu.memory_space<vmem>>
        %swap3A_1484 = arith.index_cast %add3A_1477 : i32 to index
        %swap3A_1485 = tpu.vector_load %swap3A_1483[%swap3A_1484] {strides = array<i32>} : memref<4096xf32, #tpu.memory_space<vmem>>, vector<16xf32>,
        %swap3A_1486 = vector.shape_cast %swap3A_1485 : vector<16xf32> to vector<16xf32>
        %swap3A_1487 = vector.shape_cast %get3A_1481 : vector<16xf32> to vector<16xf32>
        tpu.vector_store %swap3A_1483[%swap3A_1484], %swap3A_1487 {strides = array<i32>} : memref<4096xf32, #tpu.memory_space<vmem>>, vector<16xf32>,
      }
      %add3A_964 = arith.constant 1 : i32
      %add3A_965 = arith.addi %add3A_916, %add3A_964 : i32
      %and3A_966 = arith.constant 63 : i32
      %and3A_967 = arith.andi %add3A_965, %and3A_966 : i32
      %ne3A_968 = arith.constant 0 : i32
      %ne3A_969 = arith.cmpi ne, %and3A_967, %ne3A_968 : i32
      %convert_element_type3A_970 = arith.extui %ne3A_969 : i1 to i32
      %cond3A_971 = arith.constant 0 : i32
      %cond3A_972 = arith.cmpi ne, %convert_element_type3A_970, %cond3A_971 : i32
      scf.if %cond3A_972 {
        %mul3A_1439 = arith.constant 64 : i32
        %mul3A_1440 = arith.muli %shift_right_arithmetic3A_953, %mul3A_1439 : i32
        %add3A_1441 = arith.constant 0 : i32
        %add3A_1442 = arith.addi %mul3A_1440, %add3A_1441 : i32
        %add3A_1443 = arith.addi %sub3A_949, %add3A_1442 : i32
        %get3A = arith.index_cast %add3A_1443 : i32 to index
        %get3A_1444 = tpu.vector_load %arg5[%get3A] {strides = array<i32>} : memref<32768xf32, #tpu.memory_space<vmem>>, vector<16xf32>,
        %get3A_1445 = vector.shape_cast %get3A_1444 : vector<16xf32> to vector<16xf32>
        %add3A_1446 = vector.broadcast %add3A_1442 : i32 to vector<16xi32>
        %add3A_1447 = arith.addi %iota3A, %add3A_1446 : vector<16xi32>
        %le3A = vector.broadcast %add3A_916 : i32 to vector<16xi32>
        %le3A_1448 = arith.cmpi sle, %add3A_1447, %le3A : vector<16xi32>
        %select_n3A_1449 = arith.select %le3A_1448, %get3A_1445, %broadcast_in_dim3A_1 : vector<16xi1>, vector<16xf32>
        %swap3A = arith.constant 4096 : i32
        %swap3A_1450 = tpu.memref_slice %arg6[%swap3A] : memref<32768xf32, #tpu.memory_space<vmem>> -> memref<4096xf32, #tpu.memory_space<vmem>>
        %swap3A_1451 = arith.index_cast %add3A_1442 : i32 to index
        %swap3A_1452 = tpu.vector_load %swap3A_1450[%swap3A_1451] {strides = array<i32>} : memref<4096xf32, #tpu.memory_space<vmem>>, vector<16xf32>,
        %swap3A_1453 = vector.shape_cast %swap3A_1452 : vector<16xf32> to vector<16xf32>
        %swap3A_1454 = vector.shape_cast %select_n3A_1449 : vector<16xf32> to vector<16xf32>
        tpu.vector_store %swap3A_1450[%swap3A_1451], %swap3A_1454 {strides = array<i32>} : memref<4096xf32, #tpu.memory_space<vmem>>, vector<16xf32>,
        %add3A_1455 = arith.constant 16 : i32
        %add3A_1456 = arith.addi %mul3A_1440, %add3A_1455 : i32
        %add3A_1457 = arith.addi %sub3A_949, %add3A_1456 : i32
        %get3A_1458 = arith.index_cast %add3A_1457 : i32 to index
        %get3A_1459 = tpu.vector_load %arg5[%get3A_1458] {strides = array<i32>} : memref<32768xf32, #tpu.memory_space<vmem>>, vector<16xf32>,
        %get3A_1460 = vector.shape_cast %get3A_1459 : vector<16xf32> to vector<16xf32>
        %add3A_1461 = vector.broadcast %add3A_1456 : i32 to vector<16xi32>
        %add3A_1462 = arith.addi %iota3A, %add3A_1461 : vector<16xi32>
        %le3A_1463 = vector.broadcast %add3A_916 : i32 to vector<16xi32>
        %le3A_1464 = arith.cmpi sle, %add3A_1462, %le3A_1463 : vector<16xi32>
        %select_n3A_1465 = arith.select %le3A_1464, %get3A_1460, %broadcast_in_dim3A_1 : vector<16xi1>, vector<16xf32>
        %swap3A_1466 = arith.constant 4096 : i32
        %swap3A_1467 = tpu.memref_slice %arg6[%swap3A_1466] : memref<32768xf32, #tpu.memory_space<vmem>> -> memref<4096xf32, #tpu.memory_space<vmem>>
        %swap3A_1468 = arith.index_cast %add3A_1456 : i32 to index
        %swap3A_1469 = tpu.vector_load %swap3A_1467[%swap3A_1468] {strides = array<i32>} : memref<4096xf32, #tpu.memory_space<vmem>>, vector<16xf32>,
        %swap3A_1470 = vector.shape_cast %swap3A_1469 : vector<16xf32> to vector<16xf32>
        %swap3A_1471 = vector.shape_cast %select_n3A_1465 : vector<16xf32> to vector<16xf32>
        tpu.vector_store %swap3A_1467[%swap3A_1468], %swap3A_1471 {strides = array<i32>} : memref<4096xf32, #tpu.memory_space<vmem>>, vector<16xf32>,
        %add3A_1472 = arith.constant 32 : i32
        %add3A_1473 = arith.addi %mul3A_1440, %add3A_1472 : i32
        %add3A_1474 = arith.addi %sub3A_949, %add3A_1473 : i32
        %get3A_1475 = arith.index_cast %add3A_1474 : i32 to index
        %get3A_1476 = tpu.vector_load %arg5[%get3A_1475] {strides = array<i32>} : memref<32768xf32, #tpu.memory_space<vmem>>, vector<16xf32>,
        %get3A_1477 = vector.shape_cast %get3A_1476 : vector<16xf32> to vector<16xf32>
        %add3A_1478 = vector.broadcast %add3A_1473 : i32 to vector<16xi32>
        %add3A_1479 = arith.addi %iota3A, %add3A_1478 : vector<16xi32>
        %le3A_1480 = vector.broadcast %add3A_916 : i32 to vector<16xi32>
        %le3A_1481 = arith.cmpi sle, %add3A_1479, %le3A_1480 : vector<16xi32>
        %select_n3A_1482 = arith.select %le3A_1481, %get3A_1477, %broadcast_in_dim3A_1 : vector<16xi1>, vector<16xf32>
        %swap3A_1483 = arith.constant 4096 : i32
        %swap3A_1484 = tpu.memref_slice %arg6[%swap3A_1483] : memref<32768xf32, #tpu.memory_space<vmem>> -> memref<4096xf32, #tpu.memory_space<vmem>>
        %swap3A_1485 = arith.index_cast %add3A_1473 : i32 to index
        %swap3A_1486 = tpu.vector_load %swap3A_1484[%swap3A_1485] {strides = array<i32>} : memref<4096xf32, #tpu.memory_space<vmem>>, vector<16xf32>,
        %swap3A_1487 = vector.shape_cast %swap3A_1486 : vector<16xf32> to vector<16xf32>
        %swap3A_1488 = vector.shape_cast %select_n3A_1482 : vector<16xf32> to vector<16xf32>
        tpu.vector_store %swap3A_1484[%swap3A_1485], %swap3A_1488 {strides = array<i32>} : memref<4096xf32, #tpu.memory_space<vmem>>, vector<16xf32>,
        %add3A_1489 = arith.constant 48 : i32
        %add3A_1490 = arith.addi %mul3A_1440, %add3A_1489 : i32
        %add3A_1491 = arith.addi %sub3A_949, %add3A_1490 : i32
        %get3A_1492 = arith.index_cast %add3A_1491 : i32 to index
        %get3A_1493 = tpu.vector_load %arg5[%get3A_1492] {strides = array<i32>} : memref<32768xf32, #tpu.memory_space<vmem>>, vector<16xf32>,
        %get3A_1494 = vector.shape_cast %get3A_1493 : vector<16xf32> to vector<16xf32>
        %add3A_1495 = vector.broadcast %add3A_1490 : i32 to vector<16xi32>
        %add3A_1496 = arith.addi %iota3A, %add3A_1495 : vector<16xi32>
        %le3A_1497 = vector.broadcast %add3A_916 : i32 to vector<16xi32>
        %le3A_1498 = arith.cmpi sle, %add3A_1496, %le3A_1497 : vector<16xi32>
        %select_n3A_1499 = arith.select %le3A_1498, %get3A_1494, %broadcast_in_dim3A_1 : vector<16xi1>, vector<16xf32>
        %swap3A_1500 = arith.constant 4096 : i32
        %swap3A_1501 = tpu.memref_slice %arg6[%swap3A_1500] : memref<32768xf32, #tpu.memory_space<vmem>> -> memref<4096xf32, #tpu.memory_space<vmem>>
        %swap3A_1502 = arith.index_cast %add3A_1490 : i32 to index
        %swap3A_1503 = tpu.vector_load %swap3A_1501[%swap3A_1502] {strides = array<i32>} : memref<4096xf32, #tpu.memory_space<vmem>>, vector<16xf32>,
        %swap3A_1504 = vector.shape_cast %swap3A_1503 : vector<16xf32> to vector<16xf32>
        %swap3A_1505 = vector.shape_cast %select_n3A_1499 : vector<16xf32> to vector<16xf32>
        tpu.vector_store %swap3A_1501[%swap3A_1502], %swap3A_1505 {strides = array<i32>} : memref<4096xf32, #tpu.memory_space<vmem>>, vector<16xf32>,
      } else {
      }
      %dma_start3A_973 = arith.constant 4096 : i32
      %dma_start3A_974 = tpu.memref_slice %arg6[%dma_start3A_973] : memref<32768xf32, #tpu.memory_space<vmem>> -> memref<4096xf32, #tpu.memory_space<vmem>>
      %dma_start3A_975 = arith.constant 0 : i32
      %dma_start3A_976 = tpu.memref_slice %arg3[%add3A_916, %dma_start3A_975] : memref<4096x4096xf32, #tpu.memory_space<hbm>> -> memref<1x4096xf32, #tpu.memory_space<hbm>>
      %dma_start3A_977 = tpu.memref_squeeze %dma_start3A_976 : memref<1x4096xf32, #tpu.memory_space<hbm>> -> memref<4096xf32, #tpu.memory_space<hbm>>
      %dma_start3A_978 = arith.constant 0 : i32
      %dma_start3A_979 = tpu.memref_slice %arg3[%add3A_916, %dma_start3A_978] : memref<4096x4096xf32, #tpu.memory_space<hbm>> -> memref<1x4096xf32, #tpu.memory_space<hbm>>
      %dma_start3A_980 = tpu.memref_squeeze %dma_start3A_979 : memref<1x4096xf32, #tpu.memory_space<hbm>> -> memref<4096xf32, #tpu.memory_space<hbm>>
      %dma_start3A_981 = arith.constant 4096 : i32
      %dma_start3A_982 = tpu.memref_slice %arg6[%dma_start3A_981] : memref<32768xf32, #tpu.memory_space<vmem>> -> memref<4096xf32, #tpu.memory_space<vmem>>
      tpu.enqueue_dma source(%dma_start3A_982 : memref<4096xf32, #tpu.memory_space<vmem>>) target(%dma_start3A_980 : memref<4096xf32, #tpu.memory_space<hbm>>) target_semaphore(%arg10 : memref<!tpu.dma_semaphore, #tpu.memory_space<semaphore_mem>>)
      %add3A_983 = arith.constant 2 : i32
      %add3A_984 = arith.addi %mul3A_808, %add3A_983 : i32
      %gt3A_985 = arith.constant 0 : i32
      %gt3A_986 = arith.cmpi sgt, %add3A_803, %gt3A_985 : i32
      %convert_element_type3A_987 = arith.extui %gt3A_986 : i1 to i32
      %cond3A_988 = arith.constant 0 : i32
      %cond3A_989 = arith.cmpi ne, %convert_element_type3A_987, %cond3A_988 : i32
      scf.if %cond3A_989 {
        %dma_wait3A_1439 = arith.constant 0 : i32
        %dma_wait3A_1440 = arith.constant 8192 : i32
        %dma_wait3A_1441 = tpu.memref_slice %arg6[%dma_wait3A_1440] : memref<32768xf32, #tpu.memory_space<vmem>> -> memref<4096xf32, #tpu.memory_space<vmem>>
        %dma_wait3A_1442 = arith.constant 0 : i32
        %dma_wait3A_1443 = tpu.memref_slice %arg3[%dma_wait3A_1439, %dma_wait3A_1442] : memref<4096x4096xf32, #tpu.memory_space<hbm>> -> memref<1x4096xf32, #tpu.memory_space<hbm>>
        %dma_wait3A_1444 = tpu.memref_squeeze %dma_wait3A_1443 : memref<1x4096xf32, #tpu.memory_space<hbm>> -> memref<4096xf32, #tpu.memory_space<hbm>>
        %dma_wait3A_1445 = arith.constant 0 : i32
        %dma_wait3A_1446 = tpu.memref_slice %arg3[%dma_wait3A_1439, %dma_wait3A_1445] : memref<4096x4096xf32, #tpu.memory_space<hbm>> -> memref<1x4096xf32, #tpu.memory_space<hbm>>
        %dma_wait3A_1447 = tpu.memref_squeeze %dma_wait3A_1446 : memref<1x4096xf32, #tpu.memory_space<hbm>> -> memref<4096xf32, #tpu.memory_space<hbm>>
        %dma_wait3A_1448 = arith.constant 8192 : i32
        %dma_wait3A_1449 = tpu.memref_slice %arg6[%dma_wait3A_1448] : memref<32768xf32, #tpu.memory_space<vmem>> -> memref<4096xf32, #tpu.memory_space<vmem>>
        tpu.wait_dma2 semaphore(%arg11 : memref<!tpu.dma_semaphore, #tpu.memory_space<semaphore_mem>>) src(%dma_wait3A_1449 : memref<4096xf32, #tpu.memory_space<vmem>>) dst(%dma_wait3A_1447 : memref<4096xf32, #tpu.memory_space<hbm>>)
      } else {
      }
      %add3A_990 = arith.constant 1 : i32
      %add3A_991 = arith.addi %add3A_984, %add3A_990 : i32
      %mul3A_992 = arith.muli %add3A_984, %add3A_991 : i32
      %jit3A_993 = arith.constant 2 : i32
      %div3A_994 = arith.divsi %mul3A_992, %jit3A_993 : i32
      %sign3A_995 = arith.constant 0 : i32
      %sign3A_996 = arith.cmpi sgt, %mul3A_992, %sign3A_995 : i32
      %sign3A_997 = arith.extui %sign3A_996 : i1 to i32
      %sign3A_998 = arith.constant 0 : i32
      %sign3A_999 = arith.cmpi slt, %mul3A_992, %sign3A_998 : i32
      %sign3A_1000 = arith.extui %sign3A_999 : i1 to i32
      %sign3A_1001 = arith.subi %sign3A_997, %sign3A_1000 : i32
      %sign3A_1002 = arith.constant 0 : i32
      %sign3A_1003 = arith.cmpi sgt, %jit3A_993, %sign3A_1002 : i32
      %sign3A_1004 = arith.extui %sign3A_1003 : i1 to i32
      %sign3A_1005 = arith.constant 0 : i32
      %sign3A_1006 = arith.cmpi slt, %jit3A_993, %sign3A_1005 : i32
      %sign3A_1007 = arith.extui %sign3A_1006 : i1 to i32
      %sign3A_1008 = arith.subi %sign3A_1004, %sign3A_1007 : i32
      %ne3A_1009 = arith.cmpi ne, %sign3A_1001, %sign3A_1008 : i32
      %rem3A_1010 = arith.remsi %mul3A_992, %jit3A_993 : i32
      %ne3A_1011 = arith.constant 0 : i32
      %ne3A_1012 = arith.cmpi ne, %rem3A_1010, %ne3A_1011 : i32
      %and3A_1013 = arith.andi %ne3A_1009, %ne3A_1012 : i1
      %sub3A_1014 = arith.constant 1 : i32
      %sub3A_1015 = arith.subi %div3A_994, %sub3A_1014 : i32
      %select_n3A_1016 = arith.select %and3A_1013, %sub3A_1015, %div3A_994 : i32
      %sub3A_1017 = arith.subi %select_n3A_1016, %multiple_of3A_842 : i32
      %add3A_1018 = arith.constant 1 : i32
      %add3A_1019 = arith.addi %add3A_984, %add3A_1018 : i32
      %shift_right_arithmetic3A_1020 = arith.constant 6 : i32
      %shift_right_arithmetic3A_1021 = arith.shrsi %add3A_1019, %shift_right_arithmetic3A_1020 : i32
      %while3A_1022 = arith.constant 0 : i32
      %while3A_1023 = arith.constant 0 : i32
      %while3A_1024 = arith.subi %shift_right_arithmetic3A_1021, %while3A_1023 : i32
      %while3A_1025 = arith.addi %while3A_1023, %while3A_1024 : i32
      %while3A_1026 = arith.constant 1 : i32
      %while3A_1027 = arith.divsi %while3A_1024, %while3A_1026 : i32
      %while3A_1028 = arith.muli %while3A_1027, %while3A_1026 : i32
      %while3A_1029 = arith.addi %while3A_1023, %while3A_1028 : i32
      %while3A_1030 = arith.constant 1 : i32
      scf.for %while3A_1439 = %while3A_1023 to %while3A_1029 step %while3A_1030  : i32 {
        %mul3A_1440 = arith.constant 64 : i32
        %mul3A_1441 = arith.muli %while3A_1439, %mul3A_1440 : i32
        %add3A_1442 = arith.constant 0 : i32
        %add3A_1443 = arith.addi %mul3A_1441, %add3A_1442 : i32
        %add3A_1444 = arith.addi %sub3A_1017, %add3A_1443 : i32
        %get3A = arith.index_cast %add3A_1444 : i32 to index
        %get3A_1445 = tpu.vector_load %arg5[%get3A] {strides = array<i32>} : memref<32768xf32, #tpu.memory_space<vmem>>, vector<16xf32>,
        %get3A_1446 = vector.shape_cast %get3A_1445 : vector<16xf32> to vector<16xf32>
        %swap3A = arith.constant 8192 : i32
        %swap3A_1447 = tpu.memref_slice %arg6[%swap3A] : memref<32768xf32, #tpu.memory_space<vmem>> -> memref<4096xf32, #tpu.memory_space<vmem>>
        %swap3A_1448 = arith.index_cast %add3A_1443 : i32 to index
        %swap3A_1449 = tpu.vector_load %swap3A_1447[%swap3A_1448] {strides = array<i32>} : memref<4096xf32, #tpu.memory_space<vmem>>, vector<16xf32>,
        %swap3A_1450 = vector.shape_cast %swap3A_1449 : vector<16xf32> to vector<16xf32>
        %swap3A_1451 = vector.shape_cast %get3A_1446 : vector<16xf32> to vector<16xf32>
        tpu.vector_store %swap3A_1447[%swap3A_1448], %swap3A_1451 {strides = array<i32>} : memref<4096xf32, #tpu.memory_space<vmem>>, vector<16xf32>,
        %add3A_1452 = arith.constant 16 : i32
        %add3A_1453 = arith.addi %mul3A_1441, %add3A_1452 : i32
        %add3A_1454 = arith.addi %sub3A_1017, %add3A_1453 : i32
        %get3A_1455 = arith.index_cast %add3A_1454 : i32 to index
        %get3A_1456 = tpu.vector_load %arg5[%get3A_1455] {strides = array<i32>} : memref<32768xf32, #tpu.memory_space<vmem>>, vector<16xf32>,
        %get3A_1457 = vector.shape_cast %get3A_1456 : vector<16xf32> to vector<16xf32>
        %swap3A_1458 = arith.constant 8192 : i32
        %swap3A_1459 = tpu.memref_slice %arg6[%swap3A_1458] : memref<32768xf32, #tpu.memory_space<vmem>> -> memref<4096xf32, #tpu.memory_space<vmem>>
        %swap3A_1460 = arith.index_cast %add3A_1453 : i32 to index
        %swap3A_1461 = tpu.vector_load %swap3A_1459[%swap3A_1460] {strides = array<i32>} : memref<4096xf32, #tpu.memory_space<vmem>>, vector<16xf32>,
        %swap3A_1462 = vector.shape_cast %swap3A_1461 : vector<16xf32> to vector<16xf32>
        %swap3A_1463 = vector.shape_cast %get3A_1457 : vector<16xf32> to vector<16xf32>
        tpu.vector_store %swap3A_1459[%swap3A_1460], %swap3A_1463 {strides = array<i32>} : memref<4096xf32, #tpu.memory_space<vmem>>, vector<16xf32>,
        %add3A_1464 = arith.constant 32 : i32
        %add3A_1465 = arith.addi %mul3A_1441, %add3A_1464 : i32
        %add3A_1466 = arith.addi %sub3A_1017, %add3A_1465 : i32
        %get3A_1467 = arith.index_cast %add3A_1466 : i32 to index
        %get3A_1468 = tpu.vector_load %arg5[%get3A_1467] {strides = array<i32>} : memref<32768xf32, #tpu.memory_space<vmem>>, vector<16xf32>,
        %get3A_1469 = vector.shape_cast %get3A_1468 : vector<16xf32> to vector<16xf32>
        %swap3A_1470 = arith.constant 8192 : i32
        %swap3A_1471 = tpu.memref_slice %arg6[%swap3A_1470] : memref<32768xf32, #tpu.memory_space<vmem>> -> memref<4096xf32, #tpu.memory_space<vmem>>
        %swap3A_1472 = arith.index_cast %add3A_1465 : i32 to index
        %swap3A_1473 = tpu.vector_load %swap3A_1471[%swap3A_1472] {strides = array<i32>} : memref<4096xf32, #tpu.memory_space<vmem>>, vector<16xf32>,
        %swap3A_1474 = vector.shape_cast %swap3A_1473 : vector<16xf32> to vector<16xf32>
        %swap3A_1475 = vector.shape_cast %get3A_1469 : vector<16xf32> to vector<16xf32>
        tpu.vector_store %swap3A_1471[%swap3A_1472], %swap3A_1475 {strides = array<i32>} : memref<4096xf32, #tpu.memory_space<vmem>>, vector<16xf32>,
        %add3A_1476 = arith.constant 48 : i32
        %add3A_1477 = arith.addi %mul3A_1441, %add3A_1476 : i32
        %add3A_1478 = arith.addi %sub3A_1017, %add3A_1477 : i32
        %get3A_1479 = arith.index_cast %add3A_1478 : i32 to index
        %get3A_1480 = tpu.vector_load %arg5[%get3A_1479] {strides = array<i32>} : memref<32768xf32, #tpu.memory_space<vmem>>, vector<16xf32>,
        %get3A_1481 = vector.shape_cast %get3A_1480 : vector<16xf32> to vector<16xf32>
        %swap3A_1482 = arith.constant 8192 : i32
        %swap3A_1483 = tpu.memref_slice %arg6[%swap3A_1482] : memref<32768xf32, #tpu.memory_space<vmem>> -> memref<4096xf32, #tpu.memory_space<vmem>>
        %swap3A_1484 = arith.index_cast %add3A_1477 : i32 to index
        %swap3A_1485 = tpu.vector_load %swap3A_1483[%swap3A_1484] {strides = array<i32>} : memref<4096xf32, #tpu.memory_space<vmem>>, vector<16xf32>,
        %swap3A_1486 = vector.shape_cast %swap3A_1485 : vector<16xf32> to vector<16xf32>
        %swap3A_1487 = vector.shape_cast %get3A_1481 : vector<16xf32> to vector<16xf32>
        tpu.vector_store %swap3A_1483[%swap3A_1484], %swap3A_1487 {strides = array<i32>} : memref<4096xf32, #tpu.memory_space<vmem>>, vector<16xf32>,
      }
      %while3A_1031 = arith.constant 1 : i32
      scf.for %while3A_1439 = %while3A_1029 to %while3A_1025 step %while3A_1031  : i32 {
        %mul3A_1440 = arith.constant 64 : i32
        %mul3A_1441 = arith.muli %while3A_1439, %mul3A_1440 : i32
        %add3A_1442 = arith.constant 0 : i32
        %add3A_1443 = arith.addi %mul3A_1441, %add3A_1442 : i32
        %add3A_1444 = arith.addi %sub3A_1017, %add3A_1443 : i32
        %get3A = arith.index_cast %add3A_1444 : i32 to index
        %get3A_1445 = tpu.vector_load %arg5[%get3A] {strides = array<i32>} : memref<32768xf32, #tpu.memory_space<vmem>>, vector<16xf32>,
        %get3A_1446 = vector.shape_cast %get3A_1445 : vector<16xf32> to vector<16xf32>
        %swap3A = arith.constant 8192 : i32
        %swap3A_1447 = tpu.memref_slice %arg6[%swap3A] : memref<32768xf32, #tpu.memory_space<vmem>> -> memref<4096xf32, #tpu.memory_space<vmem>>
        %swap3A_1448 = arith.index_cast %add3A_1443 : i32 to index
        %swap3A_1449 = tpu.vector_load %swap3A_1447[%swap3A_1448] {strides = array<i32>} : memref<4096xf32, #tpu.memory_space<vmem>>, vector<16xf32>,
        %swap3A_1450 = vector.shape_cast %swap3A_1449 : vector<16xf32> to vector<16xf32>
        %swap3A_1451 = vector.shape_cast %get3A_1446 : vector<16xf32> to vector<16xf32>
        tpu.vector_store %swap3A_1447[%swap3A_1448], %swap3A_1451 {strides = array<i32>} : memref<4096xf32, #tpu.memory_space<vmem>>, vector<16xf32>,
        %add3A_1452 = arith.constant 16 : i32
        %add3A_1453 = arith.addi %mul3A_1441, %add3A_1452 : i32
        %add3A_1454 = arith.addi %sub3A_1017, %add3A_1453 : i32
        %get3A_1455 = arith.index_cast %add3A_1454 : i32 to index
        %get3A_1456 = tpu.vector_load %arg5[%get3A_1455] {strides = array<i32>} : memref<32768xf32, #tpu.memory_space<vmem>>, vector<16xf32>,
        %get3A_1457 = vector.shape_cast %get3A_1456 : vector<16xf32> to vector<16xf32>
        %swap3A_1458 = arith.constant 8192 : i32
        %swap3A_1459 = tpu.memref_slice %arg6[%swap3A_1458] : memref<32768xf32, #tpu.memory_space<vmem>> -> memref<4096xf32, #tpu.memory_space<vmem>>
        %swap3A_1460 = arith.index_cast %add3A_1453 : i32 to index
        %swap3A_1461 = tpu.vector_load %swap3A_1459[%swap3A_1460] {strides = array<i32>} : memref<4096xf32, #tpu.memory_space<vmem>>, vector<16xf32>,
        %swap3A_1462 = vector.shape_cast %swap3A_1461 : vector<16xf32> to vector<16xf32>
        %swap3A_1463 = vector.shape_cast %get3A_1457 : vector<16xf32> to vector<16xf32>
        tpu.vector_store %swap3A_1459[%swap3A_1460], %swap3A_1463 {strides = array<i32>} : memref<4096xf32, #tpu.memory_space<vmem>>, vector<16xf32>,
        %add3A_1464 = arith.constant 32 : i32
        %add3A_1465 = arith.addi %mul3A_1441, %add3A_1464 : i32
        %add3A_1466 = arith.addi %sub3A_1017, %add3A_1465 : i32
        %get3A_1467 = arith.index_cast %add3A_1466 : i32 to index
        %get3A_1468 = tpu.vector_load %arg5[%get3A_1467] {strides = array<i32>} : memref<32768xf32, #tpu.memory_space<vmem>>, vector<16xf32>,
        %get3A_1469 = vector.shape_cast %get3A_1468 : vector<16xf32> to vector<16xf32>
        %swap3A_1470 = arith.constant 8192 : i32
        %swap3A_1471 = tpu.memref_slice %arg6[%swap3A_1470] : memref<32768xf32, #tpu.memory_space<vmem>> -> memref<4096xf32, #tpu.memory_space<vmem>>
        %swap3A_1472 = arith.index_cast %add3A_1465 : i32 to index
        %swap3A_1473 = tpu.vector_load %swap3A_1471[%swap3A_1472] {strides = array<i32>} : memref<4096xf32, #tpu.memory_space<vmem>>, vector<16xf32>,
        %swap3A_1474 = vector.shape_cast %swap3A_1473 : vector<16xf32> to vector<16xf32>
        %swap3A_1475 = vector.shape_cast %get3A_1469 : vector<16xf32> to vector<16xf32>
        tpu.vector_store %swap3A_1471[%swap3A_1472], %swap3A_1475 {strides = array<i32>} : memref<4096xf32, #tpu.memory_space<vmem>>, vector<16xf32>,
        %add3A_1476 = arith.constant 48 : i32
        %add3A_1477 = arith.addi %mul3A_1441, %add3A_1476 : i32
        %add3A_1478 = arith.addi %sub3A_1017, %add3A_1477 : i32
        %get3A_1479 = arith.index_cast %add3A_1478 : i32 to index
        %get3A_1480 = tpu.vector_load %arg5[%get3A_1479] {strides = array<i32>} : memref<32768xf32, #tpu.memory_space<vmem>>, vector<16xf32>,
        %get3A_1481 = vector.shape_cast %get3A_1480 : vector<16xf32> to vector<16xf32>
        %swap3A_1482 = arith.constant 8192 : i32
        %swap3A_1483 = tpu.memref_slice %arg6[%swap3A_1482] : memref<32768xf32, #tpu.memory_space<vmem>> -> memref<4096xf32, #tpu.memory_space<vmem>>
        %swap3A_1484 = arith.index_cast %add3A_1477 : i32 to index
        %swap3A_1485 = tpu.vector_load %swap3A_1483[%swap3A_1484] {strides = array<i32>} : memref<4096xf32, #tpu.memory_space<vmem>>, vector<16xf32>,
        %swap3A_1486 = vector.shape_cast %swap3A_1485 : vector<16xf32> to vector<16xf32>
        %swap3A_1487 = vector.shape_cast %get3A_1481 : vector<16xf32> to vector<16xf32>
        tpu.vector_store %swap3A_1483[%swap3A_1484], %swap3A_1487 {strides = array<i32>} : memref<4096xf32, #tpu.memory_space<vmem>>, vector<16xf32>,
      }
      %add3A_1032 = arith.constant 1 : i32
      %add3A_1033 = arith.addi %add3A_984, %add3A_1032 : i32
      %and3A_1034 = arith.constant 63 : i32
      %and3A_1035 = arith.andi %add3A_1033, %and3A_1034 : i32
      %ne3A_1036 = arith.constant 0 : i32
      %ne3A_1037 = arith.cmpi ne, %and3A_1035, %ne3A_1036 : i32
      %convert_element_type3A_1038 = arith.extui %ne3A_1037 : i1 to i32
      %cond3A_1039 = arith.constant 0 : i32
      %cond3A_1040 = arith.cmpi ne, %convert_element_type3A_1038, %cond3A_1039 : i32
      scf.if %cond3A_1040 {
        %mul3A_1439 = arith.constant 64 : i32
        %mul3A_1440 = arith.muli %shift_right_arithmetic3A_1021, %mul3A_1439 : i32
        %add3A_1441 = arith.constant 0 : i32
        %add3A_1442 = arith.addi %mul3A_1440, %add3A_1441 : i32
        %add3A_1443 = arith.addi %sub3A_1017, %add3A_1442 : i32
        %get3A = arith.index_cast %add3A_1443 : i32 to index
        %get3A_1444 = tpu.vector_load %arg5[%get3A] {strides = array<i32>} : memref<32768xf32, #tpu.memory_space<vmem>>, vector<16xf32>,
        %get3A_1445 = vector.shape_cast %get3A_1444 : vector<16xf32> to vector<16xf32>
        %add3A_1446 = vector.broadcast %add3A_1442 : i32 to vector<16xi32>
        %add3A_1447 = arith.addi %iota3A, %add3A_1446 : vector<16xi32>
        %le3A = vector.broadcast %add3A_984 : i32 to vector<16xi32>
        %le3A_1448 = arith.cmpi sle, %add3A_1447, %le3A : vector<16xi32>
        %select_n3A_1449 = arith.select %le3A_1448, %get3A_1445, %broadcast_in_dim3A_1 : vector<16xi1>, vector<16xf32>
        %swap3A = arith.constant 8192 : i32
        %swap3A_1450 = tpu.memref_slice %arg6[%swap3A] : memref<32768xf32, #tpu.memory_space<vmem>> -> memref<4096xf32, #tpu.memory_space<vmem>>
        %swap3A_1451 = arith.index_cast %add3A_1442 : i32 to index
        %swap3A_1452 = tpu.vector_load %swap3A_1450[%swap3A_1451] {strides = array<i32>} : memref<4096xf32, #tpu.memory_space<vmem>>, vector<16xf32>,
        %swap3A_1453 = vector.shape_cast %swap3A_1452 : vector<16xf32> to vector<16xf32>
        %swap3A_1454 = vector.shape_cast %select_n3A_1449 : vector<16xf32> to vector<16xf32>
        tpu.vector_store %swap3A_1450[%swap3A_1451], %swap3A_1454 {strides = array<i32>} : memref<4096xf32, #tpu.memory_space<vmem>>, vector<16xf32>,
        %add3A_1455 = arith.constant 16 : i32
        %add3A_1456 = arith.addi %mul3A_1440, %add3A_1455 : i32
        %add3A_1457 = arith.addi %sub3A_1017, %add3A_1456 : i32
        %get3A_1458 = arith.index_cast %add3A_1457 : i32 to index
        %get3A_1459 = tpu.vector_load %arg5[%get3A_1458] {strides = array<i32>} : memref<32768xf32, #tpu.memory_space<vmem>>, vector<16xf32>,
        %get3A_1460 = vector.shape_cast %get3A_1459 : vector<16xf32> to vector<16xf32>
        %add3A_1461 = vector.broadcast %add3A_1456 : i32 to vector<16xi32>
        %add3A_1462 = arith.addi %iota3A, %add3A_1461 : vector<16xi32>
        %le3A_1463 = vector.broadcast %add3A_984 : i32 to vector<16xi32>
        %le3A_1464 = arith.cmpi sle, %add3A_1462, %le3A_1463 : vector<16xi32>
        %select_n3A_1465 = arith.select %le3A_1464, %get3A_1460, %broadcast_in_dim3A_1 : vector<16xi1>, vector<16xf32>
        %swap3A_1466 = arith.constant 8192 : i32
        %swap3A_1467 = tpu.memref_slice %arg6[%swap3A_1466] : memref<32768xf32, #tpu.memory_space<vmem>> -> memref<4096xf32, #tpu.memory_space<vmem>>
        %swap3A_1468 = arith.index_cast %add3A_1456 : i32 to index
        %swap3A_1469 = tpu.vector_load %swap3A_1467[%swap3A_1468] {strides = array<i32>} : memref<4096xf32, #tpu.memory_space<vmem>>, vector<16xf32>,
        %swap3A_1470 = vector.shape_cast %swap3A_1469 : vector<16xf32> to vector<16xf32>
        %swap3A_1471 = vector.shape_cast %select_n3A_1465 : vector<16xf32> to vector<16xf32>
        tpu.vector_store %swap3A_1467[%swap3A_1468], %swap3A_1471 {strides = array<i32>} : memref<4096xf32, #tpu.memory_space<vmem>>, vector<16xf32>,
        %add3A_1472 = arith.constant 32 : i32
        %add3A_1473 = arith.addi %mul3A_1440, %add3A_1472 : i32
        %add3A_1474 = arith.addi %sub3A_1017, %add3A_1473 : i32
        %get3A_1475 = arith.index_cast %add3A_1474 : i32 to index
        %get3A_1476 = tpu.vector_load %arg5[%get3A_1475] {strides = array<i32>} : memref<32768xf32, #tpu.memory_space<vmem>>, vector<16xf32>,
        %get3A_1477 = vector.shape_cast %get3A_1476 : vector<16xf32> to vector<16xf32>
        %add3A_1478 = vector.broadcast %add3A_1473 : i32 to vector<16xi32>
        %add3A_1479 = arith.addi %iota3A, %add3A_1478 : vector<16xi32>
        %le3A_1480 = vector.broadcast %add3A_984 : i32 to vector<16xi32>
        %le3A_1481 = arith.cmpi sle, %add3A_1479, %le3A_1480 : vector<16xi32>
        %select_n3A_1482 = arith.select %le3A_1481, %get3A_1477, %broadcast_in_dim3A_1 : vector<16xi1>, vector<16xf32>
        %swap3A_1483 = arith.constant 8192 : i32
        %swap3A_1484 = tpu.memref_slice %arg6[%swap3A_1483] : memref<32768xf32, #tpu.memory_space<vmem>> -> memref<4096xf32, #tpu.memory_space<vmem>>
        %swap3A_1485 = arith.index_cast %add3A_1473 : i32 to index
        %swap3A_1486 = tpu.vector_load %swap3A_1484[%swap3A_1485] {strides = array<i32>} : memref<4096xf32, #tpu.memory_space<vmem>>, vector<16xf32>,
        %swap3A_1487 = vector.shape_cast %swap3A_1486 : vector<16xf32> to vector<16xf32>
        %swap3A_1488 = vector.shape_cast %select_n3A_1482 : vector<16xf32> to vector<16xf32>
        tpu.vector_store %swap3A_1484[%swap3A_1485], %swap3A_1488 {strides = array<i32>} : memref<4096xf32, #tpu.memory_space<vmem>>, vector<16xf32>,
        %add3A_1489 = arith.constant 48 : i32
        %add3A_1490 = arith.addi %mul3A_1440, %add3A_1489 : i32
        %add3A_1491 = arith.addi %sub3A_1017, %add3A_1490 : i32
        %get3A_1492 = arith.index_cast %add3A_1491 : i32 to index
        %get3A_1493 = tpu.vector_load %arg5[%get3A_1492] {strides = array<i32>} : memref<32768xf32, #tpu.memory_space<vmem>>, vector<16xf32>,
        %get3A_1494 = vector.shape_cast %get3A_1493 : vector<16xf32> to vector<16xf32>
        %add3A_1495 = vector.broadcast %add3A_1490 : i32 to vector<16xi32>
        %add3A_1496 = arith.addi %iota3A, %add3A_1495 : vector<16xi32>
        %le3A_1497 = vector.broadcast %add3A_984 : i32 to vector<16xi32>
        %le3A_1498 = arith.cmpi sle, %add3A_1496, %le3A_1497 : vector<16xi32>
        %select_n3A_1499 = arith.select %le3A_1498, %get3A_1494, %broadcast_in_dim3A_1 : vector<16xi1>, vector<16xf32>
        %swap3A_1500 = arith.constant 8192 : i32
        %swap3A_1501 = tpu.memref_slice %arg6[%swap3A_1500] : memref<32768xf32, #tpu.memory_space<vmem>> -> memref<4096xf32, #tpu.memory_space<vmem>>
        %swap3A_1502 = arith.index_cast %add3A_1490 : i32 to index
        %swap3A_1503 = tpu.vector_load %swap3A_1501[%swap3A_1502] {strides = array<i32>} : memref<4096xf32, #tpu.memory_space<vmem>>, vector<16xf32>,
        %swap3A_1504 = vector.shape_cast %swap3A_1503 : vector<16xf32> to vector<16xf32>
        %swap3A_1505 = vector.shape_cast %select_n3A_1499 : vector<16xf32> to vector<16xf32>
        tpu.vector_store %swap3A_1501[%swap3A_1502], %swap3A_1505 {strides = array<i32>} : memref<4096xf32, #tpu.memory_space<vmem>>, vector<16xf32>,
      } else {
      }
      %dma_start3A_1041 = arith.constant 8192 : i32
      %dma_start3A_1042 = tpu.memref_slice %arg6[%dma_start3A_1041] : memref<32768xf32, #tpu.memory_space<vmem>> -> memref<4096xf32, #tpu.memory_space<vmem>>
      %dma_start3A_1043 = arith.constant 0 : i32
      %dma_start3A_1044 = tpu.memref_slice %arg3[%add3A_984, %dma_start3A_1043] : memref<4096x4096xf32, #tpu.memory_space<hbm>> -> memref<1x4096xf32, #tpu.memory_space<hbm>>
      %dma_start3A_1045 = tpu.memref_squeeze %dma_start3A_1044 : memref<1x4096xf32, #tpu.memory_space<hbm>> -> memref<4096xf32, #tpu.memory_space<hbm>>
      %dma_start3A_1046 = arith.constant 0 : i32
      %dma_start3A_1047 = tpu.memref_slice %arg3[%add3A_984, %dma_start3A_1046] : memref<4096x4096xf32, #tpu.memory_space<hbm>> -> memref<1x4096xf32, #tpu.memory_space<hbm>>
      %dma_start3A_1048 = tpu.memref_squeeze %dma_start3A_1047 : memref<1x4096xf32, #tpu.memory_space<hbm>> -> memref<4096xf32, #tpu.memory_space<hbm>>
      %dma_start3A_1049 = arith.constant 8192 : i32
      %dma_start3A_1050 = tpu.memref_slice %arg6[%dma_start3A_1049] : memref<32768xf32, #tpu.memory_space<vmem>> -> memref<4096xf32, #tpu.memory_space<vmem>>
      tpu.enqueue_dma source(%dma_start3A_1050 : memref<4096xf32, #tpu.memory_space<vmem>>) target(%dma_start3A_1048 : memref<4096xf32, #tpu.memory_space<hbm>>) target_semaphore(%arg11 : memref<!tpu.dma_semaphore, #tpu.memory_space<semaphore_mem>>)
      %add3A_1051 = arith.constant 3 : i32
      %add3A_1052 = arith.addi %mul3A_808, %add3A_1051 : i32
      %gt3A_1053 = arith.constant 0 : i32
      %gt3A_1054 = arith.cmpi sgt, %add3A_803, %gt3A_1053 : i32
      %convert_element_type3A_1055 = arith.extui %gt3A_1054 : i1 to i32
      %cond3A_1056 = arith.constant 0 : i32
      %cond3A_1057 = arith.cmpi ne, %convert_element_type3A_1055, %cond3A_1056 : i32
      scf.if %cond3A_1057 {
        %dma_wait3A_1439 = arith.constant 0 : i32
        %dma_wait3A_1440 = arith.constant 12288 : i32
        %dma_wait3A_1441 = tpu.memref_slice %arg6[%dma_wait3A_1440] : memref<32768xf32, #tpu.memory_space<vmem>> -> memref<4096xf32, #tpu.memory_space<vmem>>
        %dma_wait3A_1442 = arith.constant 0 : i32
        %dma_wait3A_1443 = tpu.memref_slice %arg3[%dma_wait3A_1439, %dma_wait3A_1442] : memref<4096x4096xf32, #tpu.memory_space<hbm>> -> memref<1x4096xf32, #tpu.memory_space<hbm>>
        %dma_wait3A_1444 = tpu.memref_squeeze %dma_wait3A_1443 : memref<1x4096xf32, #tpu.memory_space<hbm>> -> memref<4096xf32, #tpu.memory_space<hbm>>
        %dma_wait3A_1445 = arith.constant 0 : i32
        %dma_wait3A_1446 = tpu.memref_slice %arg3[%dma_wait3A_1439, %dma_wait3A_1445] : memref<4096x4096xf32, #tpu.memory_space<hbm>> -> memref<1x4096xf32, #tpu.memory_space<hbm>>
        %dma_wait3A_1447 = tpu.memref_squeeze %dma_wait3A_1446 : memref<1x4096xf32, #tpu.memory_space<hbm>> -> memref<4096xf32, #tpu.memory_space<hbm>>
        %dma_wait3A_1448 = arith.constant 12288 : i32
        %dma_wait3A_1449 = tpu.memref_slice %arg6[%dma_wait3A_1448] : memref<32768xf32, #tpu.memory_space<vmem>> -> memref<4096xf32, #tpu.memory_space<vmem>>
        tpu.wait_dma2 semaphore(%arg12 : memref<!tpu.dma_semaphore, #tpu.memory_space<semaphore_mem>>) src(%dma_wait3A_1449 : memref<4096xf32, #tpu.memory_space<vmem>>) dst(%dma_wait3A_1447 : memref<4096xf32, #tpu.memory_space<hbm>>)
      } else {
      }
      %add3A_1058 = arith.constant 1 : i32
      %add3A_1059 = arith.addi %add3A_1052, %add3A_1058 : i32
      %mul3A_1060 = arith.muli %add3A_1052, %add3A_1059 : i32
      %jit3A_1061 = arith.constant 2 : i32
      %div3A_1062 = arith.divsi %mul3A_1060, %jit3A_1061 : i32
      %sign3A_1063 = arith.constant 0 : i32
      %sign3A_1064 = arith.cmpi sgt, %mul3A_1060, %sign3A_1063 : i32
      %sign3A_1065 = arith.extui %sign3A_1064 : i1 to i32
      %sign3A_1066 = arith.constant 0 : i32
      %sign3A_1067 = arith.cmpi slt, %mul3A_1060, %sign3A_1066 : i32
      %sign3A_1068 = arith.extui %sign3A_1067 : i1 to i32
      %sign3A_1069 = arith.subi %sign3A_1065, %sign3A_1068 : i32
      %sign3A_1070 = arith.constant 0 : i32
      %sign3A_1071 = arith.cmpi sgt, %jit3A_1061, %sign3A_1070 : i32
      %sign3A_1072 = arith.extui %sign3A_1071 : i1 to i32
      %sign3A_1073 = arith.constant 0 : i32
      %sign3A_1074 = arith.cmpi slt, %jit3A_1061, %sign3A_1073 : i32
      %sign3A_1075 = arith.extui %sign3A_1074 : i1 to i32
      %sign3A_1076 = arith.subi %sign3A_1072, %sign3A_1075 : i32
      %ne3A_1077 = arith.cmpi ne, %sign3A_1069, %sign3A_1076 : i32
      %rem3A_1078 = arith.remsi %mul3A_1060, %jit3A_1061 : i32
      %ne3A_1079 = arith.constant 0 : i32
      %ne3A_1080 = arith.cmpi ne, %rem3A_1078, %ne3A_1079 : i32
      %and3A_1081 = arith.andi %ne3A_1077, %ne3A_1080 : i1
      %sub3A_1082 = arith.constant 1 : i32
      %sub3A_1083 = arith.subi %div3A_1062, %sub3A_1082 : i32
      %select_n3A_1084 = arith.select %and3A_1081, %sub3A_1083, %div3A_1062 : i32
      %sub3A_1085 = arith.subi %select_n3A_1084, %multiple_of3A_842 : i32
      %add3A_1086 = arith.constant 1 : i32
      %add3A_1087 = arith.addi %add3A_1052, %add3A_1086 : i32
      %shift_right_arithmetic3A_1088 = arith.constant 6 : i32
      %shift_right_arithmetic3A_1089 = arith.shrsi %add3A_1087, %shift_right_arithmetic3A_1088 : i32
      %while3A_1090 = arith.constant 0 : i32
      %while3A_1091 = arith.constant 0 : i32
      %while3A_1092 = arith.subi %shift_right_arithmetic3A_1089, %while3A_1091 : i32
      %while3A_1093 = arith.addi %while3A_1091, %while3A_1092 : i32
      %while3A_1094 = arith.constant 1 : i32
      %while3A_1095 = arith.divsi %while3A_1092, %while3A_1094 : i32
      %while3A_1096 = arith.muli %while3A_1095, %while3A_1094 : i32
      %while3A_1097 = arith.addi %while3A_1091, %while3A_1096 : i32
      %while3A_1098 = arith.constant 1 : i32
      scf.for %while3A_1439 = %while3A_1091 to %while3A_1097 step %while3A_1098  : i32 {
        %mul3A_1440 = arith.constant 64 : i32
        %mul3A_1441 = arith.muli %while3A_1439, %mul3A_1440 : i32
        %add3A_1442 = arith.constant 0 : i32
        %add3A_1443 = arith.addi %mul3A_1441, %add3A_1442 : i32
        %add3A_1444 = arith.addi %sub3A_1085, %add3A_1443 : i32
        %get3A = arith.index_cast %add3A_1444 : i32 to index
        %get3A_1445 = tpu.vector_load %arg5[%get3A] {strides = array<i32>} : memref<32768xf32, #tpu.memory_space<vmem>>, vector<16xf32>,
        %get3A_1446 = vector.shape_cast %get3A_1445 : vector<16xf32> to vector<16xf32>
        %swap3A = arith.constant 12288 : i32
        %swap3A_1447 = tpu.memref_slice %arg6[%swap3A] : memref<32768xf32, #tpu.memory_space<vmem>> -> memref<4096xf32, #tpu.memory_space<vmem>>
        %swap3A_1448 = arith.index_cast %add3A_1443 : i32 to index
        %swap3A_1449 = tpu.vector_load %swap3A_1447[%swap3A_1448] {strides = array<i32>} : memref<4096xf32, #tpu.memory_space<vmem>>, vector<16xf32>,
        %swap3A_1450 = vector.shape_cast %swap3A_1449 : vector<16xf32> to vector<16xf32>
        %swap3A_1451 = vector.shape_cast %get3A_1446 : vector<16xf32> to vector<16xf32>
        tpu.vector_store %swap3A_1447[%swap3A_1448], %swap3A_1451 {strides = array<i32>} : memref<4096xf32, #tpu.memory_space<vmem>>, vector<16xf32>,
        %add3A_1452 = arith.constant 16 : i32
        %add3A_1453 = arith.addi %mul3A_1441, %add3A_1452 : i32
        %add3A_1454 = arith.addi %sub3A_1085, %add3A_1453 : i32
        %get3A_1455 = arith.index_cast %add3A_1454 : i32 to index
        %get3A_1456 = tpu.vector_load %arg5[%get3A_1455] {strides = array<i32>} : memref<32768xf32, #tpu.memory_space<vmem>>, vector<16xf32>,
        %get3A_1457 = vector.shape_cast %get3A_1456 : vector<16xf32> to vector<16xf32>
        %swap3A_1458 = arith.constant 12288 : i32
        %swap3A_1459 = tpu.memref_slice %arg6[%swap3A_1458] : memref<32768xf32, #tpu.memory_space<vmem>> -> memref<4096xf32, #tpu.memory_space<vmem>>
        %swap3A_1460 = arith.index_cast %add3A_1453 : i32 to index
        %swap3A_1461 = tpu.vector_load %swap3A_1459[%swap3A_1460] {strides = array<i32>} : memref<4096xf32, #tpu.memory_space<vmem>>, vector<16xf32>,
        %swap3A_1462 = vector.shape_cast %swap3A_1461 : vector<16xf32> to vector<16xf32>
        %swap3A_1463 = vector.shape_cast %get3A_1457 : vector<16xf32> to vector<16xf32>
        tpu.vector_store %swap3A_1459[%swap3A_1460], %swap3A_1463 {strides = array<i32>} : memref<4096xf32, #tpu.memory_space<vmem>>, vector<16xf32>,
        %add3A_1464 = arith.constant 32 : i32
        %add3A_1465 = arith.addi %mul3A_1441, %add3A_1464 : i32
        %add3A_1466 = arith.addi %sub3A_1085, %add3A_1465 : i32
        %get3A_1467 = arith.index_cast %add3A_1466 : i32 to index
        %get3A_1468 = tpu.vector_load %arg5[%get3A_1467] {strides = array<i32>} : memref<32768xf32, #tpu.memory_space<vmem>>, vector<16xf32>,
        %get3A_1469 = vector.shape_cast %get3A_1468 : vector<16xf32> to vector<16xf32>
        %swap3A_1470 = arith.constant 12288 : i32
        %swap3A_1471 = tpu.memref_slice %arg6[%swap3A_1470] : memref<32768xf32, #tpu.memory_space<vmem>> -> memref<4096xf32, #tpu.memory_space<vmem>>
        %swap3A_1472 = arith.index_cast %add3A_1465 : i32 to index
        %swap3A_1473 = tpu.vector_load %swap3A_1471[%swap3A_1472] {strides = array<i32>} : memref<4096xf32, #tpu.memory_space<vmem>>, vector<16xf32>,
        %swap3A_1474 = vector.shape_cast %swap3A_1473 : vector<16xf32> to vector<16xf32>
        %swap3A_1475 = vector.shape_cast %get3A_1469 : vector<16xf32> to vector<16xf32>
        tpu.vector_store %swap3A_1471[%swap3A_1472], %swap3A_1475 {strides = array<i32>} : memref<4096xf32, #tpu.memory_space<vmem>>, vector<16xf32>,
        %add3A_1476 = arith.constant 48 : i32
        %add3A_1477 = arith.addi %mul3A_1441, %add3A_1476 : i32
        %add3A_1478 = arith.addi %sub3A_1085, %add3A_1477 : i32
        %get3A_1479 = arith.index_cast %add3A_1478 : i32 to index
        %get3A_1480 = tpu.vector_load %arg5[%get3A_1479] {strides = array<i32>} : memref<32768xf32, #tpu.memory_space<vmem>>, vector<16xf32>,
        %get3A_1481 = vector.shape_cast %get3A_1480 : vector<16xf32> to vector<16xf32>
        %swap3A_1482 = arith.constant 12288 : i32
        %swap3A_1483 = tpu.memref_slice %arg6[%swap3A_1482] : memref<32768xf32, #tpu.memory_space<vmem>> -> memref<4096xf32, #tpu.memory_space<vmem>>
        %swap3A_1484 = arith.index_cast %add3A_1477 : i32 to index
        %swap3A_1485 = tpu.vector_load %swap3A_1483[%swap3A_1484] {strides = array<i32>} : memref<4096xf32, #tpu.memory_space<vmem>>, vector<16xf32>,
        %swap3A_1486 = vector.shape_cast %swap3A_1485 : vector<16xf32> to vector<16xf32>
        %swap3A_1487 = vector.shape_cast %get3A_1481 : vector<16xf32> to vector<16xf32>
        tpu.vector_store %swap3A_1483[%swap3A_1484], %swap3A_1487 {strides = array<i32>} : memref<4096xf32, #tpu.memory_space<vmem>>, vector<16xf32>,
      }
      %while3A_1099 = arith.constant 1 : i32
      scf.for %while3A_1439 = %while3A_1097 to %while3A_1093 step %while3A_1099  : i32 {
        %mul3A_1440 = arith.constant 64 : i32
        %mul3A_1441 = arith.muli %while3A_1439, %mul3A_1440 : i32
        %add3A_1442 = arith.constant 0 : i32
        %add3A_1443 = arith.addi %mul3A_1441, %add3A_1442 : i32
        %add3A_1444 = arith.addi %sub3A_1085, %add3A_1443 : i32
        %get3A = arith.index_cast %add3A_1444 : i32 to index
        %get3A_1445 = tpu.vector_load %arg5[%get3A] {strides = array<i32>} : memref<32768xf32, #tpu.memory_space<vmem>>, vector<16xf32>,
        %get3A_1446 = vector.shape_cast %get3A_1445 : vector<16xf32> to vector<16xf32>
        %swap3A = arith.constant 12288 : i32
        %swap3A_1447 = tpu.memref_slice %arg6[%swap3A] : memref<32768xf32, #tpu.memory_space<vmem>> -> memref<4096xf32, #tpu.memory_space<vmem>>
        %swap3A_1448 = arith.index_cast %add3A_1443 : i32 to index
        %swap3A_1449 = tpu.vector_load %swap3A_1447[%swap3A_1448] {strides = array<i32>} : memref<4096xf32, #tpu.memory_space<vmem>>, vector<16xf32>,
        %swap3A_1450 = vector.shape_cast %swap3A_1449 : vector<16xf32> to vector<16xf32>
        %swap3A_1451 = vector.shape_cast %get3A_1446 : vector<16xf32> to vector<16xf32>
        tpu.vector_store %swap3A_1447[%swap3A_1448], %swap3A_1451 {strides = array<i32>} : memref<4096xf32, #tpu.memory_space<vmem>>, vector<16xf32>,
        %add3A_1452 = arith.constant 16 : i32
        %add3A_1453 = arith.addi %mul3A_1441, %add3A_1452 : i32
        %add3A_1454 = arith.addi %sub3A_1085, %add3A_1453 : i32
        %get3A_1455 = arith.index_cast %add3A_1454 : i32 to index
        %get3A_1456 = tpu.vector_load %arg5[%get3A_1455] {strides = array<i32>} : memref<32768xf32, #tpu.memory_space<vmem>>, vector<16xf32>,
        %get3A_1457 = vector.shape_cast %get3A_1456 : vector<16xf32> to vector<16xf32>
        %swap3A_1458 = arith.constant 12288 : i32
        %swap3A_1459 = tpu.memref_slice %arg6[%swap3A_1458] : memref<32768xf32, #tpu.memory_space<vmem>> -> memref<4096xf32, #tpu.memory_space<vmem>>
        %swap3A_1460 = arith.index_cast %add3A_1453 : i32 to index
        %swap3A_1461 = tpu.vector_load %swap3A_1459[%swap3A_1460] {strides = array<i32>} : memref<4096xf32, #tpu.memory_space<vmem>>, vector<16xf32>,
        %swap3A_1462 = vector.shape_cast %swap3A_1461 : vector<16xf32> to vector<16xf32>
        %swap3A_1463 = vector.shape_cast %get3A_1457 : vector<16xf32> to vector<16xf32>
        tpu.vector_store %swap3A_1459[%swap3A_1460], %swap3A_1463 {strides = array<i32>} : memref<4096xf32, #tpu.memory_space<vmem>>, vector<16xf32>,
        %add3A_1464 = arith.constant 32 : i32
        %add3A_1465 = arith.addi %mul3A_1441, %add3A_1464 : i32
        %add3A_1466 = arith.addi %sub3A_1085, %add3A_1465 : i32
        %get3A_1467 = arith.index_cast %add3A_1466 : i32 to index
        %get3A_1468 = tpu.vector_load %arg5[%get3A_1467] {strides = array<i32>} : memref<32768xf32, #tpu.memory_space<vmem>>, vector<16xf32>,
        %get3A_1469 = vector.shape_cast %get3A_1468 : vector<16xf32> to vector<16xf32>
        %swap3A_1470 = arith.constant 12288 : i32
        %swap3A_1471 = tpu.memref_slice %arg6[%swap3A_1470] : memref<32768xf32, #tpu.memory_space<vmem>> -> memref<4096xf32, #tpu.memory_space<vmem>>
        %swap3A_1472 = arith.index_cast %add3A_1465 : i32 to index
        %swap3A_1473 = tpu.vector_load %swap3A_1471[%swap3A_1472] {strides = array<i32>} : memref<4096xf32, #tpu.memory_space<vmem>>, vector<16xf32>,
        %swap3A_1474 = vector.shape_cast %swap3A_1473 : vector<16xf32> to vector<16xf32>
        %swap3A_1475 = vector.shape_cast %get3A_1469 : vector<16xf32> to vector<16xf32>
        tpu.vector_store %swap3A_1471[%swap3A_1472], %swap3A_1475 {strides = array<i32>} : memref<4096xf32, #tpu.memory_space<vmem>>, vector<16xf32>,
        %add3A_1476 = arith.constant 48 : i32
        %add3A_1477 = arith.addi %mul3A_1441, %add3A_1476 : i32
        %add3A_1478 = arith.addi %sub3A_1085, %add3A_1477 : i32
        %get3A_1479 = arith.index_cast %add3A_1478 : i32 to index
        %get3A_1480 = tpu.vector_load %arg5[%get3A_1479] {strides = array<i32>} : memref<32768xf32, #tpu.memory_space<vmem>>, vector<16xf32>,
        %get3A_1481 = vector.shape_cast %get3A_1480 : vector<16xf32> to vector<16xf32>
        %swap3A_1482 = arith.constant 12288 : i32
        %swap3A_1483 = tpu.memref_slice %arg6[%swap3A_1482] : memref<32768xf32, #tpu.memory_space<vmem>> -> memref<4096xf32, #tpu.memory_space<vmem>>
        %swap3A_1484 = arith.index_cast %add3A_1477 : i32 to index
        %swap3A_1485 = tpu.vector_load %swap3A_1483[%swap3A_1484] {strides = array<i32>} : memref<4096xf32, #tpu.memory_space<vmem>>, vector<16xf32>,
        %swap3A_1486 = vector.shape_cast %swap3A_1485 : vector<16xf32> to vector<16xf32>
        %swap3A_1487 = vector.shape_cast %get3A_1481 : vector<16xf32> to vector<16xf32>
        tpu.vector_store %swap3A_1483[%swap3A_1484], %swap3A_1487 {strides = array<i32>} : memref<4096xf32, #tpu.memory_space<vmem>>, vector<16xf32>,
      }
      %add3A_1100 = arith.constant 1 : i32
      %add3A_1101 = arith.addi %add3A_1052, %add3A_1100 : i32
      %and3A_1102 = arith.constant 63 : i32
      %and3A_1103 = arith.andi %add3A_1101, %and3A_1102 : i32
      %ne3A_1104 = arith.constant 0 : i32
      %ne3A_1105 = arith.cmpi ne, %and3A_1103, %ne3A_1104 : i32
      %convert_element_type3A_1106 = arith.extui %ne3A_1105 : i1 to i32
      %cond3A_1107 = arith.constant 0 : i32
      %cond3A_1108 = arith.cmpi ne, %convert_element_type3A_1106, %cond3A_1107 : i32
      scf.if %cond3A_1108 {
        %mul3A_1439 = arith.constant 64 : i32
        %mul3A_1440 = arith.muli %shift_right_arithmetic3A_1089, %mul3A_1439 : i32
        %add3A_1441 = arith.constant 0 : i32
        %add3A_1442 = arith.addi %mul3A_1440, %add3A_1441 : i32
        %add3A_1443 = arith.addi %sub3A_1085, %add3A_1442 : i32
        %get3A = arith.index_cast %add3A_1443 : i32 to index
        %get3A_1444 = tpu.vector_load %arg5[%get3A] {strides = array<i32>} : memref<32768xf32, #tpu.memory_space<vmem>>, vector<16xf32>,
        %get3A_1445 = vector.shape_cast %get3A_1444 : vector<16xf32> to vector<16xf32>
        %add3A_1446 = vector.broadcast %add3A_1442 : i32 to vector<16xi32>
        %add3A_1447 = arith.addi %iota3A, %add3A_1446 : vector<16xi32>
        %le3A = vector.broadcast %add3A_1052 : i32 to vector<16xi32>
        %le3A_1448 = arith.cmpi sle, %add3A_1447, %le3A : vector<16xi32>
        %select_n3A_1449 = arith.select %le3A_1448, %get3A_1445, %broadcast_in_dim3A_1 : vector<16xi1>, vector<16xf32>
        %swap3A = arith.constant 12288 : i32
        %swap3A_1450 = tpu.memref_slice %arg6[%swap3A] : memref<32768xf32, #tpu.memory_space<vmem>> -> memref<4096xf32, #tpu.memory_space<vmem>>
        %swap3A_1451 = arith.index_cast %add3A_1442 : i32 to index
        %swap3A_1452 = tpu.vector_load %swap3A_1450[%swap3A_1451] {strides = array<i32>} : memref<4096xf32, #tpu.memory_space<vmem>>, vector<16xf32>,
        %swap3A_1453 = vector.shape_cast %swap3A_1452 : vector<16xf32> to vector<16xf32>
        %swap3A_1454 = vector.shape_cast %select_n3A_1449 : vector<16xf32> to vector<16xf32>
        tpu.vector_store %swap3A_1450[%swap3A_1451], %swap3A_1454 {strides = array<i32>} : memref<4096xf32, #tpu.memory_space<vmem>>, vector<16xf32>,
        %add3A_1455 = arith.constant 16 : i32
        %add3A_1456 = arith.addi %mul3A_1440, %add3A_1455 : i32
        %add3A_1457 = arith.addi %sub3A_1085, %add3A_1456 : i32
        %get3A_1458 = arith.index_cast %add3A_1457 : i32 to index
        %get3A_1459 = tpu.vector_load %arg5[%get3A_1458] {strides = array<i32>} : memref<32768xf32, #tpu.memory_space<vmem>>, vector<16xf32>,
        %get3A_1460 = vector.shape_cast %get3A_1459 : vector<16xf32> to vector<16xf32>
        %add3A_1461 = vector.broadcast %add3A_1456 : i32 to vector<16xi32>
        %add3A_1462 = arith.addi %iota3A, %add3A_1461 : vector<16xi32>
        %le3A_1463 = vector.broadcast %add3A_1052 : i32 to vector<16xi32>
        %le3A_1464 = arith.cmpi sle, %add3A_1462, %le3A_1463 : vector<16xi32>
        %select_n3A_1465 = arith.select %le3A_1464, %get3A_1460, %broadcast_in_dim3A_1 : vector<16xi1>, vector<16xf32>
        %swap3A_1466 = arith.constant 12288 : i32
        %swap3A_1467 = tpu.memref_slice %arg6[%swap3A_1466] : memref<32768xf32, #tpu.memory_space<vmem>> -> memref<4096xf32, #tpu.memory_space<vmem>>
        %swap3A_1468 = arith.index_cast %add3A_1456 : i32 to index
        %swap3A_1469 = tpu.vector_load %swap3A_1467[%swap3A_1468] {strides = array<i32>} : memref<4096xf32, #tpu.memory_space<vmem>>, vector<16xf32>,
        %swap3A_1470 = vector.shape_cast %swap3A_1469 : vector<16xf32> to vector<16xf32>
        %swap3A_1471 = vector.shape_cast %select_n3A_1465 : vector<16xf32> to vector<16xf32>
        tpu.vector_store %swap3A_1467[%swap3A_1468], %swap3A_1471 {strides = array<i32>} : memref<4096xf32, #tpu.memory_space<vmem>>, vector<16xf32>,
        %add3A_1472 = arith.constant 32 : i32
        %add3A_1473 = arith.addi %mul3A_1440, %add3A_1472 : i32
        %add3A_1474 = arith.addi %sub3A_1085, %add3A_1473 : i32
        %get3A_1475 = arith.index_cast %add3A_1474 : i32 to index
        %get3A_1476 = tpu.vector_load %arg5[%get3A_1475] {strides = array<i32>} : memref<32768xf32, #tpu.memory_space<vmem>>, vector<16xf32>,
        %get3A_1477 = vector.shape_cast %get3A_1476 : vector<16xf32> to vector<16xf32>
        %add3A_1478 = vector.broadcast %add3A_1473 : i32 to vector<16xi32>
        %add3A_1479 = arith.addi %iota3A, %add3A_1478 : vector<16xi32>
        %le3A_1480 = vector.broadcast %add3A_1052 : i32 to vector<16xi32>
        %le3A_1481 = arith.cmpi sle, %add3A_1479, %le3A_1480 : vector<16xi32>
        %select_n3A_1482 = arith.select %le3A_1481, %get3A_1477, %broadcast_in_dim3A_1 : vector<16xi1>, vector<16xf32>
        %swap3A_1483 = arith.constant 12288 : i32
        %swap3A_1484 = tpu.memref_slice %arg6[%swap3A_1483] : memref<32768xf32, #tpu.memory_space<vmem>> -> memref<4096xf32, #tpu.memory_space<vmem>>
        %swap3A_1485 = arith.index_cast %add3A_1473 : i32 to index
        %swap3A_1486 = tpu.vector_load %swap3A_1484[%swap3A_1485] {strides = array<i32>} : memref<4096xf32, #tpu.memory_space<vmem>>, vector<16xf32>,
        %swap3A_1487 = vector.shape_cast %swap3A_1486 : vector<16xf32> to vector<16xf32>
        %swap3A_1488 = vector.shape_cast %select_n3A_1482 : vector<16xf32> to vector<16xf32>
        tpu.vector_store %swap3A_1484[%swap3A_1485], %swap3A_1488 {strides = array<i32>} : memref<4096xf32, #tpu.memory_space<vmem>>, vector<16xf32>,
        %add3A_1489 = arith.constant 48 : i32
        %add3A_1490 = arith.addi %mul3A_1440, %add3A_1489 : i32
        %add3A_1491 = arith.addi %sub3A_1085, %add3A_1490 : i32
        %get3A_1492 = arith.index_cast %add3A_1491 : i32 to index
        %get3A_1493 = tpu.vector_load %arg5[%get3A_1492] {strides = array<i32>} : memref<32768xf32, #tpu.memory_space<vmem>>, vector<16xf32>,
        %get3A_1494 = vector.shape_cast %get3A_1493 : vector<16xf32> to vector<16xf32>
        %add3A_1495 = vector.broadcast %add3A_1490 : i32 to vector<16xi32>
        %add3A_1496 = arith.addi %iota3A, %add3A_1495 : vector<16xi32>
        %le3A_1497 = vector.broadcast %add3A_1052 : i32 to vector<16xi32>
        %le3A_1498 = arith.cmpi sle, %add3A_1496, %le3A_1497 : vector<16xi32>
        %select_n3A_1499 = arith.select %le3A_1498, %get3A_1494, %broadcast_in_dim3A_1 : vector<16xi1>, vector<16xf32>
        %swap3A_1500 = arith.constant 12288 : i32
        %swap3A_1501 = tpu.memref_slice %arg6[%swap3A_1500] : memref<32768xf32, #tpu.memory_space<vmem>> -> memref<4096xf32, #tpu.memory_space<vmem>>
        %swap3A_1502 = arith.index_cast %add3A_1490 : i32 to index
        %swap3A_1503 = tpu.vector_load %swap3A_1501[%swap3A_1502] {strides = array<i32>} : memref<4096xf32, #tpu.memory_space<vmem>>, vector<16xf32>,
        %swap3A_1504 = vector.shape_cast %swap3A_1503 : vector<16xf32> to vector<16xf32>
        %swap3A_1505 = vector.shape_cast %select_n3A_1499 : vector<16xf32> to vector<16xf32>
        tpu.vector_store %swap3A_1501[%swap3A_1502], %swap3A_1505 {strides = array<i32>} : memref<4096xf32, #tpu.memory_space<vmem>>, vector<16xf32>,
      } else {
      }
      %dma_start3A_1109 = arith.constant 12288 : i32
      %dma_start3A_1110 = tpu.memref_slice %arg6[%dma_start3A_1109] : memref<32768xf32, #tpu.memory_space<vmem>> -> memref<4096xf32, #tpu.memory_space<vmem>>
      %dma_start3A_1111 = arith.constant 0 : i32
      %dma_start3A_1112 = tpu.memref_slice %arg3[%add3A_1052, %dma_start3A_1111] : memref<4096x4096xf32, #tpu.memory_space<hbm>> -> memref<1x4096xf32, #tpu.memory_space<hbm>>
      %dma_start3A_1113 = tpu.memref_squeeze %dma_start3A_1112 : memref<1x4096xf32, #tpu.memory_space<hbm>> -> memref<4096xf32, #tpu.memory_space<hbm>>
      %dma_start3A_1114 = arith.constant 0 : i32
      %dma_start3A_1115 = tpu.memref_slice %arg3[%add3A_1052, %dma_start3A_1114] : memref<4096x4096xf32, #tpu.memory_space<hbm>> -> memref<1x4096xf32, #tpu.memory_space<hbm>>
      %dma_start3A_1116 = tpu.memref_squeeze %dma_start3A_1115 : memref<1x4096xf32, #tpu.memory_space<hbm>> -> memref<4096xf32, #tpu.memory_space<hbm>>
      %dma_start3A_1117 = arith.constant 12288 : i32
      %dma_start3A_1118 = tpu.memref_slice %arg6[%dma_start3A_1117] : memref<32768xf32, #tpu.memory_space<vmem>> -> memref<4096xf32, #tpu.memory_space<vmem>>
      tpu.enqueue_dma source(%dma_start3A_1118 : memref<4096xf32, #tpu.memory_space<vmem>>) target(%dma_start3A_1116 : memref<4096xf32, #tpu.memory_space<hbm>>) target_semaphore(%arg12 : memref<!tpu.dma_semaphore, #tpu.memory_space<semaphore_mem>>)
      %add3A_1119 = arith.constant 4 : i32
      %add3A_1120 = arith.addi %mul3A_808, %add3A_1119 : i32
      %gt3A_1121 = arith.constant 0 : i32
      %gt3A_1122 = arith.cmpi sgt, %add3A_803, %gt3A_1121 : i32
      %convert_element_type3A_1123 = arith.extui %gt3A_1122 : i1 to i32
      %cond3A_1124 = arith.constant 0 : i32
      %cond3A_1125 = arith.cmpi ne, %convert_element_type3A_1123, %cond3A_1124 : i32
      scf.if %cond3A_1125 {
        %dma_wait3A_1439 = arith.constant 0 : i32
        %dma_wait3A_1440 = arith.constant 16384 : i32
        %dma_wait3A_1441 = tpu.memref_slice %arg6[%dma_wait3A_1440] : memref<32768xf32, #tpu.memory_space<vmem>> -> memref<4096xf32, #tpu.memory_space<vmem>>
        %dma_wait3A_1442 = arith.constant 0 : i32
        %dma_wait3A_1443 = tpu.memref_slice %arg3[%dma_wait3A_1439, %dma_wait3A_1442] : memref<4096x4096xf32, #tpu.memory_space<hbm>> -> memref<1x4096xf32, #tpu.memory_space<hbm>>
        %dma_wait3A_1444 = tpu.memref_squeeze %dma_wait3A_1443 : memref<1x4096xf32, #tpu.memory_space<hbm>> -> memref<4096xf32, #tpu.memory_space<hbm>>
        %dma_wait3A_1445 = arith.constant 0 : i32
        %dma_wait3A_1446 = tpu.memref_slice %arg3[%dma_wait3A_1439, %dma_wait3A_1445] : memref<4096x4096xf32, #tpu.memory_space<hbm>> -> memref<1x4096xf32, #tpu.memory_space<hbm>>
        %dma_wait3A_1447 = tpu.memref_squeeze %dma_wait3A_1446 : memref<1x4096xf32, #tpu.memory_space<hbm>> -> memref<4096xf32, #tpu.memory_space<hbm>>
        %dma_wait3A_1448 = arith.constant 16384 : i32
        %dma_wait3A_1449 = tpu.memref_slice %arg6[%dma_wait3A_1448] : memref<32768xf32, #tpu.memory_space<vmem>> -> memref<4096xf32, #tpu.memory_space<vmem>>
        tpu.wait_dma2 semaphore(%arg13 : memref<!tpu.dma_semaphore, #tpu.memory_space<semaphore_mem>>) src(%dma_wait3A_1449 : memref<4096xf32, #tpu.memory_space<vmem>>) dst(%dma_wait3A_1447 : memref<4096xf32, #tpu.memory_space<hbm>>)
      } else {
      }
      %add3A_1126 = arith.constant 1 : i32
      %add3A_1127 = arith.addi %add3A_1120, %add3A_1126 : i32
      %mul3A_1128 = arith.muli %add3A_1120, %add3A_1127 : i32
      %jit3A_1129 = arith.constant 2 : i32
      %div3A_1130 = arith.divsi %mul3A_1128, %jit3A_1129 : i32
      %sign3A_1131 = arith.constant 0 : i32
      %sign3A_1132 = arith.cmpi sgt, %mul3A_1128, %sign3A_1131 : i32
      %sign3A_1133 = arith.extui %sign3A_1132 : i1 to i32
      %sign3A_1134 = arith.constant 0 : i32
      %sign3A_1135 = arith.cmpi slt, %mul3A_1128, %sign3A_1134 : i32
      %sign3A_1136 = arith.extui %sign3A_1135 : i1 to i32
      %sign3A_1137 = arith.subi %sign3A_1133, %sign3A_1136 : i32
      %sign3A_1138 = arith.constant 0 : i32
      %sign3A_1139 = arith.cmpi sgt, %jit3A_1129, %sign3A_1138 : i32
      %sign3A_1140 = arith.extui %sign3A_1139 : i1 to i32
      %sign3A_1141 = arith.constant 0 : i32
      %sign3A_1142 = arith.cmpi slt, %jit3A_1129, %sign3A_1141 : i32
      %sign3A_1143 = arith.extui %sign3A_1142 : i1 to i32
      %sign3A_1144 = arith.subi %sign3A_1140, %sign3A_1143 : i32
      %ne3A_1145 = arith.cmpi ne, %sign3A_1137, %sign3A_1144 : i32
      %rem3A_1146 = arith.remsi %mul3A_1128, %jit3A_1129 : i32
      %ne3A_1147 = arith.constant 0 : i32
      %ne3A_1148 = arith.cmpi ne, %rem3A_1146, %ne3A_1147 : i32
      %and3A_1149 = arith.andi %ne3A_1145, %ne3A_1148 : i1
      %sub3A_1150 = arith.constant 1 : i32
      %sub3A_1151 = arith.subi %div3A_1130, %sub3A_1150 : i32
      %select_n3A_1152 = arith.select %and3A_1149, %sub3A_1151, %div3A_1130 : i32
      %sub3A_1153 = arith.subi %select_n3A_1152, %multiple_of3A_842 : i32
      %add3A_1154 = arith.constant 1 : i32
      %add3A_1155 = arith.addi %add3A_1120, %add3A_1154 : i32
      %shift_right_arithmetic3A_1156 = arith.constant 6 : i32
      %shift_right_arithmetic3A_1157 = arith.shrsi %add3A_1155, %shift_right_arithmetic3A_1156 : i32
      %while3A_1158 = arith.constant 0 : i32
      %while3A_1159 = arith.constant 0 : i32
      %while3A_1160 = arith.subi %shift_right_arithmetic3A_1157, %while3A_1159 : i32
      %while3A_1161 = arith.addi %while3A_1159, %while3A_1160 : i32
      %while3A_1162 = arith.constant 1 : i32
      %while3A_1163 = arith.divsi %while3A_1160, %while3A_1162 : i32
      %while3A_1164 = arith.muli %while3A_1163, %while3A_1162 : i32
      %while3A_1165 = arith.addi %while3A_1159, %while3A_1164 : i32
      %while3A_1166 = arith.constant 1 : i32
      scf.for %while3A_1439 = %while3A_1159 to %while3A_1165 step %while3A_1166  : i32 {
        %mul3A_1440 = arith.constant 64 : i32
        %mul3A_1441 = arith.muli %while3A_1439, %mul3A_1440 : i32
        %add3A_1442 = arith.constant 0 : i32
        %add3A_1443 = arith.addi %mul3A_1441, %add3A_1442 : i32
        %add3A_1444 = arith.addi %sub3A_1153, %add3A_1443 : i32
        %get3A = arith.index_cast %add3A_1444 : i32 to index
        %get3A_1445 = tpu.vector_load %arg5[%get3A] {strides = array<i32>} : memref<32768xf32, #tpu.memory_space<vmem>>, vector<16xf32>,
        %get3A_1446 = vector.shape_cast %get3A_1445 : vector<16xf32> to vector<16xf32>
        %swap3A = arith.constant 16384 : i32
        %swap3A_1447 = tpu.memref_slice %arg6[%swap3A] : memref<32768xf32, #tpu.memory_space<vmem>> -> memref<4096xf32, #tpu.memory_space<vmem>>
        %swap3A_1448 = arith.index_cast %add3A_1443 : i32 to index
        %swap3A_1449 = tpu.vector_load %swap3A_1447[%swap3A_1448] {strides = array<i32>} : memref<4096xf32, #tpu.memory_space<vmem>>, vector<16xf32>,
        %swap3A_1450 = vector.shape_cast %swap3A_1449 : vector<16xf32> to vector<16xf32>
        %swap3A_1451 = vector.shape_cast %get3A_1446 : vector<16xf32> to vector<16xf32>
        tpu.vector_store %swap3A_1447[%swap3A_1448], %swap3A_1451 {strides = array<i32>} : memref<4096xf32, #tpu.memory_space<vmem>>, vector<16xf32>,
        %add3A_1452 = arith.constant 16 : i32
        %add3A_1453 = arith.addi %mul3A_1441, %add3A_1452 : i32
        %add3A_1454 = arith.addi %sub3A_1153, %add3A_1453 : i32
        %get3A_1455 = arith.index_cast %add3A_1454 : i32 to index
        %get3A_1456 = tpu.vector_load %arg5[%get3A_1455] {strides = array<i32>} : memref<32768xf32, #tpu.memory_space<vmem>>, vector<16xf32>,
        %get3A_1457 = vector.shape_cast %get3A_1456 : vector<16xf32> to vector<16xf32>
        %swap3A_1458 = arith.constant 16384 : i32
        %swap3A_1459 = tpu.memref_slice %arg6[%swap3A_1458] : memref<32768xf32, #tpu.memory_space<vmem>> -> memref<4096xf32, #tpu.memory_space<vmem>>
        %swap3A_1460 = arith.index_cast %add3A_1453 : i32 to index
        %swap3A_1461 = tpu.vector_load %swap3A_1459[%swap3A_1460] {strides = array<i32>} : memref<4096xf32, #tpu.memory_space<vmem>>, vector<16xf32>,
        %swap3A_1462 = vector.shape_cast %swap3A_1461 : vector<16xf32> to vector<16xf32>
        %swap3A_1463 = vector.shape_cast %get3A_1457 : vector<16xf32> to vector<16xf32>
        tpu.vector_store %swap3A_1459[%swap3A_1460], %swap3A_1463 {strides = array<i32>} : memref<4096xf32, #tpu.memory_space<vmem>>, vector<16xf32>,
        %add3A_1464 = arith.constant 32 : i32
        %add3A_1465 = arith.addi %mul3A_1441, %add3A_1464 : i32
        %add3A_1466 = arith.addi %sub3A_1153, %add3A_1465 : i32
        %get3A_1467 = arith.index_cast %add3A_1466 : i32 to index
        %get3A_1468 = tpu.vector_load %arg5[%get3A_1467] {strides = array<i32>} : memref<32768xf32, #tpu.memory_space<vmem>>, vector<16xf32>,
        %get3A_1469 = vector.shape_cast %get3A_1468 : vector<16xf32> to vector<16xf32>
        %swap3A_1470 = arith.constant 16384 : i32
        %swap3A_1471 = tpu.memref_slice %arg6[%swap3A_1470] : memref<32768xf32, #tpu.memory_space<vmem>> -> memref<4096xf32, #tpu.memory_space<vmem>>
        %swap3A_1472 = arith.index_cast %add3A_1465 : i32 to index
        %swap3A_1473 = tpu.vector_load %swap3A_1471[%swap3A_1472] {strides = array<i32>} : memref<4096xf32, #tpu.memory_space<vmem>>, vector<16xf32>,
        %swap3A_1474 = vector.shape_cast %swap3A_1473 : vector<16xf32> to vector<16xf32>
        %swap3A_1475 = vector.shape_cast %get3A_1469 : vector<16xf32> to vector<16xf32>
        tpu.vector_store %swap3A_1471[%swap3A_1472], %swap3A_1475 {strides = array<i32>} : memref<4096xf32, #tpu.memory_space<vmem>>, vector<16xf32>,
        %add3A_1476 = arith.constant 48 : i32
        %add3A_1477 = arith.addi %mul3A_1441, %add3A_1476 : i32
        %add3A_1478 = arith.addi %sub3A_1153, %add3A_1477 : i32
        %get3A_1479 = arith.index_cast %add3A_1478 : i32 to index
        %get3A_1480 = tpu.vector_load %arg5[%get3A_1479] {strides = array<i32>} : memref<32768xf32, #tpu.memory_space<vmem>>, vector<16xf32>,
        %get3A_1481 = vector.shape_cast %get3A_1480 : vector<16xf32> to vector<16xf32>
        %swap3A_1482 = arith.constant 16384 : i32
        %swap3A_1483 = tpu.memref_slice %arg6[%swap3A_1482] : memref<32768xf32, #tpu.memory_space<vmem>> -> memref<4096xf32, #tpu.memory_space<vmem>>
        %swap3A_1484 = arith.index_cast %add3A_1477 : i32 to index
        %swap3A_1485 = tpu.vector_load %swap3A_1483[%swap3A_1484] {strides = array<i32>} : memref<4096xf32, #tpu.memory_space<vmem>>, vector<16xf32>,
        %swap3A_1486 = vector.shape_cast %swap3A_1485 : vector<16xf32> to vector<16xf32>
        %swap3A_1487 = vector.shape_cast %get3A_1481 : vector<16xf32> to vector<16xf32>
        tpu.vector_store %swap3A_1483[%swap3A_1484], %swap3A_1487 {strides = array<i32>} : memref<4096xf32, #tpu.memory_space<vmem>>, vector<16xf32>,
      }
      %while3A_1167 = arith.constant 1 : i32
      scf.for %while3A_1439 = %while3A_1165 to %while3A_1161 step %while3A_1167  : i32 {
        %mul3A_1440 = arith.constant 64 : i32
        %mul3A_1441 = arith.muli %while3A_1439, %mul3A_1440 : i32
        %add3A_1442 = arith.constant 0 : i32
        %add3A_1443 = arith.addi %mul3A_1441, %add3A_1442 : i32
        %add3A_1444 = arith.addi %sub3A_1153, %add3A_1443 : i32
        %get3A = arith.index_cast %add3A_1444 : i32 to index
        %get3A_1445 = tpu.vector_load %arg5[%get3A] {strides = array<i32>} : memref<32768xf32, #tpu.memory_space<vmem>>, vector<16xf32>,
        %get3A_1446 = vector.shape_cast %get3A_1445 : vector<16xf32> to vector<16xf32>
        %swap3A = arith.constant 16384 : i32
        %swap3A_1447 = tpu.memref_slice %arg6[%swap3A] : memref<32768xf32, #tpu.memory_space<vmem>> -> memref<4096xf32, #tpu.memory_space<vmem>>
        %swap3A_1448 = arith.index_cast %add3A_1443 : i32 to index
        %swap3A_1449 = tpu.vector_load %swap3A_1447[%swap3A_1448] {strides = array<i32>} : memref<4096xf32, #tpu.memory_space<vmem>>, vector<16xf32>,
        %swap3A_1450 = vector.shape_cast %swap3A_1449 : vector<16xf32> to vector<16xf32>
        %swap3A_1451 = vector.shape_cast %get3A_1446 : vector<16xf32> to vector<16xf32>
        tpu.vector_store %swap3A_1447[%swap3A_1448], %swap3A_1451 {strides = array<i32>} : memref<4096xf32, #tpu.memory_space<vmem>>, vector<16xf32>,
        %add3A_1452 = arith.constant 16 : i32
        %add3A_1453 = arith.addi %mul3A_1441, %add3A_1452 : i32
        %add3A_1454 = arith.addi %sub3A_1153, %add3A_1453 : i32
        %get3A_1455 = arith.index_cast %add3A_1454 : i32 to index
        %get3A_1456 = tpu.vector_load %arg5[%get3A_1455] {strides = array<i32>} : memref<32768xf32, #tpu.memory_space<vmem>>, vector<16xf32>,
        %get3A_1457 = vector.shape_cast %get3A_1456 : vector<16xf32> to vector<16xf32>
        %swap3A_1458 = arith.constant 16384 : i32
        %swap3A_1459 = tpu.memref_slice %arg6[%swap3A_1458] : memref<32768xf32, #tpu.memory_space<vmem>> -> memref<4096xf32, #tpu.memory_space<vmem>>
        %swap3A_1460 = arith.index_cast %add3A_1453 : i32 to index
        %swap3A_1461 = tpu.vector_load %swap3A_1459[%swap3A_1460] {strides = array<i32>} : memref<4096xf32, #tpu.memory_space<vmem>>, vector<16xf32>,
        %swap3A_1462 = vector.shape_cast %swap3A_1461 : vector<16xf32> to vector<16xf32>
        %swap3A_1463 = vector.shape_cast %get3A_1457 : vector<16xf32> to vector<16xf32>
        tpu.vector_store %swap3A_1459[%swap3A_1460], %swap3A_1463 {strides = array<i32>} : memref<4096xf32, #tpu.memory_space<vmem>>, vector<16xf32>,
        %add3A_1464 = arith.constant 32 : i32
        %add3A_1465 = arith.addi %mul3A_1441, %add3A_1464 : i32
        %add3A_1466 = arith.addi %sub3A_1153, %add3A_1465 : i32
        %get3A_1467 = arith.index_cast %add3A_1466 : i32 to index
        %get3A_1468 = tpu.vector_load %arg5[%get3A_1467] {strides = array<i32>} : memref<32768xf32, #tpu.memory_space<vmem>>, vector<16xf32>,
        %get3A_1469 = vector.shape_cast %get3A_1468 : vector<16xf32> to vector<16xf32>
        %swap3A_1470 = arith.constant 16384 : i32
        %swap3A_1471 = tpu.memref_slice %arg6[%swap3A_1470] : memref<32768xf32, #tpu.memory_space<vmem>> -> memref<4096xf32, #tpu.memory_space<vmem>>
        %swap3A_1472 = arith.index_cast %add3A_1465 : i32 to index
        %swap3A_1473 = tpu.vector_load %swap3A_1471[%swap3A_1472] {strides = array<i32>} : memref<4096xf32, #tpu.memory_space<vmem>>, vector<16xf32>,
        %swap3A_1474 = vector.shape_cast %swap3A_1473 : vector<16xf32> to vector<16xf32>
        %swap3A_1475 = vector.shape_cast %get3A_1469 : vector<16xf32> to vector<16xf32>
        tpu.vector_store %swap3A_1471[%swap3A_1472], %swap3A_1475 {strides = array<i32>} : memref<4096xf32, #tpu.memory_space<vmem>>, vector<16xf32>,
        %add3A_1476 = arith.constant 48 : i32
        %add3A_1477 = arith.addi %mul3A_1441, %add3A_1476 : i32
        %add3A_1478 = arith.addi %sub3A_1153, %add3A_1477 : i32
        %get3A_1479 = arith.index_cast %add3A_1478 : i32 to index
        %get3A_1480 = tpu.vector_load %arg5[%get3A_1479] {strides = array<i32>} : memref<32768xf32, #tpu.memory_space<vmem>>, vector<16xf32>,
        %get3A_1481 = vector.shape_cast %get3A_1480 : vector<16xf32> to vector<16xf32>
        %swap3A_1482 = arith.constant 16384 : i32
        %swap3A_1483 = tpu.memref_slice %arg6[%swap3A_1482] : memref<32768xf32, #tpu.memory_space<vmem>> -> memref<4096xf32, #tpu.memory_space<vmem>>
        %swap3A_1484 = arith.index_cast %add3A_1477 : i32 to index
        %swap3A_1485 = tpu.vector_load %swap3A_1483[%swap3A_1484] {strides = array<i32>} : memref<4096xf32, #tpu.memory_space<vmem>>, vector<16xf32>,
        %swap3A_1486 = vector.shape_cast %swap3A_1485 : vector<16xf32> to vector<16xf32>
        %swap3A_1487 = vector.shape_cast %get3A_1481 : vector<16xf32> to vector<16xf32>
        tpu.vector_store %swap3A_1483[%swap3A_1484], %swap3A_1487 {strides = array<i32>} : memref<4096xf32, #tpu.memory_space<vmem>>, vector<16xf32>,
      }
      %add3A_1168 = arith.constant 1 : i32
      %add3A_1169 = arith.addi %add3A_1120, %add3A_1168 : i32
      %and3A_1170 = arith.constant 63 : i32
      %and3A_1171 = arith.andi %add3A_1169, %and3A_1170 : i32
      %ne3A_1172 = arith.constant 0 : i32
      %ne3A_1173 = arith.cmpi ne, %and3A_1171, %ne3A_1172 : i32
      %convert_element_type3A_1174 = arith.extui %ne3A_1173 : i1 to i32
      %cond3A_1175 = arith.constant 0 : i32
      %cond3A_1176 = arith.cmpi ne, %convert_element_type3A_1174, %cond3A_1175 : i32
      scf.if %cond3A_1176 {
        %mul3A_1439 = arith.constant 64 : i32
        %mul3A_1440 = arith.muli %shift_right_arithmetic3A_1157, %mul3A_1439 : i32
        %add3A_1441 = arith.constant 0 : i32
        %add3A_1442 = arith.addi %mul3A_1440, %add3A_1441 : i32
        %add3A_1443 = arith.addi %sub3A_1153, %add3A_1442 : i32
        %get3A = arith.index_cast %add3A_1443 : i32 to index
        %get3A_1444 = tpu.vector_load %arg5[%get3A] {strides = array<i32>} : memref<32768xf32, #tpu.memory_space<vmem>>, vector<16xf32>,
        %get3A_1445 = vector.shape_cast %get3A_1444 : vector<16xf32> to vector<16xf32>
        %add3A_1446 = vector.broadcast %add3A_1442 : i32 to vector<16xi32>
        %add3A_1447 = arith.addi %iota3A, %add3A_1446 : vector<16xi32>
        %le3A = vector.broadcast %add3A_1120 : i32 to vector<16xi32>
        %le3A_1448 = arith.cmpi sle, %add3A_1447, %le3A : vector<16xi32>
        %select_n3A_1449 = arith.select %le3A_1448, %get3A_1445, %broadcast_in_dim3A_1 : vector<16xi1>, vector<16xf32>
        %swap3A = arith.constant 16384 : i32
        %swap3A_1450 = tpu.memref_slice %arg6[%swap3A] : memref<32768xf32, #tpu.memory_space<vmem>> -> memref<4096xf32, #tpu.memory_space<vmem>>
        %swap3A_1451 = arith.index_cast %add3A_1442 : i32 to index
        %swap3A_1452 = tpu.vector_load %swap3A_1450[%swap3A_1451] {strides = array<i32>} : memref<4096xf32, #tpu.memory_space<vmem>>, vector<16xf32>,
        %swap3A_1453 = vector.shape_cast %swap3A_1452 : vector<16xf32> to vector<16xf32>
        %swap3A_1454 = vector.shape_cast %select_n3A_1449 : vector<16xf32> to vector<16xf32>
        tpu.vector_store %swap3A_1450[%swap3A_1451], %swap3A_1454 {strides = array<i32>} : memref<4096xf32, #tpu.memory_space<vmem>>, vector<16xf32>,
        %add3A_1455 = arith.constant 16 : i32
        %add3A_1456 = arith.addi %mul3A_1440, %add3A_1455 : i32
        %add3A_1457 = arith.addi %sub3A_1153, %add3A_1456 : i32
        %get3A_1458 = arith.index_cast %add3A_1457 : i32 to index
        %get3A_1459 = tpu.vector_load %arg5[%get3A_1458] {strides = array<i32>} : memref<32768xf32, #tpu.memory_space<vmem>>, vector<16xf32>,
        %get3A_1460 = vector.shape_cast %get3A_1459 : vector<16xf32> to vector<16xf32>
        %add3A_1461 = vector.broadcast %add3A_1456 : i32 to vector<16xi32>
        %add3A_1462 = arith.addi %iota3A, %add3A_1461 : vector<16xi32>
        %le3A_1463 = vector.broadcast %add3A_1120 : i32 to vector<16xi32>
        %le3A_1464 = arith.cmpi sle, %add3A_1462, %le3A_1463 : vector<16xi32>
        %select_n3A_1465 = arith.select %le3A_1464, %get3A_1460, %broadcast_in_dim3A_1 : vector<16xi1>, vector<16xf32>
        %swap3A_1466 = arith.constant 16384 : i32
        %swap3A_1467 = tpu.memref_slice %arg6[%swap3A_1466] : memref<32768xf32, #tpu.memory_space<vmem>> -> memref<4096xf32, #tpu.memory_space<vmem>>
        %swap3A_1468 = arith.index_cast %add3A_1456 : i32 to index
        %swap3A_1469 = tpu.vector_load %swap3A_1467[%swap3A_1468] {strides = array<i32>} : memref<4096xf32, #tpu.memory_space<vmem>>, vector<16xf32>,
        %swap3A_1470 = vector.shape_cast %swap3A_1469 : vector<16xf32> to vector<16xf32>
        %swap3A_1471 = vector.shape_cast %select_n3A_1465 : vector<16xf32> to vector<16xf32>
        tpu.vector_store %swap3A_1467[%swap3A_1468], %swap3A_1471 {strides = array<i32>} : memref<4096xf32, #tpu.memory_space<vmem>>, vector<16xf32>,
        %add3A_1472 = arith.constant 32 : i32
        %add3A_1473 = arith.addi %mul3A_1440, %add3A_1472 : i32
        %add3A_1474 = arith.addi %sub3A_1153, %add3A_1473 : i32
        %get3A_1475 = arith.index_cast %add3A_1474 : i32 to index
        %get3A_1476 = tpu.vector_load %arg5[%get3A_1475] {strides = array<i32>} : memref<32768xf32, #tpu.memory_space<vmem>>, vector<16xf32>,
        %get3A_1477 = vector.shape_cast %get3A_1476 : vector<16xf32> to vector<16xf32>
        %add3A_1478 = vector.broadcast %add3A_1473 : i32 to vector<16xi32>
        %add3A_1479 = arith.addi %iota3A, %add3A_1478 : vector<16xi32>
        %le3A_1480 = vector.broadcast %add3A_1120 : i32 to vector<16xi32>
        %le3A_1481 = arith.cmpi sle, %add3A_1479, %le3A_1480 : vector<16xi32>
        %select_n3A_1482 = arith.select %le3A_1481, %get3A_1477, %broadcast_in_dim3A_1 : vector<16xi1>, vector<16xf32>
        %swap3A_1483 = arith.constant 16384 : i32
        %swap3A_1484 = tpu.memref_slice %arg6[%swap3A_1483] : memref<32768xf32, #tpu.memory_space<vmem>> -> memref<4096xf32, #tpu.memory_space<vmem>>
        %swap3A_1485 = arith.index_cast %add3A_1473 : i32 to index
        %swap3A_1486 = tpu.vector_load %swap3A_1484[%swap3A_1485] {strides = array<i32>} : memref<4096xf32, #tpu.memory_space<vmem>>, vector<16xf32>,
        %swap3A_1487 = vector.shape_cast %swap3A_1486 : vector<16xf32> to vector<16xf32>
        %swap3A_1488 = vector.shape_cast %select_n3A_1482 : vector<16xf32> to vector<16xf32>
        tpu.vector_store %swap3A_1484[%swap3A_1485], %swap3A_1488 {strides = array<i32>} : memref<4096xf32, #tpu.memory_space<vmem>>, vector<16xf32>,
        %add3A_1489 = arith.constant 48 : i32
        %add3A_1490 = arith.addi %mul3A_1440, %add3A_1489 : i32
        %add3A_1491 = arith.addi %sub3A_1153, %add3A_1490 : i32
        %get3A_1492 = arith.index_cast %add3A_1491 : i32 to index
        %get3A_1493 = tpu.vector_load %arg5[%get3A_1492] {strides = array<i32>} : memref<32768xf32, #tpu.memory_space<vmem>>, vector<16xf32>,
        %get3A_1494 = vector.shape_cast %get3A_1493 : vector<16xf32> to vector<16xf32>
        %add3A_1495 = vector.broadcast %add3A_1490 : i32 to vector<16xi32>
        %add3A_1496 = arith.addi %iota3A, %add3A_1495 : vector<16xi32>
        %le3A_1497 = vector.broadcast %add3A_1120 : i32 to vector<16xi32>
        %le3A_1498 = arith.cmpi sle, %add3A_1496, %le3A_1497 : vector<16xi32>
        %select_n3A_1499 = arith.select %le3A_1498, %get3A_1494, %broadcast_in_dim3A_1 : vector<16xi1>, vector<16xf32>
        %swap3A_1500 = arith.constant 16384 : i32
        %swap3A_1501 = tpu.memref_slice %arg6[%swap3A_1500] : memref<32768xf32, #tpu.memory_space<vmem>> -> memref<4096xf32, #tpu.memory_space<vmem>>
        %swap3A_1502 = arith.index_cast %add3A_1490 : i32 to index
        %swap3A_1503 = tpu.vector_load %swap3A_1501[%swap3A_1502] {strides = array<i32>} : memref<4096xf32, #tpu.memory_space<vmem>>, vector<16xf32>,
        %swap3A_1504 = vector.shape_cast %swap3A_1503 : vector<16xf32> to vector<16xf32>
        %swap3A_1505 = vector.shape_cast %select_n3A_1499 : vector<16xf32> to vector<16xf32>
        tpu.vector_store %swap3A_1501[%swap3A_1502], %swap3A_1505 {strides = array<i32>} : memref<4096xf32, #tpu.memory_space<vmem>>, vector<16xf32>,
      } else {
      }
      %dma_start3A_1177 = arith.constant 16384 : i32
      %dma_start3A_1178 = tpu.memref_slice %arg6[%dma_start3A_1177] : memref<32768xf32, #tpu.memory_space<vmem>> -> memref<4096xf32, #tpu.memory_space<vmem>>
      %dma_start3A_1179 = arith.constant 0 : i32
      %dma_start3A_1180 = tpu.memref_slice %arg3[%add3A_1120, %dma_start3A_1179] : memref<4096x4096xf32, #tpu.memory_space<hbm>> -> memref<1x4096xf32, #tpu.memory_space<hbm>>
      %dma_start3A_1181 = tpu.memref_squeeze %dma_start3A_1180 : memref<1x4096xf32, #tpu.memory_space<hbm>> -> memref<4096xf32, #tpu.memory_space<hbm>>
      %dma_start3A_1182 = arith.constant 0 : i32
      %dma_start3A_1183 = tpu.memref_slice %arg3[%add3A_1120, %dma_start3A_1182] : memref<4096x4096xf32, #tpu.memory_space<hbm>> -> memref<1x4096xf32, #tpu.memory_space<hbm>>
      %dma_start3A_1184 = tpu.memref_squeeze %dma_start3A_1183 : memref<1x4096xf32, #tpu.memory_space<hbm>> -> memref<4096xf32, #tpu.memory_space<hbm>>
      %dma_start3A_1185 = arith.constant 16384 : i32
      %dma_start3A_1186 = tpu.memref_slice %arg6[%dma_start3A_1185] : memref<32768xf32, #tpu.memory_space<vmem>> -> memref<4096xf32, #tpu.memory_space<vmem>>
      tpu.enqueue_dma source(%dma_start3A_1186 : memref<4096xf32, #tpu.memory_space<vmem>>) target(%dma_start3A_1184 : memref<4096xf32, #tpu.memory_space<hbm>>) target_semaphore(%arg13 : memref<!tpu.dma_semaphore, #tpu.memory_space<semaphore_mem>>)
      %add3A_1187 = arith.constant 5 : i32
      %add3A_1188 = arith.addi %mul3A_808, %add3A_1187 : i32
      %gt3A_1189 = arith.constant 0 : i32
      %gt3A_1190 = arith.cmpi sgt, %add3A_803, %gt3A_1189 : i32
      %convert_element_type3A_1191 = arith.extui %gt3A_1190 : i1 to i32
      %cond3A_1192 = arith.constant 0 : i32
      %cond3A_1193 = arith.cmpi ne, %convert_element_type3A_1191, %cond3A_1192 : i32
      scf.if %cond3A_1193 {
        %dma_wait3A_1439 = arith.constant 0 : i32
        %dma_wait3A_1440 = arith.constant 20480 : i32
        %dma_wait3A_1441 = tpu.memref_slice %arg6[%dma_wait3A_1440] : memref<32768xf32, #tpu.memory_space<vmem>> -> memref<4096xf32, #tpu.memory_space<vmem>>
        %dma_wait3A_1442 = arith.constant 0 : i32
        %dma_wait3A_1443 = tpu.memref_slice %arg3[%dma_wait3A_1439, %dma_wait3A_1442] : memref<4096x4096xf32, #tpu.memory_space<hbm>> -> memref<1x4096xf32, #tpu.memory_space<hbm>>
        %dma_wait3A_1444 = tpu.memref_squeeze %dma_wait3A_1443 : memref<1x4096xf32, #tpu.memory_space<hbm>> -> memref<4096xf32, #tpu.memory_space<hbm>>
        %dma_wait3A_1445 = arith.constant 0 : i32
        %dma_wait3A_1446 = tpu.memref_slice %arg3[%dma_wait3A_1439, %dma_wait3A_1445] : memref<4096x4096xf32, #tpu.memory_space<hbm>> -> memref<1x4096xf32, #tpu.memory_space<hbm>>
        %dma_wait3A_1447 = tpu.memref_squeeze %dma_wait3A_1446 : memref<1x4096xf32, #tpu.memory_space<hbm>> -> memref<4096xf32, #tpu.memory_space<hbm>>
        %dma_wait3A_1448 = arith.constant 20480 : i32
        %dma_wait3A_1449 = tpu.memref_slice %arg6[%dma_wait3A_1448] : memref<32768xf32, #tpu.memory_space<vmem>> -> memref<4096xf32, #tpu.memory_space<vmem>>
        tpu.wait_dma2 semaphore(%arg14 : memref<!tpu.dma_semaphore, #tpu.memory_space<semaphore_mem>>) src(%dma_wait3A_1449 : memref<4096xf32, #tpu.memory_space<vmem>>) dst(%dma_wait3A_1447 : memref<4096xf32, #tpu.memory_space<hbm>>)
      } else {
      }
      %add3A_1194 = arith.constant 1 : i32
      %add3A_1195 = arith.addi %add3A_1188, %add3A_1194 : i32
      %mul3A_1196 = arith.muli %add3A_1188, %add3A_1195 : i32
      %jit3A_1197 = arith.constant 2 : i32
      %div3A_1198 = arith.divsi %mul3A_1196, %jit3A_1197 : i32
      %sign3A_1199 = arith.constant 0 : i32
      %sign3A_1200 = arith.cmpi sgt, %mul3A_1196, %sign3A_1199 : i32
      %sign3A_1201 = arith.extui %sign3A_1200 : i1 to i32
      %sign3A_1202 = arith.constant 0 : i32
      %sign3A_1203 = arith.cmpi slt, %mul3A_1196, %sign3A_1202 : i32
      %sign3A_1204 = arith.extui %sign3A_1203 : i1 to i32
      %sign3A_1205 = arith.subi %sign3A_1201, %sign3A_1204 : i32
      %sign3A_1206 = arith.constant 0 : i32
      %sign3A_1207 = arith.cmpi sgt, %jit3A_1197, %sign3A_1206 : i32
      %sign3A_1208 = arith.extui %sign3A_1207 : i1 to i32
      %sign3A_1209 = arith.constant 0 : i32
      %sign3A_1210 = arith.cmpi slt, %jit3A_1197, %sign3A_1209 : i32
      %sign3A_1211 = arith.extui %sign3A_1210 : i1 to i32
      %sign3A_1212 = arith.subi %sign3A_1208, %sign3A_1211 : i32
      %ne3A_1213 = arith.cmpi ne, %sign3A_1205, %sign3A_1212 : i32
      %rem3A_1214 = arith.remsi %mul3A_1196, %jit3A_1197 : i32
      %ne3A_1215 = arith.constant 0 : i32
      %ne3A_1216 = arith.cmpi ne, %rem3A_1214, %ne3A_1215 : i32
      %and3A_1217 = arith.andi %ne3A_1213, %ne3A_1216 : i1
      %sub3A_1218 = arith.constant 1 : i32
      %sub3A_1219 = arith.subi %div3A_1198, %sub3A_1218 : i32
      %select_n3A_1220 = arith.select %and3A_1217, %sub3A_1219, %div3A_1198 : i32
      %sub3A_1221 = arith.subi %select_n3A_1220, %multiple_of3A_842 : i32
      %add3A_1222 = arith.constant 1 : i32
      %add3A_1223 = arith.addi %add3A_1188, %add3A_1222 : i32
      %shift_right_arithmetic3A_1224 = arith.constant 6 : i32
      %shift_right_arithmetic3A_1225 = arith.shrsi %add3A_1223, %shift_right_arithmetic3A_1224 : i32
      %while3A_1226 = arith.constant 0 : i32
      %while3A_1227 = arith.constant 0 : i32
      %while3A_1228 = arith.subi %shift_right_arithmetic3A_1225, %while3A_1227 : i32
      %while3A_1229 = arith.addi %while3A_1227, %while3A_1228 : i32
      %while3A_1230 = arith.constant 1 : i32
      %while3A_1231 = arith.divsi %while3A_1228, %while3A_1230 : i32
      %while3A_1232 = arith.muli %while3A_1231, %while3A_1230 : i32
      %while3A_1233 = arith.addi %while3A_1227, %while3A_1232 : i32
      %while3A_1234 = arith.constant 1 : i32
      scf.for %while3A_1439 = %while3A_1227 to %while3A_1233 step %while3A_1234  : i32 {
        %mul3A_1440 = arith.constant 64 : i32
        %mul3A_1441 = arith.muli %while3A_1439, %mul3A_1440 : i32
        %add3A_1442 = arith.constant 0 : i32
        %add3A_1443 = arith.addi %mul3A_1441, %add3A_1442 : i32
        %add3A_1444 = arith.addi %sub3A_1221, %add3A_1443 : i32
        %get3A = arith.index_cast %add3A_1444 : i32 to index
        %get3A_1445 = tpu.vector_load %arg5[%get3A] {strides = array<i32>} : memref<32768xf32, #tpu.memory_space<vmem>>, vector<16xf32>,
        %get3A_1446 = vector.shape_cast %get3A_1445 : vector<16xf32> to vector<16xf32>
        %swap3A = arith.constant 20480 : i32
        %swap3A_1447 = tpu.memref_slice %arg6[%swap3A] : memref<32768xf32, #tpu.memory_space<vmem>> -> memref<4096xf32, #tpu.memory_space<vmem>>
        %swap3A_1448 = arith.index_cast %add3A_1443 : i32 to index
        %swap3A_1449 = tpu.vector_load %swap3A_1447[%swap3A_1448] {strides = array<i32>} : memref<4096xf32, #tpu.memory_space<vmem>>, vector<16xf32>,
        %swap3A_1450 = vector.shape_cast %swap3A_1449 : vector<16xf32> to vector<16xf32>
        %swap3A_1451 = vector.shape_cast %get3A_1446 : vector<16xf32> to vector<16xf32>
        tpu.vector_store %swap3A_1447[%swap3A_1448], %swap3A_1451 {strides = array<i32>} : memref<4096xf32, #tpu.memory_space<vmem>>, vector<16xf32>,
        %add3A_1452 = arith.constant 16 : i32
        %add3A_1453 = arith.addi %mul3A_1441, %add3A_1452 : i32
        %add3A_1454 = arith.addi %sub3A_1221, %add3A_1453 : i32
        %get3A_1455 = arith.index_cast %add3A_1454 : i32 to index
        %get3A_1456 = tpu.vector_load %arg5[%get3A_1455] {strides = array<i32>} : memref<32768xf32, #tpu.memory_space<vmem>>, vector<16xf32>,
        %get3A_1457 = vector.shape_cast %get3A_1456 : vector<16xf32> to vector<16xf32>
        %swap3A_1458 = arith.constant 20480 : i32
        %swap3A_1459 = tpu.memref_slice %arg6[%swap3A_1458] : memref<32768xf32, #tpu.memory_space<vmem>> -> memref<4096xf32, #tpu.memory_space<vmem>>
        %swap3A_1460 = arith.index_cast %add3A_1453 : i32 to index
        %swap3A_1461 = tpu.vector_load %swap3A_1459[%swap3A_1460] {strides = array<i32>} : memref<4096xf32, #tpu.memory_space<vmem>>, vector<16xf32>,
        %swap3A_1462 = vector.shape_cast %swap3A_1461 : vector<16xf32> to vector<16xf32>
        %swap3A_1463 = vector.shape_cast %get3A_1457 : vector<16xf32> to vector<16xf32>
        tpu.vector_store %swap3A_1459[%swap3A_1460], %swap3A_1463 {strides = array<i32>} : memref<4096xf32, #tpu.memory_space<vmem>>, vector<16xf32>,
        %add3A_1464 = arith.constant 32 : i32
        %add3A_1465 = arith.addi %mul3A_1441, %add3A_1464 : i32
        %add3A_1466 = arith.addi %sub3A_1221, %add3A_1465 : i32
        %get3A_1467 = arith.index_cast %add3A_1466 : i32 to index
        %get3A_1468 = tpu.vector_load %arg5[%get3A_1467] {strides = array<i32>} : memref<32768xf32, #tpu.memory_space<vmem>>, vector<16xf32>,
        %get3A_1469 = vector.shape_cast %get3A_1468 : vector<16xf32> to vector<16xf32>
        %swap3A_1470 = arith.constant 20480 : i32
        %swap3A_1471 = tpu.memref_slice %arg6[%swap3A_1470] : memref<32768xf32, #tpu.memory_space<vmem>> -> memref<4096xf32, #tpu.memory_space<vmem>>
        %swap3A_1472 = arith.index_cast %add3A_1465 : i32 to index
        %swap3A_1473 = tpu.vector_load %swap3A_1471[%swap3A_1472] {strides = array<i32>} : memref<4096xf32, #tpu.memory_space<vmem>>, vector<16xf32>,
        %swap3A_1474 = vector.shape_cast %swap3A_1473 : vector<16xf32> to vector<16xf32>
        %swap3A_1475 = vector.shape_cast %get3A_1469 : vector<16xf32> to vector<16xf32>
        tpu.vector_store %swap3A_1471[%swap3A_1472], %swap3A_1475 {strides = array<i32>} : memref<4096xf32, #tpu.memory_space<vmem>>, vector<16xf32>,
        %add3A_1476 = arith.constant 48 : i32
        %add3A_1477 = arith.addi %mul3A_1441, %add3A_1476 : i32
        %add3A_1478 = arith.addi %sub3A_1221, %add3A_1477 : i32
        %get3A_1479 = arith.index_cast %add3A_1478 : i32 to index
        %get3A_1480 = tpu.vector_load %arg5[%get3A_1479] {strides = array<i32>} : memref<32768xf32, #tpu.memory_space<vmem>>, vector<16xf32>,
        %get3A_1481 = vector.shape_cast %get3A_1480 : vector<16xf32> to vector<16xf32>
        %swap3A_1482 = arith.constant 20480 : i32
        %swap3A_1483 = tpu.memref_slice %arg6[%swap3A_1482] : memref<32768xf32, #tpu.memory_space<vmem>> -> memref<4096xf32, #tpu.memory_space<vmem>>
        %swap3A_1484 = arith.index_cast %add3A_1477 : i32 to index
        %swap3A_1485 = tpu.vector_load %swap3A_1483[%swap3A_1484] {strides = array<i32>} : memref<4096xf32, #tpu.memory_space<vmem>>, vector<16xf32>,
        %swap3A_1486 = vector.shape_cast %swap3A_1485 : vector<16xf32> to vector<16xf32>
        %swap3A_1487 = vector.shape_cast %get3A_1481 : vector<16xf32> to vector<16xf32>
        tpu.vector_store %swap3A_1483[%swap3A_1484], %swap3A_1487 {strides = array<i32>} : memref<4096xf32, #tpu.memory_space<vmem>>, vector<16xf32>,
      }
      %while3A_1235 = arith.constant 1 : i32
      scf.for %while3A_1439 = %while3A_1233 to %while3A_1229 step %while3A_1235  : i32 {
        %mul3A_1440 = arith.constant 64 : i32
        %mul3A_1441 = arith.muli %while3A_1439, %mul3A_1440 : i32
        %add3A_1442 = arith.constant 0 : i32
        %add3A_1443 = arith.addi %mul3A_1441, %add3A_1442 : i32
        %add3A_1444 = arith.addi %sub3A_1221, %add3A_1443 : i32
        %get3A = arith.index_cast %add3A_1444 : i32 to index
        %get3A_1445 = tpu.vector_load %arg5[%get3A] {strides = array<i32>} : memref<32768xf32, #tpu.memory_space<vmem>>, vector<16xf32>,
        %get3A_1446 = vector.shape_cast %get3A_1445 : vector<16xf32> to vector<16xf32>
        %swap3A = arith.constant 20480 : i32
        %swap3A_1447 = tpu.memref_slice %arg6[%swap3A] : memref<32768xf32, #tpu.memory_space<vmem>> -> memref<4096xf32, #tpu.memory_space<vmem>>
        %swap3A_1448 = arith.index_cast %add3A_1443 : i32 to index
        %swap3A_1449 = tpu.vector_load %swap3A_1447[%swap3A_1448] {strides = array<i32>} : memref<4096xf32, #tpu.memory_space<vmem>>, vector<16xf32>,
        %swap3A_1450 = vector.shape_cast %swap3A_1449 : vector<16xf32> to vector<16xf32>
        %swap3A_1451 = vector.shape_cast %get3A_1446 : vector<16xf32> to vector<16xf32>
        tpu.vector_store %swap3A_1447[%swap3A_1448], %swap3A_1451 {strides = array<i32>} : memref<4096xf32, #tpu.memory_space<vmem>>, vector<16xf32>,
        %add3A_1452 = arith.constant 16 : i32
        %add3A_1453 = arith.addi %mul3A_1441, %add3A_1452 : i32
        %add3A_1454 = arith.addi %sub3A_1221, %add3A_1453 : i32
        %get3A_1455 = arith.index_cast %add3A_1454 : i32 to index
        %get3A_1456 = tpu.vector_load %arg5[%get3A_1455] {strides = array<i32>} : memref<32768xf32, #tpu.memory_space<vmem>>, vector<16xf32>,
        %get3A_1457 = vector.shape_cast %get3A_1456 : vector<16xf32> to vector<16xf32>
        %swap3A_1458 = arith.constant 20480 : i32
        %swap3A_1459 = tpu.memref_slice %arg6[%swap3A_1458] : memref<32768xf32, #tpu.memory_space<vmem>> -> memref<4096xf32, #tpu.memory_space<vmem>>
        %swap3A_1460 = arith.index_cast %add3A_1453 : i32 to index
        %swap3A_1461 = tpu.vector_load %swap3A_1459[%swap3A_1460] {strides = array<i32>} : memref<4096xf32, #tpu.memory_space<vmem>>, vector<16xf32>,
        %swap3A_1462 = vector.shape_cast %swap3A_1461 : vector<16xf32> to vector<16xf32>
        %swap3A_1463 = vector.shape_cast %get3A_1457 : vector<16xf32> to vector<16xf32>
        tpu.vector_store %swap3A_1459[%swap3A_1460], %swap3A_1463 {strides = array<i32>} : memref<4096xf32, #tpu.memory_space<vmem>>, vector<16xf32>,
        %add3A_1464 = arith.constant 32 : i32
        %add3A_1465 = arith.addi %mul3A_1441, %add3A_1464 : i32
        %add3A_1466 = arith.addi %sub3A_1221, %add3A_1465 : i32
        %get3A_1467 = arith.index_cast %add3A_1466 : i32 to index
        %get3A_1468 = tpu.vector_load %arg5[%get3A_1467] {strides = array<i32>} : memref<32768xf32, #tpu.memory_space<vmem>>, vector<16xf32>,
        %get3A_1469 = vector.shape_cast %get3A_1468 : vector<16xf32> to vector<16xf32>
        %swap3A_1470 = arith.constant 20480 : i32
        %swap3A_1471 = tpu.memref_slice %arg6[%swap3A_1470] : memref<32768xf32, #tpu.memory_space<vmem>> -> memref<4096xf32, #tpu.memory_space<vmem>>
        %swap3A_1472 = arith.index_cast %add3A_1465 : i32 to index
        %swap3A_1473 = tpu.vector_load %swap3A_1471[%swap3A_1472] {strides = array<i32>} : memref<4096xf32, #tpu.memory_space<vmem>>, vector<16xf32>,
        %swap3A_1474 = vector.shape_cast %swap3A_1473 : vector<16xf32> to vector<16xf32>
        %swap3A_1475 = vector.shape_cast %get3A_1469 : vector<16xf32> to vector<16xf32>
        tpu.vector_store %swap3A_1471[%swap3A_1472], %swap3A_1475 {strides = array<i32>} : memref<4096xf32, #tpu.memory_space<vmem>>, vector<16xf32>,
        %add3A_1476 = arith.constant 48 : i32
        %add3A_1477 = arith.addi %mul3A_1441, %add3A_1476 : i32
        %add3A_1478 = arith.addi %sub3A_1221, %add3A_1477 : i32
        %get3A_1479 = arith.index_cast %add3A_1478 : i32 to index
        %get3A_1480 = tpu.vector_load %arg5[%get3A_1479] {strides = array<i32>} : memref<32768xf32, #tpu.memory_space<vmem>>, vector<16xf32>,
        %get3A_1481 = vector.shape_cast %get3A_1480 : vector<16xf32> to vector<16xf32>
        %swap3A_1482 = arith.constant 20480 : i32
        %swap3A_1483 = tpu.memref_slice %arg6[%swap3A_1482] : memref<32768xf32, #tpu.memory_space<vmem>> -> memref<4096xf32, #tpu.memory_space<vmem>>
        %swap3A_1484 = arith.index_cast %add3A_1477 : i32 to index
        %swap3A_1485 = tpu.vector_load %swap3A_1483[%swap3A_1484] {strides = array<i32>} : memref<4096xf32, #tpu.memory_space<vmem>>, vector<16xf32>,
        %swap3A_1486 = vector.shape_cast %swap3A_1485 : vector<16xf32> to vector<16xf32>
        %swap3A_1487 = vector.shape_cast %get3A_1481 : vector<16xf32> to vector<16xf32>
        tpu.vector_store %swap3A_1483[%swap3A_1484], %swap3A_1487 {strides = array<i32>} : memref<4096xf32, #tpu.memory_space<vmem>>, vector<16xf32>,
      }
      %add3A_1236 = arith.constant 1 : i32
      %add3A_1237 = arith.addi %add3A_1188, %add3A_1236 : i32
      %and3A_1238 = arith.constant 63 : i32
      %and3A_1239 = arith.andi %add3A_1237, %and3A_1238 : i32
      %ne3A_1240 = arith.constant 0 : i32
      %ne3A_1241 = arith.cmpi ne, %and3A_1239, %ne3A_1240 : i32
      %convert_element_type3A_1242 = arith.extui %ne3A_1241 : i1 to i32
      %cond3A_1243 = arith.constant 0 : i32
      %cond3A_1244 = arith.cmpi ne, %convert_element_type3A_1242, %cond3A_1243 : i32
      scf.if %cond3A_1244 {
        %mul3A_1439 = arith.constant 64 : i32
        %mul3A_1440 = arith.muli %shift_right_arithmetic3A_1225, %mul3A_1439 : i32
        %add3A_1441 = arith.constant 0 : i32
        %add3A_1442 = arith.addi %mul3A_1440, %add3A_1441 : i32
        %add3A_1443 = arith.addi %sub3A_1221, %add3A_1442 : i32
        %get3A = arith.index_cast %add3A_1443 : i32 to index
        %get3A_1444 = tpu.vector_load %arg5[%get3A] {strides = array<i32>} : memref<32768xf32, #tpu.memory_space<vmem>>, vector<16xf32>,
        %get3A_1445 = vector.shape_cast %get3A_1444 : vector<16xf32> to vector<16xf32>
        %add3A_1446 = vector.broadcast %add3A_1442 : i32 to vector<16xi32>
        %add3A_1447 = arith.addi %iota3A, %add3A_1446 : vector<16xi32>
        %le3A = vector.broadcast %add3A_1188 : i32 to vector<16xi32>
        %le3A_1448 = arith.cmpi sle, %add3A_1447, %le3A : vector<16xi32>
        %select_n3A_1449 = arith.select %le3A_1448, %get3A_1445, %broadcast_in_dim3A_1 : vector<16xi1>, vector<16xf32>
        %swap3A = arith.constant 20480 : i32
        %swap3A_1450 = tpu.memref_slice %arg6[%swap3A] : memref<32768xf32, #tpu.memory_space<vmem>> -> memref<4096xf32, #tpu.memory_space<vmem>>
        %swap3A_1451 = arith.index_cast %add3A_1442 : i32 to index
        %swap3A_1452 = tpu.vector_load %swap3A_1450[%swap3A_1451] {strides = array<i32>} : memref<4096xf32, #tpu.memory_space<vmem>>, vector<16xf32>,
        %swap3A_1453 = vector.shape_cast %swap3A_1452 : vector<16xf32> to vector<16xf32>
        %swap3A_1454 = vector.shape_cast %select_n3A_1449 : vector<16xf32> to vector<16xf32>
        tpu.vector_store %swap3A_1450[%swap3A_1451], %swap3A_1454 {strides = array<i32>} : memref<4096xf32, #tpu.memory_space<vmem>>, vector<16xf32>,
        %add3A_1455 = arith.constant 16 : i32
        %add3A_1456 = arith.addi %mul3A_1440, %add3A_1455 : i32
        %add3A_1457 = arith.addi %sub3A_1221, %add3A_1456 : i32
        %get3A_1458 = arith.index_cast %add3A_1457 : i32 to index
        %get3A_1459 = tpu.vector_load %arg5[%get3A_1458] {strides = array<i32>} : memref<32768xf32, #tpu.memory_space<vmem>>, vector<16xf32>,
        %get3A_1460 = vector.shape_cast %get3A_1459 : vector<16xf32> to vector<16xf32>
        %add3A_1461 = vector.broadcast %add3A_1456 : i32 to vector<16xi32>
        %add3A_1462 = arith.addi %iota3A, %add3A_1461 : vector<16xi32>
        %le3A_1463 = vector.broadcast %add3A_1188 : i32 to vector<16xi32>
        %le3A_1464 = arith.cmpi sle, %add3A_1462, %le3A_1463 : vector<16xi32>
        %select_n3A_1465 = arith.select %le3A_1464, %get3A_1460, %broadcast_in_dim3A_1 : vector<16xi1>, vector<16xf32>
        %swap3A_1466 = arith.constant 20480 : i32
        %swap3A_1467 = tpu.memref_slice %arg6[%swap3A_1466] : memref<32768xf32, #tpu.memory_space<vmem>> -> memref<4096xf32, #tpu.memory_space<vmem>>
        %swap3A_1468 = arith.index_cast %add3A_1456 : i32 to index
        %swap3A_1469 = tpu.vector_load %swap3A_1467[%swap3A_1468] {strides = array<i32>} : memref<4096xf32, #tpu.memory_space<vmem>>, vector<16xf32>,
        %swap3A_1470 = vector.shape_cast %swap3A_1469 : vector<16xf32> to vector<16xf32>
        %swap3A_1471 = vector.shape_cast %select_n3A_1465 : vector<16xf32> to vector<16xf32>
        tpu.vector_store %swap3A_1467[%swap3A_1468], %swap3A_1471 {strides = array<i32>} : memref<4096xf32, #tpu.memory_space<vmem>>, vector<16xf32>,
        %add3A_1472 = arith.constant 32 : i32
        %add3A_1473 = arith.addi %mul3A_1440, %add3A_1472 : i32
        %add3A_1474 = arith.addi %sub3A_1221, %add3A_1473 : i32
        %get3A_1475 = arith.index_cast %add3A_1474 : i32 to index
        %get3A_1476 = tpu.vector_load %arg5[%get3A_1475] {strides = array<i32>} : memref<32768xf32, #tpu.memory_space<vmem>>, vector<16xf32>,
        %get3A_1477 = vector.shape_cast %get3A_1476 : vector<16xf32> to vector<16xf32>
        %add3A_1478 = vector.broadcast %add3A_1473 : i32 to vector<16xi32>
        %add3A_1479 = arith.addi %iota3A, %add3A_1478 : vector<16xi32>
        %le3A_1480 = vector.broadcast %add3A_1188 : i32 to vector<16xi32>
        %le3A_1481 = arith.cmpi sle, %add3A_1479, %le3A_1480 : vector<16xi32>
        %select_n3A_1482 = arith.select %le3A_1481, %get3A_1477, %broadcast_in_dim3A_1 : vector<16xi1>, vector<16xf32>
        %swap3A_1483 = arith.constant 20480 : i32
        %swap3A_1484 = tpu.memref_slice %arg6[%swap3A_1483] : memref<32768xf32, #tpu.memory_space<vmem>> -> memref<4096xf32, #tpu.memory_space<vmem>>
        %swap3A_1485 = arith.index_cast %add3A_1473 : i32 to index
        %swap3A_1486 = tpu.vector_load %swap3A_1484[%swap3A_1485] {strides = array<i32>} : memref<4096xf32, #tpu.memory_space<vmem>>, vector<16xf32>,
        %swap3A_1487 = vector.shape_cast %swap3A_1486 : vector<16xf32> to vector<16xf32>
        %swap3A_1488 = vector.shape_cast %select_n3A_1482 : vector<16xf32> to vector<16xf32>
        tpu.vector_store %swap3A_1484[%swap3A_1485], %swap3A_1488 {strides = array<i32>} : memref<4096xf32, #tpu.memory_space<vmem>>, vector<16xf32>,
        %add3A_1489 = arith.constant 48 : i32
        %add3A_1490 = arith.addi %mul3A_1440, %add3A_1489 : i32
        %add3A_1491 = arith.addi %sub3A_1221, %add3A_1490 : i32
        %get3A_1492 = arith.index_cast %add3A_1491 : i32 to index
        %get3A_1493 = tpu.vector_load %arg5[%get3A_1492] {strides = array<i32>} : memref<32768xf32, #tpu.memory_space<vmem>>, vector<16xf32>,
        %get3A_1494 = vector.shape_cast %get3A_1493 : vector<16xf32> to vector<16xf32>
        %add3A_1495 = vector.broadcast %add3A_1490 : i32 to vector<16xi32>
        %add3A_1496 = arith.addi %iota3A, %add3A_1495 : vector<16xi32>
        %le3A_1497 = vector.broadcast %add3A_1188 : i32 to vector<16xi32>
        %le3A_1498 = arith.cmpi sle, %add3A_1496, %le3A_1497 : vector<16xi32>
        %select_n3A_1499 = arith.select %le3A_1498, %get3A_1494, %broadcast_in_dim3A_1 : vector<16xi1>, vector<16xf32>
        %swap3A_1500 = arith.constant 20480 : i32
        %swap3A_1501 = tpu.memref_slice %arg6[%swap3A_1500] : memref<32768xf32, #tpu.memory_space<vmem>> -> memref<4096xf32, #tpu.memory_space<vmem>>
        %swap3A_1502 = arith.index_cast %add3A_1490 : i32 to index
        %swap3A_1503 = tpu.vector_load %swap3A_1501[%swap3A_1502] {strides = array<i32>} : memref<4096xf32, #tpu.memory_space<vmem>>, vector<16xf32>,
        %swap3A_1504 = vector.shape_cast %swap3A_1503 : vector<16xf32> to vector<16xf32>
        %swap3A_1505 = vector.shape_cast %select_n3A_1499 : vector<16xf32> to vector<16xf32>
        tpu.vector_store %swap3A_1501[%swap3A_1502], %swap3A_1505 {strides = array<i32>} : memref<4096xf32, #tpu.memory_space<vmem>>, vector<16xf32>,
      } else {
      }
      %dma_start3A_1245 = arith.constant 20480 : i32
      %dma_start3A_1246 = tpu.memref_slice %arg6[%dma_start3A_1245] : memref<32768xf32, #tpu.memory_space<vmem>> -> memref<4096xf32, #tpu.memory_space<vmem>>
      %dma_start3A_1247 = arith.constant 0 : i32
      %dma_start3A_1248 = tpu.memref_slice %arg3[%add3A_1188, %dma_start3A_1247] : memref<4096x4096xf32, #tpu.memory_space<hbm>> -> memref<1x4096xf32, #tpu.memory_space<hbm>>
      %dma_start3A_1249 = tpu.memref_squeeze %dma_start3A_1248 : memref<1x4096xf32, #tpu.memory_space<hbm>> -> memref<4096xf32, #tpu.memory_space<hbm>>
      %dma_start3A_1250 = arith.constant 0 : i32
      %dma_start3A_1251 = tpu.memref_slice %arg3[%add3A_1188, %dma_start3A_1250] : memref<4096x4096xf32, #tpu.memory_space<hbm>> -> memref<1x4096xf32, #tpu.memory_space<hbm>>
      %dma_start3A_1252 = tpu.memref_squeeze %dma_start3A_1251 : memref<1x4096xf32, #tpu.memory_space<hbm>> -> memref<4096xf32, #tpu.memory_space<hbm>>
      %dma_start3A_1253 = arith.constant 20480 : i32
      %dma_start3A_1254 = tpu.memref_slice %arg6[%dma_start3A_1253] : memref<32768xf32, #tpu.memory_space<vmem>> -> memref<4096xf32, #tpu.memory_space<vmem>>
      tpu.enqueue_dma source(%dma_start3A_1254 : memref<4096xf32, #tpu.memory_space<vmem>>) target(%dma_start3A_1252 : memref<4096xf32, #tpu.memory_space<hbm>>) target_semaphore(%arg14 : memref<!tpu.dma_semaphore, #tpu.memory_space<semaphore_mem>>)
      %add3A_1255 = arith.constant 6 : i32
      %add3A_1256 = arith.addi %mul3A_808, %add3A_1255 : i32
      %gt3A_1257 = arith.constant 0 : i32
      %gt3A_1258 = arith.cmpi sgt, %add3A_803, %gt3A_1257 : i32
      %convert_element_type3A_1259 = arith.extui %gt3A_1258 : i1 to i32
      %cond3A_1260 = arith.constant 0 : i32
      %cond3A_1261 = arith.cmpi ne, %convert_element_type3A_1259, %cond3A_1260 : i32
      scf.if %cond3A_1261 {
        %dma_wait3A_1439 = arith.constant 0 : i32
        %dma_wait3A_1440 = arith.constant 24576 : i32
        %dma_wait3A_1441 = tpu.memref_slice %arg6[%dma_wait3A_1440] : memref<32768xf32, #tpu.memory_space<vmem>> -> memref<4096xf32, #tpu.memory_space<vmem>>
        %dma_wait3A_1442 = arith.constant 0 : i32
        %dma_wait3A_1443 = tpu.memref_slice %arg3[%dma_wait3A_1439, %dma_wait3A_1442] : memref<4096x4096xf32, #tpu.memory_space<hbm>> -> memref<1x4096xf32, #tpu.memory_space<hbm>>
        %dma_wait3A_1444 = tpu.memref_squeeze %dma_wait3A_1443 : memref<1x4096xf32, #tpu.memory_space<hbm>> -> memref<4096xf32, #tpu.memory_space<hbm>>
        %dma_wait3A_1445 = arith.constant 0 : i32
        %dma_wait3A_1446 = tpu.memref_slice %arg3[%dma_wait3A_1439, %dma_wait3A_1445] : memref<4096x4096xf32, #tpu.memory_space<hbm>> -> memref<1x4096xf32, #tpu.memory_space<hbm>>
        %dma_wait3A_1447 = tpu.memref_squeeze %dma_wait3A_1446 : memref<1x4096xf32, #tpu.memory_space<hbm>> -> memref<4096xf32, #tpu.memory_space<hbm>>
        %dma_wait3A_1448 = arith.constant 24576 : i32
        %dma_wait3A_1449 = tpu.memref_slice %arg6[%dma_wait3A_1448] : memref<32768xf32, #tpu.memory_space<vmem>> -> memref<4096xf32, #tpu.memory_space<vmem>>
        tpu.wait_dma2 semaphore(%arg15 : memref<!tpu.dma_semaphore, #tpu.memory_space<semaphore_mem>>) src(%dma_wait3A_1449 : memref<4096xf32, #tpu.memory_space<vmem>>) dst(%dma_wait3A_1447 : memref<4096xf32, #tpu.memory_space<hbm>>)
      } else {
      }
      %add3A_1262 = arith.constant 1 : i32
      %add3A_1263 = arith.addi %add3A_1256, %add3A_1262 : i32
      %mul3A_1264 = arith.muli %add3A_1256, %add3A_1263 : i32
      %jit3A_1265 = arith.constant 2 : i32
      %div3A_1266 = arith.divsi %mul3A_1264, %jit3A_1265 : i32
      %sign3A_1267 = arith.constant 0 : i32
      %sign3A_1268 = arith.cmpi sgt, %mul3A_1264, %sign3A_1267 : i32
      %sign3A_1269 = arith.extui %sign3A_1268 : i1 to i32
      %sign3A_1270 = arith.constant 0 : i32
      %sign3A_1271 = arith.cmpi slt, %mul3A_1264, %sign3A_1270 : i32
      %sign3A_1272 = arith.extui %sign3A_1271 : i1 to i32
      %sign3A_1273 = arith.subi %sign3A_1269, %sign3A_1272 : i32
      %sign3A_1274 = arith.constant 0 : i32
      %sign3A_1275 = arith.cmpi sgt, %jit3A_1265, %sign3A_1274 : i32
      %sign3A_1276 = arith.extui %sign3A_1275 : i1 to i32
      %sign3A_1277 = arith.constant 0 : i32
      %sign3A_1278 = arith.cmpi slt, %jit3A_1265, %sign3A_1277 : i32
      %sign3A_1279 = arith.extui %sign3A_1278 : i1 to i32
      %sign3A_1280 = arith.subi %sign3A_1276, %sign3A_1279 : i32
      %ne3A_1281 = arith.cmpi ne, %sign3A_1273, %sign3A_1280 : i32
      %rem3A_1282 = arith.remsi %mul3A_1264, %jit3A_1265 : i32
      %ne3A_1283 = arith.constant 0 : i32
      %ne3A_1284 = arith.cmpi ne, %rem3A_1282, %ne3A_1283 : i32
      %and3A_1285 = arith.andi %ne3A_1281, %ne3A_1284 : i1
      %sub3A_1286 = arith.constant 1 : i32
      %sub3A_1287 = arith.subi %div3A_1266, %sub3A_1286 : i32
      %select_n3A_1288 = arith.select %and3A_1285, %sub3A_1287, %div3A_1266 : i32
      %sub3A_1289 = arith.subi %select_n3A_1288, %multiple_of3A_842 : i32
      %add3A_1290 = arith.constant 1 : i32
      %add3A_1291 = arith.addi %add3A_1256, %add3A_1290 : i32
      %shift_right_arithmetic3A_1292 = arith.constant 6 : i32
      %shift_right_arithmetic3A_1293 = arith.shrsi %add3A_1291, %shift_right_arithmetic3A_1292 : i32
      %while3A_1294 = arith.constant 0 : i32
      %while3A_1295 = arith.constant 0 : i32
      %while3A_1296 = arith.subi %shift_right_arithmetic3A_1293, %while3A_1295 : i32
      %while3A_1297 = arith.addi %while3A_1295, %while3A_1296 : i32
      %while3A_1298 = arith.constant 1 : i32
      %while3A_1299 = arith.divsi %while3A_1296, %while3A_1298 : i32
      %while3A_1300 = arith.muli %while3A_1299, %while3A_1298 : i32
      %while3A_1301 = arith.addi %while3A_1295, %while3A_1300 : i32
      %while3A_1302 = arith.constant 1 : i32
      scf.for %while3A_1439 = %while3A_1295 to %while3A_1301 step %while3A_1302  : i32 {
        %mul3A_1440 = arith.constant 64 : i32
        %mul3A_1441 = arith.muli %while3A_1439, %mul3A_1440 : i32
        %add3A_1442 = arith.constant 0 : i32
        %add3A_1443 = arith.addi %mul3A_1441, %add3A_1442 : i32
        %add3A_1444 = arith.addi %sub3A_1289, %add3A_1443 : i32
        %get3A = arith.index_cast %add3A_1444 : i32 to index
        %get3A_1445 = tpu.vector_load %arg5[%get3A] {strides = array<i32>} : memref<32768xf32, #tpu.memory_space<vmem>>, vector<16xf32>,
        %get3A_1446 = vector.shape_cast %get3A_1445 : vector<16xf32> to vector<16xf32>
        %swap3A = arith.constant 24576 : i32
        %swap3A_1447 = tpu.memref_slice %arg6[%swap3A] : memref<32768xf32, #tpu.memory_space<vmem>> -> memref<4096xf32, #tpu.memory_space<vmem>>
        %swap3A_1448 = arith.index_cast %add3A_1443 : i32 to index
        %swap3A_1449 = tpu.vector_load %swap3A_1447[%swap3A_1448] {strides = array<i32>} : memref<4096xf32, #tpu.memory_space<vmem>>, vector<16xf32>,
        %swap3A_1450 = vector.shape_cast %swap3A_1449 : vector<16xf32> to vector<16xf32>
        %swap3A_1451 = vector.shape_cast %get3A_1446 : vector<16xf32> to vector<16xf32>
        tpu.vector_store %swap3A_1447[%swap3A_1448], %swap3A_1451 {strides = array<i32>} : memref<4096xf32, #tpu.memory_space<vmem>>, vector<16xf32>,
        %add3A_1452 = arith.constant 16 : i32
        %add3A_1453 = arith.addi %mul3A_1441, %add3A_1452 : i32
        %add3A_1454 = arith.addi %sub3A_1289, %add3A_1453 : i32
        %get3A_1455 = arith.index_cast %add3A_1454 : i32 to index
        %get3A_1456 = tpu.vector_load %arg5[%get3A_1455] {strides = array<i32>} : memref<32768xf32, #tpu.memory_space<vmem>>, vector<16xf32>,
        %get3A_1457 = vector.shape_cast %get3A_1456 : vector<16xf32> to vector<16xf32>
        %swap3A_1458 = arith.constant 24576 : i32
        %swap3A_1459 = tpu.memref_slice %arg6[%swap3A_1458] : memref<32768xf32, #tpu.memory_space<vmem>> -> memref<4096xf32, #tpu.memory_space<vmem>>
        %swap3A_1460 = arith.index_cast %add3A_1453 : i32 to index
        %swap3A_1461 = tpu.vector_load %swap3A_1459[%swap3A_1460] {strides = array<i32>} : memref<4096xf32, #tpu.memory_space<vmem>>, vector<16xf32>,
        %swap3A_1462 = vector.shape_cast %swap3A_1461 : vector<16xf32> to vector<16xf32>
        %swap3A_1463 = vector.shape_cast %get3A_1457 : vector<16xf32> to vector<16xf32>
        tpu.vector_store %swap3A_1459[%swap3A_1460], %swap3A_1463 {strides = array<i32>} : memref<4096xf32, #tpu.memory_space<vmem>>, vector<16xf32>,
        %add3A_1464 = arith.constant 32 : i32
        %add3A_1465 = arith.addi %mul3A_1441, %add3A_1464 : i32
        %add3A_1466 = arith.addi %sub3A_1289, %add3A_1465 : i32
        %get3A_1467 = arith.index_cast %add3A_1466 : i32 to index
        %get3A_1468 = tpu.vector_load %arg5[%get3A_1467] {strides = array<i32>} : memref<32768xf32, #tpu.memory_space<vmem>>, vector<16xf32>,
        %get3A_1469 = vector.shape_cast %get3A_1468 : vector<16xf32> to vector<16xf32>
        %swap3A_1470 = arith.constant 24576 : i32
        %swap3A_1471 = tpu.memref_slice %arg6[%swap3A_1470] : memref<32768xf32, #tpu.memory_space<vmem>> -> memref<4096xf32, #tpu.memory_space<vmem>>
        %swap3A_1472 = arith.index_cast %add3A_1465 : i32 to index
        %swap3A_1473 = tpu.vector_load %swap3A_1471[%swap3A_1472] {strides = array<i32>} : memref<4096xf32, #tpu.memory_space<vmem>>, vector<16xf32>,
        %swap3A_1474 = vector.shape_cast %swap3A_1473 : vector<16xf32> to vector<16xf32>
        %swap3A_1475 = vector.shape_cast %get3A_1469 : vector<16xf32> to vector<16xf32>
        tpu.vector_store %swap3A_1471[%swap3A_1472], %swap3A_1475 {strides = array<i32>} : memref<4096xf32, #tpu.memory_space<vmem>>, vector<16xf32>,
        %add3A_1476 = arith.constant 48 : i32
        %add3A_1477 = arith.addi %mul3A_1441, %add3A_1476 : i32
        %add3A_1478 = arith.addi %sub3A_1289, %add3A_1477 : i32
        %get3A_1479 = arith.index_cast %add3A_1478 : i32 to index
        %get3A_1480 = tpu.vector_load %arg5[%get3A_1479] {strides = array<i32>} : memref<32768xf32, #tpu.memory_space<vmem>>, vector<16xf32>,
        %get3A_1481 = vector.shape_cast %get3A_1480 : vector<16xf32> to vector<16xf32>
        %swap3A_1482 = arith.constant 24576 : i32
        %swap3A_1483 = tpu.memref_slice %arg6[%swap3A_1482] : memref<32768xf32, #tpu.memory_space<vmem>> -> memref<4096xf32, #tpu.memory_space<vmem>>
        %swap3A_1484 = arith.index_cast %add3A_1477 : i32 to index
        %swap3A_1485 = tpu.vector_load %swap3A_1483[%swap3A_1484] {strides = array<i32>} : memref<4096xf32, #tpu.memory_space<vmem>>, vector<16xf32>,
        %swap3A_1486 = vector.shape_cast %swap3A_1485 : vector<16xf32> to vector<16xf32>
        %swap3A_1487 = vector.shape_cast %get3A_1481 : vector<16xf32> to vector<16xf32>
        tpu.vector_store %swap3A_1483[%swap3A_1484], %swap3A_1487 {strides = array<i32>} : memref<4096xf32, #tpu.memory_space<vmem>>, vector<16xf32>,
      }
      %while3A_1303 = arith.constant 1 : i32
      scf.for %while3A_1439 = %while3A_1301 to %while3A_1297 step %while3A_1303  : i32 {
        %mul3A_1440 = arith.constant 64 : i32
        %mul3A_1441 = arith.muli %while3A_1439, %mul3A_1440 : i32
        %add3A_1442 = arith.constant 0 : i32
        %add3A_1443 = arith.addi %mul3A_1441, %add3A_1442 : i32
        %add3A_1444 = arith.addi %sub3A_1289, %add3A_1443 : i32
        %get3A = arith.index_cast %add3A_1444 : i32 to index
        %get3A_1445 = tpu.vector_load %arg5[%get3A] {strides = array<i32>} : memref<32768xf32, #tpu.memory_space<vmem>>, vector<16xf32>,
        %get3A_1446 = vector.shape_cast %get3A_1445 : vector<16xf32> to vector<16xf32>
        %swap3A = arith.constant 24576 : i32
        %swap3A_1447 = tpu.memref_slice %arg6[%swap3A] : memref<32768xf32, #tpu.memory_space<vmem>> -> memref<4096xf32, #tpu.memory_space<vmem>>
        %swap3A_1448 = arith.index_cast %add3A_1443 : i32 to index
        %swap3A_1449 = tpu.vector_load %swap3A_1447[%swap3A_1448] {strides = array<i32>} : memref<4096xf32, #tpu.memory_space<vmem>>, vector<16xf32>,
        %swap3A_1450 = vector.shape_cast %swap3A_1449 : vector<16xf32> to vector<16xf32>
        %swap3A_1451 = vector.shape_cast %get3A_1446 : vector<16xf32> to vector<16xf32>
        tpu.vector_store %swap3A_1447[%swap3A_1448], %swap3A_1451 {strides = array<i32>} : memref<4096xf32, #tpu.memory_space<vmem>>, vector<16xf32>,
        %add3A_1452 = arith.constant 16 : i32
        %add3A_1453 = arith.addi %mul3A_1441, %add3A_1452 : i32
        %add3A_1454 = arith.addi %sub3A_1289, %add3A_1453 : i32
        %get3A_1455 = arith.index_cast %add3A_1454 : i32 to index
        %get3A_1456 = tpu.vector_load %arg5[%get3A_1455] {strides = array<i32>} : memref<32768xf32, #tpu.memory_space<vmem>>, vector<16xf32>,
        %get3A_1457 = vector.shape_cast %get3A_1456 : vector<16xf32> to vector<16xf32>
        %swap3A_1458 = arith.constant 24576 : i32
        %swap3A_1459 = tpu.memref_slice %arg6[%swap3A_1458] : memref<32768xf32, #tpu.memory_space<vmem>> -> memref<4096xf32, #tpu.memory_space<vmem>>
        %swap3A_1460 = arith.index_cast %add3A_1453 : i32 to index
        %swap3A_1461 = tpu.vector_load %swap3A_1459[%swap3A_1460] {strides = array<i32>} : memref<4096xf32, #tpu.memory_space<vmem>>, vector<16xf32>,
        %swap3A_1462 = vector.shape_cast %swap3A_1461 : vector<16xf32> to vector<16xf32>
        %swap3A_1463 = vector.shape_cast %get3A_1457 : vector<16xf32> to vector<16xf32>
        tpu.vector_store %swap3A_1459[%swap3A_1460], %swap3A_1463 {strides = array<i32>} : memref<4096xf32, #tpu.memory_space<vmem>>, vector<16xf32>,
        %add3A_1464 = arith.constant 32 : i32
        %add3A_1465 = arith.addi %mul3A_1441, %add3A_1464 : i32
        %add3A_1466 = arith.addi %sub3A_1289, %add3A_1465 : i32
        %get3A_1467 = arith.index_cast %add3A_1466 : i32 to index
        %get3A_1468 = tpu.vector_load %arg5[%get3A_1467] {strides = array<i32>} : memref<32768xf32, #tpu.memory_space<vmem>>, vector<16xf32>,
        %get3A_1469 = vector.shape_cast %get3A_1468 : vector<16xf32> to vector<16xf32>
        %swap3A_1470 = arith.constant 24576 : i32
        %swap3A_1471 = tpu.memref_slice %arg6[%swap3A_1470] : memref<32768xf32, #tpu.memory_space<vmem>> -> memref<4096xf32, #tpu.memory_space<vmem>>
        %swap3A_1472 = arith.index_cast %add3A_1465 : i32 to index
        %swap3A_1473 = tpu.vector_load %swap3A_1471[%swap3A_1472] {strides = array<i32>} : memref<4096xf32, #tpu.memory_space<vmem>>, vector<16xf32>,
        %swap3A_1474 = vector.shape_cast %swap3A_1473 : vector<16xf32> to vector<16xf32>
        %swap3A_1475 = vector.shape_cast %get3A_1469 : vector<16xf32> to vector<16xf32>
        tpu.vector_store %swap3A_1471[%swap3A_1472], %swap3A_1475 {strides = array<i32>} : memref<4096xf32, #tpu.memory_space<vmem>>, vector<16xf32>,
        %add3A_1476 = arith.constant 48 : i32
        %add3A_1477 = arith.addi %mul3A_1441, %add3A_1476 : i32
        %add3A_1478 = arith.addi %sub3A_1289, %add3A_1477 : i32
        %get3A_1479 = arith.index_cast %add3A_1478 : i32 to index
        %get3A_1480 = tpu.vector_load %arg5[%get3A_1479] {strides = array<i32>} : memref<32768xf32, #tpu.memory_space<vmem>>, vector<16xf32>,
        %get3A_1481 = vector.shape_cast %get3A_1480 : vector<16xf32> to vector<16xf32>
        %swap3A_1482 = arith.constant 24576 : i32
        %swap3A_1483 = tpu.memref_slice %arg6[%swap3A_1482] : memref<32768xf32, #tpu.memory_space<vmem>> -> memref<4096xf32, #tpu.memory_space<vmem>>
        %swap3A_1484 = arith.index_cast %add3A_1477 : i32 to index
        %swap3A_1485 = tpu.vector_load %swap3A_1483[%swap3A_1484] {strides = array<i32>} : memref<4096xf32, #tpu.memory_space<vmem>>, vector<16xf32>,
        %swap3A_1486 = vector.shape_cast %swap3A_1485 : vector<16xf32> to vector<16xf32>
        %swap3A_1487 = vector.shape_cast %get3A_1481 : vector<16xf32> to vector<16xf32>
        tpu.vector_store %swap3A_1483[%swap3A_1484], %swap3A_1487 {strides = array<i32>} : memref<4096xf32, #tpu.memory_space<vmem>>, vector<16xf32>,
      }
      %add3A_1304 = arith.constant 1 : i32
      %add3A_1305 = arith.addi %add3A_1256, %add3A_1304 : i32
      %and3A_1306 = arith.constant 63 : i32
      %and3A_1307 = arith.andi %add3A_1305, %and3A_1306 : i32
      %ne3A_1308 = arith.constant 0 : i32
      %ne3A_1309 = arith.cmpi ne, %and3A_1307, %ne3A_1308 : i32
      %convert_element_type3A_1310 = arith.extui %ne3A_1309 : i1 to i32
      %cond3A_1311 = arith.constant 0 : i32
      %cond3A_1312 = arith.cmpi ne, %convert_element_type3A_1310, %cond3A_1311 : i32
      scf.if %cond3A_1312 {
        %mul3A_1439 = arith.constant 64 : i32
        %mul3A_1440 = arith.muli %shift_right_arithmetic3A_1293, %mul3A_1439 : i32
        %add3A_1441 = arith.constant 0 : i32
        %add3A_1442 = arith.addi %mul3A_1440, %add3A_1441 : i32
        %add3A_1443 = arith.addi %sub3A_1289, %add3A_1442 : i32
        %get3A = arith.index_cast %add3A_1443 : i32 to index
        %get3A_1444 = tpu.vector_load %arg5[%get3A] {strides = array<i32>} : memref<32768xf32, #tpu.memory_space<vmem>>, vector<16xf32>,
        %get3A_1445 = vector.shape_cast %get3A_1444 : vector<16xf32> to vector<16xf32>
        %add3A_1446 = vector.broadcast %add3A_1442 : i32 to vector<16xi32>
        %add3A_1447 = arith.addi %iota3A, %add3A_1446 : vector<16xi32>
        %le3A = vector.broadcast %add3A_1256 : i32 to vector<16xi32>
        %le3A_1448 = arith.cmpi sle, %add3A_1447, %le3A : vector<16xi32>
        %select_n3A_1449 = arith.select %le3A_1448, %get3A_1445, %broadcast_in_dim3A_1 : vector<16xi1>, vector<16xf32>
        %swap3A = arith.constant 24576 : i32
        %swap3A_1450 = tpu.memref_slice %arg6[%swap3A] : memref<32768xf32, #tpu.memory_space<vmem>> -> memref<4096xf32, #tpu.memory_space<vmem>>
        %swap3A_1451 = arith.index_cast %add3A_1442 : i32 to index
        %swap3A_1452 = tpu.vector_load %swap3A_1450[%swap3A_1451] {strides = array<i32>} : memref<4096xf32, #tpu.memory_space<vmem>>, vector<16xf32>,
        %swap3A_1453 = vector.shape_cast %swap3A_1452 : vector<16xf32> to vector<16xf32>
        %swap3A_1454 = vector.shape_cast %select_n3A_1449 : vector<16xf32> to vector<16xf32>
        tpu.vector_store %swap3A_1450[%swap3A_1451], %swap3A_1454 {strides = array<i32>} : memref<4096xf32, #tpu.memory_space<vmem>>, vector<16xf32>,
        %add3A_1455 = arith.constant 16 : i32
        %add3A_1456 = arith.addi %mul3A_1440, %add3A_1455 : i32
        %add3A_1457 = arith.addi %sub3A_1289, %add3A_1456 : i32
        %get3A_1458 = arith.index_cast %add3A_1457 : i32 to index
        %get3A_1459 = tpu.vector_load %arg5[%get3A_1458] {strides = array<i32>} : memref<32768xf32, #tpu.memory_space<vmem>>, vector<16xf32>,
        %get3A_1460 = vector.shape_cast %get3A_1459 : vector<16xf32> to vector<16xf32>
        %add3A_1461 = vector.broadcast %add3A_1456 : i32 to vector<16xi32>
        %add3A_1462 = arith.addi %iota3A, %add3A_1461 : vector<16xi32>
        %le3A_1463 = vector.broadcast %add3A_1256 : i32 to vector<16xi32>
        %le3A_1464 = arith.cmpi sle, %add3A_1462, %le3A_1463 : vector<16xi32>
        %select_n3A_1465 = arith.select %le3A_1464, %get3A_1460, %broadcast_in_dim3A_1 : vector<16xi1>, vector<16xf32>
        %swap3A_1466 = arith.constant 24576 : i32
        %swap3A_1467 = tpu.memref_slice %arg6[%swap3A_1466] : memref<32768xf32, #tpu.memory_space<vmem>> -> memref<4096xf32, #tpu.memory_space<vmem>>
        %swap3A_1468 = arith.index_cast %add3A_1456 : i32 to index
        %swap3A_1469 = tpu.vector_load %swap3A_1467[%swap3A_1468] {strides = array<i32>} : memref<4096xf32, #tpu.memory_space<vmem>>, vector<16xf32>,
        %swap3A_1470 = vector.shape_cast %swap3A_1469 : vector<16xf32> to vector<16xf32>
        %swap3A_1471 = vector.shape_cast %select_n3A_1465 : vector<16xf32> to vector<16xf32>
        tpu.vector_store %swap3A_1467[%swap3A_1468], %swap3A_1471 {strides = array<i32>} : memref<4096xf32, #tpu.memory_space<vmem>>, vector<16xf32>,
        %add3A_1472 = arith.constant 32 : i32
        %add3A_1473 = arith.addi %mul3A_1440, %add3A_1472 : i32
        %add3A_1474 = arith.addi %sub3A_1289, %add3A_1473 : i32
        %get3A_1475 = arith.index_cast %add3A_1474 : i32 to index
        %get3A_1476 = tpu.vector_load %arg5[%get3A_1475] {strides = array<i32>} : memref<32768xf32, #tpu.memory_space<vmem>>, vector<16xf32>,
        %get3A_1477 = vector.shape_cast %get3A_1476 : vector<16xf32> to vector<16xf32>
        %add3A_1478 = vector.broadcast %add3A_1473 : i32 to vector<16xi32>
        %add3A_1479 = arith.addi %iota3A, %add3A_1478 : vector<16xi32>
        %le3A_1480 = vector.broadcast %add3A_1256 : i32 to vector<16xi32>
        %le3A_1481 = arith.cmpi sle, %add3A_1479, %le3A_1480 : vector<16xi32>
        %select_n3A_1482 = arith.select %le3A_1481, %get3A_1477, %broadcast_in_dim3A_1 : vector<16xi1>, vector<16xf32>
        %swap3A_1483 = arith.constant 24576 : i32
        %swap3A_1484 = tpu.memref_slice %arg6[%swap3A_1483] : memref<32768xf32, #tpu.memory_space<vmem>> -> memref<4096xf32, #tpu.memory_space<vmem>>
        %swap3A_1485 = arith.index_cast %add3A_1473 : i32 to index
        %swap3A_1486 = tpu.vector_load %swap3A_1484[%swap3A_1485] {strides = array<i32>} : memref<4096xf32, #tpu.memory_space<vmem>>, vector<16xf32>,
        %swap3A_1487 = vector.shape_cast %swap3A_1486 : vector<16xf32> to vector<16xf32>
        %swap3A_1488 = vector.shape_cast %select_n3A_1482 : vector<16xf32> to vector<16xf32>
        tpu.vector_store %swap3A_1484[%swap3A_1485], %swap3A_1488 {strides = array<i32>} : memref<4096xf32, #tpu.memory_space<vmem>>, vector<16xf32>,
        %add3A_1489 = arith.constant 48 : i32
        %add3A_1490 = arith.addi %mul3A_1440, %add3A_1489 : i32
        %add3A_1491 = arith.addi %sub3A_1289, %add3A_1490 : i32
        %get3A_1492 = arith.index_cast %add3A_1491 : i32 to index
        %get3A_1493 = tpu.vector_load %arg5[%get3A_1492] {strides = array<i32>} : memref<32768xf32, #tpu.memory_space<vmem>>, vector<16xf32>,
        %get3A_1494 = vector.shape_cast %get3A_1493 : vector<16xf32> to vector<16xf32>
        %add3A_1495 = vector.broadcast %add3A_1490 : i32 to vector<16xi32>
        %add3A_1496 = arith.addi %iota3A, %add3A_1495 : vector<16xi32>
        %le3A_1497 = vector.broadcast %add3A_1256 : i32 to vector<16xi32>
        %le3A_1498 = arith.cmpi sle, %add3A_1496, %le3A_1497 : vector<16xi32>
        %select_n3A_1499 = arith.select %le3A_1498, %get3A_1494, %broadcast_in_dim3A_1 : vector<16xi1>, vector<16xf32>
        %swap3A_1500 = arith.constant 24576 : i32
        %swap3A_1501 = tpu.memref_slice %arg6[%swap3A_1500] : memref<32768xf32, #tpu.memory_space<vmem>> -> memref<4096xf32, #tpu.memory_space<vmem>>
        %swap3A_1502 = arith.index_cast %add3A_1490 : i32 to index
        %swap3A_1503 = tpu.vector_load %swap3A_1501[%swap3A_1502] {strides = array<i32>} : memref<4096xf32, #tpu.memory_space<vmem>>, vector<16xf32>,
        %swap3A_1504 = vector.shape_cast %swap3A_1503 : vector<16xf32> to vector<16xf32>
        %swap3A_1505 = vector.shape_cast %select_n3A_1499 : vector<16xf32> to vector<16xf32>
        tpu.vector_store %swap3A_1501[%swap3A_1502], %swap3A_1505 {strides = array<i32>} : memref<4096xf32, #tpu.memory_space<vmem>>, vector<16xf32>,
      } else {
      }
      %dma_start3A_1313 = arith.constant 24576 : i32
      %dma_start3A_1314 = tpu.memref_slice %arg6[%dma_start3A_1313] : memref<32768xf32, #tpu.memory_space<vmem>> -> memref<4096xf32, #tpu.memory_space<vmem>>
      %dma_start3A_1315 = arith.constant 0 : i32
      %dma_start3A_1316 = tpu.memref_slice %arg3[%add3A_1256, %dma_start3A_1315] : memref<4096x4096xf32, #tpu.memory_space<hbm>> -> memref<1x4096xf32, #tpu.memory_space<hbm>>
      %dma_start3A_1317 = tpu.memref_squeeze %dma_start3A_1316 : memref<1x4096xf32, #tpu.memory_space<hbm>> -> memref<4096xf32, #tpu.memory_space<hbm>>
      %dma_start3A_1318 = arith.constant 0 : i32
      %dma_start3A_1319 = tpu.memref_slice %arg3[%add3A_1256, %dma_start3A_1318] : memref<4096x4096xf32, #tpu.memory_space<hbm>> -> memref<1x4096xf32, #tpu.memory_space<hbm>>
      %dma_start3A_1320 = tpu.memref_squeeze %dma_start3A_1319 : memref<1x4096xf32, #tpu.memory_space<hbm>> -> memref<4096xf32, #tpu.memory_space<hbm>>
      %dma_start3A_1321 = arith.constant 24576 : i32
      %dma_start3A_1322 = tpu.memref_slice %arg6[%dma_start3A_1321] : memref<32768xf32, #tpu.memory_space<vmem>> -> memref<4096xf32, #tpu.memory_space<vmem>>
      tpu.enqueue_dma source(%dma_start3A_1322 : memref<4096xf32, #tpu.memory_space<vmem>>) target(%dma_start3A_1320 : memref<4096xf32, #tpu.memory_space<hbm>>) target_semaphore(%arg15 : memref<!tpu.dma_semaphore, #tpu.memory_space<semaphore_mem>>)
      %add3A_1323 = arith.constant 7 : i32
      %add3A_1324 = arith.addi %mul3A_808, %add3A_1323 : i32
      %gt3A_1325 = arith.constant 0 : i32
      %gt3A_1326 = arith.cmpi sgt, %add3A_803, %gt3A_1325 : i32
      %convert_element_type3A_1327 = arith.extui %gt3A_1326 : i1 to i32
      %cond3A_1328 = arith.constant 0 : i32
      %cond3A_1329 = arith.cmpi ne, %convert_element_type3A_1327, %cond3A_1328 : i32
      scf.if %cond3A_1329 {
        %dma_wait3A_1439 = arith.constant 0 : i32
        %dma_wait3A_1440 = arith.constant 28672 : i32
        %dma_wait3A_1441 = tpu.memref_slice %arg6[%dma_wait3A_1440] : memref<32768xf32, #tpu.memory_space<vmem>> -> memref<4096xf32, #tpu.memory_space<vmem>>
        %dma_wait3A_1442 = arith.constant 0 : i32
        %dma_wait3A_1443 = tpu.memref_slice %arg3[%dma_wait3A_1439, %dma_wait3A_1442] : memref<4096x4096xf32, #tpu.memory_space<hbm>> -> memref<1x4096xf32, #tpu.memory_space<hbm>>
        %dma_wait3A_1444 = tpu.memref_squeeze %dma_wait3A_1443 : memref<1x4096xf32, #tpu.memory_space<hbm>> -> memref<4096xf32, #tpu.memory_space<hbm>>
        %dma_wait3A_1445 = arith.constant 0 : i32
        %dma_wait3A_1446 = tpu.memref_slice %arg3[%dma_wait3A_1439, %dma_wait3A_1445] : memref<4096x4096xf32, #tpu.memory_space<hbm>> -> memref<1x4096xf32, #tpu.memory_space<hbm>>
        %dma_wait3A_1447 = tpu.memref_squeeze %dma_wait3A_1446 : memref<1x4096xf32, #tpu.memory_space<hbm>> -> memref<4096xf32, #tpu.memory_space<hbm>>
        %dma_wait3A_1448 = arith.constant 28672 : i32
        %dma_wait3A_1449 = tpu.memref_slice %arg6[%dma_wait3A_1448] : memref<32768xf32, #tpu.memory_space<vmem>> -> memref<4096xf32, #tpu.memory_space<vmem>>
        tpu.wait_dma2 semaphore(%arg16 : memref<!tpu.dma_semaphore, #tpu.memory_space<semaphore_mem>>) src(%dma_wait3A_1449 : memref<4096xf32, #tpu.memory_space<vmem>>) dst(%dma_wait3A_1447 : memref<4096xf32, #tpu.memory_space<hbm>>)
      } else {
      }
      %add3A_1330 = arith.constant 1 : i32
      %add3A_1331 = arith.addi %add3A_1324, %add3A_1330 : i32
      %mul3A_1332 = arith.muli %add3A_1324, %add3A_1331 : i32
      %jit3A_1333 = arith.constant 2 : i32
      %div3A_1334 = arith.divsi %mul3A_1332, %jit3A_1333 : i32
      %sign3A_1335 = arith.constant 0 : i32
      %sign3A_1336 = arith.cmpi sgt, %mul3A_1332, %sign3A_1335 : i32
      %sign3A_1337 = arith.extui %sign3A_1336 : i1 to i32
      %sign3A_1338 = arith.constant 0 : i32
      %sign3A_1339 = arith.cmpi slt, %mul3A_1332, %sign3A_1338 : i32
      %sign3A_1340 = arith.extui %sign3A_1339 : i1 to i32
      %sign3A_1341 = arith.subi %sign3A_1337, %sign3A_1340 : i32
      %sign3A_1342 = arith.constant 0 : i32
      %sign3A_1343 = arith.cmpi sgt, %jit3A_1333, %sign3A_1342 : i32
      %sign3A_1344 = arith.extui %sign3A_1343 : i1 to i32
      %sign3A_1345 = arith.constant 0 : i32
      %sign3A_1346 = arith.cmpi slt, %jit3A_1333, %sign3A_1345 : i32
      %sign3A_1347 = arith.extui %sign3A_1346 : i1 to i32
      %sign3A_1348 = arith.subi %sign3A_1344, %sign3A_1347 : i32
      %ne3A_1349 = arith.cmpi ne, %sign3A_1341, %sign3A_1348 : i32
      %rem3A_1350 = arith.remsi %mul3A_1332, %jit3A_1333 : i32
      %ne3A_1351 = arith.constant 0 : i32
      %ne3A_1352 = arith.cmpi ne, %rem3A_1350, %ne3A_1351 : i32
      %and3A_1353 = arith.andi %ne3A_1349, %ne3A_1352 : i1
      %sub3A_1354 = arith.constant 1 : i32
      %sub3A_1355 = arith.subi %div3A_1334, %sub3A_1354 : i32
      %select_n3A_1356 = arith.select %and3A_1353, %sub3A_1355, %div3A_1334 : i32
      %sub3A_1357 = arith.subi %select_n3A_1356, %multiple_of3A_842 : i32
      %add3A_1358 = arith.constant 1 : i32
      %add3A_1359 = arith.addi %add3A_1324, %add3A_1358 : i32
      %shift_right_arithmetic3A_1360 = arith.constant 6 : i32
      %shift_right_arithmetic3A_1361 = arith.shrsi %add3A_1359, %shift_right_arithmetic3A_1360 : i32
      %while3A_1362 = arith.constant 0 : i32
      %while3A_1363 = arith.constant 0 : i32
      %while3A_1364 = arith.subi %shift_right_arithmetic3A_1361, %while3A_1363 : i32
      %while3A_1365 = arith.addi %while3A_1363, %while3A_1364 : i32
      %while3A_1366 = arith.constant 1 : i32
      %while3A_1367 = arith.divsi %while3A_1364, %while3A_1366 : i32
      %while3A_1368 = arith.muli %while3A_1367, %while3A_1366 : i32
      %while3A_1369 = arith.addi %while3A_1363, %while3A_1368 : i32
      %while3A_1370 = arith.constant 1 : i32
      scf.for %while3A_1439 = %while3A_1363 to %while3A_1369 step %while3A_1370  : i32 {
        %mul3A_1440 = arith.constant 64 : i32
        %mul3A_1441 = arith.muli %while3A_1439, %mul3A_1440 : i32
        %add3A_1442 = arith.constant 0 : i32
        %add3A_1443 = arith.addi %mul3A_1441, %add3A_1442 : i32
        %add3A_1444 = arith.addi %sub3A_1357, %add3A_1443 : i32
        %get3A = arith.index_cast %add3A_1444 : i32 to index
        %get3A_1445 = tpu.vector_load %arg5[%get3A] {strides = array<i32>} : memref<32768xf32, #tpu.memory_space<vmem>>, vector<16xf32>,
        %get3A_1446 = vector.shape_cast %get3A_1445 : vector<16xf32> to vector<16xf32>
        %swap3A = arith.constant 28672 : i32
        %swap3A_1447 = tpu.memref_slice %arg6[%swap3A] : memref<32768xf32, #tpu.memory_space<vmem>> -> memref<4096xf32, #tpu.memory_space<vmem>>
        %swap3A_1448 = arith.index_cast %add3A_1443 : i32 to index
        %swap3A_1449 = tpu.vector_load %swap3A_1447[%swap3A_1448] {strides = array<i32>} : memref<4096xf32, #tpu.memory_space<vmem>>, vector<16xf32>,
        %swap3A_1450 = vector.shape_cast %swap3A_1449 : vector<16xf32> to vector<16xf32>
        %swap3A_1451 = vector.shape_cast %get3A_1446 : vector<16xf32> to vector<16xf32>
        tpu.vector_store %swap3A_1447[%swap3A_1448], %swap3A_1451 {strides = array<i32>} : memref<4096xf32, #tpu.memory_space<vmem>>, vector<16xf32>,
        %add3A_1452 = arith.constant 16 : i32
        %add3A_1453 = arith.addi %mul3A_1441, %add3A_1452 : i32
        %add3A_1454 = arith.addi %sub3A_1357, %add3A_1453 : i32
        %get3A_1455 = arith.index_cast %add3A_1454 : i32 to index
        %get3A_1456 = tpu.vector_load %arg5[%get3A_1455] {strides = array<i32>} : memref<32768xf32, #tpu.memory_space<vmem>>, vector<16xf32>,
        %get3A_1457 = vector.shape_cast %get3A_1456 : vector<16xf32> to vector<16xf32>
        %swap3A_1458 = arith.constant 28672 : i32
        %swap3A_1459 = tpu.memref_slice %arg6[%swap3A_1458] : memref<32768xf32, #tpu.memory_space<vmem>> -> memref<4096xf32, #tpu.memory_space<vmem>>
        %swap3A_1460 = arith.index_cast %add3A_1453 : i32 to index
        %swap3A_1461 = tpu.vector_load %swap3A_1459[%swap3A_1460] {strides = array<i32>} : memref<4096xf32, #tpu.memory_space<vmem>>, vector<16xf32>,
        %swap3A_1462 = vector.shape_cast %swap3A_1461 : vector<16xf32> to vector<16xf32>
        %swap3A_1463 = vector.shape_cast %get3A_1457 : vector<16xf32> to vector<16xf32>
        tpu.vector_store %swap3A_1459[%swap3A_1460], %swap3A_1463 {strides = array<i32>} : memref<4096xf32, #tpu.memory_space<vmem>>, vector<16xf32>,
        %add3A_1464 = arith.constant 32 : i32
        %add3A_1465 = arith.addi %mul3A_1441, %add3A_1464 : i32
        %add3A_1466 = arith.addi %sub3A_1357, %add3A_1465 : i32
        %get3A_1467 = arith.index_cast %add3A_1466 : i32 to index
        %get3A_1468 = tpu.vector_load %arg5[%get3A_1467] {strides = array<i32>} : memref<32768xf32, #tpu.memory_space<vmem>>, vector<16xf32>,
        %get3A_1469 = vector.shape_cast %get3A_1468 : vector<16xf32> to vector<16xf32>
        %swap3A_1470 = arith.constant 28672 : i32
        %swap3A_1471 = tpu.memref_slice %arg6[%swap3A_1470] : memref<32768xf32, #tpu.memory_space<vmem>> -> memref<4096xf32, #tpu.memory_space<vmem>>
        %swap3A_1472 = arith.index_cast %add3A_1465 : i32 to index
        %swap3A_1473 = tpu.vector_load %swap3A_1471[%swap3A_1472] {strides = array<i32>} : memref<4096xf32, #tpu.memory_space<vmem>>, vector<16xf32>,
        %swap3A_1474 = vector.shape_cast %swap3A_1473 : vector<16xf32> to vector<16xf32>
        %swap3A_1475 = vector.shape_cast %get3A_1469 : vector<16xf32> to vector<16xf32>
        tpu.vector_store %swap3A_1471[%swap3A_1472], %swap3A_1475 {strides = array<i32>} : memref<4096xf32, #tpu.memory_space<vmem>>, vector<16xf32>,
        %add3A_1476 = arith.constant 48 : i32
        %add3A_1477 = arith.addi %mul3A_1441, %add3A_1476 : i32
        %add3A_1478 = arith.addi %sub3A_1357, %add3A_1477 : i32
        %get3A_1479 = arith.index_cast %add3A_1478 : i32 to index
        %get3A_1480 = tpu.vector_load %arg5[%get3A_1479] {strides = array<i32>} : memref<32768xf32, #tpu.memory_space<vmem>>, vector<16xf32>,
        %get3A_1481 = vector.shape_cast %get3A_1480 : vector<16xf32> to vector<16xf32>
        %swap3A_1482 = arith.constant 28672 : i32
        %swap3A_1483 = tpu.memref_slice %arg6[%swap3A_1482] : memref<32768xf32, #tpu.memory_space<vmem>> -> memref<4096xf32, #tpu.memory_space<vmem>>
        %swap3A_1484 = arith.index_cast %add3A_1477 : i32 to index
        %swap3A_1485 = tpu.vector_load %swap3A_1483[%swap3A_1484] {strides = array<i32>} : memref<4096xf32, #tpu.memory_space<vmem>>, vector<16xf32>,
        %swap3A_1486 = vector.shape_cast %swap3A_1485 : vector<16xf32> to vector<16xf32>
        %swap3A_1487 = vector.shape_cast %get3A_1481 : vector<16xf32> to vector<16xf32>
        tpu.vector_store %swap3A_1483[%swap3A_1484], %swap3A_1487 {strides = array<i32>} : memref<4096xf32, #tpu.memory_space<vmem>>, vector<16xf32>,
      }
      %while3A_1371 = arith.constant 1 : i32
      scf.for %while3A_1439 = %while3A_1369 to %while3A_1365 step %while3A_1371  : i32 {
        %mul3A_1440 = arith.constant 64 : i32
        %mul3A_1441 = arith.muli %while3A_1439, %mul3A_1440 : i32
        %add3A_1442 = arith.constant 0 : i32
        %add3A_1443 = arith.addi %mul3A_1441, %add3A_1442 : i32
        %add3A_1444 = arith.addi %sub3A_1357, %add3A_1443 : i32
        %get3A = arith.index_cast %add3A_1444 : i32 to index
        %get3A_1445 = tpu.vector_load %arg5[%get3A] {strides = array<i32>} : memref<32768xf32, #tpu.memory_space<vmem>>, vector<16xf32>,
        %get3A_1446 = vector.shape_cast %get3A_1445 : vector<16xf32> to vector<16xf32>
        %swap3A = arith.constant 28672 : i32
        %swap3A_1447 = tpu.memref_slice %arg6[%swap3A] : memref<32768xf32, #tpu.memory_space<vmem>> -> memref<4096xf32, #tpu.memory_space<vmem>>
        %swap3A_1448 = arith.index_cast %add3A_1443 : i32 to index
        %swap3A_1449 = tpu.vector_load %swap3A_1447[%swap3A_1448] {strides = array<i32>} : memref<4096xf32, #tpu.memory_space<vmem>>, vector<16xf32>,
        %swap3A_1450 = vector.shape_cast %swap3A_1449 : vector<16xf32> to vector<16xf32>
        %swap3A_1451 = vector.shape_cast %get3A_1446 : vector<16xf32> to vector<16xf32>
        tpu.vector_store %swap3A_1447[%swap3A_1448], %swap3A_1451 {strides = array<i32>} : memref<4096xf32, #tpu.memory_space<vmem>>, vector<16xf32>,
        %add3A_1452 = arith.constant 16 : i32
        %add3A_1453 = arith.addi %mul3A_1441, %add3A_1452 : i32
        %add3A_1454 = arith.addi %sub3A_1357, %add3A_1453 : i32
        %get3A_1455 = arith.index_cast %add3A_1454 : i32 to index
        %get3A_1456 = tpu.vector_load %arg5[%get3A_1455] {strides = array<i32>} : memref<32768xf32, #tpu.memory_space<vmem>>, vector<16xf32>,
        %get3A_1457 = vector.shape_cast %get3A_1456 : vector<16xf32> to vector<16xf32>
        %swap3A_1458 = arith.constant 28672 : i32
        %swap3A_1459 = tpu.memref_slice %arg6[%swap3A_1458] : memref<32768xf32, #tpu.memory_space<vmem>> -> memref<4096xf32, #tpu.memory_space<vmem>>
        %swap3A_1460 = arith.index_cast %add3A_1453 : i32 to index
        %swap3A_1461 = tpu.vector_load %swap3A_1459[%swap3A_1460] {strides = array<i32>} : memref<4096xf32, #tpu.memory_space<vmem>>, vector<16xf32>,
        %swap3A_1462 = vector.shape_cast %swap3A_1461 : vector<16xf32> to vector<16xf32>
        %swap3A_1463 = vector.shape_cast %get3A_1457 : vector<16xf32> to vector<16xf32>
        tpu.vector_store %swap3A_1459[%swap3A_1460], %swap3A_1463 {strides = array<i32>} : memref<4096xf32, #tpu.memory_space<vmem>>, vector<16xf32>,
        %add3A_1464 = arith.constant 32 : i32
        %add3A_1465 = arith.addi %mul3A_1441, %add3A_1464 : i32
        %add3A_1466 = arith.addi %sub3A_1357, %add3A_1465 : i32
        %get3A_1467 = arith.index_cast %add3A_1466 : i32 to index
        %get3A_1468 = tpu.vector_load %arg5[%get3A_1467] {strides = array<i32>} : memref<32768xf32, #tpu.memory_space<vmem>>, vector<16xf32>,
        %get3A_1469 = vector.shape_cast %get3A_1468 : vector<16xf32> to vector<16xf32>
        %swap3A_1470 = arith.constant 28672 : i32
        %swap3A_1471 = tpu.memref_slice %arg6[%swap3A_1470] : memref<32768xf32, #tpu.memory_space<vmem>> -> memref<4096xf32, #tpu.memory_space<vmem>>
        %swap3A_1472 = arith.index_cast %add3A_1465 : i32 to index
        %swap3A_1473 = tpu.vector_load %swap3A_1471[%swap3A_1472] {strides = array<i32>} : memref<4096xf32, #tpu.memory_space<vmem>>, vector<16xf32>,
        %swap3A_1474 = vector.shape_cast %swap3A_1473 : vector<16xf32> to vector<16xf32>
        %swap3A_1475 = vector.shape_cast %get3A_1469 : vector<16xf32> to vector<16xf32>
        tpu.vector_store %swap3A_1471[%swap3A_1472], %swap3A_1475 {strides = array<i32>} : memref<4096xf32, #tpu.memory_space<vmem>>, vector<16xf32>,
        %add3A_1476 = arith.constant 48 : i32
        %add3A_1477 = arith.addi %mul3A_1441, %add3A_1476 : i32
        %add3A_1478 = arith.addi %sub3A_1357, %add3A_1477 : i32
        %get3A_1479 = arith.index_cast %add3A_1478 : i32 to index
        %get3A_1480 = tpu.vector_load %arg5[%get3A_1479] {strides = array<i32>} : memref<32768xf32, #tpu.memory_space<vmem>>, vector<16xf32>,
        %get3A_1481 = vector.shape_cast %get3A_1480 : vector<16xf32> to vector<16xf32>
        %swap3A_1482 = arith.constant 28672 : i32
        %swap3A_1483 = tpu.memref_slice %arg6[%swap3A_1482] : memref<32768xf32, #tpu.memory_space<vmem>> -> memref<4096xf32, #tpu.memory_space<vmem>>
        %swap3A_1484 = arith.index_cast %add3A_1477 : i32 to index
        %swap3A_1485 = tpu.vector_load %swap3A_1483[%swap3A_1484] {strides = array<i32>} : memref<4096xf32, #tpu.memory_space<vmem>>, vector<16xf32>,
        %swap3A_1486 = vector.shape_cast %swap3A_1485 : vector<16xf32> to vector<16xf32>
        %swap3A_1487 = vector.shape_cast %get3A_1481 : vector<16xf32> to vector<16xf32>
        tpu.vector_store %swap3A_1483[%swap3A_1484], %swap3A_1487 {strides = array<i32>} : memref<4096xf32, #tpu.memory_space<vmem>>, vector<16xf32>,
      }
      %add3A_1372 = arith.constant 1 : i32
      %add3A_1373 = arith.addi %add3A_1324, %add3A_1372 : i32
      %and3A_1374 = arith.constant 63 : i32
      %and3A_1375 = arith.andi %add3A_1373, %and3A_1374 : i32
      %ne3A_1376 = arith.constant 0 : i32
      %ne3A_1377 = arith.cmpi ne, %and3A_1375, %ne3A_1376 : i32
      %convert_element_type3A_1378 = arith.extui %ne3A_1377 : i1 to i32
      %cond3A_1379 = arith.constant 0 : i32
      %cond3A_1380 = arith.cmpi ne, %convert_element_type3A_1378, %cond3A_1379 : i32
      scf.if %cond3A_1380 {
        %mul3A_1439 = arith.constant 64 : i32
        %mul3A_1440 = arith.muli %shift_right_arithmetic3A_1361, %mul3A_1439 : i32
        %add3A_1441 = arith.constant 0 : i32
        %add3A_1442 = arith.addi %mul3A_1440, %add3A_1441 : i32
        %add3A_1443 = arith.addi %sub3A_1357, %add3A_1442 : i32
        %get3A = arith.index_cast %add3A_1443 : i32 to index
        %get3A_1444 = tpu.vector_load %arg5[%get3A] {strides = array<i32>} : memref<32768xf32, #tpu.memory_space<vmem>>, vector<16xf32>,
        %get3A_1445 = vector.shape_cast %get3A_1444 : vector<16xf32> to vector<16xf32>
        %add3A_1446 = vector.broadcast %add3A_1442 : i32 to vector<16xi32>
        %add3A_1447 = arith.addi %iota3A, %add3A_1446 : vector<16xi32>
        %le3A = vector.broadcast %add3A_1324 : i32 to vector<16xi32>
        %le3A_1448 = arith.cmpi sle, %add3A_1447, %le3A : vector<16xi32>
        %select_n3A_1449 = arith.select %le3A_1448, %get3A_1445, %broadcast_in_dim3A_1 : vector<16xi1>, vector<16xf32>
        %swap3A = arith.constant 28672 : i32
        %swap3A_1450 = tpu.memref_slice %arg6[%swap3A] : memref<32768xf32, #tpu.memory_space<vmem>> -> memref<4096xf32, #tpu.memory_space<vmem>>
        %swap3A_1451 = arith.index_cast %add3A_1442 : i32 to index
        %swap3A_1452 = tpu.vector_load %swap3A_1450[%swap3A_1451] {strides = array<i32>} : memref<4096xf32, #tpu.memory_space<vmem>>, vector<16xf32>,
        %swap3A_1453 = vector.shape_cast %swap3A_1452 : vector<16xf32> to vector<16xf32>
        %swap3A_1454 = vector.shape_cast %select_n3A_1449 : vector<16xf32> to vector<16xf32>
        tpu.vector_store %swap3A_1450[%swap3A_1451], %swap3A_1454 {strides = array<i32>} : memref<4096xf32, #tpu.memory_space<vmem>>, vector<16xf32>,
        %add3A_1455 = arith.constant 16 : i32
        %add3A_1456 = arith.addi %mul3A_1440, %add3A_1455 : i32
        %add3A_1457 = arith.addi %sub3A_1357, %add3A_1456 : i32
        %get3A_1458 = arith.index_cast %add3A_1457 : i32 to index
        %get3A_1459 = tpu.vector_load %arg5[%get3A_1458] {strides = array<i32>} : memref<32768xf32, #tpu.memory_space<vmem>>, vector<16xf32>,
        %get3A_1460 = vector.shape_cast %get3A_1459 : vector<16xf32> to vector<16xf32>
        %add3A_1461 = vector.broadcast %add3A_1456 : i32 to vector<16xi32>
        %add3A_1462 = arith.addi %iota3A, %add3A_1461 : vector<16xi32>
        %le3A_1463 = vector.broadcast %add3A_1324 : i32 to vector<16xi32>
        %le3A_1464 = arith.cmpi sle, %add3A_1462, %le3A_1463 : vector<16xi32>
        %select_n3A_1465 = arith.select %le3A_1464, %get3A_1460, %broadcast_in_dim3A_1 : vector<16xi1>, vector<16xf32>
        %swap3A_1466 = arith.constant 28672 : i32
        %swap3A_1467 = tpu.memref_slice %arg6[%swap3A_1466] : memref<32768xf32, #tpu.memory_space<vmem>> -> memref<4096xf32, #tpu.memory_space<vmem>>
        %swap3A_1468 = arith.index_cast %add3A_1456 : i32 to index
        %swap3A_1469 = tpu.vector_load %swap3A_1467[%swap3A_1468] {strides = array<i32>} : memref<4096xf32, #tpu.memory_space<vmem>>, vector<16xf32>,
        %swap3A_1470 = vector.shape_cast %swap3A_1469 : vector<16xf32> to vector<16xf32>
        %swap3A_1471 = vector.shape_cast %select_n3A_1465 : vector<16xf32> to vector<16xf32>
        tpu.vector_store %swap3A_1467[%swap3A_1468], %swap3A_1471 {strides = array<i32>} : memref<4096xf32, #tpu.memory_space<vmem>>, vector<16xf32>,
        %add3A_1472 = arith.constant 32 : i32
        %add3A_1473 = arith.addi %mul3A_1440, %add3A_1472 : i32
        %add3A_1474 = arith.addi %sub3A_1357, %add3A_1473 : i32
        %get3A_1475 = arith.index_cast %add3A_1474 : i32 to index
        %get3A_1476 = tpu.vector_load %arg5[%get3A_1475] {strides = array<i32>} : memref<32768xf32, #tpu.memory_space<vmem>>, vector<16xf32>,
        %get3A_1477 = vector.shape_cast %get3A_1476 : vector<16xf32> to vector<16xf32>
        %add3A_1478 = vector.broadcast %add3A_1473 : i32 to vector<16xi32>
        %add3A_1479 = arith.addi %iota3A, %add3A_1478 : vector<16xi32>
        %le3A_1480 = vector.broadcast %add3A_1324 : i32 to vector<16xi32>
        %le3A_1481 = arith.cmpi sle, %add3A_1479, %le3A_1480 : vector<16xi32>
        %select_n3A_1482 = arith.select %le3A_1481, %get3A_1477, %broadcast_in_dim3A_1 : vector<16xi1>, vector<16xf32>
        %swap3A_1483 = arith.constant 28672 : i32
        %swap3A_1484 = tpu.memref_slice %arg6[%swap3A_1483] : memref<32768xf32, #tpu.memory_space<vmem>> -> memref<4096xf32, #tpu.memory_space<vmem>>
        %swap3A_1485 = arith.index_cast %add3A_1473 : i32 to index
        %swap3A_1486 = tpu.vector_load %swap3A_1484[%swap3A_1485] {strides = array<i32>} : memref<4096xf32, #tpu.memory_space<vmem>>, vector<16xf32>,
        %swap3A_1487 = vector.shape_cast %swap3A_1486 : vector<16xf32> to vector<16xf32>
        %swap3A_1488 = vector.shape_cast %select_n3A_1482 : vector<16xf32> to vector<16xf32>
        tpu.vector_store %swap3A_1484[%swap3A_1485], %swap3A_1488 {strides = array<i32>} : memref<4096xf32, #tpu.memory_space<vmem>>, vector<16xf32>,
        %add3A_1489 = arith.constant 48 : i32
        %add3A_1490 = arith.addi %mul3A_1440, %add3A_1489 : i32
        %add3A_1491 = arith.addi %sub3A_1357, %add3A_1490 : i32
        %get3A_1492 = arith.index_cast %add3A_1491 : i32 to index
        %get3A_1493 = tpu.vector_load %arg5[%get3A_1492] {strides = array<i32>} : memref<32768xf32, #tpu.memory_space<vmem>>, vector<16xf32>,
        %get3A_1494 = vector.shape_cast %get3A_1493 : vector<16xf32> to vector<16xf32>
        %add3A_1495 = vector.broadcast %add3A_1490 : i32 to vector<16xi32>
        %add3A_1496 = arith.addi %iota3A, %add3A_1495 : vector<16xi32>
        %le3A_1497 = vector.broadcast %add3A_1324 : i32 to vector<16xi32>
        %le3A_1498 = arith.cmpi sle, %add3A_1496, %le3A_1497 : vector<16xi32>
        %select_n3A_1499 = arith.select %le3A_1498, %get3A_1494, %broadcast_in_dim3A_1 : vector<16xi1>, vector<16xf32>
        %swap3A_1500 = arith.constant 28672 : i32
        %swap3A_1501 = tpu.memref_slice %arg6[%swap3A_1500] : memref<32768xf32, #tpu.memory_space<vmem>> -> memref<4096xf32, #tpu.memory_space<vmem>>
        %swap3A_1502 = arith.index_cast %add3A_1490 : i32 to index
        %swap3A_1503 = tpu.vector_load %swap3A_1501[%swap3A_1502] {strides = array<i32>} : memref<4096xf32, #tpu.memory_space<vmem>>, vector<16xf32>,
        %swap3A_1504 = vector.shape_cast %swap3A_1503 : vector<16xf32> to vector<16xf32>
        %swap3A_1505 = vector.shape_cast %select_n3A_1499 : vector<16xf32> to vector<16xf32>
        tpu.vector_store %swap3A_1501[%swap3A_1502], %swap3A_1505 {strides = array<i32>} : memref<4096xf32, #tpu.memory_space<vmem>>, vector<16xf32>,
      } else {
      }
      %dma_start3A_1381 = arith.constant 28672 : i32
      %dma_start3A_1382 = tpu.memref_slice %arg6[%dma_start3A_1381] : memref<32768xf32, #tpu.memory_space<vmem>> -> memref<4096xf32, #tpu.memory_space<vmem>>
      %dma_start3A_1383 = arith.constant 0 : i32
      %dma_start3A_1384 = tpu.memref_slice %arg3[%add3A_1324, %dma_start3A_1383] : memref<4096x4096xf32, #tpu.memory_space<hbm>> -> memref<1x4096xf32, #tpu.memory_space<hbm>>
      %dma_start3A_1385 = tpu.memref_squeeze %dma_start3A_1384 : memref<1x4096xf32, #tpu.memory_space<hbm>> -> memref<4096xf32, #tpu.memory_space<hbm>>
      %dma_start3A_1386 = arith.constant 0 : i32
      %dma_start3A_1387 = tpu.memref_slice %arg3[%add3A_1324, %dma_start3A_1386] : memref<4096x4096xf32, #tpu.memory_space<hbm>> -> memref<1x4096xf32, #tpu.memory_space<hbm>>
      %dma_start3A_1388 = tpu.memref_squeeze %dma_start3A_1387 : memref<1x4096xf32, #tpu.memory_space<hbm>> -> memref<4096xf32, #tpu.memory_space<hbm>>
      %dma_start3A_1389 = arith.constant 28672 : i32
      %dma_start3A_1390 = tpu.memref_slice %arg6[%dma_start3A_1389] : memref<32768xf32, #tpu.memory_space<vmem>> -> memref<4096xf32, #tpu.memory_space<vmem>>
      tpu.enqueue_dma source(%dma_start3A_1390 : memref<4096xf32, #tpu.memory_space<vmem>>) target(%dma_start3A_1388 : memref<4096xf32, #tpu.memory_space<hbm>>) target_semaphore(%arg16 : memref<!tpu.dma_semaphore, #tpu.memory_space<semaphore_mem>>)
      %add3A_1391 = arith.constant 2 : i32
      %add3A_1392 = arith.addi %add3A_803, %add3A_1391 : i32
      %mul3A_1393 = arith.constant 32 : i32
      %mul3A_1394 = arith.muli %add3A_1392, %mul3A_1393 : i32
      %add3A_1395 = arith.addi %mul3A_1394, %add3A : i32
      %mul3A_1396 = arith.constant 8 : i32
      %mul3A_1397 = arith.muli %add3A_1395, %mul3A_1396 : i32
      %add3A_1398 = arith.constant 1 : i32
      %add3A_1399 = arith.addi %mul3A_1397, %add3A_1398 : i32
      %mul3A_1400 = arith.muli %mul3A_1397, %add3A_1399 : i32
      %jit3A_1401 = arith.constant 2 : i32
      %div3A_1402 = arith.divsi %mul3A_1400, %jit3A_1401 : i32
      %sign3A_1403 = arith.constant 0 : i32
      %sign3A_1404 = arith.cmpi sgt, %mul3A_1400, %sign3A_1403 : i32
      %sign3A_1405 = arith.extui %sign3A_1404 : i1 to i32
      %sign3A_1406 = arith.constant 0 : i32
      %sign3A_1407 = arith.cmpi slt, %mul3A_1400, %sign3A_1406 : i32
      %sign3A_1408 = arith.extui %sign3A_1407 : i1 to i32
      %sign3A_1409 = arith.subi %sign3A_1405, %sign3A_1408 : i32
      %sign3A_1410 = arith.constant 0 : i32
      %sign3A_1411 = arith.cmpi sgt, %jit3A_1401, %sign3A_1410 : i32
      %sign3A_1412 = arith.extui %sign3A_1411 : i1 to i32
      %sign3A_1413 = arith.constant 0 : i32
      %sign3A_1414 = arith.cmpi slt, %jit3A_1401, %sign3A_1413 : i32
      %sign3A_1415 = arith.extui %sign3A_1414 : i1 to i32
      %sign3A_1416 = arith.subi %sign3A_1412, %sign3A_1415 : i32
      %ne3A_1417 = arith.cmpi ne, %sign3A_1409, %sign3A_1416 : i32
      %rem3A_1418 = arith.remsi %mul3A_1400, %jit3A_1401 : i32
      %ne3A_1419 = arith.constant 0 : i32
      %ne3A_1420 = arith.cmpi ne, %rem3A_1418, %ne3A_1419 : i32
      %and3A_1421 = arith.andi %ne3A_1417, %ne3A_1420 : i1
      %sub3A_1422 = arith.constant 1 : i32
      %sub3A_1423 = arith.subi %div3A_1402, %sub3A_1422 : i32
      %select_n3A_1424 = arith.select %and3A_1421, %sub3A_1423, %div3A_1402 : i32
      %shift_right_arithmetic3A_1425 = arith.constant 4 : i32
      %shift_right_arithmetic3A_1426 = arith.shrsi %select_n3A_1424, %shift_right_arithmetic3A_1425 : i32
      %shift_left3A_1427 = arith.constant 4 : i32
      %shift_left3A_1428 = arith.shli %shift_right_arithmetic3A_1426, %shift_left3A_1427 : i32
      %min3A_1429 = arith.constant 8357888 : i32
      %min3A_1430 = arith.minsi %shift_left3A_1428, %min3A_1429 : i32
      %multiple_of3A_1431 = tpu.assume_multiple %min3A_1430, 16 : i32
      %add3A_1432 = arith.constant 2 : i32
      %add3A_1433 = arith.addi %add3A_803, %add3A_1432 : i32
      %lt3A_1434 = arith.constant 16 : i32
      %lt3A_1435 = arith.cmpi slt, %add3A_1433, %lt3A_1434 : i32
      %convert_element_type3A_1436 = arith.extui %lt3A_1435 : i1 to i32
      %cond3A_1437 = arith.constant 0 : i32
      %cond3A_1438 = arith.cmpi ne, %convert_element_type3A_1436, %cond3A_1437 : i32
      scf.if %cond3A_1438 {
        %dma_start3A_1439 = tpu.memref_slice %arg2[%multiple_of3A_1431] : memref<8390656xf32, #tpu.memory_space<hbm>> -> memref<32768xf32, #tpu.memory_space<hbm>>
        %dma_start3A_1440 = tpu.memref_slice %arg2[%multiple_of3A_1431] : memref<8390656xf32, #tpu.memory_space<hbm>> -> memref<32768xf32, #tpu.memory_space<hbm>>
        tpu.enqueue_dma source(%dma_start3A_1440 : memref<32768xf32, #tpu.memory_space<hbm>>) target(%arg5 : memref<32768xf32, #tpu.memory_space<vmem>>) target_semaphore(%arg8 : memref<!tpu.dma_semaphore, #tpu.memory_space<semaphore_mem>>)
      } else {
      }
    }
    %scan3A_79 = arith.constant 8 : i32
    %dma_wait3A = arith.constant 0 : i32
    %dma_wait3A_80 = arith.constant 0 : i32
    %dma_wait3A_81 = tpu.memref_slice %arg6[%dma_wait3A_80] : memref<32768xf32, #tpu.memory_space<vmem>> -> memref<4096xf32, #tpu.memory_space<vmem>>
    %dma_wait3A_82 = arith.constant 0 : i32
    %dma_wait3A_83 = tpu.memref_slice %arg3[%dma_wait3A, %dma_wait3A_82] : memref<4096x4096xf32, #tpu.memory_space<hbm>> -> memref<1x4096xf32, #tpu.memory_space<hbm>>
    %dma_wait3A_84 = tpu.memref_squeeze %dma_wait3A_83 : memref<1x4096xf32, #tpu.memory_space<hbm>> -> memref<4096xf32, #tpu.memory_space<hbm>>
    %dma_wait3A_85 = arith.constant 0 : i32
    %dma_wait3A_86 = tpu.memref_slice %arg3[%dma_wait3A, %dma_wait3A_85] : memref<4096x4096xf32, #tpu.memory_space<hbm>> -> memref<1x4096xf32, #tpu.memory_space<hbm>>
    %dma_wait3A_87 = tpu.memref_squeeze %dma_wait3A_86 : memref<1x4096xf32, #tpu.memory_space<hbm>> -> memref<4096xf32, #tpu.memory_space<hbm>>
    %dma_wait3A_88 = arith.constant 0 : i32
    %dma_wait3A_89 = tpu.memref_slice %arg6[%dma_wait3A_88] : memref<32768xf32, #tpu.memory_space<vmem>> -> memref<4096xf32, #tpu.memory_space<vmem>>
    tpu.wait_dma2 semaphore(%arg9 : memref<!tpu.dma_semaphore, #tpu.memory_space<semaphore_mem>>) src(%dma_wait3A_89 : memref<4096xf32, #tpu.memory_space<vmem>>) dst(%dma_wait3A_87 : memref<4096xf32, #tpu.memory_space<hbm>>)
    %dma_wait3A_90 = arith.constant 0 : i32
    %dma_wait3A_91 = arith.constant 4096 : i32
    %dma_wait3A_92 = tpu.memref_slice %arg6[%dma_wait3A_91] : memref<32768xf32, #tpu.memory_space<vmem>> -> memref<4096xf32, #tpu.memory_space<vmem>>
    %dma_wait3A_93 = arith.constant 0 : i32
    %dma_wait3A_94 = tpu.memref_slice %arg3[%dma_wait3A_90, %dma_wait3A_93] : memref<4096x4096xf32, #tpu.memory_space<hbm>> -> memref<1x4096xf32, #tpu.memory_space<hbm>>
    %dma_wait3A_95 = tpu.memref_squeeze %dma_wait3A_94 : memref<1x4096xf32, #tpu.memory_space<hbm>> -> memref<4096xf32, #tpu.memory_space<hbm>>
    %dma_wait3A_96 = arith.constant 0 : i32
    %dma_wait3A_97 = tpu.memref_slice %arg3[%dma_wait3A_90, %dma_wait3A_96] : memref<4096x4096xf32, #tpu.memory_space<hbm>> -> memref<1x4096xf32, #tpu.memory_space<hbm>>
    %dma_wait3A_98 = tpu.memref_squeeze %dma_wait3A_97 : memref<1x4096xf32, #tpu.memory_space<hbm>> -> memref<4096xf32, #tpu.memory_space<hbm>>
    %dma_wait3A_99 = arith.constant 4096 : i32
    %dma_wait3A_100 = tpu.memref_slice %arg6[%dma_wait3A_99] : memref<32768xf32, #tpu.memory_space<vmem>> -> memref<4096xf32, #tpu.memory_space<vmem>>
    tpu.wait_dma2 semaphore(%arg10 : memref<!tpu.dma_semaphore, #tpu.memory_space<semaphore_mem>>) src(%dma_wait3A_100 : memref<4096xf32, #tpu.memory_space<vmem>>) dst(%dma_wait3A_98 : memref<4096xf32, #tpu.memory_space<hbm>>)
    %dma_wait3A_101 = arith.constant 0 : i32
    %dma_wait3A_102 = arith.constant 8192 : i32
    %dma_wait3A_103 = tpu.memref_slice %arg6[%dma_wait3A_102] : memref<32768xf32, #tpu.memory_space<vmem>> -> memref<4096xf32, #tpu.memory_space<vmem>>
    %dma_wait3A_104 = arith.constant 0 : i32
    %dma_wait3A_105 = tpu.memref_slice %arg3[%dma_wait3A_101, %dma_wait3A_104] : memref<4096x4096xf32, #tpu.memory_space<hbm>> -> memref<1x4096xf32, #tpu.memory_space<hbm>>
    %dma_wait3A_106 = tpu.memref_squeeze %dma_wait3A_105 : memref<1x4096xf32, #tpu.memory_space<hbm>> -> memref<4096xf32, #tpu.memory_space<hbm>>
    %dma_wait3A_107 = arith.constant 0 : i32
    %dma_wait3A_108 = tpu.memref_slice %arg3[%dma_wait3A_101, %dma_wait3A_107] : memref<4096x4096xf32, #tpu.memory_space<hbm>> -> memref<1x4096xf32, #tpu.memory_space<hbm>>
    %dma_wait3A_109 = tpu.memref_squeeze %dma_wait3A_108 : memref<1x4096xf32, #tpu.memory_space<hbm>> -> memref<4096xf32, #tpu.memory_space<hbm>>
    %dma_wait3A_110 = arith.constant 8192 : i32
    %dma_wait3A_111 = tpu.memref_slice %arg6[%dma_wait3A_110] : memref<32768xf32, #tpu.memory_space<vmem>> -> memref<4096xf32, #tpu.memory_space<vmem>>
    tpu.wait_dma2 semaphore(%arg11 : memref<!tpu.dma_semaphore, #tpu.memory_space<semaphore_mem>>) src(%dma_wait3A_111 : memref<4096xf32, #tpu.memory_space<vmem>>) dst(%dma_wait3A_109 : memref<4096xf32, #tpu.memory_space<hbm>>)
    %dma_wait3A_112 = arith.constant 0 : i32
    %dma_wait3A_113 = arith.constant 12288 : i32
    %dma_wait3A_114 = tpu.memref_slice %arg6[%dma_wait3A_113] : memref<32768xf32, #tpu.memory_space<vmem>> -> memref<4096xf32, #tpu.memory_space<vmem>>
    %dma_wait3A_115 = arith.constant 0 : i32
    %dma_wait3A_116 = tpu.memref_slice %arg3[%dma_wait3A_112, %dma_wait3A_115] : memref<4096x4096xf32, #tpu.memory_space<hbm>> -> memref<1x4096xf32, #tpu.memory_space<hbm>>
    %dma_wait3A_117 = tpu.memref_squeeze %dma_wait3A_116 : memref<1x4096xf32, #tpu.memory_space<hbm>> -> memref<4096xf32, #tpu.memory_space<hbm>>
    %dma_wait3A_118 = arith.constant 0 : i32
    %dma_wait3A_119 = tpu.memref_slice %arg3[%dma_wait3A_112, %dma_wait3A_118] : memref<4096x4096xf32, #tpu.memory_space<hbm>> -> memref<1x4096xf32, #tpu.memory_space<hbm>>
    %dma_wait3A_120 = tpu.memref_squeeze %dma_wait3A_119 : memref<1x4096xf32, #tpu.memory_space<hbm>> -> memref<4096xf32, #tpu.memory_space<hbm>>
    %dma_wait3A_121 = arith.constant 12288 : i32
    %dma_wait3A_122 = tpu.memref_slice %arg6[%dma_wait3A_121] : memref<32768xf32, #tpu.memory_space<vmem>> -> memref<4096xf32, #tpu.memory_space<vmem>>
    tpu.wait_dma2 semaphore(%arg12 : memref<!tpu.dma_semaphore, #tpu.memory_space<semaphore_mem>>) src(%dma_wait3A_122 : memref<4096xf32, #tpu.memory_space<vmem>>) dst(%dma_wait3A_120 : memref<4096xf32, #tpu.memory_space<hbm>>)
    %dma_wait3A_123 = arith.constant 0 : i32
    %dma_wait3A_124 = arith.constant 16384 : i32
    %dma_wait3A_125 = tpu.memref_slice %arg6[%dma_wait3A_124] : memref<32768xf32, #tpu.memory_space<vmem>> -> memref<4096xf32, #tpu.memory_space<vmem>>
    %dma_wait3A_126 = arith.constant 0 : i32
    %dma_wait3A_127 = tpu.memref_slice %arg3[%dma_wait3A_123, %dma_wait3A_126] : memref<4096x4096xf32, #tpu.memory_space<hbm>> -> memref<1x4096xf32, #tpu.memory_space<hbm>>
    %dma_wait3A_128 = tpu.memref_squeeze %dma_wait3A_127 : memref<1x4096xf32, #tpu.memory_space<hbm>> -> memref<4096xf32, #tpu.memory_space<hbm>>
    %dma_wait3A_129 = arith.constant 0 : i32
    %dma_wait3A_130 = tpu.memref_slice %arg3[%dma_wait3A_123, %dma_wait3A_129] : memref<4096x4096xf32, #tpu.memory_space<hbm>> -> memref<1x4096xf32, #tpu.memory_space<hbm>>
    %dma_wait3A_131 = tpu.memref_squeeze %dma_wait3A_130 : memref<1x4096xf32, #tpu.memory_space<hbm>> -> memref<4096xf32, #tpu.memory_space<hbm>>
    %dma_wait3A_132 = arith.constant 16384 : i32
    %dma_wait3A_133 = tpu.memref_slice %arg6[%dma_wait3A_132] : memref<32768xf32, #tpu.memory_space<vmem>> -> memref<4096xf32, #tpu.memory_space<vmem>>
    tpu.wait_dma2 semaphore(%arg13 : memref<!tpu.dma_semaphore, #tpu.memory_space<semaphore_mem>>) src(%dma_wait3A_133 : memref<4096xf32, #tpu.memory_space<vmem>>) dst(%dma_wait3A_131 : memref<4096xf32, #tpu.memory_space<hbm>>)
    %dma_wait3A_134 = arith.constant 0 : i32
    %dma_wait3A_135 = arith.constant 20480 : i32
    %dma_wait3A_136 = tpu.memref_slice %arg6[%dma_wait3A_135] : memref<32768xf32, #tpu.memory_space<vmem>> -> memref<4096xf32, #tpu.memory_space<vmem>>
    %dma_wait3A_137 = arith.constant 0 : i32
    %dma_wait3A_138 = tpu.memref_slice %arg3[%dma_wait3A_134, %dma_wait3A_137] : memref<4096x4096xf32, #tpu.memory_space<hbm>> -> memref<1x4096xf32, #tpu.memory_space<hbm>>
    %dma_wait3A_139 = tpu.memref_squeeze %dma_wait3A_138 : memref<1x4096xf32, #tpu.memory_space<hbm>> -> memref<4096xf32, #tpu.memory_space<hbm>>
    %dma_wait3A_140 = arith.constant 0 : i32
    %dma_wait3A_141 = tpu.memref_slice %arg3[%dma_wait3A_134, %dma_wait3A_140] : memref<4096x4096xf32, #tpu.memory_space<hbm>> -> memref<1x4096xf32, #tpu.memory_space<hbm>>
    %dma_wait3A_142 = tpu.memref_squeeze %dma_wait3A_141 : memref<1x4096xf32, #tpu.memory_space<hbm>> -> memref<4096xf32, #tpu.memory_space<hbm>>
    %dma_wait3A_143 = arith.constant 20480 : i32
    %dma_wait3A_144 = tpu.memref_slice %arg6[%dma_wait3A_143] : memref<32768xf32, #tpu.memory_space<vmem>> -> memref<4096xf32, #tpu.memory_space<vmem>>
    tpu.wait_dma2 semaphore(%arg14 : memref<!tpu.dma_semaphore, #tpu.memory_space<semaphore_mem>>) src(%dma_wait3A_144 : memref<4096xf32, #tpu.memory_space<vmem>>) dst(%dma_wait3A_142 : memref<4096xf32, #tpu.memory_space<hbm>>)
    %dma_wait3A_145 = arith.constant 0 : i32
    %dma_wait3A_146 = arith.constant 24576 : i32
    %dma_wait3A_147 = tpu.memref_slice %arg6[%dma_wait3A_146] : memref<32768xf32, #tpu.memory_space<vmem>> -> memref<4096xf32, #tpu.memory_space<vmem>>
    %dma_wait3A_148 = arith.constant 0 : i32
    %dma_wait3A_149 = tpu.memref_slice %arg3[%dma_wait3A_145, %dma_wait3A_148] : memref<4096x4096xf32, #tpu.memory_space<hbm>> -> memref<1x4096xf32, #tpu.memory_space<hbm>>
    %dma_wait3A_150 = tpu.memref_squeeze %dma_wait3A_149 : memref<1x4096xf32, #tpu.memory_space<hbm>> -> memref<4096xf32, #tpu.memory_space<hbm>>
    %dma_wait3A_151 = arith.constant 0 : i32
    %dma_wait3A_152 = tpu.memref_slice %arg3[%dma_wait3A_145, %dma_wait3A_151] : memref<4096x4096xf32, #tpu.memory_space<hbm>> -> memref<1x4096xf32, #tpu.memory_space<hbm>>
    %dma_wait3A_153 = tpu.memref_squeeze %dma_wait3A_152 : memref<1x4096xf32, #tpu.memory_space<hbm>> -> memref<4096xf32, #tpu.memory_space<hbm>>
    %dma_wait3A_154 = arith.constant 24576 : i32
    %dma_wait3A_155 = tpu.memref_slice %arg6[%dma_wait3A_154] : memref<32768xf32, #tpu.memory_space<vmem>> -> memref<4096xf32, #tpu.memory_space<vmem>>
    tpu.wait_dma2 semaphore(%arg15 : memref<!tpu.dma_semaphore, #tpu.memory_space<semaphore_mem>>) src(%dma_wait3A_155 : memref<4096xf32, #tpu.memory_space<vmem>>) dst(%dma_wait3A_153 : memref<4096xf32, #tpu.memory_space<hbm>>)
    %dma_wait3A_156 = arith.constant 0 : i32
    %dma_wait3A_157 = arith.constant 28672 : i32
    %dma_wait3A_158 = tpu.memref_slice %arg6[%dma_wait3A_157] : memref<32768xf32, #tpu.memory_space<vmem>> -> memref<4096xf32, #tpu.memory_space<vmem>>
    %dma_wait3A_159 = arith.constant 0 : i32
    %dma_wait3A_160 = tpu.memref_slice %arg3[%dma_wait3A_156, %dma_wait3A_159] : memref<4096x4096xf32, #tpu.memory_space<hbm>> -> memref<1x4096xf32, #tpu.memory_space<hbm>>
    %dma_wait3A_161 = tpu.memref_squeeze %dma_wait3A_160 : memref<1x4096xf32, #tpu.memory_space<hbm>> -> memref<4096xf32, #tpu.memory_space<hbm>>
    %dma_wait3A_162 = arith.constant 0 : i32
    %dma_wait3A_163 = tpu.memref_slice %arg3[%dma_wait3A_156, %dma_wait3A_162] : memref<4096x4096xf32, #tpu.memory_space<hbm>> -> memref<1x4096xf32, #tpu.memory_space<hbm>>
    %dma_wait3A_164 = tpu.memref_squeeze %dma_wait3A_163 : memref<1x4096xf32, #tpu.memory_space<hbm>> -> memref<4096xf32, #tpu.memory_space<hbm>>
    %dma_wait3A_165 = arith.constant 28672 : i32
    %dma_wait3A_166 = tpu.memref_slice %arg6[%dma_wait3A_165] : memref<32768xf32, #tpu.memory_space<vmem>> -> memref<4096xf32, #tpu.memory_space<vmem>>
    tpu.wait_dma2 semaphore(%arg16 : memref<!tpu.dma_semaphore, #tpu.memory_space<semaphore_mem>>) src(%dma_wait3A_166 : memref<4096xf32, #tpu.memory_space<vmem>>) dst(%dma_wait3A_164 : memref<4096xf32, #tpu.memory_space<hbm>>)
    return
  }
}

</mosaic_0001>

<sc_bundles>
// kernel: kernel.3.cloned.1.call-start
scs
__scs_entry_jumppad:
0x0: {  	(pc) =	sbr.rel $0x88, $3  }
0x1: {  	(tag) =	ssettag $0x0;
	lr =	simm.s32 $0x1  }
0x2: {  	[smem:$0x3FA0] =	sst lr;
	_ =	strace $0xD0000000  }
0x3: {  	_ = 	snop  }
0x4: {  	_ = 	snop  }
0x5: {  	_ = 	snop  }
0x6: {  	_ = 	snop  }
0x7: {  	_ = 	snop  }
__scs_overlays_trampoline_lowered:
0x8: {  	[smem:$0x3FAF] =	sst s0  }
0x9: {  	[smem:$0x3FB0] =	sst s1  }
0xa: {  	[smem:$0x3FB1] =	sst s2  }
0xb: {  	[smem:$0x3FB2] =	sst s3  }
0xc: {  	[smem:$0x3FB3] =	sst s4  }
0xd: {  	[smem:$0x3FB4] =	sst s5  }
0xe: {  	[smem:$0x3FB5] =	sst s6  }
0xf: {  	[smem:$0x3FB6] =	sst s7  }
0x10: {  	[smem:$0x3FB7] =	sst s8  }
0x11: {  	[smem:$0x3FB8] =	sst s9;
	s0 =	simm.s32 @!p0 $0x0  }
0x12: {  	s1 =	sld [smem:$0x3F9E];
	s0 =	simm.s32 @p0 $0x1  }
0x13: {  	[smem:$0x3FB9] =	sst s0;
	s0 =	simm.s32 @!p1 $0x0  }
0x14: {  	s2 =	sld [smem:$0x3F9D];
	s0 =	simm.s32 @p1 $0x1  }
0x15: {  	[smem:$0x3FBA] =	sst s0;
	s0 =	simm.s32 @!p2 $0x0  }
0x16: {  	s3 =	sld [smem:$0x3FDB];
	s0 =	simm.s32 @p2 $0x1  }
0x17: {  	s4 =	simm.s32 $0x1BF5;
	[smem:$0x3FBC] =	sst s0  }
0x18: {  	s0 =	sld [smem:$0x3F9F];
	_ =	swait.ge [sflag:s4], $0x0  }
0x19: {  	s7 =	sld [smem:$0x3FA0]  }
0x1a: {  	s8 =	sadd.s32 $0xFFFFE003, lr  }
0x1b: {  	s9 =	sadd.s32 $0xFFFFFEF7, lr;
	s5 =	simm.s32 $0xFFFFFFFF;
	p2 =	slt.u32 s8, $0xFFFFF086  }
0x1c: {  	p1 =	slt.u32 s9, $0xF7A;
	s5 =	simm.s32 @!p2 $0x0  }
0x1d: {  	s5 =	simm.s32 @p1 $0x1;
	p0 =	seq.s32 s7, s2  }
0x1e: {  	s7 =	smul.u32 @!p0 $0xF7A, s2;
	p2 =	seq.s32 @!p0 s5, $0x0  }
0x1f: {  	s9 =	smul.u32 $0xF7A, s1;
	s8 =	simm.s32 @!p0 $0x1BF5;
	p2 =	por !p2, p0  }
0x20: {  	[sflag:s8] =	ssyncset.s32 @!p0 $0xFFFFF086;
	s6 =	sadd.s32 @!p0 s3, s7;
	s7 =	simm.s32 @!p0 $0x108  }
0x21: {  	s3 =	sadd.s32 s3, s9;
	s6 =	sadd.s32 @!p0 $0x88, s6;
	s7 =	simm.s32 @p2 $0x1082  }
0x22: {  	[simem:s7], [sflag:s8] =	dma.local @!p0 [hbm:s6], $0xF7A  }
0x23: {  	s9 =	sor.u32 $0xD0000000, s2;
	s6 =	simm.s32 $0x108;
	_ =	swait.ge @!p0 [sflag:s8], $0x0  }
0x24: {  	s3 =	sadd.s32 $0x88, s3;
	s6 =	simm.s32 @!p1 $0x1082;
	[sflag:s4] =	ssyncset.s32 $0xFFFFF086  }
0x25: {  	[simem:s6], [sflag:s4] =	dma.local [hbm:s3], $0xF7A  }
0x26: {  	[smem:$0x3FA0] =	sst s1;
	(tag) =	ssettag s2;
	_ =	strace s9  }
0x27: {  	s1 =	sld [smem:$0x3FB0]  }
0x28: {  	s2 =	sld [smem:$0x3FB1]  }
0x29: {  	s4 =	sld [smem:$0x3FB3]  }
0x2a: {  	p0 =	seq.s32 s5, $0x0;
	s5 =	sld [smem:$0x3FB4]  }
0x2b: {  	s6 =	sld [smem:$0x3FB5]  }
0x2c: {  	s7 =	sld [smem:$0x3FB6]  }
0x2d: {  	s3 =	simm.s32 $0x108;
	s8 =	sld [smem:$0x3FB7]  }
0x2e: {  	s3 =	simm.s32 @!p0 $0x1082;
	s9 =	sld [smem:$0x3FB8]  }
0x2f: {  	lr =	sadd.s32 s0, s3;
	s0 =	sld [smem:$0x3FAF]  }
0x30: {  	s3 =	sld [smem:$0x3FB2]  }
0x31: {  	[smem:$0x3FBB] =	sst s10  }
0x32: {  	s10 =	sld [smem:$0x3FB9];
	_ =	sdelay $0x3  }
0x33: {  	p0 =	seq.s32 s10, $0x1;
	s10 =	sld [smem:$0x3FBB];
	_ =	sdelay $0x3  }
0x34: {  	[smem:$0x3FBB] =	sst s10  }
0x35: {  	s10 =	sld [smem:$0x3FBA];
	_ =	sdelay $0x3  }
0x36: {  	p1 =	seq.s32 s10, $0x1;
	s10 =	sld [smem:$0x3FBB];
	_ =	sdelay $0x3  }
0x37: {  	[smem:$0x3FBB] =	sst s10  }
0x38: {  	s10 =	sld [smem:$0x3FBC]  }
0x39: {  	_ = 	snop;
	(pc) =	sbr.ind lr, $3  }
0x3a: {  	_ = 	snop  }
0x3b: {  	_ = 	snop  }
0x3c: {  	p2 =	seq.s32 s10, $0x1;
	s10 =	sld [smem:$0x3FBB]  }
0x3d: {  	_ =	shalt  }
0x3e: {  	_ =	shalt  }
0x3f: {  	_ =	shalt  }
0x40: {  	_ =	shalt  }
0x41: {  	_ =	shalt  }
0x42: {  	_ =	shalt  }
0x43: {  	_ =	shalt  }
0x44: {  	_ =	shalt  }
0x45: {  	_ =	shalt  }
0x46: {  	_ =	shalt  }
0x47: {  	_ =	shalt  }
0x48: {  	_ =	shalt  }
0x49: {  	_ =	shalt  }
0x4a: {  	_ =	shalt  }
0x4b: {  	_ =	shalt  }
0x4c: {  	_ =	shalt  }
0x4d: {  	_ =	shalt  }
0x4e: {  	_ =	shalt  }
0x4f: {  	_ =	shalt  }
0x50: {  	_ =	shalt  }
0x51: {  	_ =	shalt  }
0x52: {  	_ =	shalt  }
0x53: {  	_ =	shalt  }
0x54: {  	_ =	shalt  }
0x55: {  	_ =	shalt  }
0x56: {  	_ =	shalt  }
0x57: {  	_ =	shalt  }
0x58: {  	_ =	shalt  }
0x59: {  	_ =	shalt  }
0x5a: {  	_ =	shalt  }
0x5b: {  	_ =	shalt  }
0x5c: {  	_ =	shalt  }
0x5d: {  	_ =	shalt  }
0x5e: {  	_ =	shalt  }
0x5f: {  	_ =	shalt  }
0x60: {  	_ =	shalt  }
0x61: {  	_ =	shalt  }
0x62: {  	_ =	shalt  }
0x63: {  	_ =	shalt  }
0x64: {  	_ =	shalt  }
0x65: {  	_ =	shalt  }
0x66: {  	_ =	shalt  }
0x67: {  	_ =	shalt  }
0x68: {  	_ =	shalt  }
0x69: {  	_ =	shalt  }
0x6a: {  	_ =	shalt  }
0x6b: {  	_ =	shalt  }
0x6c: {  	_ =	shalt  }
0x6d: {  	_ =	shalt  }
0x6e: {  	_ =	shalt  }
0x6f: {  	_ =	shalt  }
0x70: {  	_ =	shalt  }
0x71: {  	_ =	shalt  }
0x72: {  	_ =	shalt  }
0x73: {  	_ =	shalt  }
0x74: {  	_ =	shalt  }
0x75: {  	_ =	shalt  }
0x76: {  	_ =	shalt  }
0x77: {  	_ =	shalt  }
0x78: {  	_ =	shalt  }
0x79: {  	_ =	shalt  }
0x7a: {  	_ =	shalt  }
0x7b: {  	_ =	shalt  }
0x7c: {  	_ =	shalt  }
0x7d: {  	_ =	shalt  }
0x7e: {  	_ =	shalt  }
0x7f: {  	_ =	shalt  }
0x80: {  	_ =	shalt  }
0x81: {  	_ =	shalt  }
0x82: {  	_ =	shalt  }
0x83: {  	_ =	shalt  }
0x84: {  	_ =	shalt  }
0x85: {  	_ =	shalt  }
0x86: {  	_ =	shalt  }
0x87: {  	_ =	shalt  }
.Lfunc_end0:
.L_simem_size_0:
called_computation_lowered:
.L_overlay_start_0:
0x88: {  	s2 =	sld [smem:$0x3FD9]  }
0x89: {  	s3 =	sld [smem:$0x3FFE];
	_ =	sdelay $0x1  }
0x8a: {  	s1 =	srdreg.scid  }
0x8b: {  	s0 =	sand.u32 $0x1, s1  }
0x8c: {  	s18 =	sshll.u32 s0, $0xA;
	s2 =	sadd.s32 s3, s2  }
0x8d: {  	s2 =	sadd.s32 s2, s18  }
0x8e: {  	[smem:$0x3FC7] =	sst s2  }
0x8f: {  	_ = 	snop  }
0x90: {  	s2 =	sld [smem:$0x3FC9]  }
0x91: {  	s19 =	sld [smem:$0x3FD0];
	(tm) =	ssettm $0x1  }
0x92: {  	s4 =	sld [smem:$0x3FFB];
	_ =	sdelay $0x3  }
0x93: {  	_ =	strace s4  }
0x94: {  	s4 =	sld [smem:$0x3FFC];
	_ =	sdelay $0x3  }
0x95: {  	_ =	strace s4  }
0x96: {  	s4 =	sld [smem:$0x3FFD];
	_ =	sdelay $0x3  }
0x97: {  	_ =	strace s4  }
0x98: {  	_ =	strace $0x8FFFFFFF  }
0x99: {  	s20 =	sld [smem:$0x3FDB];
	_ =	sdelay $0x1  }
0x9a: {  	s5 =	simm.s32 $_scs_section_size  }
0x9b: {  	s6 =	simm.s32 $_size__tile_overlayer_lowered;
	s7 =	simm.s32 $_tile_overlayer_lowered  }
0x9c: {  	s23 =	simm.s32 $0x1BFF;
	s22 =	sshll.u32 s7, $0x1;
	s4 =	sadd.s32 s5, s20  }
0x9d: {  	s8 =	simm.s32 $0x0;
	s21 =	sshll.u32 s6, $0x1;
	s6 =	sadd.s32 s22, s4  }
0x9e: {  	[timem:s8], [sflag:s23] =	dma.local [hbm:s6], s21  }
0x9f: {  	_ =	swait.ge [sflag:s23], s21  }
0xa0: {  	s5 =	ssub.s32 $0x0, s21;
	[sflag:s23] =	ssyncset.done $0x0  }
0xa1: {  	[sflag:s23] =	ssyncadd.s32 s5;
	_ =	sdelay $0x1  }
0xa2: {  	s24 =	simm.s32 $0x1B8B  }
0xa3: {  	_ =	swait.ge [sflag:s24], $0x1  }
0xa4: {  	[sflag:s24] =	ssyncset.done $0x0  }
0xa5: {  	s25 =	simm.s32 $0x1B8E;
	[sflag:s24] =	ssyncadd.s32 $0xFFFFFFFF  }
0xa6: {  	s26 =	simm.s32 $execute0_lowered;
	[smem:$0x3FD2] =	sst s25  }
0xa7: {  	s5 =	sshll.u32 s26, $0x1;
	_ =	strace $0x80000046;
	[dreg:$0x1] =	wrdreg $0xFFFFFFFF  }
0xa8: {  	s28 =	simm.s32 $_size_execute0_lowered;
	s4 =	sadd.s32 s4, s5;
	[dreg:$0x0] =	wrdreg $0x0  }
0xa9: {  	s5 =	sshll.u32 s28, $0x1;
	[dreg:$0x2] =	wrdreg s4  }
0xaa: {  	[dreg:$0x3] =	wrdreg s5  }
0xab: {  	[dreg:$0x4] =	wrdreg $0xC0  }
0xac: {  	_ =	task [dreg:s8], $0x5FFFF  }
0xad: {  	[dreg:$0x1] =	wrdreg $0xFFFFFFFF  }
0xae: {  	[dreg:$0x0] =	wrdreg $0x60  }
0xaf: {  	[dreg:$0x2] =	wrdreg s2  }
0xb0: {  	[dreg:$0x3] =	wrdreg s19  }
0xb1: {  	[dreg:$0x4] =	wrdreg $0x9  }
0xb2: {  	_ =	task.clear_ibuf [dreg:s8], $0x5FFFF;
	_ =	strace $0x90000046  }
0xb3: {  	s29 =	simm.s32 $0x9;
	_ =	strace $0x80000048  }
0xb4: {  	_ =	swait.ge [sflag:s29], $0x1  }
0xb5: {  	[sflag:s29] =	ssyncadd.s32 $0xFFFFFFFF  }
0xb6: {  	_ =	strace $0x90000048  }
0xb7: {  	_ =	sfence  }
0xb8: {  	s30 =	sld [smem:$0x0];
	_ =	sdelay $0x2  }
0xb9: {  	s31 =	sshll.u32 s1, $0xD;
	s1 =	sshrl.u32 s1, $0x2  }
0xba: {  	s3 =	sand.u32 $0x4000, s31;
	s1 =	sadd.s32 s1, s30  }
0xbb: {  	s0 =	sor.u32 s3, s0;
	s1 =	sshll.u32 s1, $0x11  }
0xbc: {  	s0 =	sor.u32 s1, s0  }
0xbd: {  	s0 =	sadd.s32 $0x8F2B, s0  }
0xbe: {  	[sflag:s0] =	ssyncadd.remote.s32 $0x1  }
0xbf: {  	_ =	sfence.sel $0xFFFF  }
0xc0: {  	[dreg:$0x0] =	wrdreg $0xFFFFFFFF;
	(pc) =	sbr.abs _section_cstart, $3  }
0xc1: {  	[dreg:$0x1] =	wrdreg $0xFFFFFFFF  }
0xc2: {  	_ =	task.clear_ibuf [dreg:s8], $0x2FFFF;
	_ =	strace $0x9FFFFFFF  }
0xc3: {  	(tm) =	ssettm $0x7FFFFFFF  }
tec
execute0_lowered:
.L_overlay_start_1:
0x0: {  	(tag) =	ssettag $0x1  }
0x1: {  	s0 =	srdreg.scid  }
0x2: {  	s9 =	stileid.u32;
	s0 =	sand.u32 $0x1, s0  }
0x3: {  	s14 =	rddreg [dreg:$0x0];
	s1 =	sshll.u32 s9, $0x4;
	s2 =	sshll.u32 s0, $0x3  }
0x4: {  	s15 =	rddreg [dreg:$0x1];
	s24 =	simm.s32 $0x0;
	s11 =	sor.u32 s2, s1  }
0x5: {  	s9 =	sshll.u32 s9, $0xE;
	[smem:$0x7FF] =	sst s24;
	s2 =	sor.u32 $0x1, s11  }
0x6: {  	s3 =	sor.u32 $0x100, s11;
	s4 =	sor.u32 $0x101, s11;
	s12 =	smul.u32 s11, s2  }
0x7: {  	s6 =	sor.u32 $0x2, s11;
	s7 =	sor.u32 $0x3, s11;
	s13 =	smul.u32 s3, s4  }
0x8: {  	s8 =	sor.u32 $0x4, s11;
	s5 =	sor.u32 $0x5, s11;
	s2 =	smul.u32 s2, s6  }
0x9: {  	s10 =	sor.u32 $0x7, s11;
	s17 =	sor.u32 $0x102, s11;
	s3 =	smul.u32 s6, s7  }
0xa: {  	s16 =	sadd.s32 $0x8, s11;
	s18 =	sor.u32 $0x103, s11;
	s4 =	smul.u32 s4, s17  }
0xb: {  	s19 =	sor.u32 $0x104, s11;
	[dreg:$0x6] =	wrdreg s2;
	s2 =	smul.u32 s7, s8  }
0xc: {  	s6 =	sor.u32 $0x6, s11;
	[dreg:$0x7] =	wrdreg s3;
	s3 =	smul.u32 s8, s5  }
0xd: {  	s20 =	sor.u32 $0x105, s11;
	s21 =	sor.u32 $0x107, s11;
	s5 =	smul.u32 s5, s6  }
0xe: {  	s6 =	smul.u32 s6, s10;
	s7 =	ssub.s32 $0x2, s0;
	[dreg:$0xa] =	wrdreg s4  }
0xf: {  	s8 =	sshrl.u32 s7, $0x1;
	[dreg:$0x8] =	wrdreg s5;
	s5 =	smul.u32 s10, s16  }
0x10: {  	[dreg:$0x9] =	wrdreg s6;
	s6 =	smul.u32 s17, s18;
	s10 =	sor.u32 $0x106, s11  }
0x11: {  	s0 =	sshll.u32 s0, $0xD;
	s7 =	ssub.s32 s7, s8;
	s8 =	smul.u32 s20, s10  }
0x12: {  	s25 =	sshrl.u32 s12, $0x4;
	s22 =	smul.u32 s10, s21;
	[dreg:$0xb] =	wrdreg s6  }
0x13: {  	s0 =	sor.u32 s0, s9;
	s9 =	sand.u32 $0xFFE, s25;
	[dreg:$0xc] =	wrdreg s8  }
0x14: {  	s4 =	smul.u32 s18, s19;
	s9 =	sadd.s32 s14, s9;
	[dreg:$0xd] =	wrdreg s22  }
0x15: {  	s7 =	smax.u32 s7, $0x1;
	_ =	strace $0x80000047;
	[dreg:$0xe] =	wrdreg s9  }
0x16: {  	[dreg:$0x11] =	wrdreg s7  }
0x17: {  	s18 =	sshrl.u32 s4, $0x1;
	[dreg:$0x4] =	wrdreg s12  }
0x18: {  	s10 =	sshrl.u32 s2, $0x1;
	s2 =	sadd.s32 $0x8020, s18;
	[dreg:$0x5] =	wrdreg s13  }
0x19: {  	s23 =	sadd.s32 $0x108, s11;
	s22 =	sor.u32 $0x40600, s0;
	[dreg:$0x16] =	wrdreg s2  }
0x1a: {  	s8 =	smul.u32 s21, s23;
	s23 =	sor.u32 $0x40A00, s0;
	[dreg:$0x19] =	wrdreg s22  }
0x1b: {  	s26 =	sshrl.u32 s13, $0x4;
	s25 =	sor.u32 $0x41600, s0;
	[dreg:$0x1a] =	wrdreg s23  }
0x1c: {  	s31 =	sand.u32 $0x3FFE, s26;
	s26 =	sor.u32 $0x41A00, s0;
	[dreg:$0x1b] =	wrdreg s25  }
0x1d: {  	[dreg:$0x1c] =	wrdreg s26  }
0x1e: {  	s4 =	sor.u32 $0x40200, s0;
	[dreg:$0x3] =	wrdreg s11  }
0x1f: {  	s28 =	sadd.s32 $0x60, s15;
	s16 =	sshrl.u32 s12, $0x1;
	[dreg:$0x18] =	wrdreg s4  }
0x20: {  	s24 =	sshll.u32 s0, $0x1;
	s9 =	sadd.s32 s14, s31;
	[smem:$0x7FD] =	sst s28  }
0x21: {  	s14 =	sshrl.u32 s3, $0x1;
	s3 =	sadd.s32 $0x30, s16;
	[dreg:$0xf] =	wrdreg s9  }
0x22: {  	s6 =	smul.u32 s19, s20;
	s7 =	sor.u32 $0x80600, s0;
	[dreg:$0x12] =	wrdreg s3  }
0x23: {  	s19 =	sshrl.u32 s13, $0x1;
	s13 =	sor.u32 $0x81C00, s24;
	[dreg:$0x1e] =	wrdreg s7  }
0x24: {  	s16 =	sor.u32 $0x83C00, s24;
	[smem:$0x7F0] =	sst s13  }
0x25: {  	s22 =	sor.u32 $0x300, s11;
	[smem:$0x7F2] =	sst s16  }
0x26: {  	s23 =	sadd.s32 $0x10, s15;
	[smem:$0x7F8] =	sst s22  }
0x27: {  	s26 =	sshll.u32 s4, $0x1;
	[smem:$0x7F9] =	sst s23  }
0x28: {  	s31 =	sor.u32 $0x80200, s0;
	[smem:$0x7FB] =	sst s26  }
0x29: {  	s9 =	sand.u32 $0x40, s1;
	s1 =	sadd.s32 $0x20, s10;
	[dreg:$0x1d] =	wrdreg s31  }
0x2a: {  	s17 =	sadd.s32 $0x20, s14;
	[dreg:$0x13] =	wrdreg s1  }
0x2b: {  	s20 =	sshrl.u32 s6, $0x1;
	s3 =	sadd.s32 $0x8030, s19;
	[dreg:$0x14] =	wrdreg s17  }
0x2c: {  	s2 =	sadd.s32 $0x8020, s20;
	[dreg:$0x15] =	wrdreg s3  }
0x2d: {  	s21 =	sshrl.u32 s8, $0x1;
	s8 =	sor.u32 $0x80A00, s0;
	[dreg:$0x17] =	wrdreg s2  }
0x2e: {  	s10 =	sor.u32 $0x81600, s0;
	[dreg:$0x1f] =	wrdreg s8  }
0x2f: {  	s0 =	sor.u32 $0x81A00, s0;
	[smem:$0x7ED] =	sst s10  }
0x30: {  	s14 =	sor.u32 $0x82400, s24;
	[smem:$0x7EE] =	sst s0  }
0x31: {  	s19 =	sor.u32 $0x102400, s24;
	[smem:$0x7F1] =	sst s14  }
0x32: {  	s20 =	sor.u32 $0x103C00, s24;
	[smem:$0x7F5] =	sst s19  }
0x33: {  	s31 =	sshll.u32 s31, $0x1;
	[smem:$0x7F6] =	sst s20  }
0x34: {  	s29 =	sadd.s32 $0x20, s15;
	s30 =	sadd.s32 $0x30, s15;
	[smem:$0x7FC] =	sst s31  }
0x35: {  	s25 =	sadd.s32 $0x50, s15;
	s12 =	sadd.s32 $0x8020, s21;
	[dreg:$0x10] =	wrdreg s9  }
.Ltmp0:
0x36: {  	s17 =	sor.u32 $0x101C00, s24;
	[smem:$0x7EF] =	sst s12;
	(pc) =	sbr.rel .LBB2_1-.Ltmp0, $4  }
0x37: {  	s22 =	sadd.s32 $0x40, s15;
	s21 =	sor.u32 $0x200, s11;
	[smem:$0x7F3] =	sst s17  }
0x38: {  	s1 =	sshrl.u32 s5, $0x1;
	s24 =	sadd.s32 $0x70, s15;
	[smem:$0x7F7] =	sst s21  }
0x39: {  	s8 =	simm.s32 $0x80;
	s18 =	sadd.s32 $0x20, s1;
	[smem:$0x7FA] =	sst s24  }
0x3a: {  	v0 =	vimm.f32 $0.0e+00;
	v1 =	vlaneseq.u32;
	s10 =	simm.s32 $0x400;
	v2 =	vmov s9;
	s2 =	simm.s32 $0x0;
	[smem:$0x7F4] =	sst s18  }
.LBB2_46:
0x3b: {  	s0 =	simm.s32 $0x3  }
0x3c: {  	_ =	swait.ge [sflag:s0], $0x1000  }
0x3d: {  	[sflag:s0] =	ssyncset.done $0x0  }
0x3e: {  	s19 =	simm.s32 $0x4;
	[sflag:s0] =	ssyncadd.s32 $0xFFFFF000  }
0x3f: {  	_ =	swait.ge [sflag:s19], $0x1000  }
0x40: {  	[sflag:s19] =	ssyncset.done $0x0  }
0x41: {  	s20 =	simm.s32 $0x5;
	[sflag:s19] =	ssyncadd.s32 $0xFFFFF000  }
0x42: {  	_ =	swait.ge [sflag:s20], $0x1000  }
0x43: {  	[sflag:s20] =	ssyncset.done $0x0  }
0x44: {  	s21 =	simm.s32 $0x6;
	[sflag:s20] =	ssyncadd.s32 $0xFFFFF000  }
0x45: {  	_ =	swait.ge [sflag:s21], $0x1000  }
0x46: {  	[sflag:s21] =	ssyncset.done $0x0  }
0x47: {  	s23 =	simm.s32 $0x7;
	[sflag:s21] =	ssyncadd.s32 $0xFFFFF000  }
0x48: {  	_ =	swait.ge [sflag:s23], $0x1000  }
0x49: {  	[sflag:s23] =	ssyncset.done $0x0  }
0x4a: {  	s24 =	simm.s32 $0x8;
	[sflag:s23] =	ssyncadd.s32 $0xFFFFF000  }
0x4b: {  	_ =	swait.ge [sflag:s24], $0x1000  }
0x4c: {  	[sflag:s24] =	ssyncset.done $0x0  }
0x4d: {  	s26 =	simm.s32 $0x9;
	[sflag:s24] =	ssyncadd.s32 $0xFFFFF000  }
0x4e: {  	_ =	swait.ge [sflag:s26], $0x1000  }
0x4f: {  	[sflag:s26] =	ssyncset.done $0x0  }
0x50: {  	s1 =	simm.s32 $0xA;
	[sflag:s26] =	ssyncadd.s32 $0xFFFFF000  }
0x51: {  	_ =	swait.ge [sflag:s1], $0x1000  }
0x52: {  	s2 =	sld [smem:$0x7EC];
	_ =	sdelay $0x2  }
0x53: {  	s31 =	rddreg [dreg:$0x11];
	s2 =	sadd.s32 $0x1, s2  }
0x54: {  	p0 =	sne.s32 s2, s31  }
.Ltmp1:
0x55: {  	_ = 	snop;
	(pc) =	sbr.rel @!p0 .LBB2_47-.Ltmp1, $3  }
0x56: {  	_ =	sdelay $0x1  }
0x57: {  	[sflag:s1] =	ssyncset.done $0x0  }
0x58: {  	[sflag:s1] =	ssyncadd.s32 $0xFFFFF000  }
.LBB2_1:
0x59: {  	[smem:$0x7EC] =	sst s2;
	s0 =	simm.s32 $0x40;
	s1 =	simm.s32 $0x0  }
.LBB2_2:
0x5a: {  	p0 =	sne.s32 s0, $0x1FFC0;
	[tilespmem:s1+$0x10000] =	vst v0;
	s1 =	smov.u32 s0;
	s0 =	sadd.s32 $0x40, s0  }
.Ltmp2:
0x5b: {  	(pc) =	sbr.rel @p0 .LBB2_2-.Ltmp2, $2  }
0x5c: {  	_ =	sdelay $0x2  }
0x5d: {  	s1 =	sshra.s32 s1, $0x2  }
0x5e: {  	s0 =	rddreg [dreg:$0xe]  }
0x5f: {  	s6 =	rddreg [dreg:$0xf]  }
0x60: {  	s9 =	rddreg [dreg:$0x5]  }
0x61: {  	s11 =	sld [smem:$0x7EF]  }
0x62: {  	s12 =	sld [smem:$0x7F6]  }
0x63: {  	s13 =	rddreg [dreg:$0xd]  }
0x64: {  	s14 =	sld [smem:$0x7EE]  }
0x65: {  	s15 =	rddreg [dreg:$0xc]  }
0x66: {  	s16 =	sld [smem:$0x7ED]  }
0x67: {  	s17 =	rddreg [dreg:$0x17]  }
0x68: {  	s18 =	sld [smem:$0x7F5]  }
0x69: {  	s19 =	rddreg [dreg:$0x16]  }
0x6a: {  	s20 =	sld [smem:$0x7F3]  }
0x6b: {  	s23 =	rddreg [dreg:$0xb]  }
0x6c: {  	s24 =	rddreg [dreg:$0x1f]  }
0x6d: {  	s26 =	rddreg [dreg:$0xa]  }
0x6e: {  	[tilespmem:s1+$0x10000] =	vst v0;
	s1 =	rddreg [dreg:$0x1e]  }
0x6f: {  	s2 =	rddreg [dreg:$0x1d]  }
0x70: {  	s3 =	rddreg [dreg:$0x15]  }
0x71: {  	s4 =	sld [smem:$0x7FC]  }
0x72: {  	s5 =	sld [smem:$0x7F4]  }
0x73: {  	s21 =	simm.s32 $0x0;
	s31 =	rddreg [dreg:$0x12]  }
0x74: {  	[tilespmem:s21], [sflag:$0x1] =	stream.linear.gather [hbm4b:s0+s21], $0x8000, $0x38;
	[tilespmem:$0x18000] =	vst v63  }
0x75: {  	[smem:$0x7CA] =	sst s9  }
0x76: {  	[smem:$0x7CD] =	sst s13  }
0x77: {  	[smem:$0x7CF] =	sst s15  }
0x78: {  	[smem:$0x7D1] =	sst s17  }
0x79: {  	[smem:$0x7D3] =	sst s19  }
0x7a: {  	[smem:$0x7D5] =	sst s23  }
0x7b: {  	[smem:$0x7D6] =	sst s24  }
0x7c: {  	[smem:$0x7D7] =	sst s26  }
0x7d: {  	[smem:$0x7D8] =	sst s1  }
0x7e: {  	[smem:$0x7D9] =	sst s2  }
0x7f: {  	[smem:$0x7DA] =	sst s3  }
0x80: {  	s26 =	rddreg [dreg:$0x4]  }
0x81: {  	s9 =	rddreg [dreg:$0x1c]  }
0x82: {  	s13 =	rddreg [dreg:$0x14]  }
0x83: {  	s15 =	rddreg [dreg:$0x13]  }
0x84: {  	s17 =	rddreg [dreg:$0x7]  }
0x85: {  	s19 =	rddreg [dreg:$0x6]  }
0x86: {  	s23 =	rddreg [dreg:$0x18]  }
0x87: {  	s24 =	sld [smem:$0x7FB]  }
0x88: {  	[smem:$0x7DF] =	sst s9  }
0x89: {  	[smem:$0x7E2] =	sst s13  }
0x8a: {  	[smem:$0x7E4] =	sst s15  }
0x8b: {  	[smem:$0x7E6] =	sst s17  }
0x8c: {  	[smem:$0x7E8] =	sst s19  }
0x8d: {  	s7 =	simm.s32 $0x8000;
	[smem:$0x7EA] =	sst s23  }
0x8e: {  	[tilespmem:s7], [sflag:$0x2] =	stream.linear.gather [hbm4b:s6+s21], $0x8000, $0x38;
	[tilespmem:$0x18000] =	vst v63  }
0x8f: {  	[smem:$0x7CB] =	sst s11  }
0x90: {  	[smem:$0x7CC] =	sst s12  }
0x91: {  	[smem:$0x7CE] =	sst s14  }
0x92: {  	[smem:$0x7D0] =	sst s16  }
0x93: {  	[smem:$0x7D2] =	sst s18  }
0x94: {  	[smem:$0x7D4] =	sst s20  }
0x95: {  	[smem:$0x7DB] =	sst s4  }
0x96: {  	[smem:$0x7DC] =	sst s5  }
0x97: {  	s6 =	sld [smem:$0x7F2]  }
0x98: {  	s7 =	rddreg [dreg:$0x9]  }
0x99: {  	s11 =	rddreg [dreg:$0x8]  }
0x9a: {  	s12 =	rddreg [dreg:$0x1b]  }
0x9b: {  	s14 =	sld [smem:$0x7F1]  }
0x9c: {  	s16 =	sld [smem:$0x7F0]  }
0x9d: {  	s18 =	rddreg [dreg:$0x1a]  }
0x9e: {  	s20 =	rddreg [dreg:$0x19]  }
0x9f: {  	[smem:$0x7DE] =	sst s7  }
0xa0: {  	[smem:$0x7E0] =	sst s11  }
0xa1: {  	[smem:$0x7E1] =	sst s12  }
0xa2: {  	[smem:$0x7E7] =	sst s18  }
0xa3: {  	[smem:$0x7E9] =	sst s20  }
0xa4: {  	[smem:$0x7EB] =	sst s24  }
0xa5: {  	[smem:$0x7DD] =	sst s6  }
0xa6: {  	[smem:$0x7E3] =	sst s14  }
0xa7: {  	[smem:$0x7E5] =	sst s16  }
.LBB2_4:
0xa8: {  	[smem:$0x7C9] =	sst s26;
	s2 =	simm.s32 $0x1  }
0xa9: {  	_ =	swait.ge [sflag:s2], $0x8000  }
0xaa: {  	s15 =	sshll.u32 s21, $0x9;
	s1 =	rddreg [dreg:$0x3]  }
0xab: {  	s13 =	sor.u32 s1, s15  }
0xac: {  	s0 =	sshrl.u32 s26, $0x1;
	s26 =	sshrl.u32 s13, $0x6  }
0xad: {  	p0 =	seq.s32 s21, $0x0;
	p1 =	seq.s32 s26, $0x0  }
.Ltmp3:
0xae: {  	s0 =	sand.u32 $0x3FFFFFF0, s0;
	[sflag:s2] =	ssyncset.done $0x0;
	(pc) =	sbr.rel @p1 .LBB2_7-.Ltmp3, $4  }
0xaf: {  	s0 =	smin.u32 s0, $0x7F8800;
	[sflag:s2] =	ssyncadd.s32 $0xFFFF8000;
	s1 =	simm.s32 @!p0 $0x3  }
0xb0: {  	s11 =	sshll.u32 s0, $0x2;
	_ =	swait.ge @!p0 [sflag:s1], $0x1000  }
0xb1: {  	s0 =	ssub.s32 $0x0, s11;
	[sflag:s1] =	ssyncset.done @!p0 $0x0  }
0xb2: {  	[sflag:s1] =	ssyncadd.s32 @!p0 $0xFFFFF000;
	s1 =	sshra.s32 s0, $0x2  }
0xb3: {  	s3 =	sadd.s32 s1, s31  }
0xb4: {  	v3 =	vld [tilespmem:s3+$0xFFFFFFD0];
	_ =	sdelay $0x3  }
0xb5: {  	s0 =	simm.s32 $0x10020  }
0xb6: {  	[tilespmem:s0+$0xFFFFFFE0] =	vst v3  }
0xb7: {  	v3 =	vld [tilespmem:s3+$0xFFFFFFE0];
	_ =	sdelay $0x4  }
0xb8: {  	[tilespmem:s0+$0xFFFFFFF0] =	vst v3  }
0xb9: {  	v3 =	vld [tilespmem:s3+$0xFFFFFFF0];
	_ =	sdelay $0x4  }
0xba: {  	[tilespmem:s0+$0x0] =	vst v3  }
0xbb: {  	p2 =	sgt.u32 s26, $0x1;
	v3 =	vld [tilespmem:s3+$0x0]  }
.Ltmp4:
0xbc: {  	_ = 	snop;
	(pc) =	sbr.rel @!p2 .LBB2_7-.Ltmp4, $2  }
0xbd: {  	_ =	sdelay $0x2  }
0xbe: {  	s2 =	simm.s32 $0x1;
	s3 =	sadd.s32 $0x40, s3;
	[tilespmem:s0+$0x10] =	vst v3  }
.LBB2_6:
0xbf: {  	v3 =	vld [tilespmem:s3+$0xFFFFFFD0];
	s2 =	sadd.s32 $0x1, s2  }
0xc0: {  	p2 =	slt.u32 s2, s26;
	_ =	sdelay $0x2  }
0xc1: {  	s0 =	sadd.s32 $0x40, s0  }
0xc2: {  	[tilespmem:s0+$0xFFFFFFE0] =	vst v3  }
0xc3: {  	v3 =	vld [tilespmem:s3+$0xFFFFFFE0];
	_ =	sdelay $0x4  }
0xc4: {  	[tilespmem:s0+$0xFFFFFFF0] =	vst v3  }
0xc5: {  	v3 =	vld [tilespmem:s3+$0xFFFFFFF0];
	_ =	sdelay $0x4  }
0xc6: {  	[tilespmem:s0+$0x0] =	vst v3  }
0xc7: {  	v3 =	vld [tilespmem:s3+$0x0]  }
.Ltmp5:
0xc8: {  	(pc) =	sbr.rel @p2 .LBB2_6-.Ltmp5, $2  }
0xc9: {  	_ =	sdelay $0x2  }
0xca: {  	s3 =	sadd.s32 $0x40, s3;
	[tilespmem:s0+$0x10] =	vst v3  }
.LBB2_7:
0xcb: {  	s2 =	sor.u32 $0x1, s13  }
0xcc: {  	s0 =	smul.u32 s13, s2;
	_ =	sdelay $0x1  }
0xcd: {  	s0 =	sshrl.u32 s0, $0x1  }
0xce: {  	s3 =	sand.u32 $0x3FFFFFF0, s0  }
0xcf: {  	s20 =	smin.u32 s3, $0x7F8800  }
0xd0: {  	s12 =	sand.u32 $0xEC0, s13;
	s0 =	ssub.s32 s0, s20  }
0xd1: {  	s23 =	sadd.s32 s12, s0  }
0xd2: {  	v4 =	vld [tilespmem:s23+$0x0];
	_ =	sdelay $0x2  }
0xd3: {  	s17 =	sand.u32 $0xE80, s13;
	v3 =	vor.u32 s12, v1  }
0xd4: {  	s4 =	rddreg [dreg:$0x10];
	s24 =	sor.u32 $0x10000, s17;
	vm0 =	vgt.u32 v3, s13  }
0xd5: {  	s7 =	sor.u32 $0x10, s12;
	s4 =	sor.u32 s4, s24;
	v4 =	vsel vm0, $0x0, v4  }
0xd6: {  	s5 =	sadd.s32 s7, s0;
	[tilespmem:s4+$0x0] =	vst v4  }
0xd7: {  	v5 =	vld [tilespmem:s5+$0x0];
	_ =	sdelay $0x2  }
0xd8: {  	v4 =	vor.u32 s7, v1  }
0xd9: {  	s19 =	sand.u32 $0x50, s7;
	vm13 =	vgt.u32 v4, s13  }
0xda: {  	s14 =	sor.u32 $0x20, s12;
	s6 =	sor.u32 s19, s24;
	v5 =	vsel vm13, $0x0, v5  }
0xdb: {  	s9 =	sadd.s32 s14, s0;
	[tilespmem:s6+$0x0] =	vst v5  }
0xdc: {  	v6 =	vld [tilespmem:s9+$0x0];
	_ =	sdelay $0x2  }
0xdd: {  	v5 =	vor.u32 s14, v1  }
0xde: {  	[smem:$0x7C8] =	sst s31;
	s31 =	sand.u32 $0x60, s14;
	vm14 =	vgt.u32 v5, s13  }
0xdf: {  	s16 =	sor.u32 s31, s24;
	s23 =	sor.u32 $0x30, s12;
	v6 =	vsel vm14, $0x0, v6  }
0xe0: {  	s0 =	sadd.s32 s23, s0;
	[tilespmem:s16+$0x0] =	vst v6  }
0xe1: {  	v7 =	vld [tilespmem:s0+$0x0];
	_ =	sdelay $0x2  }
0xe2: {  	v6 =	vor.u32 s23, v1  }
0xe3: {  	vm15 =	vgt.u32 v6, s13;
	s0 =	sand.u32 $0x70, s23  }
0xe4: {  	s18 =	rddreg [dreg:$0x1];
	s5 =	sshll.u32 s13, $0x9;
	s3 =	sor.u32 s0, s24;
	v7 =	vsel vm15, $0x0, v7  }
0xe5: {  	s24 =	simm.s32 $0x10000;
	[tilespmem:s3+$0x0] =	vst v7;
	s3 =	sadd.s32 s18, s5  }
0xe6: {  	[hbm4b:s3+s8] =	stream.strided.scatter [tilespmem:s24], [sflag:$0x3], $0x1000, s10, s8, $0x38;
	[tilespmem:$0x18000] =	vst v63  }
.Ltmp6:
0xe7: {  	_ = 	snop;
	(pc) =	sbr.rel @p1 .LBB2_10-.Ltmp6, $4  }
0xe8: {  	s3 =	simm.s32 @!p0 $0x4  }
0xe9: {  	_ =	swait.ge @!p0 [sflag:s3], $0x1000  }
0xea: {  	[sflag:s3] =	ssyncset.done @!p0 $0x0  }
0xeb: {  	[sflag:s3] =	ssyncadd.s32 @!p0 $0xFFFFF000  }
0xec: {  	s3 =	sld [smem:$0x7E8];
	_ =	sdelay $0x2  }
0xed: {  	s3 =	sshll.u32 s3, $0x1  }
0xee: {  	s3 =	sand.u32 $0xFFFFFFFC, s3  }
0xef: {  	s3 =	ssub.s32 s3, s11  }
0xf0: {  	s3 =	sshra.s32 s3, $0x2  }
0xf1: {  	s6 =	sadd.s32 $0x20, s3  }
0xf2: {  	v7 =	vld [tilespmem:s6+$0xFFFFFFE0];
	_ =	sdelay $0x3  }
0xf3: {  	s3 =	simm.s32 $0x11030  }
0xf4: {  	[tilespmem:s3+$0xFFFFFFD0] =	vst v7  }
0xf5: {  	v7 =	vld [tilespmem:s6+$0xFFFFFFF0];
	_ =	sdelay $0x4  }
0xf6: {  	[tilespmem:s3+$0xFFFFFFE0] =	vst v7  }
0xf7: {  	v7 =	vld [tilespmem:s6+$0x0];
	_ =	sdelay $0x4  }
0xf8: {  	[tilespmem:s3+$0xFFFFFFF0] =	vst v7  }
0xf9: {  	p2 =	sgt.u32 s26, $0x1;
	v7 =	vld [tilespmem:s6+$0x10]  }
.Ltmp7:
0xfa: {  	_ = 	snop;
	(pc) =	sbr.rel @!p2 .LBB2_10-.Ltmp7, $2  }
0xfb: {  	_ =	sdelay $0x2  }
0xfc: {  	s4 =	simm.s32 $0x1;
	s6 =	sadd.s32 $0x40, s6;
	[tilespmem:s3+$0x0] =	vst v7  }
.LBB2_9:
0xfd: {  	v7 =	vld [tilespmem:s6+$0xFFFFFFE0];
	s4 =	sadd.s32 $0x1, s4  }
0xfe: {  	p2 =	slt.u32 s4, s26;
	_ =	sdelay $0x2  }
0xff: {  	s3 =	sadd.s32 $0x40, s3  }
0x100: {  	[tilespmem:s3+$0xFFFFFFD0] =	vst v7  }
0x101: {  	v7 =	vld [tilespmem:s6+$0xFFFFFFF0];
	_ =	sdelay $0x4  }
0x102: {  	[tilespmem:s3+$0xFFFFFFE0] =	vst v7  }
0x103: {  	v7 =	vld [tilespmem:s6+$0x0];
	_ =	sdelay $0x4  }
0x104: {  	[tilespmem:s3+$0xFFFFFFF0] =	vst v7  }
0x105: {  	v7 =	vld [tilespmem:s6+$0x10]  }
.Ltmp8:
0x106: {  	(pc) =	sbr.rel @p2 .LBB2_9-.Ltmp8, $2  }
0x107: {  	_ =	sdelay $0x2  }
0x108: {  	s6 =	sadd.s32 $0x40, s6;
	[tilespmem:s3+$0x0] =	vst v7  }
.LBB2_10:
0x109: {  	s3 =	sor.u32 $0x2, s13  }
0x10a: {  	s4 =	smul.u32 s3, s2;
	_ =	sdelay $0x1  }
0x10b: {  	s4 =	sshrl.u32 s4, $0x1  }
0x10c: {  	s4 =	ssub.s32 s4, s20  }
0x10d: {  	s6 =	sadd.s32 s12, s4  }
0x10e: {  	v7 =	vld [tilespmem:s6+$0x0];
	_ =	sdelay $0x3  }
0x10f: {  	vm0 =	vgt.u32 v3, s2  }
0x110: {  	s6 =	sor.u32 $0x11000, s17;
	v7 =	vsel vm0, $0x0, v7  }
0x111: {  	s9 =	sadd.s32 s7, s4;
	[tilespmem:v2+s6+$0x0 ss:$0x1] =	vst.idx.msk $0xffff, v7  }
0x112: {  	v7 =	vld [tilespmem:s9+$0x0];
	_ =	sdelay $0x3  }
0x113: {  	vm13 =	vgt.u32 v4, s2  }
0x114: {  	s16 =	sadd.s32 s19, s6;
	v7 =	vsel vm13, $0x0, v7  }
0x115: {  	s18 =	sadd.s32 s14, s4;
	[tilespmem:s16+$0x0] =	vst v7  }
0x116: {  	v7 =	vld [tilespmem:s18+$0x0];
	_ =	sdelay $0x3  }
0x117: {  	vm14 =	vgt.u32 v5, s2  }
0x118: {  	s24 =	sadd.s32 s31, s6;
	v7 =	vsel vm14, $0x0, v7  }
0x119: {  	s4 =	sadd.s32 s23, s4;
	[tilespmem:s24+$0x0] =	vst v7  }
0x11a: {  	v7 =	vld [tilespmem:s4+$0x0];
	_ =	sdelay $0x2  }
0x11b: {  	s18 =	sld [smem:$0x7F9]  }
0x11c: {  	vm15 =	vgt.u32 v6, s2  }
0x11d: {  	s16 =	sadd.s32 s0, s6;
	v7 =	vsel vm15, $0x0, v7  }
0x11e: {  	s2 =	sadd.s32 s5, s18;
	s24 =	simm.s32 $0x11000;
	[tilespmem:s16+$0x0] =	vst v7  }
0x11f: {  	[hbm4b:s2+s8] =	stream.strided.scatter [tilespmem:s24], [sflag:$0x4], $0x1000, s10, s8, $0x38;
	[tilespmem:$0x18000] =	vst v63  }
.Ltmp9:
0x120: {  	_ = 	snop;
	(pc) =	sbr.rel @p1 .LBB2_13-.Ltmp9, $4  }
0x121: {  	s2 =	simm.s32 @!p0 $0x5  }
0x122: {  	_ =	swait.ge @!p0 [sflag:s2], $0x1000  }
0x123: {  	[sflag:s2] =	ssyncset.done @!p0 $0x0  }
0x124: {  	[sflag:s2] =	ssyncadd.s32 @!p0 $0xFFFFF000  }
0x125: {  	s2 =	sld [smem:$0x7E6];
	_ =	sdelay $0x2  }
0x126: {  	s2 =	sshll.u32 s2, $0x1  }
0x127: {  	s2 =	sand.u32 $0xFFFFFFFC, s2  }
0x128: {  	s2 =	ssub.s32 s2, s11  }
0x129: {  	s2 =	sshra.s32 s2, $0x2  }
0x12a: {  	s6 =	sadd.s32 $0x20, s2  }
0x12b: {  	v7 =	vld [tilespmem:s6+$0xFFFFFFE0];
	_ =	sdelay $0x3  }
0x12c: {  	s2 =	simm.s32 $0x12030  }
0x12d: {  	[tilespmem:s2+$0xFFFFFFD0] =	vst v7  }
0x12e: {  	v7 =	vld [tilespmem:s6+$0xFFFFFFF0];
	_ =	sdelay $0x4  }
0x12f: {  	[tilespmem:s2+$0xFFFFFFE0] =	vst v7  }
0x130: {  	v7 =	vld [tilespmem:s6+$0x0];
	_ =	sdelay $0x4  }
0x131: {  	[tilespmem:s2+$0xFFFFFFF0] =	vst v7  }
0x132: {  	p2 =	sgt.u32 s26, $0x1;
	v7 =	vld [tilespmem:s6+$0x10]  }
.Ltmp10:
0x133: {  	_ = 	snop;
	(pc) =	sbr.rel @!p2 .LBB2_13-.Ltmp10, $2  }
0x134: {  	_ =	sdelay $0x2  }
0x135: {  	s4 =	simm.s32 $0x1;
	s6 =	sadd.s32 $0x40, s6;
	[tilespmem:s2+$0x0] =	vst v7  }
.LBB2_12:
0x136: {  	v7 =	vld [tilespmem:s6+$0xFFFFFFE0];
	s4 =	sadd.s32 $0x1, s4  }
0x137: {  	p2 =	slt.u32 s4, s26;
	_ =	sdelay $0x2  }
0x138: {  	s2 =	sadd.s32 $0x40, s2  }
0x139: {  	[tilespmem:s2+$0xFFFFFFD0] =	vst v7  }
0x13a: {  	v7 =	vld [tilespmem:s6+$0xFFFFFFF0];
	_ =	sdelay $0x4  }
0x13b: {  	[tilespmem:s2+$0xFFFFFFE0] =	vst v7  }
0x13c: {  	v7 =	vld [tilespmem:s6+$0x0];
	_ =	sdelay $0x4  }
0x13d: {  	[tilespmem:s2+$0xFFFFFFF0] =	vst v7  }
0x13e: {  	v7 =	vld [tilespmem:s6+$0x10]  }
.Ltmp11:
0x13f: {  	(pc) =	sbr.rel @p2 .LBB2_12-.Ltmp11, $2  }
0x140: {  	_ =	sdelay $0x2  }
0x141: {  	s6 =	sadd.s32 $0x40, s6;
	[tilespmem:s2+$0x0] =	vst v7  }
.LBB2_13:
0x142: {  	s2 =	sor.u32 $0x3, s13  }
0x143: {  	s4 =	smul.u32 s2, s3;
	_ =	sdelay $0x1  }
0x144: {  	s4 =	sshrl.u32 s4, $0x1  }
0x145: {  	s4 =	ssub.s32 s4, s20  }
0x146: {  	s6 =	sadd.s32 s12, s4  }
0x147: {  	v7 =	vld [tilespmem:s6+$0x0];
	_ =	sdelay $0x3  }
0x148: {  	vm0 =	vgt.u32 v3, s3  }
0x149: {  	s6 =	sor.u32 $0x12000, s17;
	v7 =	vsel vm0, $0x0, v7  }
0x14a: {  	s9 =	sadd.s32 s7, s4;
	[tilespmem:v2+s6+$0x0 ss:$0x1] =	vst.idx.msk $0xffff, v7  }
0x14b: {  	v7 =	vld [tilespmem:s9+$0x0];
	_ =	sdelay $0x3  }
0x14c: {  	vm13 =	vgt.u32 v4, s3  }
0x14d: {  	s16 =	sadd.s32 s19, s6;
	v7 =	vsel vm13, $0x0, v7  }
0x14e: {  	s18 =	sadd.s32 s14, s4;
	[tilespmem:s16+$0x0] =	vst v7  }
0x14f: {  	v7 =	vld [tilespmem:s18+$0x0];
	_ =	sdelay $0x3  }
0x150: {  	vm14 =	vgt.u32 v5, s3  }
0x151: {  	s24 =	sadd.s32 s31, s6;
	v7 =	vsel vm14, $0x0, v7  }
0x152: {  	s4 =	sadd.s32 s23, s4;
	[tilespmem:s24+$0x0] =	vst v7  }
0x153: {  	v7 =	vld [tilespmem:s4+$0x0];
	_ =	sdelay $0x3  }
0x154: {  	vm15 =	vgt.u32 v6, s3  }
0x155: {  	s3 =	simm.s32 @!p0 $0x6;
	s16 =	sadd.s32 s0, s6;
	v7 =	vsel vm15, $0x0, v7  }
.Ltmp12:
0x156: {  	s18 =	sadd.s32 s5, s29;
	s24 =	simm.s32 $0x12000;
	[tilespmem:s16+$0x0] =	vst v7;
	(pc) =	sbr.rel @p1 .LBB2_16-.Ltmp12, $4  }
0x157: {  	[hbm4b:s18+s8] =	stream.strided.scatter [tilespmem:s24], [sflag:$0x5], $0x1000, s10, s8, $0x38;
	[tilespmem:$0x18000] =	vst v63  }
0x158: {  	_ =	swait.ge @!p0 [sflag:s3], $0x1000  }
0x159: {  	[sflag:s3] =	ssyncset.done @!p0 $0x0  }
0x15a: {  	[sflag:s3] =	ssyncadd.s32 @!p0 $0xFFFFF000  }
0x15b: {  	s3 =	sld [smem:$0x7E4];
	_ =	sdelay $0x2  }
0x15c: {  	s6 =	sadd.s32 s1, s3  }
0x15d: {  	v7 =	vld [tilespmem:s6+$0xFFFFFFE0];
	_ =	sdelay $0x3  }
0x15e: {  	s3 =	simm.s32 $0x13030  }
0x15f: {  	[tilespmem:s3+$0xFFFFFFD0] =	vst v7  }
0x160: {  	v7 =	vld [tilespmem:s6+$0xFFFFFFF0];
	_ =	sdelay $0x4  }
0x161: {  	[tilespmem:s3+$0xFFFFFFE0] =	vst v7  }
0x162: {  	v7 =	vld [tilespmem:s6+$0x0];
	_ =	sdelay $0x4  }
0x163: {  	[tilespmem:s3+$0xFFFFFFF0] =	vst v7  }
0x164: {  	p2 =	sgt.u32 s26, $0x1;
	v7 =	vld [tilespmem:s6+$0x10]  }
.Ltmp13:
0x165: {  	_ = 	snop;
	(pc) =	sbr.rel @!p2 .LBB2_16-.Ltmp13, $2  }
0x166: {  	_ =	sdelay $0x2  }
0x167: {  	s4 =	simm.s32 $0x1;
	s6 =	sadd.s32 $0x40, s6;
	[tilespmem:s3+$0x0] =	vst v7  }
.LBB2_15:
0x168: {  	v7 =	vld [tilespmem:s6+$0xFFFFFFE0];
	s4 =	sadd.s32 $0x1, s4  }
0x169: {  	p2 =	slt.u32 s4, s26;
	_ =	sdelay $0x2  }
0x16a: {  	s3 =	sadd.s32 $0x40, s3  }
0x16b: {  	[tilespmem:s3+$0xFFFFFFD0] =	vst v7  }
0x16c: {  	v7 =	vld [tilespmem:s6+$0xFFFFFFF0];
	_ =	sdelay $0x4  }
0x16d: {  	[tilespmem:s3+$0xFFFFFFE0] =	vst v7  }
0x16e: {  	v7 =	vld [tilespmem:s6+$0x0];
	_ =	sdelay $0x4  }
0x16f: {  	[tilespmem:s3+$0xFFFFFFF0] =	vst v7  }
0x170: {  	v7 =	vld [tilespmem:s6+$0x10]  }
.Ltmp14:
0x171: {  	(pc) =	sbr.rel @p2 .LBB2_15-.Ltmp14, $2  }
0x172: {  	_ =	sdelay $0x2  }
0x173: {  	s6 =	sadd.s32 $0x40, s6;
	[tilespmem:s3+$0x0] =	vst v7  }
.LBB2_16:
0x174: {  	s3 =	sor.u32 $0x4, s13  }
0x175: {  	s4 =	smul.u32 s3, s2;
	_ =	sdelay $0x1  }
0x176: {  	s4 =	sshrl.u32 s4, $0x1  }
0x177: {  	s4 =	ssub.s32 s4, s20  }
0x178: {  	s6 =	sadd.s32 s12, s4  }
0x179: {  	v7 =	vld [tilespmem:s6+$0x0];
	_ =	sdelay $0x3  }
0x17a: {  	vm0 =	vgt.u32 v3, s2  }
0x17b: {  	s6 =	sor.u32 $0x13000, s17;
	v7 =	vsel vm0, $0x0, v7  }
0x17c: {  	s9 =	sadd.s32 s7, s4;
	[tilespmem:v2+s6+$0x0 ss:$0x1] =	vst.idx.msk $0xffff, v7  }
0x17d: {  	v7 =	vld [tilespmem:s9+$0x0];
	_ =	sdelay $0x3  }
0x17e: {  	vm13 =	vgt.u32 v4, s2  }
0x17f: {  	s16 =	sadd.s32 s19, s6;
	v7 =	vsel vm13, $0x0, v7  }
0x180: {  	s18 =	sadd.s32 s14, s4;
	[tilespmem:s16+$0x0] =	vst v7  }
0x181: {  	v7 =	vld [tilespmem:s18+$0x0];
	_ =	sdelay $0x3  }
0x182: {  	vm14 =	vgt.u32 v5, s2  }
0x183: {  	s24 =	sadd.s32 s31, s6;
	v7 =	vsel vm14, $0x0, v7  }
0x184: {  	s4 =	sadd.s32 s23, s4;
	[tilespmem:s24+$0x0] =	vst v7  }
0x185: {  	v7 =	vld [tilespmem:s4+$0x0];
	_ =	sdelay $0x3  }
0x186: {  	vm15 =	vgt.u32 v6, s2  }
0x187: {  	s2 =	simm.s32 @!p0 $0x7;
	s16 =	sadd.s32 s0, s6;
	v7 =	vsel vm15, $0x0, v7  }
.Ltmp15:
0x188: {  	s18 =	sadd.s32 s5, s30;
	s24 =	simm.s32 $0x13000;
	[tilespmem:s16+$0x0] =	vst v7;
	(pc) =	sbr.rel @p1 .LBB2_19-.Ltmp15, $4  }
0x189: {  	[hbm4b:s18+s8] =	stream.strided.scatter [tilespmem:s24], [sflag:$0x6], $0x1000, s10, s8, $0x38;
	[tilespmem:$0x18000] =	vst v63  }
0x18a: {  	_ =	swait.ge @!p0 [sflag:s2], $0x1000  }
0x18b: {  	[sflag:s2] =	ssyncset.done @!p0 $0x0  }
0x18c: {  	[sflag:s2] =	ssyncadd.s32 @!p0 $0xFFFFF000  }
0x18d: {  	s2 =	sld [smem:$0x7E2];
	_ =	sdelay $0x2  }
0x18e: {  	s6 =	sadd.s32 s1, s2  }
0x18f: {  	v7 =	vld [tilespmem:s6+$0xFFFFFFE0];
	_ =	sdelay $0x3  }
0x190: {  	s2 =	simm.s32 $0x14030  }
0x191: {  	[tilespmem:s2+$0xFFFFFFD0] =	vst v7  }
0x192: {  	v7 =	vld [tilespmem:s6+$0xFFFFFFF0];
	_ =	sdelay $0x4  }
0x193: {  	[tilespmem:s2+$0xFFFFFFE0] =	vst v7  }
0x194: {  	v7 =	vld [tilespmem:s6+$0x0];
	_ =	sdelay $0x4  }
0x195: {  	[tilespmem:s2+$0xFFFFFFF0] =	vst v7  }
0x196: {  	p2 =	sgt.u32 s26, $0x1;
	v7 =	vld [tilespmem:s6+$0x10]  }
.Ltmp16:
0x197: {  	_ = 	snop;
	(pc) =	sbr.rel @!p2 .LBB2_19-.Ltmp16, $2  }
0x198: {  	_ =	sdelay $0x2  }
0x199: {  	s4 =	simm.s32 $0x1;
	s6 =	sadd.s32 $0x40, s6;
	[tilespmem:s2+$0x0] =	vst v7  }
.LBB2_18:
0x19a: {  	v7 =	vld [tilespmem:s6+$0xFFFFFFE0];
	s4 =	sadd.s32 $0x1, s4  }
0x19b: {  	p2 =	slt.u32 s4, s26;
	_ =	sdelay $0x2  }
0x19c: {  	s2 =	sadd.s32 $0x40, s2  }
0x19d: {  	[tilespmem:s2+$0xFFFFFFD0] =	vst v7  }
0x19e: {  	v7 =	vld [tilespmem:s6+$0xFFFFFFF0];
	_ =	sdelay $0x4  }
0x19f: {  	[tilespmem:s2+$0xFFFFFFE0] =	vst v7  }
0x1a0: {  	v7 =	vld [tilespmem:s6+$0x0];
	_ =	sdelay $0x4  }
0x1a1: {  	[tilespmem:s2+$0xFFFFFFF0] =	vst v7  }
0x1a2: {  	v7 =	vld [tilespmem:s6+$0x10]  }
.Ltmp17:
0x1a3: {  	(pc) =	sbr.rel @p2 .LBB2_18-.Ltmp17, $2  }
0x1a4: {  	_ =	sdelay $0x2  }
0x1a5: {  	s6 =	sadd.s32 $0x40, s6;
	[tilespmem:s2+$0x0] =	vst v7  }
.LBB2_19:
0x1a6: {  	s2 =	sor.u32 $0x5, s13  }
0x1a7: {  	s4 =	smul.u32 s2, s3;
	_ =	sdelay $0x1  }
0x1a8: {  	s4 =	sshrl.u32 s4, $0x1  }
0x1a9: {  	s4 =	ssub.s32 s4, s20  }
0x1aa: {  	s6 =	sadd.s32 s12, s4  }
0x1ab: {  	v7 =	vld [tilespmem:s6+$0x0];
	_ =	sdelay $0x3  }
0x1ac: {  	vm0 =	vgt.u32 v3, s3  }
0x1ad: {  	s6 =	sor.u32 $0x14000, s17;
	v7 =	vsel vm0, $0x0, v7  }
0x1ae: {  	s9 =	sadd.s32 s7, s4;
	[tilespmem:v2+s6+$0x0 ss:$0x1] =	vst.idx.msk $0xffff, v7  }
0x1af: {  	v7 =	vld [tilespmem:s9+$0x0];
	_ =	sdelay $0x3  }
0x1b0: {  	vm13 =	vgt.u32 v4, s3  }
0x1b1: {  	s16 =	sadd.s32 s19, s6;
	v7 =	vsel vm13, $0x0, v7  }
0x1b2: {  	s18 =	sadd.s32 s14, s4;
	[tilespmem:s16+$0x0] =	vst v7  }
0x1b3: {  	v7 =	vld [tilespmem:s18+$0x0];
	_ =	sdelay $0x3  }
0x1b4: {  	vm14 =	vgt.u32 v5, s3  }
0x1b5: {  	s24 =	sadd.s32 s31, s6;
	v7 =	vsel vm14, $0x0, v7  }
0x1b6: {  	s4 =	sadd.s32 s23, s4;
	[tilespmem:s24+$0x0] =	vst v7  }
0x1b7: {  	v7 =	vld [tilespmem:s4+$0x0];
	_ =	sdelay $0x3  }
0x1b8: {  	vm15 =	vgt.u32 v6, s3  }
0x1b9: {  	s3 =	simm.s32 @!p0 $0x8;
	s16 =	sadd.s32 s0, s6;
	v7 =	vsel vm15, $0x0, v7  }
.Ltmp18:
0x1ba: {  	s18 =	sadd.s32 s5, s22;
	s24 =	simm.s32 $0x14000;
	[tilespmem:s16+$0x0] =	vst v7;
	(pc) =	sbr.rel @p1 .LBB2_22-.Ltmp18, $4  }
0x1bb: {  	[hbm4b:s18+s8] =	stream.strided.scatter [tilespmem:s24], [sflag:$0x7], $0x1000, s10, s8, $0x38;
	[tilespmem:$0x18000] =	vst v63  }
0x1bc: {  	_ =	swait.ge @!p0 [sflag:s3], $0x1000  }
0x1bd: {  	[sflag:s3] =	ssyncset.done @!p0 $0x0  }
0x1be: {  	[sflag:s3] =	ssyncadd.s32 @!p0 $0xFFFFF000  }
0x1bf: {  	s3 =	sld [smem:$0x7E0];
	_ =	sdelay $0x2  }
0x1c0: {  	s3 =	sshll.u32 s3, $0x1  }
0x1c1: {  	s3 =	sand.u32 $0xFFFFFFFC, s3  }
0x1c2: {  	s3 =	ssub.s32 s3, s11  }
0x1c3: {  	s3 =	sshra.s32 s3, $0x2  }
0x1c4: {  	s6 =	sadd.s32 $0x20, s3  }
0x1c5: {  	v7 =	vld [tilespmem:s6+$0xFFFFFFE0];
	_ =	sdelay $0x3  }
0x1c6: {  	s3 =	simm.s32 $0x15030  }
0x1c7: {  	[tilespmem:s3+$0xFFFFFFD0] =	vst v7  }
0x1c8: {  	v7 =	vld [tilespmem:s6+$0xFFFFFFF0];
	_ =	sdelay $0x4  }
0x1c9: {  	[tilespmem:s3+$0xFFFFFFE0] =	vst v7  }
0x1ca: {  	v7 =	vld [tilespmem:s6+$0x0];
	_ =	sdelay $0x4  }
0x1cb: {  	[tilespmem:s3+$0xFFFFFFF0] =	vst v7  }
0x1cc: {  	p2 =	sgt.u32 s26, $0x1;
	v7 =	vld [tilespmem:s6+$0x10]  }
.Ltmp19:
0x1cd: {  	_ = 	snop;
	(pc) =	sbr.rel @!p2 .LBB2_22-.Ltmp19, $2  }
0x1ce: {  	_ =	sdelay $0x2  }
0x1cf: {  	s4 =	simm.s32 $0x1;
	s6 =	sadd.s32 $0x40, s6;
	[tilespmem:s3+$0x0] =	vst v7  }
.LBB2_21:
0x1d0: {  	v7 =	vld [tilespmem:s6+$0xFFFFFFE0];
	s4 =	sadd.s32 $0x1, s4  }
0x1d1: {  	p2 =	slt.u32 s4, s26;
	_ =	sdelay $0x2  }
0x1d2: {  	s3 =	sadd.s32 $0x40, s3  }
0x1d3: {  	[tilespmem:s3+$0xFFFFFFD0] =	vst v7  }
0x1d4: {  	v7 =	vld [tilespmem:s6+$0xFFFFFFF0];
	_ =	sdelay $0x4  }
0x1d5: {  	[tilespmem:s3+$0xFFFFFFE0] =	vst v7  }
0x1d6: {  	v7 =	vld [tilespmem:s6+$0x0];
	_ =	sdelay $0x4  }
0x1d7: {  	[tilespmem:s3+$0xFFFFFFF0] =	vst v7  }
0x1d8: {  	v7 =	vld [tilespmem:s6+$0x10]  }
.Ltmp20:
0x1d9: {  	(pc) =	sbr.rel @p2 .LBB2_21-.Ltmp20, $2  }
0x1da: {  	_ =	sdelay $0x2  }
0x1db: {  	s6 =	sadd.s32 $0x40, s6;
	[tilespmem:s3+$0x0] =	vst v7  }
.LBB2_22:
0x1dc: {  	s3 =	sor.u32 $0x6, s13  }
0x1dd: {  	s4 =	smul.u32 s3, s2;
	_ =	sdelay $0x1  }
0x1de: {  	s4 =	sshrl.u32 s4, $0x1  }
0x1df: {  	s4 =	ssub.s32 s4, s20  }
0x1e0: {  	s6 =	sadd.s32 s12, s4  }
0x1e1: {  	v7 =	vld [tilespmem:s6+$0x0];
	_ =	sdelay $0x3  }
0x1e2: {  	vm0 =	vgt.u32 v3, s2  }
0x1e3: {  	s6 =	sor.u32 $0x15000, s17;
	v7 =	vsel vm0, $0x0, v7  }
0x1e4: {  	s9 =	sadd.s32 s7, s4;
	[tilespmem:v2+s6+$0x0 ss:$0x1] =	vst.idx.msk $0xffff, v7  }
0x1e5: {  	v7 =	vld [tilespmem:s9+$0x0];
	_ =	sdelay $0x3  }
0x1e6: {  	vm13 =	vgt.u32 v4, s2  }
0x1e7: {  	s16 =	sadd.s32 s19, s6;
	v7 =	vsel vm13, $0x0, v7  }
0x1e8: {  	s18 =	sadd.s32 s14, s4;
	[tilespmem:s16+$0x0] =	vst v7  }
0x1e9: {  	v7 =	vld [tilespmem:s18+$0x0];
	_ =	sdelay $0x3  }
0x1ea: {  	vm14 =	vgt.u32 v5, s2  }
0x1eb: {  	s24 =	sadd.s32 s31, s6;
	v7 =	vsel vm14, $0x0, v7  }
0x1ec: {  	s4 =	sadd.s32 s23, s4;
	[tilespmem:s24+$0x0] =	vst v7  }
0x1ed: {  	v7 =	vld [tilespmem:s4+$0x0];
	_ =	sdelay $0x3  }
0x1ee: {  	vm15 =	vgt.u32 v6, s2  }
0x1ef: {  	s2 =	simm.s32 @!p0 $0x9;
	s16 =	sadd.s32 s0, s6;
	v7 =	vsel vm15, $0x0, v7  }
.Ltmp21:
0x1f0: {  	s18 =	sadd.s32 s5, s25;
	s24 =	simm.s32 $0x15000;
	[tilespmem:s16+$0x0] =	vst v7;
	(pc) =	sbr.rel @p1 .LBB2_25-.Ltmp21, $4  }
0x1f1: {  	[hbm4b:s18+s8] =	stream.strided.scatter [tilespmem:s24], [sflag:$0x8], $0x1000, s10, s8, $0x38;
	[tilespmem:$0x18000] =	vst v63  }
0x1f2: {  	_ =	swait.ge @!p0 [sflag:s2], $0x1000  }
0x1f3: {  	[sflag:s2] =	ssyncset.done @!p0 $0x0  }
0x1f4: {  	[sflag:s2] =	ssyncadd.s32 @!p0 $0xFFFFF000  }
0x1f5: {  	s2 =	sld [smem:$0x7DE];
	_ =	sdelay $0x2  }
0x1f6: {  	s2 =	sshll.u32 s2, $0x1  }
0x1f7: {  	s2 =	sand.u32 $0xFFFFFFFC, s2  }
0x1f8: {  	s2 =	ssub.s32 s2, s11  }
0x1f9: {  	s2 =	sshra.s32 s2, $0x2  }
0x1fa: {  	s6 =	sadd.s32 $0x20, s2  }
0x1fb: {  	v7 =	vld [tilespmem:s6+$0xFFFFFFE0];
	_ =	sdelay $0x3  }
0x1fc: {  	s2 =	simm.s32 $0x16030  }
0x1fd: {  	[tilespmem:s2+$0xFFFFFFD0] =	vst v7  }
0x1fe: {  	v7 =	vld [tilespmem:s6+$0xFFFFFFF0];
	_ =	sdelay $0x4  }
0x1ff: {  	[tilespmem:s2+$0xFFFFFFE0] =	vst v7  }
0x200: {  	v7 =	vld [tilespmem:s6+$0x0];
	_ =	sdelay $0x4  }
0x201: {  	[tilespmem:s2+$0xFFFFFFF0] =	vst v7  }
0x202: {  	p1 =	sgt.u32 s26, $0x1;
	v7 =	vld [tilespmem:s6+$0x10]  }
.Ltmp22:
0x203: {  	_ = 	snop;
	(pc) =	sbr.rel @!p1 .LBB2_25-.Ltmp22, $2  }
0x204: {  	_ =	sdelay $0x2  }
0x205: {  	s4 =	simm.s32 $0x1;
	s6 =	sadd.s32 $0x40, s6;
	[tilespmem:s2+$0x0] =	vst v7  }
.LBB2_24:
0x206: {  	v7 =	vld [tilespmem:s6+$0xFFFFFFE0];
	s4 =	sadd.s32 $0x1, s4  }
0x207: {  	p1 =	slt.u32 s4, s26;
	_ =	sdelay $0x2  }
0x208: {  	s2 =	sadd.s32 $0x40, s2  }
0x209: {  	[tilespmem:s2+$0xFFFFFFD0] =	vst v7  }
0x20a: {  	v7 =	vld [tilespmem:s6+$0xFFFFFFF0];
	_ =	sdelay $0x4  }
0x20b: {  	[tilespmem:s2+$0xFFFFFFE0] =	vst v7  }
0x20c: {  	v7 =	vld [tilespmem:s6+$0x0];
	_ =	sdelay $0x4  }
0x20d: {  	[tilespmem:s2+$0xFFFFFFF0] =	vst v7  }
0x20e: {  	v7 =	vld [tilespmem:s6+$0x10]  }
.Ltmp23:
0x20f: {  	(pc) =	sbr.rel @p1 .LBB2_24-.Ltmp23, $2  }
0x210: {  	_ =	sdelay $0x2  }
0x211: {  	s6 =	sadd.s32 $0x40, s6;
	[tilespmem:s2+$0x0] =	vst v7  }
.LBB2_25:
0x212: {  	s2 =	sor.u32 $0x7, s13  }
0x213: {  	s4 =	smul.u32 s2, s3;
	_ =	sdelay $0x1  }
0x214: {  	s4 =	sshrl.u32 s4, $0x1  }
0x215: {  	s4 =	ssub.s32 s4, s20  }
0x216: {  	s6 =	sadd.s32 s12, s4  }
0x217: {  	v7 =	vld [tilespmem:s6+$0x0];
	_ =	sdelay $0x3  }
0x218: {  	vm0 =	vgt.u32 v3, s3  }
0x219: {  	s18 =	sor.u32 $0x16000, s17;
	v3 =	vsel vm0, $0x0, v7  }
0x21a: {  	s7 =	sadd.s32 s7, s4;
	[tilespmem:v2+s18+$0x0 ss:$0x1] =	vst.idx.msk $0xffff, v3  }
0x21b: {  	v3 =	vld [tilespmem:s7+$0x0];
	_ =	sdelay $0x3  }
0x21c: {  	vm13 =	vgt.u32 v4, s3  }
0x21d: {  	s19 =	sadd.s32 s19, s18;
	v3 =	vsel vm13, $0x0, v3  }
0x21e: {  	s24 =	sadd.s32 s14, s4;
	[tilespmem:s19+$0x0] =	vst v3  }
0x21f: {  	v3 =	vld [tilespmem:s24+$0x0];
	_ =	sdelay $0x3  }
0x220: {  	vm14 =	vgt.u32 v5, s3  }
0x221: {  	s26 =	sadd.s32 s31, s18;
	v3 =	vsel vm14, $0x0, v3  }
0x222: {  	s4 =	sadd.s32 s23, s4;
	[tilespmem:s26+$0x0] =	vst v3  }
0x223: {  	v3 =	vld [tilespmem:s4+$0x0];
	_ =	sdelay $0x3  }
0x224: {  	vm15 =	vgt.u32 v6, s3  }
0x225: {  	s0 =	sadd.s32 s0, s18;
	v3 =	vsel vm15, $0x0, v3  }
0x226: {  	[tilespmem:s0+$0x0] =	vst v3;
	s0 =	sadd.s32 $0x8, s13  }
0x227: {  	s3 =	sshrl.u32 s0, $0x6  }
0x228: {  	s28 =	sadd.s32 s5, s28;
	p1 =	seq.s32 s3, $0x0  }
.Ltmp24:
0x229: {  	s31 =	simm.s32 $0x16000;
	s4 =	simm.s32 @!p0 $0xA;
	(pc) =	sbr.rel @p1 .LBB2_28-.Ltmp24, $4  }
0x22a: {  	[hbm4b:s28+s8] =	stream.strided.scatter [tilespmem:s31], [sflag:$0x9], $0x1000, s10, s8, $0x38;
	[tilespmem:$0x18000] =	vst v63  }
0x22b: {  	_ =	swait.ge @!p0 [sflag:s4], $0x1000  }
0x22c: {  	[sflag:s4] =	ssyncset.done @!p0 $0x0  }
0x22d: {  	[sflag:s4] =	ssyncadd.s32 @!p0 $0xFFFFF000  }
0x22e: {  	s4 =	sld [smem:$0x7DC];
	_ =	sdelay $0x2  }
0x22f: {  	s6 =	sadd.s32 s1, s4  }
0x230: {  	v3 =	vld [tilespmem:s6+$0xFFFFFFE0];
	_ =	sdelay $0x3  }
0x231: {  	s1 =	simm.s32 $0x17030  }
0x232: {  	[tilespmem:s1+$0xFFFFFFD0] =	vst v3  }
0x233: {  	v3 =	vld [tilespmem:s6+$0xFFFFFFF0];
	_ =	sdelay $0x4  }
0x234: {  	[tilespmem:s1+$0xFFFFFFE0] =	vst v3  }
0x235: {  	v3 =	vld [tilespmem:s6+$0x0];
	_ =	sdelay $0x4  }
0x236: {  	[tilespmem:s1+$0xFFFFFFF0] =	vst v3  }
0x237: {  	p0 =	sgt.u32 s3, $0x1;
	v3 =	vld [tilespmem:s6+$0x10]  }
.Ltmp25:
0x238: {  	_ = 	snop;
	(pc) =	sbr.rel @!p0 .LBB2_28-.Ltmp25, $2  }
0x239: {  	_ =	sdelay $0x2  }
0x23a: {  	s4 =	simm.s32 $0x1;
	s6 =	sadd.s32 $0x40, s6;
	[tilespmem:s1+$0x0] =	vst v3  }
.LBB2_27:
0x23b: {  	v3 =	vld [tilespmem:s6+$0xFFFFFFE0];
	s4 =	sadd.s32 $0x1, s4  }
0x23c: {  	p0 =	slt.u32 s4, s3;
	_ =	sdelay $0x2  }
0x23d: {  	s1 =	sadd.s32 $0x40, s1  }
0x23e: {  	[tilespmem:s1+$0xFFFFFFD0] =	vst v3  }
0x23f: {  	v3 =	vld [tilespmem:s6+$0xFFFFFFF0];
	_ =	sdelay $0x4  }
0x240: {  	[tilespmem:s1+$0xFFFFFFE0] =	vst v3  }
0x241: {  	v3 =	vld [tilespmem:s6+$0x0];
	_ =	sdelay $0x4  }
0x242: {  	[tilespmem:s1+$0xFFFFFFF0] =	vst v3  }
0x243: {  	v3 =	vld [tilespmem:s6+$0x10]  }
.Ltmp26:
0x244: {  	(pc) =	sbr.rel @p0 .LBB2_27-.Ltmp26, $2  }
0x245: {  	_ =	sdelay $0x2  }
0x246: {  	s6 =	sadd.s32 $0x40, s6;
	[tilespmem:s1+$0x0] =	vst v3  }
.LBB2_28:
0x247: {  	s1 =	smul.u32 s0, s2  }
0x248: {  	s3 =	sand.u32 $0x38, s0  }
0x249: {  	p1 =	seq.s32 s3, $0x0;
	s1 =	sshrl.u32 s1, $0x1  }
0x24a: {  	s3 =	sand.u32 @!p1 $0xFC0, s0;
	s1 =	ssub.s32 s1, s20  }
0x24b: {  	s4 =	sadd.s32 @!p1 s3, s1  }
0x24c: {  	v3 =	vld @!p1 [tilespmem:s4+$0x0];
	_ =	sdelay $0x1  }
0x24d: {  	v4 =	vlaneseq.u32 @!p1  }
0x24e: {  	v5 =	vor.u32 @!p1 s3, v4  }
0x24f: {  	vm0 =	vgt.u32 @!p1 v5, s2  }
0x250: {  	s4 =	sor.u32 @!p1 $0x10, s3;
	v3 =	vsel @!p1 vm0, $0x0, v3  }
0x251: {  	s6 =	sadd.s32 @!p1 s4, s1;
	[tilespmem:s3+$0x17000] =	vst @!p1 v3  }
0x252: {  	v3 =	vld @!p1 [tilespmem:s6+$0x0];
	_ =	sdelay $0x2  }
0x253: {  	s0 =	sand.u32 @!p1 $0xF80, s0;
	v5 =	vor.u32 @!p1 s4, v4  }
0x254: {  	s0 =	sor.u32 @!p1 $0x17000, s0;
	s4 =	sand.u32 @!p1 $0x50, s4;
	vm0 =	vgt.u32 @!p1 v5, s2  }
0x255: {  	s4 =	sor.u32 @!p1 s4, s0;
	s6 =	sor.u32 @!p1 $0x20, s3;
	v3 =	vsel @!p1 vm0, $0x0, v3  }
0x256: {  	[tilespmem:s4+$0x0] =	vst @!p1 v3;
	s4 =	sadd.s32 @!p1 s6, s1  }
0x257: {  	v3 =	vld @!p1 [tilespmem:s4+$0x0];
	_ =	sdelay $0x2  }
0x258: {  	v5 =	vor.u32 @!p1 s6, v4  }
0x259: {  	vm0 =	vgt.u32 @!p1 v5, s2;
	s4 =	sand.u32 @!p1 $0x60, s6  }
0x25a: {  	s3 =	sor.u32 @!p1 $0x30, s3;
	s4 =	sor.u32 @!p1 s4, s0;
	v3 =	vsel @!p1 vm0, $0x0, v3  }
0x25b: {  	s1 =	sadd.s32 @!p1 s3, s1;
	[tilespmem:s4+$0x0] =	vst @!p1 v3  }
0x25c: {  	v4 =	vor.u32 @!p1 s3, v4;
	v3 =	vld @!p1 [tilespmem:s1+$0x0]  }
0x25d: {  	vm0 =	vgt.u32 @!p1 v4, s2;
	s2 =	sld [smem:$0x7F7];
	_ =	sdelay $0x1  }
0x25e: {  	p0 =	seq.s32 s21, $0x7;
	s17 =	sld [smem:$0x7FA]  }
0x25f: {  	s1 =	sand.u32 @!p1 $0x70, s3;
	s2 =	sadd.s32 @!p0 s2, s15  }
0x260: {  	s0 =	sor.u32 @!p1 s1, s0;
	s1 =	sor.u32 @!p0 $0x1, s2;
	v3 =	vsel @!p1 vm0, $0x0, v3  }
0x261: {  	s19 =	simm.s32 $0x17000;
	s1 =	smul.u32 @!p0 s2, s1;
	[tilespmem:s0+$0x0] =	vst @!p1 v3;
	s0 =	sadd.s32 s5, s17  }
0x262: {  	[hbm4b:s0+s8] =	stream.strided.scatter [tilespmem:s19], [sflag:$0xA], $0x1000, s10, s8, $0x38;
	[tilespmem:$0x18000] =	vst v63  }
0x263: {  	s0 =	sshrl.u32 @!p0 s1, $0x1  }
0x264: {  	s0 =	sand.u32 @!p0 $0x3FFFFFF0, s0  }
0x265: {  	s24 =	smov.u32 s25;
	[smem:$0x7C7] =	sst s21;
	s0 =	smin.u32 @!p0 s0, $0x7F8800  }
0x266: {  	s25 =	simm.s32 $0x2;
	s2 =	rddreg [dreg:$0x0];
	s0 =	sshrl.u32 @!p0 s0, $0x3  }
0x267: {  	s20 =	sld [smem:$0x7CA];
	s0 =	sadd.s32 @!p0 s2, s0;
	s2 =	simm.s32 @!p0 $0x0  }
0x268: {  	[tilespmem:s2], [sflag:$0x1] =	stream.linear.gather @!p0 [hbm4b:s0+s2], $0x8000, $0x38;
	[tilespmem:$0x18000] =	vst v63  }
0x269: {  	_ =	swait.ge [sflag:s25], $0x8000  }
0x26a: {  	s1 =	sshrl.u32 s20, $0x1;
	[sflag:s25] =	ssyncset.done $0x0  }
0x26b: {  	s26 =	simm.s32 $0x3;
	s23 =	sand.u32 $0x3FFFFFF0, s1;
	[sflag:s25] =	ssyncadd.s32 $0xFFFF8000  }
0x26c: {  	s0 =	smin.u32 s23, $0x7F8800;
	_ =	swait.ge [sflag:s26], $0x1000  }
0x26d: {  	s4 =	sshll.u32 s0, $0x2;
	s2 =	sld [smem:$0x7DA]  }
0x26e: {  	s0 =	ssub.s32 $0x0, s4  }
0x26f: {  	s31 =	sshra.s32 s0, $0x2;
	[sflag:s26] =	ssyncset.done $0x0  }
0x270: {  	[sflag:s26] =	ssyncadd.s32 $0xFFFFF000;
	s9 =	sadd.s32 s31, s2  }
0x271: {  	v3 =	vld [tilespmem:s9+$0xFFFFFFD0];
	_ =	sdelay $0x3  }
0x272: {  	s7 =	simm.s32 $0x10020  }
0x273: {  	[tilespmem:s7+$0xFFFFFFE0] =	vst v3  }
0x274: {  	v3 =	vld [tilespmem:s9+$0xFFFFFFE0]  }
0x275: {  	s6 =	sld [smem:$0x7CF]  }
0x276: {  	s16 =	smov.u32 s22  }
0x277: {  	s22 =	smov.u32 s30;
	s18 =	smov.u32 s29;
	s3 =	sld [smem:$0x7CD]  }
0x278: {  	s21 =	smov.u32 s15;
	s14 =	sld [smem:$0x7D5];
	s1 =	sshll.u32 s6, $0x1  }
0x279: {  	s30 =	sor.u32 $0x101, s13;
	s12 =	sld [smem:$0x7CB];
	s1 =	sand.u32 $0xFFFFFFFC, s1;
	[tilespmem:s7+$0xFFFFFFF0] =	vst v3  }
0x27a: {  	s20 =	sld [smem:$0x7D7];
	s0 =	sshll.u32 s3, $0x1;
	s1 =	ssub.s32 s1, s4;
	v3 =	vld [tilespmem:s9+$0xFFFFFFF0]  }
0x27b: {  	s15 =	sshll.u32 s14, $0x1;
	s3 =	sor.u32 $0x100, s13;
	s11 =	sshra.s32 s1, $0x2  }
0x27c: {  	s0 =	sand.u32 $0xFFFFFFFC, s0;
	s2 =	sadd.s32 $0x8020, s11;
	s11 =	sld [smem:$0x7D1]  }
0x27d: {  	s6 =	sand.u32 $0xFFFFFFFC, s15;
	s17 =	smul.u32 s30, s3;
	s0 =	ssub.s32 s0, s4  }
0x27e: {  	s19 =	ssub.s32 s6, s4;
	s6 =	sshll.u32 s20, $0x1;
	s0 =	sshra.s32 s0, $0x2  }
0x27f: {  	s1 =	sadd.s32 s31, s12;
	s25 =	sadd.s32 s31, s11;
	s11 =	sshrl.u32 s3, $0x6;
	[tilespmem:s7+$0x0] =	vst v3  }
0x280: {  	s12 =	sld [smem:$0x7D3];
	s5 =	sshra.s32 s19, $0x2;
	p1 =	sgt.u32 s11, $0x1;
	v3 =	vld [tilespmem:s9+$0x0]  }
.Ltmp27:
0x281: {  	s6 =	sand.u32 $0xFFFFFFFC, s6;
	s23 =	sshrl.u32 s17, $0x1;
	(pc) =	sbr.rel @!p1 .LBB2_30-.Ltmp27, $4  }
0x282: {  	s0 =	sadd.s32 $0x8020, s0;
	s4 =	ssub.s32 s6, s4;
	s26 =	sand.u32 $0x3FFFFFF0, s23  }
0x283: {  	s29 =	sadd.s32 $0x8020, s5;
	s4 =	sshra.s32 s4, $0x2;
	s5 =	smin.u32 s26, $0x7F8800  }
0x284: {  	s28 =	sadd.s32 s31, s12;
	s6 =	sadd.s32 $0x8020, s4;
	s31 =	ssub.s32 s23, s5  }
0x285: {  	s4 =	simm.s32 $0x1;
	s20 =	sadd.s32 $0x8000, s31;
	s9 =	sadd.s32 $0x40, s9;
	[tilespmem:s7+$0x10] =	vst v3  }
.LBB2_29:
0x286: {  	v3 =	vld [tilespmem:s9+$0xFFFFFFD0];
	s4 =	sadd.s32 $0x1, s4  }
0x287: {  	p1 =	slt.u32 s4, s11;
	_ =	sdelay $0x2  }
0x288: {  	s7 =	sadd.s32 $0x40, s7  }
0x289: {  	[tilespmem:s7+$0xFFFFFFE0] =	vst v3  }
0x28a: {  	v3 =	vld [tilespmem:s9+$0xFFFFFFE0];
	_ =	sdelay $0x4  }
0x28b: {  	[tilespmem:s7+$0xFFFFFFF0] =	vst v3  }
0x28c: {  	v3 =	vld [tilespmem:s9+$0xFFFFFFF0];
	_ =	sdelay $0x4  }
0x28d: {  	[tilespmem:s7+$0x0] =	vst v3  }
0x28e: {  	v3 =	vld [tilespmem:s9+$0x0]  }
.Ltmp28:
0x28f: {  	(pc) =	sbr.rel @p1 .LBB2_29-.Ltmp28, $2  }
0x290: {  	_ =	sdelay $0x2  }
0x291: {  	s9 =	sadd.s32 $0x40, s9;
	[tilespmem:s7+$0x10] =	vst v3  }
.LBB2_30:
0x292: {  	s7 =	sand.u32 $0xFC0, s3  }
0x293: {  	s4 =	sadd.s32 s7, s20  }
0x294: {  	v4 =	vld [tilespmem:s4+$0x0];
	_ =	sdelay $0x2  }
0x295: {  	s12 =	sand.u32 $0xF80, s3;
	v3 =	vor.u32 s7, v1  }
0x296: {  	s9 =	rddreg [dreg:$0x10];
	vm0 =	vgt.u32 v3, s3;
	s4 =	sor.u32 $0x10000, s12  }
0x297: {  	s14 =	sor.u32 $0x10, s7;
	s9 =	sor.u32 s9, s4;
	v4 =	vsel vm0, $0x0, v4  }
0x298: {  	s19 =	sadd.s32 s14, s20;
	[tilespmem:s9+$0x0] =	vst v4  }
0x299: {  	v5 =	vld [tilespmem:s19+$0x0];
	_ =	sdelay $0x2  }
0x29a: {  	v4 =	vor.u32 s14, v1  }
0x29b: {  	s17 =	sand.u32 $0x50, s14;
	vm13 =	vgt.u32 v4, s3  }
0x29c: {  	s23 =	sor.u32 s17, s4;
	s19 =	sor.u32 $0x20, s7;
	v5 =	vsel vm13, $0x0, v5  }
0x29d: {  	s26 =	sadd.s32 s19, s20;
	[tilespmem:s23+$0x0] =	vst v5  }
0x29e: {  	v6 =	vld [tilespmem:s26+$0x0];
	_ =	sdelay $0x2  }
0x29f: {  	v5 =	vor.u32 s19, v1  }
0x2a0: {  	s23 =	sand.u32 $0x60, s19;
	vm14 =	vgt.u32 v5, s3  }
0x2a1: {  	s15 =	sor.u32 s23, s4;
	s26 =	sor.u32 $0x30, s7;
	v6 =	vsel vm14, $0x0, v6  }
0x2a2: {  	[tilespmem:s15+$0x0] =	vst v6;
	s15 =	sadd.s32 s26, s20  }
0x2a3: {  	v7 =	vld [tilespmem:s15+$0x0];
	_ =	sdelay $0x2  }
0x2a4: {  	v6 =	vor.u32 s26, v1  }
0x2a5: {  	s31 =	sand.u32 $0x70, s26;
	s20 =	sshll.u32 s3, $0x9;
	vm15 =	vgt.u32 v6, s3  }
0x2a6: {  	s9 =	rddreg [dreg:$0x1];
	s4 =	sor.u32 s31, s4;
	s20 =	sand.u32 $0x1FFFF000, s20;
	v7 =	vsel vm15, $0x0, v7  }
0x2a7: {  	s15 =	simm.s32 $0x10000;
	s3 =	sadd.s32 s9, s20;
	s9 =	simm.s32 $0x4;
	[tilespmem:s4+$0x0] =	vst v7  }
0x2a8: {  	[hbm4b:s3+s8] =	stream.strided.scatter [tilespmem:s15], [sflag:$0x3], $0x1000, s10, s8, $0x38;
	[tilespmem:$0x18000] =	vst v63  }
0x2a9: {  	_ =	swait.ge [sflag:s9], $0x1000  }
0x2aa: {  	[sflag:s9] =	ssyncset.done $0x0  }
0x2ab: {  	[sflag:s9] =	ssyncadd.s32 $0xFFFFF000  }
0x2ac: {  	v7 =	vld [tilespmem:s6+$0xFFFFFFE0];
	_ =	sdelay $0x3  }
0x2ad: {  	s4 =	simm.s32 $0x11030  }
0x2ae: {  	[tilespmem:s4+$0xFFFFFFD0] =	vst v7  }
0x2af: {  	v7 =	vld [tilespmem:s6+$0xFFFFFFF0];
	_ =	sdelay $0x4  }
0x2b0: {  	[tilespmem:s4+$0xFFFFFFE0] =	vst v7  }
0x2b1: {  	v7 =	vld [tilespmem:s6+$0x0];
	_ =	sdelay $0x4  }
0x2b2: {  	s3 =	sor.u32 $0x102, s13;
	[tilespmem:s4+$0xFFFFFFF0] =	vst v7  }
0x2b3: {  	p1 =	sgt.u32 s11, $0x1;
	s15 =	smul.u32 s3, s30;
	v7 =	vld [tilespmem:s6+$0x10]  }
.Ltmp29:
0x2b4: {  	_ = 	snop;
	(pc) =	sbr.rel @!p1 .LBB2_32-.Ltmp29, $4  }
0x2b5: {  	_ = 	snop  }
0x2b6: {  	s9 =	sshrl.u32 s15, $0x1  }
0x2b7: {  	s9 =	ssub.s32 s9, s5  }
0x2b8: {  	s15 =	sadd.s32 $0x8000, s9;
	s9 =	simm.s32 $0x1;
	s6 =	sadd.s32 $0x40, s6;
	[tilespmem:s4+$0x0] =	vst v7  }
.LBB2_31:
0x2b9: {  	v7 =	vld [tilespmem:s6+$0xFFFFFFE0];
	s9 =	sadd.s32 $0x1, s9  }
0x2ba: {  	p1 =	slt.u32 s9, s11;
	_ =	sdelay $0x2  }
0x2bb: {  	s4 =	sadd.s32 $0x40, s4  }
0x2bc: {  	[tilespmem:s4+$0xFFFFFFD0] =	vst v7  }
0x2bd: {  	v7 =	vld [tilespmem:s6+$0xFFFFFFF0];
	_ =	sdelay $0x4  }
0x2be: {  	[tilespmem:s4+$0xFFFFFFE0] =	vst v7  }
0x2bf: {  	v7 =	vld [tilespmem:s6+$0x0];
	_ =	sdelay $0x4  }
0x2c0: {  	[tilespmem:s4+$0xFFFFFFF0] =	vst v7  }
0x2c1: {  	v7 =	vld [tilespmem:s6+$0x10]  }
.Ltmp30:
0x2c2: {  	(pc) =	sbr.rel @p1 .LBB2_31-.Ltmp30, $2  }
0x2c3: {  	_ =	sdelay $0x2  }
0x2c4: {  	s6 =	sadd.s32 $0x40, s6;
	[tilespmem:s4+$0x0] =	vst v7  }
.LBB2_32:
0x2c5: {  	s4 =	sadd.s32 s7, s15  }
0x2c6: {  	v7 =	vld [tilespmem:s4+$0x0];
	_ =	sdelay $0x3  }
0x2c7: {  	vm0 =	vgt.u32 v3, s30  }
0x2c8: {  	s4 =	sor.u32 $0x11000, s12;
	v7 =	vsel vm0, $0x0, v7  }
0x2c9: {  	s6 =	sadd.s32 s14, s15;
	[tilespmem:v2+s4+$0x0 ss:$0x1] =	vst.idx.msk $0xffff, v7  }
0x2ca: {  	v7 =	vld [tilespmem:s6+$0x0];
	_ =	sdelay $0x3  }
0x2cb: {  	vm13 =	vgt.u32 v4, s30  }
0x2cc: {  	s9 =	sadd.s32 s17, s4;
	v7 =	vsel vm13, $0x0, v7  }
0x2cd: {  	[tilespmem:s9+$0x0] =	vst v7;
	s9 =	sadd.s32 s19, s15  }
0x2ce: {  	v7 =	vld [tilespmem:s9+$0x0];
	_ =	sdelay $0x3  }
0x2cf: {  	vm14 =	vgt.u32 v5, s30  }
0x2d0: {  	s9 =	sadd.s32 s23, s4;
	v7 =	vsel vm14, $0x0, v7  }
0x2d1: {  	s15 =	sadd.s32 s26, s15;
	[tilespmem:s9+$0x0] =	vst v7  }
0x2d2: {  	v7 =	vld [tilespmem:s15+$0x0];
	_ =	sdelay $0x2  }
0x2d3: {  	s9 =	sld [smem:$0x7F9]  }
0x2d4: {  	vm15 =	vgt.u32 v6, s30  }
0x2d5: {  	s4 =	sadd.s32 s31, s4;
	v7 =	vsel vm15, $0x0, v7  }
0x2d6: {  	s15 =	simm.s32 $0x11000;
	[tilespmem:s4+$0x0] =	vst v7;
	s4 =	sadd.s32 s20, s9;
	s9 =	simm.s32 $0x5  }
0x2d7: {  	[hbm4b:s4+s8] =	stream.strided.scatter [tilespmem:s15], [sflag:$0x4], $0x1000, s10, s8, $0x38;
	[tilespmem:$0x18000] =	vst v63  }
0x2d8: {  	_ =	swait.ge [sflag:s9], $0x1000  }
0x2d9: {  	[sflag:s9] =	ssyncset.done $0x0  }
0x2da: {  	[sflag:s9] =	ssyncadd.s32 $0xFFFFF000  }
0x2db: {  	v7 =	vld [tilespmem:s29+$0xFFFFFFE0];
	_ =	sdelay $0x3  }
0x2dc: {  	s4 =	simm.s32 $0x12030  }
0x2dd: {  	[tilespmem:s4+$0xFFFFFFD0] =	vst v7  }
0x2de: {  	v7 =	vld [tilespmem:s29+$0xFFFFFFF0];
	_ =	sdelay $0x4  }
0x2df: {  	[tilespmem:s4+$0xFFFFFFE0] =	vst v7  }
0x2e0: {  	v7 =	vld [tilespmem:s29+$0x0];
	_ =	sdelay $0x4  }
0x2e1: {  	s30 =	sor.u32 $0x103, s13;
	[tilespmem:s4+$0xFFFFFFF0] =	vst v7  }
0x2e2: {  	p1 =	sgt.u32 s11, $0x1;
	s15 =	smul.u32 s30, s3;
	v7 =	vld [tilespmem:s29+$0x10]  }
.Ltmp31:
0x2e3: {  	_ = 	snop;
	(pc) =	sbr.rel @!p1 .LBB2_34-.Ltmp31, $4  }
0x2e4: {  	_ = 	snop  }
0x2e5: {  	s6 =	sshrl.u32 s15, $0x1  }
0x2e6: {  	s6 =	ssub.s32 s6, s5  }
0x2e7: {  	s15 =	sadd.s32 $0x40, s29;
	s9 =	simm.s32 $0x1;
	s6 =	sadd.s32 $0x8000, s6;
	[tilespmem:s4+$0x0] =	vst v7  }
.LBB2_33:
0x2e8: {  	v7 =	vld [tilespmem:s15+$0xFFFFFFE0];
	s9 =	sadd.s32 $0x1, s9  }
0x2e9: {  	p1 =	slt.u32 s9, s11;
	_ =	sdelay $0x2  }
0x2ea: {  	s4 =	sadd.s32 $0x40, s4  }
0x2eb: {  	[tilespmem:s4+$0xFFFFFFD0] =	vst v7  }
0x2ec: {  	v7 =	vld [tilespmem:s15+$0xFFFFFFF0];
	_ =	sdelay $0x4  }
0x2ed: {  	[tilespmem:s4+$0xFFFFFFE0] =	vst v7  }
0x2ee: {  	v7 =	vld [tilespmem:s15+$0x0];
	_ =	sdelay $0x4  }
0x2ef: {  	[tilespmem:s4+$0xFFFFFFF0] =	vst v7  }
0x2f0: {  	v7 =	vld [tilespmem:s15+$0x10]  }
.Ltmp32:
0x2f1: {  	(pc) =	sbr.rel @p1 .LBB2_33-.Ltmp32, $2  }
0x2f2: {  	_ =	sdelay $0x2  }
0x2f3: {  	s15 =	sadd.s32 $0x40, s15;
	[tilespmem:s4+$0x0] =	vst v7  }
.LBB2_34:
0x2f4: {  	s4 =	sadd.s32 s7, s6  }
0x2f5: {  	v7 =	vld [tilespmem:s4+$0x0];
	_ =	sdelay $0x3  }
0x2f6: {  	vm0 =	vgt.u32 v3, s3  }
0x2f7: {  	s4 =	sor.u32 $0x12000, s12;
	v7 =	vsel vm0, $0x0, v7  }
0x2f8: {  	s9 =	sadd.s32 s14, s6;
	[tilespmem:v2+s4+$0x0 ss:$0x1] =	vst.idx.msk $0xffff, v7  }
0x2f9: {  	v7 =	vld [tilespmem:s9+$0x0];
	_ =	sdelay $0x3  }
0x2fa: {  	vm13 =	vgt.u32 v4, s3  }
0x2fb: {  	s15 =	sadd.s32 s17, s4;
	v7 =	vsel vm13, $0x0, v7  }
0x2fc: {  	[tilespmem:s15+$0x0] =	vst v7;
	s15 =	sadd.s32 s19, s6  }
0x2fd: {  	v7 =	vld [tilespmem:s15+$0x0];
	_ =	sdelay $0x3  }
0x2fe: {  	vm14 =	vgt.u32 v5, s3  }
0x2ff: {  	s15 =	sadd.s32 s23, s4;
	v7 =	vsel vm14, $0x0, v7  }
0x300: {  	[tilespmem:s15+$0x0] =	vst v7;
	s15 =	sadd.s32 s26, s6  }
0x301: {  	v7 =	vld [tilespmem:s15+$0x0];
	_ =	sdelay $0x3  }
0x302: {  	vm15 =	vgt.u32 v6, s3  }
0x303: {  	s4 =	sadd.s32 s31, s4;
	v7 =	vsel vm15, $0x0, v7  }
0x304: {  	s9 =	simm.s32 $0x12000;
	s6 =	sadd.s32 s20, s18;
	s15 =	simm.s32 $0x6;
	[tilespmem:s4+$0x0] =	vst v7  }
0x305: {  	[hbm4b:s6+s8] =	stream.strided.scatter [tilespmem:s9], [sflag:$0x5], $0x1000, s10, s8, $0x38;
	[tilespmem:$0x18000] =	vst v63  }
0x306: {  	_ =	swait.ge [sflag:s15], $0x1000  }
0x307: {  	[sflag:s15] =	ssyncset.done $0x0  }
0x308: {  	[sflag:s15] =	ssyncadd.s32 $0xFFFFF000  }
0x309: {  	v7 =	vld [tilespmem:s28+$0xFFFFFFE0];
	_ =	sdelay $0x3  }
0x30a: {  	s4 =	simm.s32 $0x13030  }
0x30b: {  	[tilespmem:s4+$0xFFFFFFD0] =	vst v7  }
0x30c: {  	v7 =	vld [tilespmem:s28+$0xFFFFFFF0];
	_ =	sdelay $0x4  }
0x30d: {  	[tilespmem:s4+$0xFFFFFFE0] =	vst v7  }
0x30e: {  	v7 =	vld [tilespmem:s28+$0x0];
	_ =	sdelay $0x4  }
0x30f: {  	s3 =	sor.u32 $0x104, s13;
	[tilespmem:s4+$0xFFFFFFF0] =	vst v7  }
0x310: {  	s29 =	smov.u32 s18;
	p1 =	sgt.u32 s11, $0x1;
	s18 =	smul.u32 s3, s30;
	v7 =	vld [tilespmem:s28+$0x10]  }
.Ltmp33:
0x311: {  	_ = 	snop;
	(pc) =	sbr.rel @!p1 .LBB2_36-.Ltmp33, $4  }
0x312: {  	_ = 	snop  }
0x313: {  	s6 =	sshrl.u32 s18, $0x1  }
0x314: {  	s6 =	ssub.s32 s6, s5  }
0x315: {  	s9 =	simm.s32 $0x1;
	s6 =	sadd.s32 $0x8000, s6;
	s15 =	sadd.s32 $0x40, s28;
	[tilespmem:s4+$0x0] =	vst v7  }
.LBB2_35:
0x316: {  	v7 =	vld [tilespmem:s15+$0xFFFFFFE0];
	s9 =	sadd.s32 $0x1, s9  }
0x317: {  	p1 =	slt.u32 s9, s11;
	_ =	sdelay $0x2  }
0x318: {  	s4 =	sadd.s32 $0x40, s4  }
0x319: {  	[tilespmem:s4+$0xFFFFFFD0] =	vst v7  }
0x31a: {  	v7 =	vld [tilespmem:s15+$0xFFFFFFF0];
	_ =	sdelay $0x4  }
0x31b: {  	[tilespmem:s4+$0xFFFFFFE0] =	vst v7  }
0x31c: {  	v7 =	vld [tilespmem:s15+$0x0];
	_ =	sdelay $0x4  }
0x31d: {  	[tilespmem:s4+$0xFFFFFFF0] =	vst v7  }
0x31e: {  	v7 =	vld [tilespmem:s15+$0x10]  }
.Ltmp34:
0x31f: {  	(pc) =	sbr.rel @p1 .LBB2_35-.Ltmp34, $2  }
0x320: {  	_ =	sdelay $0x2  }
0x321: {  	s15 =	sadd.s32 $0x40, s15;
	[tilespmem:s4+$0x0] =	vst v7  }
.LBB2_36:
0x322: {  	s4 =	sadd.s32 s7, s6  }
0x323: {  	v7 =	vld [tilespmem:s4+$0x0];
	_ =	sdelay $0x3  }
0x324: {  	vm0 =	vgt.u32 v3, s30  }
0x325: {  	s4 =	sor.u32 $0x13000, s12;
	v7 =	vsel vm0, $0x0, v7  }
0x326: {  	s9 =	sadd.s32 s14, s6;
	[tilespmem:v2+s4+$0x0 ss:$0x1] =	vst.idx.msk $0xffff, v7  }
0x327: {  	v7 =	vld [tilespmem:s9+$0x0];
	_ =	sdelay $0x3  }
0x328: {  	vm13 =	vgt.u32 v4, s30  }
0x329: {  	s15 =	sadd.s32 s17, s4;
	v7 =	vsel vm13, $0x0, v7  }
0x32a: {  	s18 =	sadd.s32 s19, s6;
	[tilespmem:s15+$0x0] =	vst v7  }
0x32b: {  	v7 =	vld [tilespmem:s18+$0x0];
	_ =	sdelay $0x3  }
0x32c: {  	vm14 =	vgt.u32 v5, s30  }
0x32d: {  	s15 =	sadd.s32 s23, s4;
	v7 =	vsel vm14, $0x0, v7  }
0x32e: {  	s18 =	sadd.s32 s26, s6;
	[tilespmem:s15+$0x0] =	vst v7  }
0x32f: {  	v7 =	vld [tilespmem:s18+$0x0];
	_ =	sdelay $0x3  }
0x330: {  	vm15 =	vgt.u32 v6, s30  }
0x331: {  	s4 =	sadd.s32 s31, s4;
	v7 =	vsel vm15, $0x0, v7  }
0x332: {  	s9 =	sadd.s32 s20, s22;
	s15 =	simm.s32 $0x13000;
	s18 =	simm.s32 $0x7;
	[tilespmem:s4+$0x0] =	vst v7  }
0x333: {  	[hbm4b:s9+s8] =	stream.strided.scatter [tilespmem:s15], [sflag:$0x6], $0x1000, s10, s8, $0x38;
	[tilespmem:$0x18000] =	vst v63  }
0x334: {  	_ =	swait.ge [sflag:s18], $0x1000  }
0x335: {  	[sflag:s18] =	ssyncset.done $0x0  }
0x336: {  	[sflag:s18] =	ssyncadd.s32 $0xFFFFF000  }
0x337: {  	v7 =	vld [tilespmem:s25+$0xFFFFFFE0];
	_ =	sdelay $0x3  }
0x338: {  	s4 =	simm.s32 $0x14030  }
0x339: {  	[tilespmem:s4+$0xFFFFFFD0] =	vst v7  }
0x33a: {  	v7 =	vld [tilespmem:s25+$0xFFFFFFF0];
	_ =	sdelay $0x4  }
0x33b: {  	[tilespmem:s4+$0xFFFFFFE0] =	vst v7  }
0x33c: {  	v7 =	vld [tilespmem:s25+$0x0];
	_ =	sdelay $0x4  }
0x33d: {  	s28 =	sor.u32 $0x105, s13;
	[tilespmem:s4+$0xFFFFFFF0] =	vst v7  }
0x33e: {  	s30 =	smov.u32 s22;
	p1 =	sgt.u32 s11, $0x1;
	s22 =	smul.u32 s28, s3;
	v7 =	vld [tilespmem:s25+$0x10]  }
.Ltmp35:
0x33f: {  	_ = 	snop;
	(pc) =	sbr.rel @!p1 .LBB2_38-.Ltmp35, $4  }
0x340: {  	_ = 	snop  }
0x341: {  	s6 =	sshrl.u32 s22, $0x1  }
0x342: {  	s6 =	ssub.s32 s6, s5  }
0x343: {  	s6 =	sadd.s32 $0x8000, s6;
	s9 =	simm.s32 $0x1;
	s15 =	sadd.s32 $0x40, s25;
	[tilespmem:s4+$0x0] =	vst v7  }
.LBB2_37:
0x344: {  	v7 =	vld [tilespmem:s15+$0xFFFFFFE0];
	s9 =	sadd.s32 $0x1, s9  }
0x345: {  	p1 =	slt.u32 s9, s11;
	_ =	sdelay $0x2  }
0x346: {  	s4 =	sadd.s32 $0x40, s4  }
0x347: {  	[tilespmem:s4+$0xFFFFFFD0] =	vst v7  }
0x348: {  	v7 =	vld [tilespmem:s15+$0xFFFFFFF0];
	_ =	sdelay $0x4  }
0x349: {  	[tilespmem:s4+$0xFFFFFFE0] =	vst v7  }
0x34a: {  	v7 =	vld [tilespmem:s15+$0x0];
	_ =	sdelay $0x4  }
0x34b: {  	[tilespmem:s4+$0xFFFFFFF0] =	vst v7  }
0x34c: {  	v7 =	vld [tilespmem:s15+$0x10]  }
.Ltmp36:
0x34d: {  	(pc) =	sbr.rel @p1 .LBB2_37-.Ltmp36, $2  }
0x34e: {  	_ =	sdelay $0x2  }
0x34f: {  	s15 =	sadd.s32 $0x40, s15;
	[tilespmem:s4+$0x0] =	vst v7  }
.LBB2_38:
0x350: {  	s4 =	sadd.s32 s7, s6  }
0x351: {  	v7 =	vld [tilespmem:s4+$0x0];
	_ =	sdelay $0x3  }
0x352: {  	vm0 =	vgt.u32 v3, s3  }
0x353: {  	s4 =	sor.u32 $0x14000, s12;
	v7 =	vsel vm0, $0x0, v7  }
0x354: {  	s9 =	sadd.s32 s14, s6;
	[tilespmem:v2+s4+$0x0 ss:$0x1] =	vst.idx.msk $0xffff, v7  }
0x355: {  	v7 =	vld [tilespmem:s9+$0x0];
	_ =	sdelay $0x3  }
0x356: {  	vm13 =	vgt.u32 v4, s3  }
0x357: {  	s15 =	sadd.s32 s17, s4;
	v7 =	vsel vm13, $0x0, v7  }
0x358: {  	s18 =	sadd.s32 s19, s6;
	[tilespmem:s15+$0x0] =	vst v7  }
0x359: {  	v7 =	vld [tilespmem:s18+$0x0];
	_ =	sdelay $0x3  }
0x35a: {  	vm14 =	vgt.u32 v5, s3  }
0x35b: {  	s22 =	sadd.s32 s23, s4;
	v7 =	vsel vm14, $0x0, v7  }
0x35c: {  	s25 =	sadd.s32 s26, s6;
	[tilespmem:s22+$0x0] =	vst v7  }
0x35d: {  	v7 =	vld [tilespmem:s25+$0x0];
	_ =	sdelay $0x3  }
0x35e: {  	vm15 =	vgt.u32 v6, s3  }
0x35f: {  	s9 =	sadd.s32 s31, s4;
	s15 =	sadd.s32 s20, s16;
	v7 =	vsel vm15, $0x0, v7  }
0x360: {  	s18 =	simm.s32 $0x8;
	s22 =	smov.u32 s16;
	s16 =	simm.s32 $0x14000;
	[tilespmem:s9+$0x0] =	vst v7  }
0x361: {  	[hbm4b:s15+s8] =	stream.strided.scatter [tilespmem:s16], [sflag:$0x7], $0x1000, s10, s8, $0x38;
	[tilespmem:$0x18000] =	vst v63  }
0x362: {  	_ =	swait.ge [sflag:s18], $0x1000  }
0x363: {  	[sflag:s18] =	ssyncset.done $0x0  }
0x364: {  	[sflag:s18] =	ssyncadd.s32 $0xFFFFF000  }
0x365: {  	v7 =	vld [tilespmem:s2+$0xFFFFFFE0];
	_ =	sdelay $0x3  }
0x366: {  	s4 =	simm.s32 $0x15030  }
0x367: {  	[tilespmem:s4+$0xFFFFFFD0] =	vst v7  }
0x368: {  	v7 =	vld [tilespmem:s2+$0xFFFFFFF0];
	_ =	sdelay $0x4  }
0x369: {  	[tilespmem:s4+$0xFFFFFFE0] =	vst v7  }
0x36a: {  	v7 =	vld [tilespmem:s2+$0x0];
	_ =	sdelay $0x4  }
0x36b: {  	s3 =	sor.u32 $0x106, s13;
	[tilespmem:s4+$0xFFFFFFF0] =	vst v7  }
0x36c: {  	p1 =	sgt.u32 s11, $0x1;
	s25 =	smul.u32 s3, s28;
	v7 =	vld [tilespmem:s2+$0x10]  }
.Ltmp37:
0x36d: {  	_ = 	snop;
	(pc) =	sbr.rel @!p1 .LBB2_40-.Ltmp37, $4  }
0x36e: {  	_ = 	snop  }
0x36f: {  	s6 =	sshrl.u32 s25, $0x1  }
0x370: {  	s25 =	smov.u32 s24;
	s6 =	ssub.s32 s6, s5  }
0x371: {  	s6 =	sadd.s32 $0x8000, s6;
	s9 =	simm.s32 $0x1;
	s2 =	sadd.s32 $0x40, s2;
	[tilespmem:s4+$0x0] =	vst v7  }
.LBB2_39:
0x372: {  	v7 =	vld [tilespmem:s2+$0xFFFFFFE0];
	s9 =	sadd.s32 $0x1, s9  }
0x373: {  	p1 =	slt.u32 s9, s11;
	_ =	sdelay $0x2  }
0x374: {  	s4 =	sadd.s32 $0x40, s4  }
0x375: {  	[tilespmem:s4+$0xFFFFFFD0] =	vst v7  }
0x376: {  	v7 =	vld [tilespmem:s2+$0xFFFFFFF0];
	_ =	sdelay $0x4  }
0x377: {  	[tilespmem:s4+$0xFFFFFFE0] =	vst v7  }
0x378: {  	v7 =	vld [tilespmem:s2+$0x0];
	_ =	sdelay $0x4  }
0x379: {  	[tilespmem:s4+$0xFFFFFFF0] =	vst v7  }
0x37a: {  	v7 =	vld [tilespmem:s2+$0x10]  }
.Ltmp38:
0x37b: {  	(pc) =	sbr.rel @p1 .LBB2_39-.Ltmp38, $2  }
0x37c: {  	_ =	sdelay $0x2  }
0x37d: {  	s2 =	sadd.s32 $0x40, s2;
	[tilespmem:s4+$0x0] =	vst v7  }
.LBB2_40:
0x37e: {  	s2 =	sadd.s32 s7, s6  }
0x37f: {  	v7 =	vld [tilespmem:s2+$0x0];
	_ =	sdelay $0x3  }
0x380: {  	vm0 =	vgt.u32 v3, s28  }
0x381: {  	s16 =	sor.u32 $0x15000, s12;
	v7 =	vsel vm0, $0x0, v7  }
0x382: {  	s4 =	sadd.s32 s14, s6;
	[tilespmem:v2+s16+$0x0 ss:$0x1] =	vst.idx.msk $0xffff, v7  }
0x383: {  	v7 =	vld [tilespmem:s4+$0x0];
	_ =	sdelay $0x3  }
0x384: {  	vm13 =	vgt.u32 v4, s28  }
0x385: {  	s18 =	sadd.s32 s17, s16;
	v7 =	vsel vm13, $0x0, v7  }
0x386: {  	s24 =	sadd.s32 s19, s6;
	[tilespmem:s18+$0x0] =	vst v7  }
0x387: {  	v7 =	vld [tilespmem:s24+$0x0];
	_ =	sdelay $0x3  }
0x388: {  	vm14 =	vgt.u32 v5, s28  }
0x389: {  	s9 =	sadd.s32 s23, s16;
	v7 =	vsel vm14, $0x0, v7  }
0x38a: {  	s15 =	sadd.s32 s26, s6;
	[tilespmem:s9+$0x0] =	vst v7  }
0x38b: {  	v7 =	vld [tilespmem:s15+$0x0];
	_ =	sdelay $0x3  }
0x38c: {  	vm15 =	vgt.u32 v6, s28  }
0x38d: {  	s2 =	sadd.s32 s31, s16;
	v7 =	vsel vm15, $0x0, v7  }
0x38e: {  	s16 =	sadd.s32 s20, s25;
	s18 =	simm.s32 $0x15000;
	s24 =	simm.s32 $0x9;
	[tilespmem:s2+$0x0] =	vst v7  }
0x38f: {  	[hbm4b:s16+s8] =	stream.strided.scatter [tilespmem:s18], [sflag:$0x8], $0x1000, s10, s8, $0x38;
	[tilespmem:$0x18000] =	vst v63  }
0x390: {  	_ =	swait.ge [sflag:s24], $0x1000  }
0x391: {  	[sflag:s24] =	ssyncset.done $0x0  }
0x392: {  	[sflag:s24] =	ssyncadd.s32 $0xFFFFF000  }
0x393: {  	v7 =	vld [tilespmem:s0+$0xFFFFFFE0];
	_ =	sdelay $0x3  }
0x394: {  	s4 =	simm.s32 $0x16030  }
0x395: {  	[tilespmem:s4+$0xFFFFFFD0] =	vst v7  }
0x396: {  	v7 =	vld [tilespmem:s0+$0xFFFFFFF0];
	_ =	sdelay $0x4  }
0x397: {  	[tilespmem:s4+$0xFFFFFFE0] =	vst v7  }
0x398: {  	v7 =	vld [tilespmem:s0+$0x0];
	_ =	sdelay $0x4  }
0x399: {  	s2 =	sor.u32 $0x107, s13;
	[tilespmem:s4+$0xFFFFFFF0] =	vst v7  }
0x39a: {  	p1 =	sgt.u32 s11, $0x1;
	s28 =	smul.u32 s2, s3;
	v7 =	vld [tilespmem:s0+$0x10]  }
.Ltmp39:
0x39b: {  	_ = 	snop;
	(pc) =	sbr.rel @!p1 .LBB2_42-.Ltmp39, $4  }
0x39c: {  	_ = 	snop  }
0x39d: {  	s6 =	sshrl.u32 s28, $0x1  }
0x39e: {  	s6 =	ssub.s32 s6, s5  }
0x39f: {  	s9 =	simm.s32 $0x1;
	s6 =	sadd.s32 $0x8000, s6;
	s0 =	sadd.s32 $0x40, s0;
	[tilespmem:s4+$0x0] =	vst v7  }
.LBB2_41:
0x3a0: {  	v7 =	vld [tilespmem:s0+$0xFFFFFFE0];
	s9 =	sadd.s32 $0x1, s9  }
0x3a1: {  	p1 =	slt.u32 s9, s11;
	_ =	sdelay $0x2  }
0x3a2: {  	s4 =	sadd.s32 $0x40, s4  }
0x3a3: {  	[tilespmem:s4+$0xFFFFFFD0] =	vst v7  }
0x3a4: {  	v7 =	vld [tilespmem:s0+$0xFFFFFFF0];
	_ =	sdelay $0x4  }
0x3a5: {  	[tilespmem:s4+$0xFFFFFFE0] =	vst v7  }
0x3a6: {  	v7 =	vld [tilespmem:s0+$0x0];
	_ =	sdelay $0x4  }
0x3a7: {  	[tilespmem:s4+$0xFFFFFFF0] =	vst v7  }
0x3a8: {  	v7 =	vld [tilespmem:s0+$0x10]  }
.Ltmp40:
0x3a9: {  	(pc) =	sbr.rel @p1 .LBB2_41-.Ltmp40, $2  }
0x3aa: {  	_ =	sdelay $0x2  }
0x3ab: {  	s0 =	sadd.s32 $0x40, s0;
	[tilespmem:s4+$0x0] =	vst v7  }
.LBB2_42:
0x3ac: {  	s0 =	sadd.s32 s7, s6  }
0x3ad: {  	v7 =	vld [tilespmem:s0+$0x0];
	_ =	sdelay $0x3  }
0x3ae: {  	vm0 =	vgt.u32 v3, s3  }
0x3af: {  	s15 =	sor.u32 $0x16000, s12;
	v3 =	vsel vm0, $0x0, v7  }
0x3b0: {  	s4 =	sadd.s32 s14, s6;
	[tilespmem:v2+s15+$0x0 ss:$0x1] =	vst.idx.msk $0xffff, v3  }
0x3b1: {  	v3 =	vld [tilespmem:s4+$0x0];
	_ =	sdelay $0x3  }
0x3b2: {  	vm13 =	vgt.u32 v4, s3  }
0x3b3: {  	s16 =	sadd.s32 s17, s15;
	v3 =	vsel vm13, $0x0, v3  }
0x3b4: {  	s17 =	sadd.s32 s19, s6;
	[tilespmem:s16+$0x0] =	vst v3  }
0x3b5: {  	v3 =	vld [tilespmem:s17+$0x0];
	_ =	sdelay $0x3  }
0x3b6: {  	vm14 =	vgt.u32 v5, s3  }
0x3b7: {  	s18 =	sadd.s32 s23, s15;
	v3 =	vsel vm14, $0x0, v3  }
0x3b8: {  	s19 =	sadd.s32 s26, s6;
	[tilespmem:s18+$0x0] =	vst v3  }
0x3b9: {  	v3 =	vld [tilespmem:s19+$0x0];
	_ =	sdelay $0x2  }
0x3ba: {  	s28 =	sld [smem:$0x7FD]  }
0x3bb: {  	vm15 =	vgt.u32 v6, s3  }
0x3bc: {  	s0 =	sadd.s32 s31, s15;
	v3 =	vsel vm15, $0x0, v3  }
0x3bd: {  	s24 =	simm.s32 $0x16000;
	s26 =	simm.s32 $0xA;
	s23 =	sadd.s32 s20, s28;
	[tilespmem:s0+$0x0] =	vst v3  }
0x3be: {  	[hbm4b:s23+s8] =	stream.strided.scatter [tilespmem:s24], [sflag:$0x9], $0x1000, s10, s8, $0x38;
	[tilespmem:$0x18000] =	vst v63  }
0x3bf: {  	_ =	swait.ge [sflag:s26], $0x1000  }
0x3c0: {  	[sflag:s26] =	ssyncset.done $0x0  }
0x3c1: {  	[sflag:s26] =	ssyncadd.s32 $0xFFFFF000  }
0x3c2: {  	v3 =	vld [tilespmem:s1+$0xFFFFFFE0];
	_ =	sdelay $0x3  }
0x3c3: {  	s6 =	simm.s32 $0x17030  }
0x3c4: {  	[tilespmem:s6+$0xFFFFFFD0] =	vst v3  }
0x3c5: {  	v3 =	vld [tilespmem:s1+$0xFFFFFFF0];
	_ =	sdelay $0x4  }
0x3c6: {  	[tilespmem:s6+$0xFFFFFFE0] =	vst v3  }
0x3c7: {  	v3 =	vld [tilespmem:s1+$0x0];
	_ =	sdelay $0x3  }
0x3c8: {  	s3 =	sadd.s32 $0x108, s13  }
0x3c9: {  	s4 =	sshrl.u32 s3, $0x6;
	[tilespmem:s6+$0xFFFFFFF0] =	vst v3  }
0x3ca: {  	s31 =	smul.u32 s3, s2;
	p1 =	sgt.u32 s4, $0x1;
	v3 =	vld [tilespmem:s1+$0x10]  }
.Ltmp41:
0x3cb: {  	_ = 	snop;
	(pc) =	sbr.rel @!p1 .LBB2_44-.Ltmp41, $4  }
0x3cc: {  	_ = 	snop  }
0x3cd: {  	s0 =	sshrl.u32 s31, $0x1  }
0x3ce: {  	s0 =	ssub.s32 s0, s5  }
0x3cf: {  	s5 =	simm.s32 $0x1;
	s0 =	sadd.s32 $0x8000, s0;
	s1 =	sadd.s32 $0x40, s1;
	[tilespmem:s6+$0x0] =	vst v3  }
.LBB2_43:
0x3d0: {  	v3 =	vld [tilespmem:s1+$0xFFFFFFE0];
	s5 =	sadd.s32 $0x1, s5  }
0x3d1: {  	p1 =	slt.u32 s5, s4;
	_ =	sdelay $0x2  }
0x3d2: {  	s6 =	sadd.s32 $0x40, s6  }
0x3d3: {  	[tilespmem:s6+$0xFFFFFFD0] =	vst v3  }
0x3d4: {  	v3 =	vld [tilespmem:s1+$0xFFFFFFF0];
	_ =	sdelay $0x4  }
0x3d5: {  	[tilespmem:s6+$0xFFFFFFE0] =	vst v3  }
0x3d6: {  	v3 =	vld [tilespmem:s1+$0x0];
	_ =	sdelay $0x4  }
0x3d7: {  	[tilespmem:s6+$0xFFFFFFF0] =	vst v3  }
0x3d8: {  	v3 =	vld [tilespmem:s1+$0x10]  }
.Ltmp42:
0x3d9: {  	(pc) =	sbr.rel @p1 .LBB2_43-.Ltmp42, $2  }
0x3da: {  	_ =	sdelay $0x2  }
0x3db: {  	s1 =	sadd.s32 $0x40, s1;
	[tilespmem:s6+$0x0] =	vst v3  }
.LBB2_44:
0x3dc: {  	s1 =	sand.u32 $0x38, s3  }
0x3dd: {  	p1 =	seq.s32 s1, $0x0  }
0x3de: {  	s1 =	sand.u32 @!p1 $0x1FC0, s3  }
0x3df: {  	s4 =	sadd.s32 @!p1 s1, s0  }
0x3e0: {  	v3 =	vld @!p1 [tilespmem:s4+$0x0];
	_ =	sdelay $0x1  }
0x3e1: {  	v4 =	vlaneseq.u32 @!p1  }
0x3e2: {  	v5 =	vor.u32 @!p1 s1, v4  }
0x3e3: {  	vm0 =	vgt.u32 @!p1 v5, s2  }
0x3e4: {  	s4 =	sor.u32 @!p1 $0x10, s1;
	v3 =	vsel @!p1 vm0, $0x0, v3  }
0x3e5: {  	s5 =	sadd.s32 @!p1 s4, s0;
	[tilespmem:s1+$0x17000] =	vst @!p1 v3  }
0x3e6: {  	v3 =	vld @!p1 [tilespmem:s5+$0x0];
	_ =	sdelay $0x2  }
0x3e7: {  	s3 =	sand.u32 @!p1 $0x1F80, s3;
	v5 =	vor.u32 @!p1 s4, v4  }
0x3e8: {  	s3 =	sadd.s32 @!p1 $0x17000, s3;
	s4 =	sand.u32 @!p1 $0x50, s4;
	vm0 =	vgt.u32 @!p1 v5, s2  }
0x3e9: {  	s4 =	sor.u32 @!p1 s4, s3;
	s5 =	sor.u32 @!p1 $0x20, s1;
	v3 =	vsel @!p1 vm0, $0x0, v3  }
0x3ea: {  	[tilespmem:s4+$0x0] =	vst @!p1 v3;
	s4 =	sadd.s32 @!p1 s5, s0  }
0x3eb: {  	v3 =	vld @!p1 [tilespmem:s4+$0x0];
	_ =	sdelay $0x2  }
0x3ec: {  	v5 =	vor.u32 @!p1 s5, v4  }
0x3ed: {  	vm0 =	vgt.u32 @!p1 v5, s2;
	s4 =	sand.u32 @!p1 $0x60, s5  }
0x3ee: {  	s1 =	sor.u32 @!p1 $0x30, s1;
	s4 =	sor.u32 @!p1 s4, s3;
	v3 =	vsel @!p1 vm0, $0x0, v3  }
0x3ef: {  	s0 =	sadd.s32 @!p1 s1, s0;
	[tilespmem:s4+$0x0] =	vst @!p1 v3  }
0x3f0: {  	v3 =	vld @!p1 [tilespmem:s0+$0x0];
	_ =	sdelay $0x2  }
0x3f1: {  	s24 =	sld [smem:$0x7FA];
	v4 =	vor.u32 @!p1 s1, v4  }
.Ltmp43:
0x3f2: {  	vm0 =	vgt.u32 @!p1 v4, s2;
	s0 =	sand.u32 @!p1 $0x70, s1;
	(pc) =	sbr.rel @p0 .LBB2_46-.Ltmp43, $4  }
0x3f3: {  	s0 =	sor.u32 @!p1 s0, s3;
	v3 =	vsel @!p1 vm0, $0x0, v3  }
0x3f4: {  	s26 =	simm.s32 $0x17000;
	s31 =	sld [smem:$0x7C8];
	[tilespmem:s0+$0x0] =	vst @!p1 v3;
	s0 =	sadd.s32 s20, s24  }
0x3f5: {  	[hbm4b:s0+s8] =	stream.strided.scatter [tilespmem:s26], [sflag:$0xA], $0x1000, s10, s8, $0x38;
	[tilespmem:$0x18000] =	vst v63  }
0x3f6: {  	s26 =	sld [smem:$0x7C9]  }
0x3f7: {  	s0 =	sld [smem:$0x7F8]  }
0x3f8: {  	s23 =	rddreg [dreg:$0x0]  }
0x3f9: {  	s4 =	sld [smem:$0x7EA]  }
0x3fa: {  	s5 =	sld [smem:$0x7E8]  }
0x3fb: {  	s6 =	sld [smem:$0x7E6]  }
0x3fc: {  	s7 =	sld [smem:$0x7E5]  }
0x3fd: {  	s9 =	sld [smem:$0x7E2]  }
0x3fe: {  	s11 =	sld [smem:$0x7E1];
	s0 =	sadd.s32 s0, s21  }
0x3ff: {  	s12 =	sld [smem:$0x7E0];
	s1 =	sor.u32 $0x1, s0  }
0x400: {  	s13 =	sld [smem:$0x7DE];
	s0 =	smul.u32 s0, s1  }
0x401: {  	s14 =	sld [smem:$0x7DD]  }
0x402: {  	s15 =	sld [smem:$0x7DB];
	s0 =	sshrl.u32 s0, $0x1  }
0x403: {  	s16 =	sld [smem:$0x7CA];
	s0 =	sand.u32 $0x3FFFFFF0, s0  }
0x404: {  	s17 =	sld [smem:$0x7D7];
	s0 =	smin.u32 s0, $0x7F8800  }
0x405: {  	s24 =	simm.s32 $0x0;
	s18 =	sld [smem:$0x7D5];
	s0 =	sshrl.u32 s0, $0x3  }
0x406: {  	s2 =	simm.s32 $0x8000;
	s19 =	sld [smem:$0x7D4];
	s0 =	sadd.s32 s23, s0  }
0x407: {  	[tilespmem:s2], [sflag:$0x2] =	stream.linear.gather [hbm4b:s0+s24], $0x8000, $0x38;
	[tilespmem:$0x18000] =	vst v63  }
0x408: {  	s2 =	sld [smem:$0x7EB]  }
0x409: {  	s20 =	sld [smem:$0x7D2]  }
0x40a: {  	s21 =	sld [smem:$0x7CD]  }
0x40b: {  	s23 =	sld [smem:$0x7CC];
	s3 =	sshra.s32 s2, $0x2  }
0x40c: {  	s31 =	sadd.s32 s3, s31;
	s3 =	sld [smem:$0x7E9]  }
0x40d: {  	s26 =	sadd.s32 s4, s26;
	s0 =	sadd.s32 $0x80000, s4;
	s4 =	sld [smem:$0x7E7]  }
0x40e: {  	[smem:$0x7EA] =	sst s0;
	s24 =	sadd.s32 $0x100000, s2  }
0x40f: {  	[smem:$0x7EB] =	sst s24;
	s1 =	sadd.s32 $0x80000, s3  }
0x410: {  	s2 =	sadd.s32 s3, s5;
	s3 =	sadd.s32 s4, s6;
	s6 =	sld [smem:$0x7E4]  }
0x411: {  	[smem:$0x7E8] =	sst s2  }
0x412: {  	s2 =	sadd.s32 $0x80000, s4;
	[smem:$0x7E6] =	sst s3  }
0x413: {  	s3 =	sadd.s32 $0x100000, s7;
	s4 =	sshra.s32 s7, $0x2;
	s7 =	sld [smem:$0x7E3]  }
0x414: {  	[smem:$0x7E9] =	sst s1  }
0x415: {  	[smem:$0x7E5] =	sst s3  }
0x416: {  	[smem:$0x7E7] =	sst s2;
	s6 =	sadd.s32 s4, s6  }
0x417: {  	s5 =	sshra.s32 s7, $0x2;
	[smem:$0x7E4] =	sst s6  }
0x418: {  	s4 =	sadd.s32 $0x100000, s7;
	s6 =	sadd.s32 s5, s9;
	s9 =	sld [smem:$0x7DF]  }
0x419: {  	[smem:$0x7E3] =	sst s4  }
0x41a: {  	[smem:$0x7E2] =	sst s6  }
0x41b: {  	s5 =	sadd.s32 $0x80000, s11;
	s6 =	sadd.s32 s11, s12;
	s11 =	sld [smem:$0x7DC]  }
0x41c: {  	s12 =	sld [smem:$0x7DA]  }
0x41d: {  	[smem:$0x7E1] =	sst s5  }
0x41e: {  	[smem:$0x7E0] =	sst s6  }
0x41f: {  	s7 =	sadd.s32 s9, s13;
	s13 =	sld [smem:$0x7D9]  }
0x420: {  	s6 =	sadd.s32 $0x80000, s9;
	[smem:$0x7DE] =	sst s7  }
0x421: {  	s9 =	sshra.s32 s14, $0x2;
	s7 =	sadd.s32 $0x100000, s14;
	s14 =	sld [smem:$0x7D8]  }
0x422: {  	s11 =	sadd.s32 s9, s11;
	[smem:$0x7DF] =	sst s6  }
0x423: {  	[smem:$0x7DC] =	sst s11  }
0x424: {  	s9 =	sadd.s32 $0x100000, s15;
	s11 =	sshra.s32 s15, $0x2;
	s15 =	sld [smem:$0x7D6]  }
0x425: {  	[smem:$0x7DB] =	sst s9  }
0x426: {  	[smem:$0x7DD] =	sst s7;
	s12 =	sadd.s32 s11, s12  }
0x427: {  	[smem:$0x7DA] =	sst s12  }
0x428: {  	s11 =	sadd.s32 $0x80000, s13;
	s12 =	sadd.s32 s13, s16;
	s16 =	sld [smem:$0x7D3]  }
0x429: {  	[smem:$0x7D9] =	sst s11  }
0x42a: {  	s13 =	sadd.s32 s14, s17;
	[smem:$0x7CA] =	sst s12  }
0x42b: {  	[smem:$0x7D7] =	sst s13  }
0x42c: {  	s12 =	sadd.s32 $0x80000, s14;
	s14 =	sadd.s32 s15, s18;
	s18 =	sld [smem:$0x7CF]  }
0x42d: {  	s13 =	sadd.s32 $0x80000, s15;
	[smem:$0x7D5] =	sst s14  }
0x42e: {  	s15 =	sshra.s32 s19, $0x2;
	s14 =	sadd.s32 $0x100000, s19;
	s19 =	sld [smem:$0x7D0]  }
0x42f: {  	[smem:$0x7D6] =	sst s13;
	s16 =	sadd.s32 s15, s16  }
0x430: {  	[smem:$0x7D3] =	sst s16  }
0x431: {  	s15 =	sadd.s32 $0x100000, s20;
	s16 =	sshra.s32 s20, $0x2;
	s20 =	sld [smem:$0x7CE]  }
0x432: {  	[smem:$0x7D8] =	sst s12  }
0x433: {  	[smem:$0x7D4] =	sst s14;
	s18 =	sadd.s32 s19, s18  }
0x434: {  	s17 =	sadd.s32 $0x80000, s19;
	[smem:$0x7CF] =	sst s18;
	s19 =	sadd.s32 s20, s21  }
0x435: {  	s18 =	sadd.s32 $0x80000, s20;
	[smem:$0x7CD] =	sst s19  }
0x436: {  	s20 =	sshra.s32 s23, $0x2;
	s19 =	sadd.s32 $0x100000, s23;
	s23 =	sld [smem:$0x7D1]  }
0x437: {  	[smem:$0x7D2] =	sst s15  }
0x438: {  	[smem:$0x7D0] =	sst s17  }
0x439: {  	s21 =	sld [smem:$0x7CB];
	s23 =	sadd.s32 s16, s23  }
.Ltmp44:
0x43a: {  	[smem:$0x7D1] =	sst s23;
	(pc) =	sbr.rel .LBB2_4-.Ltmp44, $4  }
0x43b: {  	s23 =	sld [smem:$0x7C7]  }
0x43c: {  	[smem:$0x7CE] =	sst s18  }
0x43d: {  	[smem:$0x7CC] =	sst s19;
	s16 =	sadd.s32 s20, s21  }
0x43e: {  	[smem:$0x7CB] =	sst s16;
	s21 =	sadd.s32 $0x1, s23  }
.LBB2_47:
0x43f: {  	_ =	sfence.sel $0x180000  }
0x440: {  	[bflag:$0x0] =	sbarrier.arrive $0xFFFF  }
0x441: {  	_ =	strace $0x90000047  }
0x442: {  	s0 =	stileid.u32;
	[bflag:$0x2] =	sbarrier.arrive $0xFFFF  }
0x443: {  	p0 =	sne.s32 s0, $0x0;
	s0 =	rddreg [dreg:$0x2]  }
0x444: {  	s0 =	sadd.s32 @!p0 $0x100000, s0  }
0x445: {  	[sflag:s0] =	ssyncadd.tile.s32 @!p0 $0x1;
	_ =	shalt  }
.Lfunc_end2:
_tile_overlayer_lowered:
.L_overlay_start_2:
0x446: {  	(tag) =	ssettag $0x2  }
0x447: {  	s0 =	rddreg [dreg:$0x0];
	s2 =	stileid.u32  }
0x448: {  	s1 =	rddreg [dreg:$0x1];
	p0 =	sne.s32 s2, $0x0  }
0x449: {  	s3 =	rddreg [dreg:$0x2];
	[bflag:$0x3] =	sbarrier.arrive $0xFFFF;
	s2 =	simm.s32 @!p0 $0x1C0B  }
0x44a: {  	[timem:s3], [sflag:s2] =	dma.local @!p0 [hbm:s0], s1  }
0x44b: {  	s0 =	simm.s32 @!p0 $0xB  }
0x44c: {  	_ =	swait.ge @!p0 [sflag:s0], s1  }
0x44d: {  	s1 =	ssub.s32 @!p0 $0x0, s1;
	[sflag:s0] =	ssyncset.done @!p0 $0x0  }
0x44e: {  	[sflag:s0] =	ssyncadd.s32 @!p0 s1  }
0x44f: {  	[bflag:$0x3] =	sbarrier.arrive $0xFFFF  }
0x450: {  	_ =	shalt  }

</sc_bundles>
